<compile_context>
chip_gen: v7x
topology: tpu7x:2x2x1
jax: 0.10.2.dev20260603
libtpu: 0.0.44.dev20260713+nightly
codegen_flags: <defaults>
</compile_context>

<pallas_src>
import jax
import jax.numpy as jnp
from jax import lax
from jax.experimental import pallas as pl
from jax.experimental.pallas import tpu as pltpu
from jax.experimental.pallas import tpu_sc as plsc

_B = 16384
_F = 64
_GLOBAL_MEAN = 3.5

_NC = 2
_NS = 16
_NW = _NC * _NS
_BPW = _B // _NW
_CH = 128
_NCHUNK = _BPW // _CH
_URING = 8
_IRING = 2


def _body(su_hbm, siid_hbm, irow_hbm, order_hbm,
          uft_hbm, if2_hbm, ub_hbm, ib_hbm, out_hbm,
          su_v, siid_v, irow_v, order_v, su_f, siid_f,
          uring_v, iring_v, ubias_v, ibias_v, out_v,
          usem, isem, bsem):
    wid = lax.axis_index("s") * _NC + lax.axis_index("c")
    base = wid * _BPW

    for j in range(_NCHUNK):
        sl = pl.ds(base + j * _CH, _CH)
        pltpu.sync_copy(su_hbm.at[sl], su_v.at[j])
        pltpu.sync_copy(siid_hbm.at[sl], siid_v.at[j])
        pltpu.sync_copy(irow_hbm.at[sl], irow_v.at[j])
        pltpu.sync_copy(order_hbm.at[sl], order_v.at[j])
    pltpu.sync_copy(su_hbm.at[pl.ds(base, _BPW)], su_f)
    pltpu.sync_copy(siid_hbm.at[pl.ds(base, _BPW)], siid_f)

    bias_copies = []
    for j in range(_NCHUNK):
        sl = pl.ds(j * _CH, _CH)
        bias_copies.append(
            pltpu.async_copy(ub_hbm.at[su_v.at[j]], ubias_v.at[sl], bsem))
        bias_copies.append(
            pltpu.async_copy(ib_hbm.at[siid_v.at[j]], ibias_v.at[sl], bsem))

    blk0 = lax.shift_right_logical(su_f[pl.ds(0, 16)][0], 7)
    blk_last = lax.shift_right_logical(su_f[pl.ds(_BPW - 16, 16)][15], 7)

    def fire_ublock(b):
        @pl.when(b <= blk_last)
        def _():
            off = pl.multiple_of(b * _CH, _CH)
            pltpu.async_copy(uft_hbm.at[:, pl.ds(off, _CH)],
                             uring_v.at[lax.rem(b, _URING)], usem)

    def fire_ichunk(c):
        @pl.when(c < _NCHUNK)
        def _():
            pltpu.async_copy(if2_hbm.at[irow_v.at[c]],
                             iring_v.at[lax.rem(c, _IRING)], isem)

    for k in range(_URING - 1):
        fire_ublock(blk0 + k)
    for c in range(_IRING - 1):
        fire_ichunk(c)

    def wait_ublock():
        pltpu.make_async_copy(uft_hbm.at[:, pl.ds(0, _CH)],
                              uring_v.at[0], usem).wait()

    def wait_ichunk():
        pltpu.make_async_copy(if2_hbm.at[irow_v.at[0]],
                              iring_v.at[0], isem).wait()

    iota = lax.iota(jnp.int32, 16)

    def group_body(g, carry):
        uhead, ihead = carry
        g0 = g * 16
        suvec = su_f[pl.ds(g0, 16)]
        sivec = siid_f[pl.ds(g0, 16)]
        j = lax.shift_right_logical(g, 3)
        islot = jnp.full((16,), lax.rem(j, _IRING), jnp.int32)

        def i_adv(c):
            wait_ichunk()
            fire_ichunk(c + _IRING - 1)
            return c + 1

        ihead = lax.while_loop(lambda c: c <= j, i_adv, ihead)

        accvec = jnp.zeros((16,), jnp.float32)
        for k in range(16):
            su_s = suvec[k]
            blk = lax.shift_right_logical(su_s, 7)

            def u_adv(c):
                wait_ublock()
                fire_ublock(c + _URING - 1)
                return c + 1

            uhead = lax.while_loop(lambda c: c <= blk, u_adv, uhead)

            uslot = jnp.full((16,), lax.rem(blk, _URING), jnp.int32)
            srow = jnp.full((16,), g0 + k - j * _CH, jnp.int32)
            col = jnp.full((16,), su_s & (_CH - 1), jnp.int32)
            ih64 = (sivec[k] & 1) * _F

            partial = jnp.zeros((16,), jnp.float32)
            for f0 in range(0, _F, 16):
                fvec = iota + f0
                u = plsc.load_gather(uring_v, [uslot, fvec, col])
                q = plsc.load_gather(iring_v, [islot, srow, fvec + ih64])
                partial = partial + u * q
            dotv = jnp.full((16,), jnp.sum(partial), jnp.float32)
            accvec = jnp.where(iota == k, dotv, accvec)

        out_v[pl.ds(g0, 16)] = accvec
        return (uhead, ihead)

    lax.fori_loop(0, _BPW // 16, group_body, (blk0, jnp.int32(0)))

    for c in bias_copies:
        c.wait()

    def bias_body(g, _):
        sl = pl.ds(g * 16, 16)
        out_v[sl] = out_v[sl] + ubias_v[sl] + ibias_v[sl] + _GLOBAL_MEAN
        return 0

    lax.fori_loop(0, _BPW // 16, bias_body, 0)

    out_copies = [
        pltpu.async_copy(out_v.at[pl.ds(j * _CH, _CH)],
                         out_hbm.at[order_v.at[j]], bsem)
        for j in range(_NCHUNK)
    ]
    for c in out_copies:
        c.wait()


@jax.jit
def _svd_predict(user_ids, item_ids, user_factors, item_factors,
                 user_bias, item_bias):
    uid = user_ids.astype(jnp.int32)
    iid = item_ids.astype(jnp.int32)
    order = jnp.argsort(uid)
    su = jnp.take(uid, order)
    siid = jnp.take(iid, order)

    mesh = plsc.VectorSubcoreMesh(core_axis_name="c", subcore_axis_name="s")
    run = pl.kernel(
        _body,
        out_type=jax.ShapeDtypeStruct((_B,), jnp.float32),
        mesh=mesh,
        scratch_types=[
            pltpu.VMEM((_NCHUNK, _CH), jnp.int32),
            pltpu.VMEM((_NCHUNK, _CH), jnp.int32),
            pltpu.VMEM((_NCHUNK, _CH), jnp.int32),
            pltpu.VMEM((_NCHUNK, _CH), jnp.int32),
            pltpu.VMEM((_BPW,), jnp.int32),
            pltpu.VMEM((_BPW,), jnp.int32),
            pltpu.VMEM((_URING, _F, _CH), jnp.float32),
            pltpu.VMEM((_IRING, _CH, 2 * _F), jnp.float32),
            pltpu.VMEM((_BPW,), jnp.float32),
            pltpu.VMEM((_BPW,), jnp.float32),
            pltpu.VMEM((_BPW,), jnp.float32),
            pltpu.SemaphoreType.DMA,
            pltpu.SemaphoreType.DMA,
            pltpu.SemaphoreType.DMA,
        ],
        compiler_params=pltpu.CompilerParams(needs_layout_passes=False),
    )
    return run(su, siid, siid >> 1, order.astype(jnp.int32),
               user_factors.T, item_factors.reshape(-1, 2 * _F),
               user_bias.T.reshape(-1), item_bias.T.reshape(-1))


def kernel(user_ids, item_ids, user_factors, item_factors, user_bias,
           item_bias):
    return _svd_predict(user_ids, item_ids, user_factors, item_factors,
                        user_bias, item_bias)

# --- scband reference (transcript-rebuilt; emitter-appended) ---
"""Pipeline reference for scband-funk-svdmodel-27169963114608 (READ-ONLY COPY).

The authoritative reference and input builder live on the scoring server;
editing this copy changes nothing except your own understanding.
"""

import jax, jax.numpy as jnp
import numpy as np

NUM_USERS = 1000000
NUM_ITEMS = 100000
FACTORS = 64
GLOBAL_MEAN = 3.5
BATCH = 16384
INIT_STD = 0.1

def setup_inputs(seed: int = 0) -> dict:
    key = jax.random.key(seed)
    k1, k2, k3, k4, k5, k6 = jax.random.split(key, 6)
    user_ids = jax.random.randint(k1, (BATCH,), 0, NUM_USERS, dtype=jnp.int64 if jax.config.jax_enable_x64 else jnp.int32)
    item_ids = jax.random.randint(k2, (BATCH,), 0, NUM_ITEMS, dtype=jnp.int64 if jax.config.jax_enable_x64 else jnp.int32)
    user_factors = jax.random.normal(k3, (NUM_USERS, FACTORS), dtype=jnp.float32) * INIT_STD
    item_factors = jax.random.normal(k4, (NUM_ITEMS, FACTORS), dtype=jnp.float32) * INIT_STD
    user_bias = jax.random.normal(k5, (NUM_USERS, 1), dtype=jnp.float32)
    item_bias = jax.random.normal(k6, (NUM_ITEMS, 1), dtype=jnp.float32)
    return {
        "user_ids": user_ids,
        "item_ids": item_ids,
        "user_factors": user_factors,
        "item_factors": item_factors,
        "user_bias": user_bias,
        "item_bias": item_bias,
    }

def reference(user_ids, item_ids, user_factors, item_factors, user_bias, item_bias):
    # p_u = user_factors(user_ids); q_i = item_factors(item_ids)
    p_u = jnp.take(user_factors, user_ids, axis=0)  # [B, F]
    q_i = jnp.take(item_factors, item_ids, axis=0)  # [B, F]
    dot = jnp.sum(p_u * q_i, axis=1)  # [B]
    b_u = jnp.take(user_bias, user_ids, axis=0).squeeze(-1)  # [B]
    b_i = jnp.take(item_bias, item_ids, axis=0).squeeze(-1)  # [B]
    return GLOBAL_MEAN + b_u + b_i + dot

if __name__ == "__main__":
    import jax
    _d = setup_inputs()
    print(jax.jit(kernel)(*tuple(_d.values())))

</pallas_src>

<mosaic_0001>
#map = affine_map<(d0, d1) -> (0)>
#map1 = affine_map<(d0, d1) -> (0, 0)>
module attributes {stable_mosaic.version = 14 : i64} {
  func.func @_body(%arg0: i32, %arg1: i32, %arg2: memref<16384xi32, #tpu.memory_space<hbm>>, %arg3: memref<16384xi32, #tpu.memory_space<hbm>>, %arg4: memref<16384xi32, #tpu.memory_space<hbm>>, %arg5: memref<16384xi32, #tpu.memory_space<hbm>>, %arg6: memref<64x1000000xf32, #tpu.memory_space<hbm>>, %arg7: memref<50000x128xf32, #tpu.memory_space<hbm>>, %arg8: memref<1000000xf32, #tpu.memory_space<hbm>>, %arg9: memref<100000xf32, #tpu.memory_space<hbm>>, %arg10: memref<16384xf32, #tpu.memory_space<hbm>>, %arg11: memref<4x128xi32, #tpu.memory_space<vmem>>, %arg12: memref<4x128xi32, #tpu.memory_space<vmem>>, %arg13: memref<4x128xi32, #tpu.memory_space<vmem>>, %arg14: memref<4x128xi32, #tpu.memory_space<vmem>>, %arg15: memref<512xi32, #tpu.memory_space<vmem>>, %arg16: memref<512xi32, #tpu.memory_space<vmem>>, %arg17: memref<8x64x128xf32, #tpu.memory_space<vmem>>, %arg18: memref<2x128x128xf32, #tpu.memory_space<vmem>>, %arg19: memref<512xf32, #tpu.memory_space<vmem>>, %arg20: memref<512xf32, #tpu.memory_space<vmem>>, %arg21: memref<512xf32, #tpu.memory_space<vmem>>, %arg22: memref<!tpu.dma_semaphore, #tpu.memory_space<semaphore_mem>>, %arg23: memref<!tpu.dma_semaphore, #tpu.memory_space<semaphore_mem>>, %arg24: memref<!tpu.dma_semaphore, #tpu.memory_space<semaphore_mem>>) attributes {dimension_semantics = [#tpu.dimension_semantics<core_parallel>, #tpu.dimension_semantics<subcore_parallel>], iteration_bounds = array<i64: 2, 16>, scalar_prefetch = 0 : i64, scratch_operands = 14 : i64, tpu.core_type = #tpu.core_type<sc_vector_subcore>, window_params = [{transform_indices = #map}, {transform_indices = #map}, {transform_indices = #map}, {transform_indices = #map}, {transform_indices = #map1}, {transform_indices = #map1}, {transform_indices = #map}, {transform_indices = #map}, {transform_indices = #map}]} {
    %mul3A = arith.constant 2 : i32
    %mul3A_0 = arith.muli %arg1, %mul3A : i32
    %add3A = arith.addi %mul3A_0, %arg0 : i32
    %mul3A_1 = arith.constant 512 : i32
    %mul3A_2 = arith.muli %add3A, %mul3A_1 : i32
    %add3A_3 = arith.constant 0 : i32
    %add3A_4 = arith.addi %mul3A_2, %add3A_3 : i32
    %run_scoped3A = arith.constant 0 : i32
    "tpu.region"() ({
      %run_scoped3A_289 = tpu.sem_alloc : memref<!tpu.dma_semaphore, #tpu.memory_space<semaphore_mem>>
      %dma_start3A_290 = arith.constant 0 : i32
      %dma_start3A_291 = tpu.memref_slice %arg11[%run_scoped3A, %dma_start3A_290] : memref<4x128xi32, #tpu.memory_space<vmem>> -> memref<1x128xi32, #tpu.memory_space<vmem>>
      %dma_start3A_292 = tpu.memref_squeeze %dma_start3A_291 : memref<1x128xi32, #tpu.memory_space<vmem>> -> memref<128xi32, #tpu.memory_space<vmem>>
      %dma_start3A_293 = tpu.memref_slice %arg2[%add3A_4] : memref<16384xi32, #tpu.memory_space<hbm>> -> memref<128xi32, #tpu.memory_space<hbm>>
      %dma_start3A_294 = arith.constant 0 : i32
      %dma_start3A_295 = tpu.memref_slice %arg11[%run_scoped3A, %dma_start3A_294] : memref<4x128xi32, #tpu.memory_space<vmem>> -> memref<1x128xi32, #tpu.memory_space<vmem>>
      %dma_start3A_296 = tpu.memref_squeeze %dma_start3A_295 : memref<1x128xi32, #tpu.memory_space<vmem>> -> memref<128xi32, #tpu.memory_space<vmem>>
      %dma_start3A_297 = tpu.memref_slice %arg2[%add3A_4] : memref<16384xi32, #tpu.memory_space<hbm>> -> memref<128xi32, #tpu.memory_space<hbm>>
      tpu.enqueue_dma source(%dma_start3A_297 : memref<128xi32, #tpu.memory_space<hbm>>) target(%dma_start3A_296 : memref<128xi32, #tpu.memory_space<vmem>>) target_semaphore(%run_scoped3A_289 : memref<!tpu.dma_semaphore, #tpu.memory_space<semaphore_mem>>)
      %dma_wait3A_298 = arith.constant 0 : i32
      %dma_wait3A_299 = tpu.memref_slice %arg11[%run_scoped3A, %dma_wait3A_298] : memref<4x128xi32, #tpu.memory_space<vmem>> -> memref<1x128xi32, #tpu.memory_space<vmem>>
      %dma_wait3A_300 = tpu.memref_squeeze %dma_wait3A_299 : memref<1x128xi32, #tpu.memory_space<vmem>> -> memref<128xi32, #tpu.memory_space<vmem>>
      %dma_wait3A_301 = tpu.memref_slice %arg2[%add3A_4] : memref<16384xi32, #tpu.memory_space<hbm>> -> memref<128xi32, #tpu.memory_space<hbm>>
      %dma_wait3A_302 = arith.constant 0 : i32
      %dma_wait3A_303 = tpu.memref_slice %arg11[%run_scoped3A, %dma_wait3A_302] : memref<4x128xi32, #tpu.memory_space<vmem>> -> memref<1x128xi32, #tpu.memory_space<vmem>>
      %dma_wait3A_304 = tpu.memref_squeeze %dma_wait3A_303 : memref<1x128xi32, #tpu.memory_space<vmem>> -> memref<128xi32, #tpu.memory_space<vmem>>
      %dma_wait3A_305 = tpu.memref_slice %arg2[%add3A_4] : memref<16384xi32, #tpu.memory_space<hbm>> -> memref<128xi32, #tpu.memory_space<hbm>>
      tpu.wait_dma2 semaphore(%run_scoped3A_289 : memref<!tpu.dma_semaphore, #tpu.memory_space<semaphore_mem>>) src(%dma_wait3A_305 : memref<128xi32, #tpu.memory_space<hbm>>) dst(%dma_wait3A_304 : memref<128xi32, #tpu.memory_space<vmem>>)
      tpu.yield
    }) : () -> ()
    %run_scoped3A_5 = arith.constant 0 : i32
    "tpu.region"() ({
      %run_scoped3A_289 = tpu.sem_alloc : memref<!tpu.dma_semaphore, #tpu.memory_space<semaphore_mem>>
      %dma_start3A_290 = arith.constant 0 : i32
      %dma_start3A_291 = tpu.memref_slice %arg12[%run_scoped3A_5, %dma_start3A_290] : memref<4x128xi32, #tpu.memory_space<vmem>> -> memref<1x128xi32, #tpu.memory_space<vmem>>
      %dma_start3A_292 = tpu.memref_squeeze %dma_start3A_291 : memref<1x128xi32, #tpu.memory_space<vmem>> -> memref<128xi32, #tpu.memory_space<vmem>>
      %dma_start3A_293 = tpu.memref_slice %arg3[%add3A_4] : memref<16384xi32, #tpu.memory_space<hbm>> -> memref<128xi32, #tpu.memory_space<hbm>>
      %dma_start3A_294 = arith.constant 0 : i32
      %dma_start3A_295 = tpu.memref_slice %arg12[%run_scoped3A_5, %dma_start3A_294] : memref<4x128xi32, #tpu.memory_space<vmem>> -> memref<1x128xi32, #tpu.memory_space<vmem>>
      %dma_start3A_296 = tpu.memref_squeeze %dma_start3A_295 : memref<1x128xi32, #tpu.memory_space<vmem>> -> memref<128xi32, #tpu.memory_space<vmem>>
      %dma_start3A_297 = tpu.memref_slice %arg3[%add3A_4] : memref<16384xi32, #tpu.memory_space<hbm>> -> memref<128xi32, #tpu.memory_space<hbm>>
      tpu.enqueue_dma source(%dma_start3A_297 : memref<128xi32, #tpu.memory_space<hbm>>) target(%dma_start3A_296 : memref<128xi32, #tpu.memory_space<vmem>>) target_semaphore(%run_scoped3A_289 : memref<!tpu.dma_semaphore, #tpu.memory_space<semaphore_mem>>)
      %dma_wait3A_298 = arith.constant 0 : i32
      %dma_wait3A_299 = tpu.memref_slice %arg12[%run_scoped3A_5, %dma_wait3A_298] : memref<4x128xi32, #tpu.memory_space<vmem>> -> memref<1x128xi32, #tpu.memory_space<vmem>>
      %dma_wait3A_300 = tpu.memref_squeeze %dma_wait3A_299 : memref<1x128xi32, #tpu.memory_space<vmem>> -> memref<128xi32, #tpu.memory_space<vmem>>
      %dma_wait3A_301 = tpu.memref_slice %arg3[%add3A_4] : memref<16384xi32, #tpu.memory_space<hbm>> -> memref<128xi32, #tpu.memory_space<hbm>>
      %dma_wait3A_302 = arith.constant 0 : i32
      %dma_wait3A_303 = tpu.memref_slice %arg12[%run_scoped3A_5, %dma_wait3A_302] : memref<4x128xi32, #tpu.memory_space<vmem>> -> memref<1x128xi32, #tpu.memory_space<vmem>>
      %dma_wait3A_304 = tpu.memref_squeeze %dma_wait3A_303 : memref<1x128xi32, #tpu.memory_space<vmem>> -> memref<128xi32, #tpu.memory_space<vmem>>
      %dma_wait3A_305 = tpu.memref_slice %arg3[%add3A_4] : memref<16384xi32, #tpu.memory_space<hbm>> -> memref<128xi32, #tpu.memory_space<hbm>>
      tpu.wait_dma2 semaphore(%run_scoped3A_289 : memref<!tpu.dma_semaphore, #tpu.memory_space<semaphore_mem>>) src(%dma_wait3A_305 : memref<128xi32, #tpu.memory_space<hbm>>) dst(%dma_wait3A_304 : memref<128xi32, #tpu.memory_space<vmem>>)
      tpu.yield
    }) : () -> ()
    %run_scoped3A_6 = arith.constant 0 : i32
    "tpu.region"() ({
      %run_scoped3A_289 = tpu.sem_alloc : memref<!tpu.dma_semaphore, #tpu.memory_space<semaphore_mem>>
      %dma_start3A_290 = arith.constant 0 : i32
      %dma_start3A_291 = tpu.memref_slice %arg13[%run_scoped3A_6, %dma_start3A_290] : memref<4x128xi32, #tpu.memory_space<vmem>> -> memref<1x128xi32, #tpu.memory_space<vmem>>
      %dma_start3A_292 = tpu.memref_squeeze %dma_start3A_291 : memref<1x128xi32, #tpu.memory_space<vmem>> -> memref<128xi32, #tpu.memory_space<vmem>>
      %dma_start3A_293 = tpu.memref_slice %arg4[%add3A_4] : memref<16384xi32, #tpu.memory_space<hbm>> -> memref<128xi32, #tpu.memory_space<hbm>>
      %dma_start3A_294 = arith.constant 0 : i32
      %dma_start3A_295 = tpu.memref_slice %arg13[%run_scoped3A_6, %dma_start3A_294] : memref<4x128xi32, #tpu.memory_space<vmem>> -> memref<1x128xi32, #tpu.memory_space<vmem>>
      %dma_start3A_296 = tpu.memref_squeeze %dma_start3A_295 : memref<1x128xi32, #tpu.memory_space<vmem>> -> memref<128xi32, #tpu.memory_space<vmem>>
      %dma_start3A_297 = tpu.memref_slice %arg4[%add3A_4] : memref<16384xi32, #tpu.memory_space<hbm>> -> memref<128xi32, #tpu.memory_space<hbm>>
      tpu.enqueue_dma source(%dma_start3A_297 : memref<128xi32, #tpu.memory_space<hbm>>) target(%dma_start3A_296 : memref<128xi32, #tpu.memory_space<vmem>>) target_semaphore(%run_scoped3A_289 : memref<!tpu.dma_semaphore, #tpu.memory_space<semaphore_mem>>)
      %dma_wait3A_298 = arith.constant 0 : i32
      %dma_wait3A_299 = tpu.memref_slice %arg13[%run_scoped3A_6, %dma_wait3A_298] : memref<4x128xi32, #tpu.memory_space<vmem>> -> memref<1x128xi32, #tpu.memory_space<vmem>>
      %dma_wait3A_300 = tpu.memref_squeeze %dma_wait3A_299 : memref<1x128xi32, #tpu.memory_space<vmem>> -> memref<128xi32, #tpu.memory_space<vmem>>
      %dma_wait3A_301 = tpu.memref_slice %arg4[%add3A_4] : memref<16384xi32, #tpu.memory_space<hbm>> -> memref<128xi32, #tpu.memory_space<hbm>>
      %dma_wait3A_302 = arith.constant 0 : i32
      %dma_wait3A_303 = tpu.memref_slice %arg13[%run_scoped3A_6, %dma_wait3A_302] : memref<4x128xi32, #tpu.memory_space<vmem>> -> memref<1x128xi32, #tpu.memory_space<vmem>>
      %dma_wait3A_304 = tpu.memref_squeeze %dma_wait3A_303 : memref<1x128xi32, #tpu.memory_space<vmem>> -> memref<128xi32, #tpu.memory_space<vmem>>
      %dma_wait3A_305 = tpu.memref_slice %arg4[%add3A_4] : memref<16384xi32, #tpu.memory_space<hbm>> -> memref<128xi32, #tpu.memory_space<hbm>>
      tpu.wait_dma2 semaphore(%run_scoped3A_289 : memref<!tpu.dma_semaphore, #tpu.memory_space<semaphore_mem>>) src(%dma_wait3A_305 : memref<128xi32, #tpu.memory_space<hbm>>) dst(%dma_wait3A_304 : memref<128xi32, #tpu.memory_space<vmem>>)
      tpu.yield
    }) : () -> ()
    %run_scoped3A_7 = arith.constant 0 : i32
    "tpu.region"() ({
      %run_scoped3A_289 = tpu.sem_alloc : memref<!tpu.dma_semaphore, #tpu.memory_space<semaphore_mem>>
      %dma_start3A_290 = arith.constant 0 : i32
      %dma_start3A_291 = tpu.memref_slice %arg14[%run_scoped3A_7, %dma_start3A_290] : memref<4x128xi32, #tpu.memory_space<vmem>> -> memref<1x128xi32, #tpu.memory_space<vmem>>
      %dma_start3A_292 = tpu.memref_squeeze %dma_start3A_291 : memref<1x128xi32, #tpu.memory_space<vmem>> -> memref<128xi32, #tpu.memory_space<vmem>>
      %dma_start3A_293 = tpu.memref_slice %arg5[%add3A_4] : memref<16384xi32, #tpu.memory_space<hbm>> -> memref<128xi32, #tpu.memory_space<hbm>>
      %dma_start3A_294 = arith.constant 0 : i32
      %dma_start3A_295 = tpu.memref_slice %arg14[%run_scoped3A_7, %dma_start3A_294] : memref<4x128xi32, #tpu.memory_space<vmem>> -> memref<1x128xi32, #tpu.memory_space<vmem>>
      %dma_start3A_296 = tpu.memref_squeeze %dma_start3A_295 : memref<1x128xi32, #tpu.memory_space<vmem>> -> memref<128xi32, #tpu.memory_space<vmem>>
      %dma_start3A_297 = tpu.memref_slice %arg5[%add3A_4] : memref<16384xi32, #tpu.memory_space<hbm>> -> memref<128xi32, #tpu.memory_space<hbm>>
      tpu.enqueue_dma source(%dma_start3A_297 : memref<128xi32, #tpu.memory_space<hbm>>) target(%dma_start3A_296 : memref<128xi32, #tpu.memory_space<vmem>>) target_semaphore(%run_scoped3A_289 : memref<!tpu.dma_semaphore, #tpu.memory_space<semaphore_mem>>)
      %dma_wait3A_298 = arith.constant 0 : i32
      %dma_wait3A_299 = tpu.memref_slice %arg14[%run_scoped3A_7, %dma_wait3A_298] : memref<4x128xi32, #tpu.memory_space<vmem>> -> memref<1x128xi32, #tpu.memory_space<vmem>>
      %dma_wait3A_300 = tpu.memref_squeeze %dma_wait3A_299 : memref<1x128xi32, #tpu.memory_space<vmem>> -> memref<128xi32, #tpu.memory_space<vmem>>
      %dma_wait3A_301 = tpu.memref_slice %arg5[%add3A_4] : memref<16384xi32, #tpu.memory_space<hbm>> -> memref<128xi32, #tpu.memory_space<hbm>>
      %dma_wait3A_302 = arith.constant 0 : i32
      %dma_wait3A_303 = tpu.memref_slice %arg14[%run_scoped3A_7, %dma_wait3A_302] : memref<4x128xi32, #tpu.memory_space<vmem>> -> memref<1x128xi32, #tpu.memory_space<vmem>>
      %dma_wait3A_304 = tpu.memref_squeeze %dma_wait3A_303 : memref<1x128xi32, #tpu.memory_space<vmem>> -> memref<128xi32, #tpu.memory_space<vmem>>
      %dma_wait3A_305 = tpu.memref_slice %arg5[%add3A_4] : memref<16384xi32, #tpu.memory_space<hbm>> -> memref<128xi32, #tpu.memory_space<hbm>>
      tpu.wait_dma2 semaphore(%run_scoped3A_289 : memref<!tpu.dma_semaphore, #tpu.memory_space<semaphore_mem>>) src(%dma_wait3A_305 : memref<128xi32, #tpu.memory_space<hbm>>) dst(%dma_wait3A_304 : memref<128xi32, #tpu.memory_space<vmem>>)
      tpu.yield
    }) : () -> ()
    %add3A_8 = arith.constant 128 : i32
    %add3A_9 = arith.addi %mul3A_2, %add3A_8 : i32
    %run_scoped3A_10 = arith.constant 1 : i32
    "tpu.region"() ({
      %run_scoped3A_289 = tpu.sem_alloc : memref<!tpu.dma_semaphore, #tpu.memory_space<semaphore_mem>>
      %dma_start3A_290 = arith.constant 0 : i32
      %dma_start3A_291 = tpu.memref_slice %arg11[%run_scoped3A_10, %dma_start3A_290] : memref<4x128xi32, #tpu.memory_space<vmem>> -> memref<1x128xi32, #tpu.memory_space<vmem>>
      %dma_start3A_292 = tpu.memref_squeeze %dma_start3A_291 : memref<1x128xi32, #tpu.memory_space<vmem>> -> memref<128xi32, #tpu.memory_space<vmem>>
      %dma_start3A_293 = tpu.memref_slice %arg2[%add3A_9] : memref<16384xi32, #tpu.memory_space<hbm>> -> memref<128xi32, #tpu.memory_space<hbm>>
      %dma_start3A_294 = arith.constant 0 : i32
      %dma_start3A_295 = tpu.memref_slice %arg11[%run_scoped3A_10, %dma_start3A_294] : memref<4x128xi32, #tpu.memory_space<vmem>> -> memref<1x128xi32, #tpu.memory_space<vmem>>
      %dma_start3A_296 = tpu.memref_squeeze %dma_start3A_295 : memref<1x128xi32, #tpu.memory_space<vmem>> -> memref<128xi32, #tpu.memory_space<vmem>>
      %dma_start3A_297 = tpu.memref_slice %arg2[%add3A_9] : memref<16384xi32, #tpu.memory_space<hbm>> -> memref<128xi32, #tpu.memory_space<hbm>>
      tpu.enqueue_dma source(%dma_start3A_297 : memref<128xi32, #tpu.memory_space<hbm>>) target(%dma_start3A_296 : memref<128xi32, #tpu.memory_space<vmem>>) target_semaphore(%run_scoped3A_289 : memref<!tpu.dma_semaphore, #tpu.memory_space<semaphore_mem>>)
      %dma_wait3A_298 = arith.constant 0 : i32
      %dma_wait3A_299 = tpu.memref_slice %arg11[%run_scoped3A_10, %dma_wait3A_298] : memref<4x128xi32, #tpu.memory_space<vmem>> -> memref<1x128xi32, #tpu.memory_space<vmem>>
      %dma_wait3A_300 = tpu.memref_squeeze %dma_wait3A_299 : memref<1x128xi32, #tpu.memory_space<vmem>> -> memref<128xi32, #tpu.memory_space<vmem>>
      %dma_wait3A_301 = tpu.memref_slice %arg2[%add3A_9] : memref<16384xi32, #tpu.memory_space<hbm>> -> memref<128xi32, #tpu.memory_space<hbm>>
      %dma_wait3A_302 = arith.constant 0 : i32
      %dma_wait3A_303 = tpu.memref_slice %arg11[%run_scoped3A_10, %dma_wait3A_302] : memref<4x128xi32, #tpu.memory_space<vmem>> -> memref<1x128xi32, #tpu.memory_space<vmem>>
      %dma_wait3A_304 = tpu.memref_squeeze %dma_wait3A_303 : memref<1x128xi32, #tpu.memory_space<vmem>> -> memref<128xi32, #tpu.memory_space<vmem>>
      %dma_wait3A_305 = tpu.memref_slice %arg2[%add3A_9] : memref<16384xi32, #tpu.memory_space<hbm>> -> memref<128xi32, #tpu.memory_space<hbm>>
      tpu.wait_dma2 semaphore(%run_scoped3A_289 : memref<!tpu.dma_semaphore, #tpu.memory_space<semaphore_mem>>) src(%dma_wait3A_305 : memref<128xi32, #tpu.memory_space<hbm>>) dst(%dma_wait3A_304 : memref<128xi32, #tpu.memory_space<vmem>>)
      tpu.yield
    }) : () -> ()
    %run_scoped3A_11 = arith.constant 1 : i32
    "tpu.region"() ({
      %run_scoped3A_289 = tpu.sem_alloc : memref<!tpu.dma_semaphore, #tpu.memory_space<semaphore_mem>>
      %dma_start3A_290 = arith.constant 0 : i32
      %dma_start3A_291 = tpu.memref_slice %arg12[%run_scoped3A_11, %dma_start3A_290] : memref<4x128xi32, #tpu.memory_space<vmem>> -> memref<1x128xi32, #tpu.memory_space<vmem>>
      %dma_start3A_292 = tpu.memref_squeeze %dma_start3A_291 : memref<1x128xi32, #tpu.memory_space<vmem>> -> memref<128xi32, #tpu.memory_space<vmem>>
      %dma_start3A_293 = tpu.memref_slice %arg3[%add3A_9] : memref<16384xi32, #tpu.memory_space<hbm>> -> memref<128xi32, #tpu.memory_space<hbm>>
      %dma_start3A_294 = arith.constant 0 : i32
      %dma_start3A_295 = tpu.memref_slice %arg12[%run_scoped3A_11, %dma_start3A_294] : memref<4x128xi32, #tpu.memory_space<vmem>> -> memref<1x128xi32, #tpu.memory_space<vmem>>
      %dma_start3A_296 = tpu.memref_squeeze %dma_start3A_295 : memref<1x128xi32, #tpu.memory_space<vmem>> -> memref<128xi32, #tpu.memory_space<vmem>>
      %dma_start3A_297 = tpu.memref_slice %arg3[%add3A_9] : memref<16384xi32, #tpu.memory_space<hbm>> -> memref<128xi32, #tpu.memory_space<hbm>>
      tpu.enqueue_dma source(%dma_start3A_297 : memref<128xi32, #tpu.memory_space<hbm>>) target(%dma_start3A_296 : memref<128xi32, #tpu.memory_space<vmem>>) target_semaphore(%run_scoped3A_289 : memref<!tpu.dma_semaphore, #tpu.memory_space<semaphore_mem>>)
      %dma_wait3A_298 = arith.constant 0 : i32
      %dma_wait3A_299 = tpu.memref_slice %arg12[%run_scoped3A_11, %dma_wait3A_298] : memref<4x128xi32, #tpu.memory_space<vmem>> -> memref<1x128xi32, #tpu.memory_space<vmem>>
      %dma_wait3A_300 = tpu.memref_squeeze %dma_wait3A_299 : memref<1x128xi32, #tpu.memory_space<vmem>> -> memref<128xi32, #tpu.memory_space<vmem>>
      %dma_wait3A_301 = tpu.memref_slice %arg3[%add3A_9] : memref<16384xi32, #tpu.memory_space<hbm>> -> memref<128xi32, #tpu.memory_space<hbm>>
      %dma_wait3A_302 = arith.constant 0 : i32
      %dma_wait3A_303 = tpu.memref_slice %arg12[%run_scoped3A_11, %dma_wait3A_302] : memref<4x128xi32, #tpu.memory_space<vmem>> -> memref<1x128xi32, #tpu.memory_space<vmem>>
      %dma_wait3A_304 = tpu.memref_squeeze %dma_wait3A_303 : memref<1x128xi32, #tpu.memory_space<vmem>> -> memref<128xi32, #tpu.memory_space<vmem>>
      %dma_wait3A_305 = tpu.memref_slice %arg3[%add3A_9] : memref<16384xi32, #tpu.memory_space<hbm>> -> memref<128xi32, #tpu.memory_space<hbm>>
      tpu.wait_dma2 semaphore(%run_scoped3A_289 : memref<!tpu.dma_semaphore, #tpu.memory_space<semaphore_mem>>) src(%dma_wait3A_305 : memref<128xi32, #tpu.memory_space<hbm>>) dst(%dma_wait3A_304 : memref<128xi32, #tpu.memory_space<vmem>>)
      tpu.yield
    }) : () -> ()
    %run_scoped3A_12 = arith.constant 1 : i32
    "tpu.region"() ({
      %run_scoped3A_289 = tpu.sem_alloc : memref<!tpu.dma_semaphore, #tpu.memory_space<semaphore_mem>>
      %dma_start3A_290 = arith.constant 0 : i32
      %dma_start3A_291 = tpu.memref_slice %arg13[%run_scoped3A_12, %dma_start3A_290] : memref<4x128xi32, #tpu.memory_space<vmem>> -> memref<1x128xi32, #tpu.memory_space<vmem>>
      %dma_start3A_292 = tpu.memref_squeeze %dma_start3A_291 : memref<1x128xi32, #tpu.memory_space<vmem>> -> memref<128xi32, #tpu.memory_space<vmem>>
      %dma_start3A_293 = tpu.memref_slice %arg4[%add3A_9] : memref<16384xi32, #tpu.memory_space<hbm>> -> memref<128xi32, #tpu.memory_space<hbm>>
      %dma_start3A_294 = arith.constant 0 : i32
      %dma_start3A_295 = tpu.memref_slice %arg13[%run_scoped3A_12, %dma_start3A_294] : memref<4x128xi32, #tpu.memory_space<vmem>> -> memref<1x128xi32, #tpu.memory_space<vmem>>
      %dma_start3A_296 = tpu.memref_squeeze %dma_start3A_295 : memref<1x128xi32, #tpu.memory_space<vmem>> -> memref<128xi32, #tpu.memory_space<vmem>>
      %dma_start3A_297 = tpu.memref_slice %arg4[%add3A_9] : memref<16384xi32, #tpu.memory_space<hbm>> -> memref<128xi32, #tpu.memory_space<hbm>>
      tpu.enqueue_dma source(%dma_start3A_297 : memref<128xi32, #tpu.memory_space<hbm>>) target(%dma_start3A_296 : memref<128xi32, #tpu.memory_space<vmem>>) target_semaphore(%run_scoped3A_289 : memref<!tpu.dma_semaphore, #tpu.memory_space<semaphore_mem>>)
      %dma_wait3A_298 = arith.constant 0 : i32
      %dma_wait3A_299 = tpu.memref_slice %arg13[%run_scoped3A_12, %dma_wait3A_298] : memref<4x128xi32, #tpu.memory_space<vmem>> -> memref<1x128xi32, #tpu.memory_space<vmem>>
      %dma_wait3A_300 = tpu.memref_squeeze %dma_wait3A_299 : memref<1x128xi32, #tpu.memory_space<vmem>> -> memref<128xi32, #tpu.memory_space<vmem>>
      %dma_wait3A_301 = tpu.memref_slice %arg4[%add3A_9] : memref<16384xi32, #tpu.memory_space<hbm>> -> memref<128xi32, #tpu.memory_space<hbm>>
      %dma_wait3A_302 = arith.constant 0 : i32
      %dma_wait3A_303 = tpu.memref_slice %arg13[%run_scoped3A_12, %dma_wait3A_302] : memref<4x128xi32, #tpu.memory_space<vmem>> -> memref<1x128xi32, #tpu.memory_space<vmem>>
      %dma_wait3A_304 = tpu.memref_squeeze %dma_wait3A_303 : memref<1x128xi32, #tpu.memory_space<vmem>> -> memref<128xi32, #tpu.memory_space<vmem>>
      %dma_wait3A_305 = tpu.memref_slice %arg4[%add3A_9] : memref<16384xi32, #tpu.memory_space<hbm>> -> memref<128xi32, #tpu.memory_space<hbm>>
      tpu.wait_dma2 semaphore(%run_scoped3A_289 : memref<!tpu.dma_semaphore, #tpu.memory_space<semaphore_mem>>) src(%dma_wait3A_305 : memref<128xi32, #tpu.memory_space<hbm>>) dst(%dma_wait3A_304 : memref<128xi32, #tpu.memory_space<vmem>>)
      tpu.yield
    }) : () -> ()
    %run_scoped3A_13 = arith.constant 1 : i32
    "tpu.region"() ({
      %run_scoped3A_289 = tpu.sem_alloc : memref<!tpu.dma_semaphore, #tpu.memory_space<semaphore_mem>>
      %dma_start3A_290 = arith.constant 0 : i32
      %dma_start3A_291 = tpu.memref_slice %arg14[%run_scoped3A_13, %dma_start3A_290] : memref<4x128xi32, #tpu.memory_space<vmem>> -> memref<1x128xi32, #tpu.memory_space<vmem>>
      %dma_start3A_292 = tpu.memref_squeeze %dma_start3A_291 : memref<1x128xi32, #tpu.memory_space<vmem>> -> memref<128xi32, #tpu.memory_space<vmem>>
      %dma_start3A_293 = tpu.memref_slice %arg5[%add3A_9] : memref<16384xi32, #tpu.memory_space<hbm>> -> memref<128xi32, #tpu.memory_space<hbm>>
      %dma_start3A_294 = arith.constant 0 : i32
      %dma_start3A_295 = tpu.memref_slice %arg14[%run_scoped3A_13, %dma_start3A_294] : memref<4x128xi32, #tpu.memory_space<vmem>> -> memref<1x128xi32, #tpu.memory_space<vmem>>
      %dma_start3A_296 = tpu.memref_squeeze %dma_start3A_295 : memref<1x128xi32, #tpu.memory_space<vmem>> -> memref<128xi32, #tpu.memory_space<vmem>>
      %dma_start3A_297 = tpu.memref_slice %arg5[%add3A_9] : memref<16384xi32, #tpu.memory_space<hbm>> -> memref<128xi32, #tpu.memory_space<hbm>>
      tpu.enqueue_dma source(%dma_start3A_297 : memref<128xi32, #tpu.memory_space<hbm>>) target(%dma_start3A_296 : memref<128xi32, #tpu.memory_space<vmem>>) target_semaphore(%run_scoped3A_289 : memref<!tpu.dma_semaphore, #tpu.memory_space<semaphore_mem>>)
      %dma_wait3A_298 = arith.constant 0 : i32
      %dma_wait3A_299 = tpu.memref_slice %arg14[%run_scoped3A_13, %dma_wait3A_298] : memref<4x128xi32, #tpu.memory_space<vmem>> -> memref<1x128xi32, #tpu.memory_space<vmem>>
      %dma_wait3A_300 = tpu.memref_squeeze %dma_wait3A_299 : memref<1x128xi32, #tpu.memory_space<vmem>> -> memref<128xi32, #tpu.memory_space<vmem>>
      %dma_wait3A_301 = tpu.memref_slice %arg5[%add3A_9] : memref<16384xi32, #tpu.memory_space<hbm>> -> memref<128xi32, #tpu.memory_space<hbm>>
      %dma_wait3A_302 = arith.constant 0 : i32
      %dma_wait3A_303 = tpu.memref_slice %arg14[%run_scoped3A_13, %dma_wait3A_302] : memref<4x128xi32, #tpu.memory_space<vmem>> -> memref<1x128xi32, #tpu.memory_space<vmem>>
      %dma_wait3A_304 = tpu.memref_squeeze %dma_wait3A_303 : memref<1x128xi32, #tpu.memory_space<vmem>> -> memref<128xi32, #tpu.memory_space<vmem>>
      %dma_wait3A_305 = tpu.memref_slice %arg5[%add3A_9] : memref<16384xi32, #tpu.memory_space<hbm>> -> memref<128xi32, #tpu.memory_space<hbm>>
      tpu.wait_dma2 semaphore(%run_scoped3A_289 : memref<!tpu.dma_semaphore, #tpu.memory_space<semaphore_mem>>) src(%dma_wait3A_305 : memref<128xi32, #tpu.memory_space<hbm>>) dst(%dma_wait3A_304 : memref<128xi32, #tpu.memory_space<vmem>>)
      tpu.yield
    }) : () -> ()
    %add3A_14 = arith.constant 256 : i32
    %add3A_15 = arith.addi %mul3A_2, %add3A_14 : i32
    %run_scoped3A_16 = arith.constant 2 : i32
    "tpu.region"() ({
      %run_scoped3A_289 = tpu.sem_alloc : memref<!tpu.dma_semaphore, #tpu.memory_space<semaphore_mem>>
      %dma_start3A_290 = arith.constant 0 : i32
      %dma_start3A_291 = tpu.memref_slice %arg11[%run_scoped3A_16, %dma_start3A_290] : memref<4x128xi32, #tpu.memory_space<vmem>> -> memref<1x128xi32, #tpu.memory_space<vmem>>
      %dma_start3A_292 = tpu.memref_squeeze %dma_start3A_291 : memref<1x128xi32, #tpu.memory_space<vmem>> -> memref<128xi32, #tpu.memory_space<vmem>>
      %dma_start3A_293 = tpu.memref_slice %arg2[%add3A_15] : memref<16384xi32, #tpu.memory_space<hbm>> -> memref<128xi32, #tpu.memory_space<hbm>>
      %dma_start3A_294 = arith.constant 0 : i32
      %dma_start3A_295 = tpu.memref_slice %arg11[%run_scoped3A_16, %dma_start3A_294] : memref<4x128xi32, #tpu.memory_space<vmem>> -> memref<1x128xi32, #tpu.memory_space<vmem>>
      %dma_start3A_296 = tpu.memref_squeeze %dma_start3A_295 : memref<1x128xi32, #tpu.memory_space<vmem>> -> memref<128xi32, #tpu.memory_space<vmem>>
      %dma_start3A_297 = tpu.memref_slice %arg2[%add3A_15] : memref<16384xi32, #tpu.memory_space<hbm>> -> memref<128xi32, #tpu.memory_space<hbm>>
      tpu.enqueue_dma source(%dma_start3A_297 : memref<128xi32, #tpu.memory_space<hbm>>) target(%dma_start3A_296 : memref<128xi32, #tpu.memory_space<vmem>>) target_semaphore(%run_scoped3A_289 : memref<!tpu.dma_semaphore, #tpu.memory_space<semaphore_mem>>)
      %dma_wait3A_298 = arith.constant 0 : i32
      %dma_wait3A_299 = tpu.memref_slice %arg11[%run_scoped3A_16, %dma_wait3A_298] : memref<4x128xi32, #tpu.memory_space<vmem>> -> memref<1x128xi32, #tpu.memory_space<vmem>>
      %dma_wait3A_300 = tpu.memref_squeeze %dma_wait3A_299 : memref<1x128xi32, #tpu.memory_space<vmem>> -> memref<128xi32, #tpu.memory_space<vmem>>
      %dma_wait3A_301 = tpu.memref_slice %arg2[%add3A_15] : memref<16384xi32, #tpu.memory_space<hbm>> -> memref<128xi32, #tpu.memory_space<hbm>>
      %dma_wait3A_302 = arith.constant 0 : i32
      %dma_wait3A_303 = tpu.memref_slice %arg11[%run_scoped3A_16, %dma_wait3A_302] : memref<4x128xi32, #tpu.memory_space<vmem>> -> memref<1x128xi32, #tpu.memory_space<vmem>>
      %dma_wait3A_304 = tpu.memref_squeeze %dma_wait3A_303 : memref<1x128xi32, #tpu.memory_space<vmem>> -> memref<128xi32, #tpu.memory_space<vmem>>
      %dma_wait3A_305 = tpu.memref_slice %arg2[%add3A_15] : memref<16384xi32, #tpu.memory_space<hbm>> -> memref<128xi32, #tpu.memory_space<hbm>>
      tpu.wait_dma2 semaphore(%run_scoped3A_289 : memref<!tpu.dma_semaphore, #tpu.memory_space<semaphore_mem>>) src(%dma_wait3A_305 : memref<128xi32, #tpu.memory_space<hbm>>) dst(%dma_wait3A_304 : memref<128xi32, #tpu.memory_space<vmem>>)
      tpu.yield
    }) : () -> ()
    %run_scoped3A_17 = arith.constant 2 : i32
    "tpu.region"() ({
      %run_scoped3A_289 = tpu.sem_alloc : memref<!tpu.dma_semaphore, #tpu.memory_space<semaphore_mem>>
      %dma_start3A_290 = arith.constant 0 : i32
      %dma_start3A_291 = tpu.memref_slice %arg12[%run_scoped3A_17, %dma_start3A_290] : memref<4x128xi32, #tpu.memory_space<vmem>> -> memref<1x128xi32, #tpu.memory_space<vmem>>
      %dma_start3A_292 = tpu.memref_squeeze %dma_start3A_291 : memref<1x128xi32, #tpu.memory_space<vmem>> -> memref<128xi32, #tpu.memory_space<vmem>>
      %dma_start3A_293 = tpu.memref_slice %arg3[%add3A_15] : memref<16384xi32, #tpu.memory_space<hbm>> -> memref<128xi32, #tpu.memory_space<hbm>>
      %dma_start3A_294 = arith.constant 0 : i32
      %dma_start3A_295 = tpu.memref_slice %arg12[%run_scoped3A_17, %dma_start3A_294] : memref<4x128xi32, #tpu.memory_space<vmem>> -> memref<1x128xi32, #tpu.memory_space<vmem>>
      %dma_start3A_296 = tpu.memref_squeeze %dma_start3A_295 : memref<1x128xi32, #tpu.memory_space<vmem>> -> memref<128xi32, #tpu.memory_space<vmem>>
      %dma_start3A_297 = tpu.memref_slice %arg3[%add3A_15] : memref<16384xi32, #tpu.memory_space<hbm>> -> memref<128xi32, #tpu.memory_space<hbm>>
      tpu.enqueue_dma source(%dma_start3A_297 : memref<128xi32, #tpu.memory_space<hbm>>) target(%dma_start3A_296 : memref<128xi32, #tpu.memory_space<vmem>>) target_semaphore(%run_scoped3A_289 : memref<!tpu.dma_semaphore, #tpu.memory_space<semaphore_mem>>)
      %dma_wait3A_298 = arith.constant 0 : i32
      %dma_wait3A_299 = tpu.memref_slice %arg12[%run_scoped3A_17, %dma_wait3A_298] : memref<4x128xi32, #tpu.memory_space<vmem>> -> memref<1x128xi32, #tpu.memory_space<vmem>>
      %dma_wait3A_300 = tpu.memref_squeeze %dma_wait3A_299 : memref<1x128xi32, #tpu.memory_space<vmem>> -> memref<128xi32, #tpu.memory_space<vmem>>
      %dma_wait3A_301 = tpu.memref_slice %arg3[%add3A_15] : memref<16384xi32, #tpu.memory_space<hbm>> -> memref<128xi32, #tpu.memory_space<hbm>>
      %dma_wait3A_302 = arith.constant 0 : i32
      %dma_wait3A_303 = tpu.memref_slice %arg12[%run_scoped3A_17, %dma_wait3A_302] : memref<4x128xi32, #tpu.memory_space<vmem>> -> memref<1x128xi32, #tpu.memory_space<vmem>>
      %dma_wait3A_304 = tpu.memref_squeeze %dma_wait3A_303 : memref<1x128xi32, #tpu.memory_space<vmem>> -> memref<128xi32, #tpu.memory_space<vmem>>
      %dma_wait3A_305 = tpu.memref_slice %arg3[%add3A_15] : memref<16384xi32, #tpu.memory_space<hbm>> -> memref<128xi32, #tpu.memory_space<hbm>>
      tpu.wait_dma2 semaphore(%run_scoped3A_289 : memref<!tpu.dma_semaphore, #tpu.memory_space<semaphore_mem>>) src(%dma_wait3A_305 : memref<128xi32, #tpu.memory_space<hbm>>) dst(%dma_wait3A_304 : memref<128xi32, #tpu.memory_space<vmem>>)
      tpu.yield
    }) : () -> ()
    %run_scoped3A_18 = arith.constant 2 : i32
    "tpu.region"() ({
      %run_scoped3A_289 = tpu.sem_alloc : memref<!tpu.dma_semaphore, #tpu.memory_space<semaphore_mem>>
      %dma_start3A_290 = arith.constant 0 : i32
      %dma_start3A_291 = tpu.memref_slice %arg13[%run_scoped3A_18, %dma_start3A_290] : memref<4x128xi32, #tpu.memory_space<vmem>> -> memref<1x128xi32, #tpu.memory_space<vmem>>
      %dma_start3A_292 = tpu.memref_squeeze %dma_start3A_291 : memref<1x128xi32, #tpu.memory_space<vmem>> -> memref<128xi32, #tpu.memory_space<vmem>>
      %dma_start3A_293 = tpu.memref_slice %arg4[%add3A_15] : memref<16384xi32, #tpu.memory_space<hbm>> -> memref<128xi32, #tpu.memory_space<hbm>>
      %dma_start3A_294 = arith.constant 0 : i32
      %dma_start3A_295 = tpu.memref_slice %arg13[%run_scoped3A_18, %dma_start3A_294] : memref<4x128xi32, #tpu.memory_space<vmem>> -> memref<1x128xi32, #tpu.memory_space<vmem>>
      %dma_start3A_296 = tpu.memref_squeeze %dma_start3A_295 : memref<1x128xi32, #tpu.memory_space<vmem>> -> memref<128xi32, #tpu.memory_space<vmem>>
      %dma_start3A_297 = tpu.memref_slice %arg4[%add3A_15] : memref<16384xi32, #tpu.memory_space<hbm>> -> memref<128xi32, #tpu.memory_space<hbm>>
      tpu.enqueue_dma source(%dma_start3A_297 : memref<128xi32, #tpu.memory_space<hbm>>) target(%dma_start3A_296 : memref<128xi32, #tpu.memory_space<vmem>>) target_semaphore(%run_scoped3A_289 : memref<!tpu.dma_semaphore, #tpu.memory_space<semaphore_mem>>)
      %dma_wait3A_298 = arith.constant 0 : i32
      %dma_wait3A_299 = tpu.memref_slice %arg13[%run_scoped3A_18, %dma_wait3A_298] : memref<4x128xi32, #tpu.memory_space<vmem>> -> memref<1x128xi32, #tpu.memory_space<vmem>>
      %dma_wait3A_300 = tpu.memref_squeeze %dma_wait3A_299 : memref<1x128xi32, #tpu.memory_space<vmem>> -> memref<128xi32, #tpu.memory_space<vmem>>
      %dma_wait3A_301 = tpu.memref_slice %arg4[%add3A_15] : memref<16384xi32, #tpu.memory_space<hbm>> -> memref<128xi32, #tpu.memory_space<hbm>>
      %dma_wait3A_302 = arith.constant 0 : i32
      %dma_wait3A_303 = tpu.memref_slice %arg13[%run_scoped3A_18, %dma_wait3A_302] : memref<4x128xi32, #tpu.memory_space<vmem>> -> memref<1x128xi32, #tpu.memory_space<vmem>>
      %dma_wait3A_304 = tpu.memref_squeeze %dma_wait3A_303 : memref<1x128xi32, #tpu.memory_space<vmem>> -> memref<128xi32, #tpu.memory_space<vmem>>
      %dma_wait3A_305 = tpu.memref_slice %arg4[%add3A_15] : memref<16384xi32, #tpu.memory_space<hbm>> -> memref<128xi32, #tpu.memory_space<hbm>>
      tpu.wait_dma2 semaphore(%run_scoped3A_289 : memref<!tpu.dma_semaphore, #tpu.memory_space<semaphore_mem>>) src(%dma_wait3A_305 : memref<128xi32, #tpu.memory_space<hbm>>) dst(%dma_wait3A_304 : memref<128xi32, #tpu.memory_space<vmem>>)
      tpu.yield
    }) : () -> ()
    %run_scoped3A_19 = arith.constant 2 : i32
    "tpu.region"() ({
      %run_scoped3A_289 = tpu.sem_alloc : memref<!tpu.dma_semaphore, #tpu.memory_space<semaphore_mem>>
      %dma_start3A_290 = arith.constant 0 : i32
      %dma_start3A_291 = tpu.memref_slice %arg14[%run_scoped3A_19, %dma_start3A_290] : memref<4x128xi32, #tpu.memory_space<vmem>> -> memref<1x128xi32, #tpu.memory_space<vmem>>
      %dma_start3A_292 = tpu.memref_squeeze %dma_start3A_291 : memref<1x128xi32, #tpu.memory_space<vmem>> -> memref<128xi32, #tpu.memory_space<vmem>>
      %dma_start3A_293 = tpu.memref_slice %arg5[%add3A_15] : memref<16384xi32, #tpu.memory_space<hbm>> -> memref<128xi32, #tpu.memory_space<hbm>>
      %dma_start3A_294 = arith.constant 0 : i32
      %dma_start3A_295 = tpu.memref_slice %arg14[%run_scoped3A_19, %dma_start3A_294] : memref<4x128xi32, #tpu.memory_space<vmem>> -> memref<1x128xi32, #tpu.memory_space<vmem>>
      %dma_start3A_296 = tpu.memref_squeeze %dma_start3A_295 : memref<1x128xi32, #tpu.memory_space<vmem>> -> memref<128xi32, #tpu.memory_space<vmem>>
      %dma_start3A_297 = tpu.memref_slice %arg5[%add3A_15] : memref<16384xi32, #tpu.memory_space<hbm>> -> memref<128xi32, #tpu.memory_space<hbm>>
      tpu.enqueue_dma source(%dma_start3A_297 : memref<128xi32, #tpu.memory_space<hbm>>) target(%dma_start3A_296 : memref<128xi32, #tpu.memory_space<vmem>>) target_semaphore(%run_scoped3A_289 : memref<!tpu.dma_semaphore, #tpu.memory_space<semaphore_mem>>)
      %dma_wait3A_298 = arith.constant 0 : i32
      %dma_wait3A_299 = tpu.memref_slice %arg14[%run_scoped3A_19, %dma_wait3A_298] : memref<4x128xi32, #tpu.memory_space<vmem>> -> memref<1x128xi32, #tpu.memory_space<vmem>>
      %dma_wait3A_300 = tpu.memref_squeeze %dma_wait3A_299 : memref<1x128xi32, #tpu.memory_space<vmem>> -> memref<128xi32, #tpu.memory_space<vmem>>
      %dma_wait3A_301 = tpu.memref_slice %arg5[%add3A_15] : memref<16384xi32, #tpu.memory_space<hbm>> -> memref<128xi32, #tpu.memory_space<hbm>>
      %dma_wait3A_302 = arith.constant 0 : i32
      %dma_wait3A_303 = tpu.memref_slice %arg14[%run_scoped3A_19, %dma_wait3A_302] : memref<4x128xi32, #tpu.memory_space<vmem>> -> memref<1x128xi32, #tpu.memory_space<vmem>>
      %dma_wait3A_304 = tpu.memref_squeeze %dma_wait3A_303 : memref<1x128xi32, #tpu.memory_space<vmem>> -> memref<128xi32, #tpu.memory_space<vmem>>
      %dma_wait3A_305 = tpu.memref_slice %arg5[%add3A_15] : memref<16384xi32, #tpu.memory_space<hbm>> -> memref<128xi32, #tpu.memory_space<hbm>>
      tpu.wait_dma2 semaphore(%run_scoped3A_289 : memref<!tpu.dma_semaphore, #tpu.memory_space<semaphore_mem>>) src(%dma_wait3A_305 : memref<128xi32, #tpu.memory_space<hbm>>) dst(%dma_wait3A_304 : memref<128xi32, #tpu.memory_space<vmem>>)
      tpu.yield
    }) : () -> ()
    %add3A_20 = arith.constant 384 : i32
    %add3A_21 = arith.addi %mul3A_2, %add3A_20 : i32
    %run_scoped3A_22 = arith.constant 3 : i32
    "tpu.region"() ({
      %run_scoped3A_289 = tpu.sem_alloc : memref<!tpu.dma_semaphore, #tpu.memory_space<semaphore_mem>>
      %dma_start3A_290 = arith.constant 0 : i32
      %dma_start3A_291 = tpu.memref_slice %arg11[%run_scoped3A_22, %dma_start3A_290] : memref<4x128xi32, #tpu.memory_space<vmem>> -> memref<1x128xi32, #tpu.memory_space<vmem>>
      %dma_start3A_292 = tpu.memref_squeeze %dma_start3A_291 : memref<1x128xi32, #tpu.memory_space<vmem>> -> memref<128xi32, #tpu.memory_space<vmem>>
      %dma_start3A_293 = tpu.memref_slice %arg2[%add3A_21] : memref<16384xi32, #tpu.memory_space<hbm>> -> memref<128xi32, #tpu.memory_space<hbm>>
      %dma_start3A_294 = arith.constant 0 : i32
      %dma_start3A_295 = tpu.memref_slice %arg11[%run_scoped3A_22, %dma_start3A_294] : memref<4x128xi32, #tpu.memory_space<vmem>> -> memref<1x128xi32, #tpu.memory_space<vmem>>
      %dma_start3A_296 = tpu.memref_squeeze %dma_start3A_295 : memref<1x128xi32, #tpu.memory_space<vmem>> -> memref<128xi32, #tpu.memory_space<vmem>>
      %dma_start3A_297 = tpu.memref_slice %arg2[%add3A_21] : memref<16384xi32, #tpu.memory_space<hbm>> -> memref<128xi32, #tpu.memory_space<hbm>>
      tpu.enqueue_dma source(%dma_start3A_297 : memref<128xi32, #tpu.memory_space<hbm>>) target(%dma_start3A_296 : memref<128xi32, #tpu.memory_space<vmem>>) target_semaphore(%run_scoped3A_289 : memref<!tpu.dma_semaphore, #tpu.memory_space<semaphore_mem>>)
      %dma_wait3A_298 = arith.constant 0 : i32
      %dma_wait3A_299 = tpu.memref_slice %arg11[%run_scoped3A_22, %dma_wait3A_298] : memref<4x128xi32, #tpu.memory_space<vmem>> -> memref<1x128xi32, #tpu.memory_space<vmem>>
      %dma_wait3A_300 = tpu.memref_squeeze %dma_wait3A_299 : memref<1x128xi32, #tpu.memory_space<vmem>> -> memref<128xi32, #tpu.memory_space<vmem>>
      %dma_wait3A_301 = tpu.memref_slice %arg2[%add3A_21] : memref<16384xi32, #tpu.memory_space<hbm>> -> memref<128xi32, #tpu.memory_space<hbm>>
      %dma_wait3A_302 = arith.constant 0 : i32
      %dma_wait3A_303 = tpu.memref_slice %arg11[%run_scoped3A_22, %dma_wait3A_302] : memref<4x128xi32, #tpu.memory_space<vmem>> -> memref<1x128xi32, #tpu.memory_space<vmem>>
      %dma_wait3A_304 = tpu.memref_squeeze %dma_wait3A_303 : memref<1x128xi32, #tpu.memory_space<vmem>> -> memref<128xi32, #tpu.memory_space<vmem>>
      %dma_wait3A_305 = tpu.memref_slice %arg2[%add3A_21] : memref<16384xi32, #tpu.memory_space<hbm>> -> memref<128xi32, #tpu.memory_space<hbm>>
      tpu.wait_dma2 semaphore(%run_scoped3A_289 : memref<!tpu.dma_semaphore, #tpu.memory_space<semaphore_mem>>) src(%dma_wait3A_305 : memref<128xi32, #tpu.memory_space<hbm>>) dst(%dma_wait3A_304 : memref<128xi32, #tpu.memory_space<vmem>>)
      tpu.yield
    }) : () -> ()
    %run_scoped3A_23 = arith.constant 3 : i32
    "tpu.region"() ({
      %run_scoped3A_289 = tpu.sem_alloc : memref<!tpu.dma_semaphore, #tpu.memory_space<semaphore_mem>>
      %dma_start3A_290 = arith.constant 0 : i32
      %dma_start3A_291 = tpu.memref_slice %arg12[%run_scoped3A_23, %dma_start3A_290] : memref<4x128xi32, #tpu.memory_space<vmem>> -> memref<1x128xi32, #tpu.memory_space<vmem>>
      %dma_start3A_292 = tpu.memref_squeeze %dma_start3A_291 : memref<1x128xi32, #tpu.memory_space<vmem>> -> memref<128xi32, #tpu.memory_space<vmem>>
      %dma_start3A_293 = tpu.memref_slice %arg3[%add3A_21] : memref<16384xi32, #tpu.memory_space<hbm>> -> memref<128xi32, #tpu.memory_space<hbm>>
      %dma_start3A_294 = arith.constant 0 : i32
      %dma_start3A_295 = tpu.memref_slice %arg12[%run_scoped3A_23, %dma_start3A_294] : memref<4x128xi32, #tpu.memory_space<vmem>> -> memref<1x128xi32, #tpu.memory_space<vmem>>
      %dma_start3A_296 = tpu.memref_squeeze %dma_start3A_295 : memref<1x128xi32, #tpu.memory_space<vmem>> -> memref<128xi32, #tpu.memory_space<vmem>>
      %dma_start3A_297 = tpu.memref_slice %arg3[%add3A_21] : memref<16384xi32, #tpu.memory_space<hbm>> -> memref<128xi32, #tpu.memory_space<hbm>>
      tpu.enqueue_dma source(%dma_start3A_297 : memref<128xi32, #tpu.memory_space<hbm>>) target(%dma_start3A_296 : memref<128xi32, #tpu.memory_space<vmem>>) target_semaphore(%run_scoped3A_289 : memref<!tpu.dma_semaphore, #tpu.memory_space<semaphore_mem>>)
      %dma_wait3A_298 = arith.constant 0 : i32
      %dma_wait3A_299 = tpu.memref_slice %arg12[%run_scoped3A_23, %dma_wait3A_298] : memref<4x128xi32, #tpu.memory_space<vmem>> -> memref<1x128xi32, #tpu.memory_space<vmem>>
      %dma_wait3A_300 = tpu.memref_squeeze %dma_wait3A_299 : memref<1x128xi32, #tpu.memory_space<vmem>> -> memref<128xi32, #tpu.memory_space<vmem>>
      %dma_wait3A_301 = tpu.memref_slice %arg3[%add3A_21] : memref<16384xi32, #tpu.memory_space<hbm>> -> memref<128xi32, #tpu.memory_space<hbm>>
      %dma_wait3A_302 = arith.constant 0 : i32
      %dma_wait3A_303 = tpu.memref_slice %arg12[%run_scoped3A_23, %dma_wait3A_302] : memref<4x128xi32, #tpu.memory_space<vmem>> -> memref<1x128xi32, #tpu.memory_space<vmem>>
      %dma_wait3A_304 = tpu.memref_squeeze %dma_wait3A_303 : memref<1x128xi32, #tpu.memory_space<vmem>> -> memref<128xi32, #tpu.memory_space<vmem>>
      %dma_wait3A_305 = tpu.memref_slice %arg3[%add3A_21] : memref<16384xi32, #tpu.memory_space<hbm>> -> memref<128xi32, #tpu.memory_space<hbm>>
      tpu.wait_dma2 semaphore(%run_scoped3A_289 : memref<!tpu.dma_semaphore, #tpu.memory_space<semaphore_mem>>) src(%dma_wait3A_305 : memref<128xi32, #tpu.memory_space<hbm>>) dst(%dma_wait3A_304 : memref<128xi32, #tpu.memory_space<vmem>>)
      tpu.yield
    }) : () -> ()
    %run_scoped3A_24 = arith.constant 3 : i32
    "tpu.region"() ({
      %run_scoped3A_289 = tpu.sem_alloc : memref<!tpu.dma_semaphore, #tpu.memory_space<semaphore_mem>>
      %dma_start3A_290 = arith.constant 0 : i32
      %dma_start3A_291 = tpu.memref_slice %arg13[%run_scoped3A_24, %dma_start3A_290] : memref<4x128xi32, #tpu.memory_space<vmem>> -> memref<1x128xi32, #tpu.memory_space<vmem>>
      %dma_start3A_292 = tpu.memref_squeeze %dma_start3A_291 : memref<1x128xi32, #tpu.memory_space<vmem>> -> memref<128xi32, #tpu.memory_space<vmem>>
      %dma_start3A_293 = tpu.memref_slice %arg4[%add3A_21] : memref<16384xi32, #tpu.memory_space<hbm>> -> memref<128xi32, #tpu.memory_space<hbm>>
      %dma_start3A_294 = arith.constant 0 : i32
      %dma_start3A_295 = tpu.memref_slice %arg13[%run_scoped3A_24, %dma_start3A_294] : memref<4x128xi32, #tpu.memory_space<vmem>> -> memref<1x128xi32, #tpu.memory_space<vmem>>
      %dma_start3A_296 = tpu.memref_squeeze %dma_start3A_295 : memref<1x128xi32, #tpu.memory_space<vmem>> -> memref<128xi32, #tpu.memory_space<vmem>>
      %dma_start3A_297 = tpu.memref_slice %arg4[%add3A_21] : memref<16384xi32, #tpu.memory_space<hbm>> -> memref<128xi32, #tpu.memory_space<hbm>>
      tpu.enqueue_dma source(%dma_start3A_297 : memref<128xi32, #tpu.memory_space<hbm>>) target(%dma_start3A_296 : memref<128xi32, #tpu.memory_space<vmem>>) target_semaphore(%run_scoped3A_289 : memref<!tpu.dma_semaphore, #tpu.memory_space<semaphore_mem>>)
      %dma_wait3A_298 = arith.constant 0 : i32
      %dma_wait3A_299 = tpu.memref_slice %arg13[%run_scoped3A_24, %dma_wait3A_298] : memref<4x128xi32, #tpu.memory_space<vmem>> -> memref<1x128xi32, #tpu.memory_space<vmem>>
      %dma_wait3A_300 = tpu.memref_squeeze %dma_wait3A_299 : memref<1x128xi32, #tpu.memory_space<vmem>> -> memref<128xi32, #tpu.memory_space<vmem>>
      %dma_wait3A_301 = tpu.memref_slice %arg4[%add3A_21] : memref<16384xi32, #tpu.memory_space<hbm>> -> memref<128xi32, #tpu.memory_space<hbm>>
      %dma_wait3A_302 = arith.constant 0 : i32
      %dma_wait3A_303 = tpu.memref_slice %arg13[%run_scoped3A_24, %dma_wait3A_302] : memref<4x128xi32, #tpu.memory_space<vmem>> -> memref<1x128xi32, #tpu.memory_space<vmem>>
      %dma_wait3A_304 = tpu.memref_squeeze %dma_wait3A_303 : memref<1x128xi32, #tpu.memory_space<vmem>> -> memref<128xi32, #tpu.memory_space<vmem>>
      %dma_wait3A_305 = tpu.memref_slice %arg4[%add3A_21] : memref<16384xi32, #tpu.memory_space<hbm>> -> memref<128xi32, #tpu.memory_space<hbm>>
      tpu.wait_dma2 semaphore(%run_scoped3A_289 : memref<!tpu.dma_semaphore, #tpu.memory_space<semaphore_mem>>) src(%dma_wait3A_305 : memref<128xi32, #tpu.memory_space<hbm>>) dst(%dma_wait3A_304 : memref<128xi32, #tpu.memory_space<vmem>>)
      tpu.yield
    }) : () -> ()
    %run_scoped3A_25 = arith.constant 3 : i32
    "tpu.region"() ({
      %run_scoped3A_289 = tpu.sem_alloc : memref<!tpu.dma_semaphore, #tpu.memory_space<semaphore_mem>>
      %dma_start3A_290 = arith.constant 0 : i32
      %dma_start3A_291 = tpu.memref_slice %arg14[%run_scoped3A_25, %dma_start3A_290] : memref<4x128xi32, #tpu.memory_space<vmem>> -> memref<1x128xi32, #tpu.memory_space<vmem>>
      %dma_start3A_292 = tpu.memref_squeeze %dma_start3A_291 : memref<1x128xi32, #tpu.memory_space<vmem>> -> memref<128xi32, #tpu.memory_space<vmem>>
      %dma_start3A_293 = tpu.memref_slice %arg5[%add3A_21] : memref<16384xi32, #tpu.memory_space<hbm>> -> memref<128xi32, #tpu.memory_space<hbm>>
      %dma_start3A_294 = arith.constant 0 : i32
      %dma_start3A_295 = tpu.memref_slice %arg14[%run_scoped3A_25, %dma_start3A_294] : memref<4x128xi32, #tpu.memory_space<vmem>> -> memref<1x128xi32, #tpu.memory_space<vmem>>
      %dma_start3A_296 = tpu.memref_squeeze %dma_start3A_295 : memref<1x128xi32, #tpu.memory_space<vmem>> -> memref<128xi32, #tpu.memory_space<vmem>>
      %dma_start3A_297 = tpu.memref_slice %arg5[%add3A_21] : memref<16384xi32, #tpu.memory_space<hbm>> -> memref<128xi32, #tpu.memory_space<hbm>>
      tpu.enqueue_dma source(%dma_start3A_297 : memref<128xi32, #tpu.memory_space<hbm>>) target(%dma_start3A_296 : memref<128xi32, #tpu.memory_space<vmem>>) target_semaphore(%run_scoped3A_289 : memref<!tpu.dma_semaphore, #tpu.memory_space<semaphore_mem>>)
      %dma_wait3A_298 = arith.constant 0 : i32
      %dma_wait3A_299 = tpu.memref_slice %arg14[%run_scoped3A_25, %dma_wait3A_298] : memref<4x128xi32, #tpu.memory_space<vmem>> -> memref<1x128xi32, #tpu.memory_space<vmem>>
      %dma_wait3A_300 = tpu.memref_squeeze %dma_wait3A_299 : memref<1x128xi32, #tpu.memory_space<vmem>> -> memref<128xi32, #tpu.memory_space<vmem>>
      %dma_wait3A_301 = tpu.memref_slice %arg5[%add3A_21] : memref<16384xi32, #tpu.memory_space<hbm>> -> memref<128xi32, #tpu.memory_space<hbm>>
      %dma_wait3A_302 = arith.constant 0 : i32
      %dma_wait3A_303 = tpu.memref_slice %arg14[%run_scoped3A_25, %dma_wait3A_302] : memref<4x128xi32, #tpu.memory_space<vmem>> -> memref<1x128xi32, #tpu.memory_space<vmem>>
      %dma_wait3A_304 = tpu.memref_squeeze %dma_wait3A_303 : memref<1x128xi32, #tpu.memory_space<vmem>> -> memref<128xi32, #tpu.memory_space<vmem>>
      %dma_wait3A_305 = tpu.memref_slice %arg5[%add3A_21] : memref<16384xi32, #tpu.memory_space<hbm>> -> memref<128xi32, #tpu.memory_space<hbm>>
      tpu.wait_dma2 semaphore(%run_scoped3A_289 : memref<!tpu.dma_semaphore, #tpu.memory_space<semaphore_mem>>) src(%dma_wait3A_305 : memref<128xi32, #tpu.memory_space<hbm>>) dst(%dma_wait3A_304 : memref<128xi32, #tpu.memory_space<vmem>>)
      tpu.yield
    }) : () -> ()
    "tpu.region"() ({
      %run_scoped3A_289 = tpu.sem_alloc : memref<!tpu.dma_semaphore, #tpu.memory_space<semaphore_mem>>
      %dma_start3A_290 = tpu.memref_slice %arg2[%mul3A_2] : memref<16384xi32, #tpu.memory_space<hbm>> -> memref<512xi32, #tpu.memory_space<hbm>>
      %dma_start3A_291 = tpu.memref_slice %arg2[%mul3A_2] : memref<16384xi32, #tpu.memory_space<hbm>> -> memref<512xi32, #tpu.memory_space<hbm>>
      tpu.enqueue_dma source(%dma_start3A_291 : memref<512xi32, #tpu.memory_space<hbm>>) target(%arg15 : memref<512xi32, #tpu.memory_space<vmem>>) target_semaphore(%run_scoped3A_289 : memref<!tpu.dma_semaphore, #tpu.memory_space<semaphore_mem>>)
      %dma_wait3A_292 = tpu.memref_slice %arg2[%mul3A_2] : memref<16384xi32, #tpu.memory_space<hbm>> -> memref<512xi32, #tpu.memory_space<hbm>>
      %dma_wait3A_293 = tpu.memref_slice %arg2[%mul3A_2] : memref<16384xi32, #tpu.memory_space<hbm>> -> memref<512xi32, #tpu.memory_space<hbm>>
      tpu.wait_dma2 semaphore(%run_scoped3A_289 : memref<!tpu.dma_semaphore, #tpu.memory_space<semaphore_mem>>) src(%dma_wait3A_293 : memref<512xi32, #tpu.memory_space<hbm>>) dst(%arg15 : memref<512xi32, #tpu.memory_space<vmem>>)
      tpu.yield
    }) : () -> ()
    "tpu.region"() ({
      %run_scoped3A_289 = tpu.sem_alloc : memref<!tpu.dma_semaphore, #tpu.memory_space<semaphore_mem>>
      %dma_start3A_290 = tpu.memref_slice %arg3[%mul3A_2] : memref<16384xi32, #tpu.memory_space<hbm>> -> memref<512xi32, #tpu.memory_space<hbm>>
      %dma_start3A_291 = tpu.memref_slice %arg3[%mul3A_2] : memref<16384xi32, #tpu.memory_space<hbm>> -> memref<512xi32, #tpu.memory_space<hbm>>
      tpu.enqueue_dma source(%dma_start3A_291 : memref<512xi32, #tpu.memory_space<hbm>>) target(%arg16 : memref<512xi32, #tpu.memory_space<vmem>>) target_semaphore(%run_scoped3A_289 : memref<!tpu.dma_semaphore, #tpu.memory_space<semaphore_mem>>)
      %dma_wait3A_292 = tpu.memref_slice %arg3[%mul3A_2] : memref<16384xi32, #tpu.memory_space<hbm>> -> memref<512xi32, #tpu.memory_space<hbm>>
      %dma_wait3A_293 = tpu.memref_slice %arg3[%mul3A_2] : memref<16384xi32, #tpu.memory_space<hbm>> -> memref<512xi32, #tpu.memory_space<hbm>>
      tpu.wait_dma2 semaphore(%run_scoped3A_289 : memref<!tpu.dma_semaphore, #tpu.memory_space<semaphore_mem>>) src(%dma_wait3A_293 : memref<512xi32, #tpu.memory_space<hbm>>) dst(%arg16 : memref<512xi32, #tpu.memory_space<vmem>>)
      tpu.yield
    }) : () -> ()
    %dma_start3A = arith.constant 0 : i32
    %dma_start3A_26 = arith.constant 0 : i32
    %dma_start3A_27 = tpu.memref_slice %arg19[%dma_start3A_26] : memref<512xf32, #tpu.memory_space<vmem>> -> memref<128xf32, #tpu.memory_space<vmem>>
    %dma_start3A_28 = arith.constant 0 : i32
    %dma_start3A_29 = tpu.memref_slice %arg11[%dma_start3A, %dma_start3A_28] : memref<4x128xi32, #tpu.memory_space<vmem>> -> memref<1x128xi32, #tpu.memory_space<vmem>>
    %dma_start3A_30 = tpu.memref_squeeze %dma_start3A_29 : memref<1x128xi32, #tpu.memory_space<vmem>> -> memref<128xi32, #tpu.memory_space<vmem>>
    %dma_start3A_31 = arith.constant 0 : i32
    %dma_start3A_32 = tpu.memref_slice %arg8[%dma_start3A_31] : memref<1000000xf32, #tpu.memory_space<hbm>> -> memref<1000000xf32, #tpu.memory_space<hbm>>
    tpu.enqueue_indirect_dma source(%dma_start3A_32 : memref<1000000xf32, #tpu.memory_space<hbm>>) target(%dma_start3A_27 : memref<128xf32, #tpu.memory_space<vmem>>) offsets(%dma_start3A_30 : memref<128xi32, #tpu.memory_space<vmem>>) semaphore(%arg24 : memref<!tpu.dma_semaphore, #tpu.memory_space<semaphore_mem>>)
    %dma_start3A_33 = arith.constant 0 : i32
    %dma_start3A_34 = arith.constant 0 : i32
    %dma_start3A_35 = tpu.memref_slice %arg20[%dma_start3A_34] : memref<512xf32, #tpu.memory_space<vmem>> -> memref<128xf32, #tpu.memory_space<vmem>>
    %dma_start3A_36 = arith.constant 0 : i32
    %dma_start3A_37 = tpu.memref_slice %arg12[%dma_start3A_33, %dma_start3A_36] : memref<4x128xi32, #tpu.memory_space<vmem>> -> memref<1x128xi32, #tpu.memory_space<vmem>>
    %dma_start3A_38 = tpu.memref_squeeze %dma_start3A_37 : memref<1x128xi32, #tpu.memory_space<vmem>> -> memref<128xi32, #tpu.memory_space<vmem>>
    %dma_start3A_39 = arith.constant 0 : i32
    %dma_start3A_40 = tpu.memref_slice %arg9[%dma_start3A_39] : memref<100000xf32, #tpu.memory_space<hbm>> -> memref<100000xf32, #tpu.memory_space<hbm>>
    tpu.enqueue_indirect_dma source(%dma_start3A_40 : memref<100000xf32, #tpu.memory_space<hbm>>) target(%dma_start3A_35 : memref<128xf32, #tpu.memory_space<vmem>>) offsets(%dma_start3A_38 : memref<128xi32, #tpu.memory_space<vmem>>) semaphore(%arg24 : memref<!tpu.dma_semaphore, #tpu.memory_space<semaphore_mem>>)
    %dma_start3A_41 = arith.constant 1 : i32
    %dma_start3A_42 = arith.constant 128 : i32
    %dma_start3A_43 = tpu.memref_slice %arg19[%dma_start3A_42] : memref<512xf32, #tpu.memory_space<vmem>> -> memref<128xf32, #tpu.memory_space<vmem>>
    %dma_start3A_44 = arith.constant 0 : i32
    %dma_start3A_45 = tpu.memref_slice %arg11[%dma_start3A_41, %dma_start3A_44] : memref<4x128xi32, #tpu.memory_space<vmem>> -> memref<1x128xi32, #tpu.memory_space<vmem>>
    %dma_start3A_46 = tpu.memref_squeeze %dma_start3A_45 : memref<1x128xi32, #tpu.memory_space<vmem>> -> memref<128xi32, #tpu.memory_space<vmem>>
    %dma_start3A_47 = arith.constant 0 : i32
    %dma_start3A_48 = tpu.memref_slice %arg8[%dma_start3A_47] : memref<1000000xf32, #tpu.memory_space<hbm>> -> memref<1000000xf32, #tpu.memory_space<hbm>>
    tpu.enqueue_indirect_dma source(%dma_start3A_48 : memref<1000000xf32, #tpu.memory_space<hbm>>) target(%dma_start3A_43 : memref<128xf32, #tpu.memory_space<vmem>>) offsets(%dma_start3A_46 : memref<128xi32, #tpu.memory_space<vmem>>) semaphore(%arg24 : memref<!tpu.dma_semaphore, #tpu.memory_space<semaphore_mem>>)
    %dma_start3A_49 = arith.constant 1 : i32
    %dma_start3A_50 = arith.constant 128 : i32
    %dma_start3A_51 = tpu.memref_slice %arg20[%dma_start3A_50] : memref<512xf32, #tpu.memory_space<vmem>> -> memref<128xf32, #tpu.memory_space<vmem>>
    %dma_start3A_52 = arith.constant 0 : i32
    %dma_start3A_53 = tpu.memref_slice %arg12[%dma_start3A_49, %dma_start3A_52] : memref<4x128xi32, #tpu.memory_space<vmem>> -> memref<1x128xi32, #tpu.memory_space<vmem>>
    %dma_start3A_54 = tpu.memref_squeeze %dma_start3A_53 : memref<1x128xi32, #tpu.memory_space<vmem>> -> memref<128xi32, #tpu.memory_space<vmem>>
    %dma_start3A_55 = arith.constant 0 : i32
    %dma_start3A_56 = tpu.memref_slice %arg9[%dma_start3A_55] : memref<100000xf32, #tpu.memory_space<hbm>> -> memref<100000xf32, #tpu.memory_space<hbm>>
    tpu.enqueue_indirect_dma source(%dma_start3A_56 : memref<100000xf32, #tpu.memory_space<hbm>>) target(%dma_start3A_51 : memref<128xf32, #tpu.memory_space<vmem>>) offsets(%dma_start3A_54 : memref<128xi32, #tpu.memory_space<vmem>>) semaphore(%arg24 : memref<!tpu.dma_semaphore, #tpu.memory_space<semaphore_mem>>)
    %dma_start3A_57 = arith.constant 2 : i32
    %dma_start3A_58 = arith.constant 256 : i32
    %dma_start3A_59 = tpu.memref_slice %arg19[%dma_start3A_58] : memref<512xf32, #tpu.memory_space<vmem>> -> memref<128xf32, #tpu.memory_space<vmem>>
    %dma_start3A_60 = arith.constant 0 : i32
    %dma_start3A_61 = tpu.memref_slice %arg11[%dma_start3A_57, %dma_start3A_60] : memref<4x128xi32, #tpu.memory_space<vmem>> -> memref<1x128xi32, #tpu.memory_space<vmem>>
    %dma_start3A_62 = tpu.memref_squeeze %dma_start3A_61 : memref<1x128xi32, #tpu.memory_space<vmem>> -> memref<128xi32, #tpu.memory_space<vmem>>
    %dma_start3A_63 = arith.constant 0 : i32
    %dma_start3A_64 = tpu.memref_slice %arg8[%dma_start3A_63] : memref<1000000xf32, #tpu.memory_space<hbm>> -> memref<1000000xf32, #tpu.memory_space<hbm>>
    tpu.enqueue_indirect_dma source(%dma_start3A_64 : memref<1000000xf32, #tpu.memory_space<hbm>>) target(%dma_start3A_59 : memref<128xf32, #tpu.memory_space<vmem>>) offsets(%dma_start3A_62 : memref<128xi32, #tpu.memory_space<vmem>>) semaphore(%arg24 : memref<!tpu.dma_semaphore, #tpu.memory_space<semaphore_mem>>)
    %dma_start3A_65 = arith.constant 2 : i32
    %dma_start3A_66 = arith.constant 256 : i32
    %dma_start3A_67 = tpu.memref_slice %arg20[%dma_start3A_66] : memref<512xf32, #tpu.memory_space<vmem>> -> memref<128xf32, #tpu.memory_space<vmem>>
    %dma_start3A_68 = arith.constant 0 : i32
    %dma_start3A_69 = tpu.memref_slice %arg12[%dma_start3A_65, %dma_start3A_68] : memref<4x128xi32, #tpu.memory_space<vmem>> -> memref<1x128xi32, #tpu.memory_space<vmem>>
    %dma_start3A_70 = tpu.memref_squeeze %dma_start3A_69 : memref<1x128xi32, #tpu.memory_space<vmem>> -> memref<128xi32, #tpu.memory_space<vmem>>
    %dma_start3A_71 = arith.constant 0 : i32
    %dma_start3A_72 = tpu.memref_slice %arg9[%dma_start3A_71] : memref<100000xf32, #tpu.memory_space<hbm>> -> memref<100000xf32, #tpu.memory_space<hbm>>
    tpu.enqueue_indirect_dma source(%dma_start3A_72 : memref<100000xf32, #tpu.memory_space<hbm>>) target(%dma_start3A_67 : memref<128xf32, #tpu.memory_space<vmem>>) offsets(%dma_start3A_70 : memref<128xi32, #tpu.memory_space<vmem>>) semaphore(%arg24 : memref<!tpu.dma_semaphore, #tpu.memory_space<semaphore_mem>>)
    %dma_start3A_73 = arith.constant 3 : i32
    %dma_start3A_74 = arith.constant 384 : i32
    %dma_start3A_75 = tpu.memref_slice %arg19[%dma_start3A_74] : memref<512xf32, #tpu.memory_space<vmem>> -> memref<128xf32, #tpu.memory_space<vmem>>
    %dma_start3A_76 = arith.constant 0 : i32
    %dma_start3A_77 = tpu.memref_slice %arg11[%dma_start3A_73, %dma_start3A_76] : memref<4x128xi32, #tpu.memory_space<vmem>> -> memref<1x128xi32, #tpu.memory_space<vmem>>
    %dma_start3A_78 = tpu.memref_squeeze %dma_start3A_77 : memref<1x128xi32, #tpu.memory_space<vmem>> -> memref<128xi32, #tpu.memory_space<vmem>>
    %dma_start3A_79 = arith.constant 0 : i32
    %dma_start3A_80 = tpu.memref_slice %arg8[%dma_start3A_79] : memref<1000000xf32, #tpu.memory_space<hbm>> -> memref<1000000xf32, #tpu.memory_space<hbm>>
    tpu.enqueue_indirect_dma source(%dma_start3A_80 : memref<1000000xf32, #tpu.memory_space<hbm>>) target(%dma_start3A_75 : memref<128xf32, #tpu.memory_space<vmem>>) offsets(%dma_start3A_78 : memref<128xi32, #tpu.memory_space<vmem>>) semaphore(%arg24 : memref<!tpu.dma_semaphore, #tpu.memory_space<semaphore_mem>>)
    %dma_start3A_81 = arith.constant 3 : i32
    %dma_start3A_82 = arith.constant 384 : i32
    %dma_start3A_83 = tpu.memref_slice %arg20[%dma_start3A_82] : memref<512xf32, #tpu.memory_space<vmem>> -> memref<128xf32, #tpu.memory_space<vmem>>
    %dma_start3A_84 = arith.constant 0 : i32
    %dma_start3A_85 = tpu.memref_slice %arg12[%dma_start3A_81, %dma_start3A_84] : memref<4x128xi32, #tpu.memory_space<vmem>> -> memref<1x128xi32, #tpu.memory_space<vmem>>
    %dma_start3A_86 = tpu.memref_squeeze %dma_start3A_85 : memref<1x128xi32, #tpu.memory_space<vmem>> -> memref<128xi32, #tpu.memory_space<vmem>>
    %dma_start3A_87 = arith.constant 0 : i32
    %dma_start3A_88 = tpu.memref_slice %arg9[%dma_start3A_87] : memref<100000xf32, #tpu.memory_space<hbm>> -> memref<100000xf32, #tpu.memory_space<hbm>>
    tpu.enqueue_indirect_dma source(%dma_start3A_88 : memref<100000xf32, #tpu.memory_space<hbm>>) target(%dma_start3A_83 : memref<128xf32, #tpu.memory_space<vmem>>) offsets(%dma_start3A_86 : memref<128xi32, #tpu.memory_space<vmem>>) semaphore(%arg24 : memref<!tpu.dma_semaphore, #tpu.memory_space<semaphore_mem>>)
    %get3A = arith.constant 0 : index
    %get3A_89 = tpu.vector_load %arg15[%get3A] {strides = array<i32>} : memref<512xi32, #tpu.memory_space<vmem>>, vector<16xi32>,
    %slice3A = vector.extract_strided_slice %get3A_89 {offsets = [0], sizes = [1], strides = [1]} : vector<16xi32> to vector<1xi32>
    %squeeze3A = vector.extract %slice3A[0] : i32 from vector<1xi32>
    %shift_right_logical3A = arith.constant 7 : i32
    %shift_right_logical3A_90 = arith.shrui %squeeze3A, %shift_right_logical3A : i32
    %get3A_91 = arith.constant 496 : index
    %get3A_92 = tpu.vector_load %arg15[%get3A_91] {strides = array<i32>} : memref<512xi32, #tpu.memory_space<vmem>>, vector<16xi32>,
    %slice3A_93 = vector.extract_strided_slice %get3A_92 {offsets = [15], sizes = [1], strides = [1]} : vector<16xi32> to vector<1xi32>
    %squeeze3A_94 = vector.extract %slice3A_93[0] : i32 from vector<1xi32>
    %shift_right_logical3A_95 = arith.constant 7 : i32
    %shift_right_logical3A_96 = arith.shrui %squeeze3A_94, %shift_right_logical3A_95 : i32
    %add3A_97 = arith.constant 0 : i32
    %add3A_98 = arith.addi %shift_right_logical3A_90, %add3A_97 : i32
    %le3A = arith.cmpi sle, %add3A_98, %shift_right_logical3A_96 : i32
    %convert_element_type3A = arith.extui %le3A : i1 to i32
    %cond3A = arith.constant 0 : i32
    %cond3A_99 = arith.cmpi ne, %convert_element_type3A, %cond3A : i32
    scf.if %cond3A_99 {
      %mul3A_289 = arith.constant 128 : i32
      %mul3A_290 = arith.muli %add3A_98, %mul3A_289 : i32
      %multiple_of3A = tpu.assume_multiple %mul3A_290, 128 : i32
      %rem3A_291 = arith.constant 8 : i32
      %rem3A_292 = arith.remsi %add3A_98, %rem3A_291 : i32
      %dma_start3A_293 = arith.constant 0 : i32
      %dma_start3A_294 = arith.constant 0 : i32
      %dma_start3A_295 = tpu.memref_slice %arg17[%rem3A_292, %dma_start3A_293, %dma_start3A_294] : memref<8x64x128xf32, #tpu.memory_space<vmem>> -> memref<1x64x128xf32, #tpu.memory_space<vmem>>
      %dma_start3A_296 = tpu.memref_squeeze %dma_start3A_295 : memref<1x64x128xf32, #tpu.memory_space<vmem>> -> memref<64x128xf32, #tpu.memory_space<vmem>>
      %dma_start3A_297 = arith.constant 0 : i32
      %dma_start3A_298 = tpu.memref_slice %arg6[%dma_start3A_297, %multiple_of3A] : memref<64x1000000xf32, #tpu.memory_space<hbm>> -> memref<64x128xf32, #tpu.memory_space<hbm>>
      %dma_start3A_299 = arith.constant 0 : i32
      %dma_start3A_300 = arith.constant 0 : i32
      %dma_start3A_301 = tpu.memref_slice %arg17[%rem3A_292, %dma_start3A_299, %dma_start3A_300] : memref<8x64x128xf32, #tpu.memory_space<vmem>> -> memref<1x64x128xf32, #tpu.memory_space<vmem>>
      %dma_start3A_302 = tpu.memref_squeeze %dma_start3A_301 : memref<1x64x128xf32, #tpu.memory_space<vmem>> -> memref<64x128xf32, #tpu.memory_space<vmem>>
      %dma_start3A_303 = arith.constant 0 : i32
      %dma_start3A_304 = tpu.memref_slice %arg6[%dma_start3A_303, %multiple_of3A] : memref<64x1000000xf32, #tpu.memory_space<hbm>> -> memref<64x128xf32, #tpu.memory_space<hbm>>
      tpu.enqueue_dma source(%dma_start3A_304 : memref<64x128xf32, #tpu.memory_space<hbm>>) target(%dma_start3A_302 : memref<64x128xf32, #tpu.memory_space<vmem>>) target_semaphore(%arg22 : memref<!tpu.dma_semaphore, #tpu.memory_space<semaphore_mem>>)
    } else {
    }
    %add3A_100 = arith.constant 1 : i32
    %add3A_101 = arith.addi %shift_right_logical3A_90, %add3A_100 : i32
    %le3A_102 = arith.cmpi sle, %add3A_101, %shift_right_logical3A_96 : i32
    %convert_element_type3A_103 = arith.extui %le3A_102 : i1 to i32
    %cond3A_104 = arith.constant 0 : i32
    %cond3A_105 = arith.cmpi ne, %convert_element_type3A_103, %cond3A_104 : i32
    scf.if %cond3A_105 {
      %mul3A_289 = arith.constant 128 : i32
      %mul3A_290 = arith.muli %add3A_101, %mul3A_289 : i32
      %multiple_of3A = tpu.assume_multiple %mul3A_290, 128 : i32
      %rem3A_291 = arith.constant 8 : i32
      %rem3A_292 = arith.remsi %add3A_101, %rem3A_291 : i32
      %dma_start3A_293 = arith.constant 0 : i32
      %dma_start3A_294 = arith.constant 0 : i32
      %dma_start3A_295 = tpu.memref_slice %arg17[%rem3A_292, %dma_start3A_293, %dma_start3A_294] : memref<8x64x128xf32, #tpu.memory_space<vmem>> -> memref<1x64x128xf32, #tpu.memory_space<vmem>>
      %dma_start3A_296 = tpu.memref_squeeze %dma_start3A_295 : memref<1x64x128xf32, #tpu.memory_space<vmem>> -> memref<64x128xf32, #tpu.memory_space<vmem>>
      %dma_start3A_297 = arith.constant 0 : i32
      %dma_start3A_298 = tpu.memref_slice %arg6[%dma_start3A_297, %multiple_of3A] : memref<64x1000000xf32, #tpu.memory_space<hbm>> -> memref<64x128xf32, #tpu.memory_space<hbm>>
      %dma_start3A_299 = arith.constant 0 : i32
      %dma_start3A_300 = arith.constant 0 : i32
      %dma_start3A_301 = tpu.memref_slice %arg17[%rem3A_292, %dma_start3A_299, %dma_start3A_300] : memref<8x64x128xf32, #tpu.memory_space<vmem>> -> memref<1x64x128xf32, #tpu.memory_space<vmem>>
      %dma_start3A_302 = tpu.memref_squeeze %dma_start3A_301 : memref<1x64x128xf32, #tpu.memory_space<vmem>> -> memref<64x128xf32, #tpu.memory_space<vmem>>
      %dma_start3A_303 = arith.constant 0 : i32
      %dma_start3A_304 = tpu.memref_slice %arg6[%dma_start3A_303, %multiple_of3A] : memref<64x1000000xf32, #tpu.memory_space<hbm>> -> memref<64x128xf32, #tpu.memory_space<hbm>>
      tpu.enqueue_dma source(%dma_start3A_304 : memref<64x128xf32, #tpu.memory_space<hbm>>) target(%dma_start3A_302 : memref<64x128xf32, #tpu.memory_space<vmem>>) target_semaphore(%arg22 : memref<!tpu.dma_semaphore, #tpu.memory_space<semaphore_mem>>)
    } else {
    }
    %add3A_106 = arith.constant 2 : i32
    %add3A_107 = arith.addi %shift_right_logical3A_90, %add3A_106 : i32
    %le3A_108 = arith.cmpi sle, %add3A_107, %shift_right_logical3A_96 : i32
    %convert_element_type3A_109 = arith.extui %le3A_108 : i1 to i32
    %cond3A_110 = arith.constant 0 : i32
    %cond3A_111 = arith.cmpi ne, %convert_element_type3A_109, %cond3A_110 : i32
    scf.if %cond3A_111 {
      %mul3A_289 = arith.constant 128 : i32
      %mul3A_290 = arith.muli %add3A_107, %mul3A_289 : i32
      %multiple_of3A = tpu.assume_multiple %mul3A_290, 128 : i32
      %rem3A_291 = arith.constant 8 : i32
      %rem3A_292 = arith.remsi %add3A_107, %rem3A_291 : i32
      %dma_start3A_293 = arith.constant 0 : i32
      %dma_start3A_294 = arith.constant 0 : i32
      %dma_start3A_295 = tpu.memref_slice %arg17[%rem3A_292, %dma_start3A_293, %dma_start3A_294] : memref<8x64x128xf32, #tpu.memory_space<vmem>> -> memref<1x64x128xf32, #tpu.memory_space<vmem>>
      %dma_start3A_296 = tpu.memref_squeeze %dma_start3A_295 : memref<1x64x128xf32, #tpu.memory_space<vmem>> -> memref<64x128xf32, #tpu.memory_space<vmem>>
      %dma_start3A_297 = arith.constant 0 : i32
      %dma_start3A_298 = tpu.memref_slice %arg6[%dma_start3A_297, %multiple_of3A] : memref<64x1000000xf32, #tpu.memory_space<hbm>> -> memref<64x128xf32, #tpu.memory_space<hbm>>
      %dma_start3A_299 = arith.constant 0 : i32
      %dma_start3A_300 = arith.constant 0 : i32
      %dma_start3A_301 = tpu.memref_slice %arg17[%rem3A_292, %dma_start3A_299, %dma_start3A_300] : memref<8x64x128xf32, #tpu.memory_space<vmem>> -> memref<1x64x128xf32, #tpu.memory_space<vmem>>
      %dma_start3A_302 = tpu.memref_squeeze %dma_start3A_301 : memref<1x64x128xf32, #tpu.memory_space<vmem>> -> memref<64x128xf32, #tpu.memory_space<vmem>>
      %dma_start3A_303 = arith.constant 0 : i32
      %dma_start3A_304 = tpu.memref_slice %arg6[%dma_start3A_303, %multiple_of3A] : memref<64x1000000xf32, #tpu.memory_space<hbm>> -> memref<64x128xf32, #tpu.memory_space<hbm>>
      tpu.enqueue_dma source(%dma_start3A_304 : memref<64x128xf32, #tpu.memory_space<hbm>>) target(%dma_start3A_302 : memref<64x128xf32, #tpu.memory_space<vmem>>) target_semaphore(%arg22 : memref<!tpu.dma_semaphore, #tpu.memory_space<semaphore_mem>>)
    } else {
    }
    %add3A_112 = arith.constant 3 : i32
    %add3A_113 = arith.addi %shift_right_logical3A_90, %add3A_112 : i32
    %le3A_114 = arith.cmpi sle, %add3A_113, %shift_right_logical3A_96 : i32
    %convert_element_type3A_115 = arith.extui %le3A_114 : i1 to i32
    %cond3A_116 = arith.constant 0 : i32
    %cond3A_117 = arith.cmpi ne, %convert_element_type3A_115, %cond3A_116 : i32
    scf.if %cond3A_117 {
      %mul3A_289 = arith.constant 128 : i32
      %mul3A_290 = arith.muli %add3A_113, %mul3A_289 : i32
      %multiple_of3A = tpu.assume_multiple %mul3A_290, 128 : i32
      %rem3A_291 = arith.constant 8 : i32
      %rem3A_292 = arith.remsi %add3A_113, %rem3A_291 : i32
      %dma_start3A_293 = arith.constant 0 : i32
      %dma_start3A_294 = arith.constant 0 : i32
      %dma_start3A_295 = tpu.memref_slice %arg17[%rem3A_292, %dma_start3A_293, %dma_start3A_294] : memref<8x64x128xf32, #tpu.memory_space<vmem>> -> memref<1x64x128xf32, #tpu.memory_space<vmem>>
      %dma_start3A_296 = tpu.memref_squeeze %dma_start3A_295 : memref<1x64x128xf32, #tpu.memory_space<vmem>> -> memref<64x128xf32, #tpu.memory_space<vmem>>
      %dma_start3A_297 = arith.constant 0 : i32
      %dma_start3A_298 = tpu.memref_slice %arg6[%dma_start3A_297, %multiple_of3A] : memref<64x1000000xf32, #tpu.memory_space<hbm>> -> memref<64x128xf32, #tpu.memory_space<hbm>>
      %dma_start3A_299 = arith.constant 0 : i32
      %dma_start3A_300 = arith.constant 0 : i32
      %dma_start3A_301 = tpu.memref_slice %arg17[%rem3A_292, %dma_start3A_299, %dma_start3A_300] : memref<8x64x128xf32, #tpu.memory_space<vmem>> -> memref<1x64x128xf32, #tpu.memory_space<vmem>>
      %dma_start3A_302 = tpu.memref_squeeze %dma_start3A_301 : memref<1x64x128xf32, #tpu.memory_space<vmem>> -> memref<64x128xf32, #tpu.memory_space<vmem>>
      %dma_start3A_303 = arith.constant 0 : i32
      %dma_start3A_304 = tpu.memref_slice %arg6[%dma_start3A_303, %multiple_of3A] : memref<64x1000000xf32, #tpu.memory_space<hbm>> -> memref<64x128xf32, #tpu.memory_space<hbm>>
      tpu.enqueue_dma source(%dma_start3A_304 : memref<64x128xf32, #tpu.memory_space<hbm>>) target(%dma_start3A_302 : memref<64x128xf32, #tpu.memory_space<vmem>>) target_semaphore(%arg22 : memref<!tpu.dma_semaphore, #tpu.memory_space<semaphore_mem>>)
    } else {
    }
    %add3A_118 = arith.constant 4 : i32
    %add3A_119 = arith.addi %shift_right_logical3A_90, %add3A_118 : i32
    %le3A_120 = arith.cmpi sle, %add3A_119, %shift_right_logical3A_96 : i32
    %convert_element_type3A_121 = arith.extui %le3A_120 : i1 to i32
    %cond3A_122 = arith.constant 0 : i32
    %cond3A_123 = arith.cmpi ne, %convert_element_type3A_121, %cond3A_122 : i32
    scf.if %cond3A_123 {
      %mul3A_289 = arith.constant 128 : i32
      %mul3A_290 = arith.muli %add3A_119, %mul3A_289 : i32
      %multiple_of3A = tpu.assume_multiple %mul3A_290, 128 : i32
      %rem3A_291 = arith.constant 8 : i32
      %rem3A_292 = arith.remsi %add3A_119, %rem3A_291 : i32
      %dma_start3A_293 = arith.constant 0 : i32
      %dma_start3A_294 = arith.constant 0 : i32
      %dma_start3A_295 = tpu.memref_slice %arg17[%rem3A_292, %dma_start3A_293, %dma_start3A_294] : memref<8x64x128xf32, #tpu.memory_space<vmem>> -> memref<1x64x128xf32, #tpu.memory_space<vmem>>
      %dma_start3A_296 = tpu.memref_squeeze %dma_start3A_295 : memref<1x64x128xf32, #tpu.memory_space<vmem>> -> memref<64x128xf32, #tpu.memory_space<vmem>>
      %dma_start3A_297 = arith.constant 0 : i32
      %dma_start3A_298 = tpu.memref_slice %arg6[%dma_start3A_297, %multiple_of3A] : memref<64x1000000xf32, #tpu.memory_space<hbm>> -> memref<64x128xf32, #tpu.memory_space<hbm>>
      %dma_start3A_299 = arith.constant 0 : i32
      %dma_start3A_300 = arith.constant 0 : i32
      %dma_start3A_301 = tpu.memref_slice %arg17[%rem3A_292, %dma_start3A_299, %dma_start3A_300] : memref<8x64x128xf32, #tpu.memory_space<vmem>> -> memref<1x64x128xf32, #tpu.memory_space<vmem>>
      %dma_start3A_302 = tpu.memref_squeeze %dma_start3A_301 : memref<1x64x128xf32, #tpu.memory_space<vmem>> -> memref<64x128xf32, #tpu.memory_space<vmem>>
      %dma_start3A_303 = arith.constant 0 : i32
      %dma_start3A_304 = tpu.memref_slice %arg6[%dma_start3A_303, %multiple_of3A] : memref<64x1000000xf32, #tpu.memory_space<hbm>> -> memref<64x128xf32, #tpu.memory_space<hbm>>
      tpu.enqueue_dma source(%dma_start3A_304 : memref<64x128xf32, #tpu.memory_space<hbm>>) target(%dma_start3A_302 : memref<64x128xf32, #tpu.memory_space<vmem>>) target_semaphore(%arg22 : memref<!tpu.dma_semaphore, #tpu.memory_space<semaphore_mem>>)
    } else {
    }
    %add3A_124 = arith.constant 5 : i32
    %add3A_125 = arith.addi %shift_right_logical3A_90, %add3A_124 : i32
    %le3A_126 = arith.cmpi sle, %add3A_125, %shift_right_logical3A_96 : i32
    %convert_element_type3A_127 = arith.extui %le3A_126 : i1 to i32
    %cond3A_128 = arith.constant 0 : i32
    %cond3A_129 = arith.cmpi ne, %convert_element_type3A_127, %cond3A_128 : i32
    scf.if %cond3A_129 {
      %mul3A_289 = arith.constant 128 : i32
      %mul3A_290 = arith.muli %add3A_125, %mul3A_289 : i32
      %multiple_of3A = tpu.assume_multiple %mul3A_290, 128 : i32
      %rem3A_291 = arith.constant 8 : i32
      %rem3A_292 = arith.remsi %add3A_125, %rem3A_291 : i32
      %dma_start3A_293 = arith.constant 0 : i32
      %dma_start3A_294 = arith.constant 0 : i32
      %dma_start3A_295 = tpu.memref_slice %arg17[%rem3A_292, %dma_start3A_293, %dma_start3A_294] : memref<8x64x128xf32, #tpu.memory_space<vmem>> -> memref<1x64x128xf32, #tpu.memory_space<vmem>>
      %dma_start3A_296 = tpu.memref_squeeze %dma_start3A_295 : memref<1x64x128xf32, #tpu.memory_space<vmem>> -> memref<64x128xf32, #tpu.memory_space<vmem>>
      %dma_start3A_297 = arith.constant 0 : i32
      %dma_start3A_298 = tpu.memref_slice %arg6[%dma_start3A_297, %multiple_of3A] : memref<64x1000000xf32, #tpu.memory_space<hbm>> -> memref<64x128xf32, #tpu.memory_space<hbm>>
      %dma_start3A_299 = arith.constant 0 : i32
      %dma_start3A_300 = arith.constant 0 : i32
      %dma_start3A_301 = tpu.memref_slice %arg17[%rem3A_292, %dma_start3A_299, %dma_start3A_300] : memref<8x64x128xf32, #tpu.memory_space<vmem>> -> memref<1x64x128xf32, #tpu.memory_space<vmem>>
      %dma_start3A_302 = tpu.memref_squeeze %dma_start3A_301 : memref<1x64x128xf32, #tpu.memory_space<vmem>> -> memref<64x128xf32, #tpu.memory_space<vmem>>
      %dma_start3A_303 = arith.constant 0 : i32
      %dma_start3A_304 = tpu.memref_slice %arg6[%dma_start3A_303, %multiple_of3A] : memref<64x1000000xf32, #tpu.memory_space<hbm>> -> memref<64x128xf32, #tpu.memory_space<hbm>>
      tpu.enqueue_dma source(%dma_start3A_304 : memref<64x128xf32, #tpu.memory_space<hbm>>) target(%dma_start3A_302 : memref<64x128xf32, #tpu.memory_space<vmem>>) target_semaphore(%arg22 : memref<!tpu.dma_semaphore, #tpu.memory_space<semaphore_mem>>)
    } else {
    }
    %add3A_130 = arith.constant 6 : i32
    %add3A_131 = arith.addi %shift_right_logical3A_90, %add3A_130 : i32
    %le3A_132 = arith.cmpi sle, %add3A_131, %shift_right_logical3A_96 : i32
    %convert_element_type3A_133 = arith.extui %le3A_132 : i1 to i32
    %cond3A_134 = arith.constant 0 : i32
    %cond3A_135 = arith.cmpi ne, %convert_element_type3A_133, %cond3A_134 : i32
    scf.if %cond3A_135 {
      %mul3A_289 = arith.constant 128 : i32
      %mul3A_290 = arith.muli %add3A_131, %mul3A_289 : i32
      %multiple_of3A = tpu.assume_multiple %mul3A_290, 128 : i32
      %rem3A_291 = arith.constant 8 : i32
      %rem3A_292 = arith.remsi %add3A_131, %rem3A_291 : i32
      %dma_start3A_293 = arith.constant 0 : i32
      %dma_start3A_294 = arith.constant 0 : i32
      %dma_start3A_295 = tpu.memref_slice %arg17[%rem3A_292, %dma_start3A_293, %dma_start3A_294] : memref<8x64x128xf32, #tpu.memory_space<vmem>> -> memref<1x64x128xf32, #tpu.memory_space<vmem>>
      %dma_start3A_296 = tpu.memref_squeeze %dma_start3A_295 : memref<1x64x128xf32, #tpu.memory_space<vmem>> -> memref<64x128xf32, #tpu.memory_space<vmem>>
      %dma_start3A_297 = arith.constant 0 : i32
      %dma_start3A_298 = tpu.memref_slice %arg6[%dma_start3A_297, %multiple_of3A] : memref<64x1000000xf32, #tpu.memory_space<hbm>> -> memref<64x128xf32, #tpu.memory_space<hbm>>
      %dma_start3A_299 = arith.constant 0 : i32
      %dma_start3A_300 = arith.constant 0 : i32
      %dma_start3A_301 = tpu.memref_slice %arg17[%rem3A_292, %dma_start3A_299, %dma_start3A_300] : memref<8x64x128xf32, #tpu.memory_space<vmem>> -> memref<1x64x128xf32, #tpu.memory_space<vmem>>
      %dma_start3A_302 = tpu.memref_squeeze %dma_start3A_301 : memref<1x64x128xf32, #tpu.memory_space<vmem>> -> memref<64x128xf32, #tpu.memory_space<vmem>>
      %dma_start3A_303 = arith.constant 0 : i32
      %dma_start3A_304 = tpu.memref_slice %arg6[%dma_start3A_303, %multiple_of3A] : memref<64x1000000xf32, #tpu.memory_space<hbm>> -> memref<64x128xf32, #tpu.memory_space<hbm>>
      tpu.enqueue_dma source(%dma_start3A_304 : memref<64x128xf32, #tpu.memory_space<hbm>>) target(%dma_start3A_302 : memref<64x128xf32, #tpu.memory_space<vmem>>) target_semaphore(%arg22 : memref<!tpu.dma_semaphore, #tpu.memory_space<semaphore_mem>>)
    } else {
    }
    %rem3A = arith.constant 0 : i32
    %rem3A_136 = arith.constant 2 : i32
    %rem3A_137 = arith.remsi %rem3A, %rem3A_136 : i32
    %dma_start3A_138 = arith.constant 0 : i32
    %dma_start3A_139 = arith.constant 0 : i32
    %dma_start3A_140 = arith.constant 0 : i32
    %dma_start3A_141 = tpu.memref_slice %arg18[%rem3A_137, %dma_start3A_139, %dma_start3A_140] : memref<2x128x128xf32, #tpu.memory_space<vmem>> -> memref<1x128x128xf32, #tpu.memory_space<vmem>>
    %dma_start3A_142 = tpu.memref_squeeze %dma_start3A_141 : memref<1x128x128xf32, #tpu.memory_space<vmem>> -> memref<128x128xf32, #tpu.memory_space<vmem>>
    %dma_start3A_143 = arith.constant 0 : i32
    %dma_start3A_144 = tpu.memref_slice %arg13[%dma_start3A_138, %dma_start3A_143] : memref<4x128xi32, #tpu.memory_space<vmem>> -> memref<1x128xi32, #tpu.memory_space<vmem>>
    %dma_start3A_145 = tpu.memref_squeeze %dma_start3A_144 : memref<1x128xi32, #tpu.memory_space<vmem>> -> memref<128xi32, #tpu.memory_space<vmem>>
    %dma_start3A_146 = arith.constant 0 : i32
    %dma_start3A_147 = arith.constant 0 : i32
    %dma_start3A_148 = tpu.memref_slice %arg7[%dma_start3A_146, %dma_start3A_147] : memref<50000x128xf32, #tpu.memory_space<hbm>> -> memref<50000x128xf32, #tpu.memory_space<hbm>>
    tpu.enqueue_indirect_dma source(%dma_start3A_148 : memref<50000x128xf32, #tpu.memory_space<hbm>>) target(%dma_start3A_142 : memref<128x128xf32, #tpu.memory_space<vmem>>) offsets(%dma_start3A_145 : memref<128xi32, #tpu.memory_space<vmem>>) semaphore(%arg23 : memref<!tpu.dma_semaphore, #tpu.memory_space<semaphore_mem>>)
    %iota3A = tpu.iota {dimensions = array<i32: 0>} : vector<16xi32>
    %scan3A = arith.constant 0 : i32
    %scan3A_149 = arith.constant 0 : i32
    %scan3A_150 = arith.constant 32 : i32
    %scan3A_151 = arith.addi %scan3A_149, %scan3A_150 : i32
    %scan3A_152 = arith.constant 1 : i32
    %scan3A_153:2 = scf.for %scan3A_289 = %scan3A_149 to %scan3A_151 step %scan3A_152 iter_args(%scan3A_290 = %shift_right_logical3A_90, %scan3A_291 = %scan3A) -> (i32, i32)  : i32 {
      %mul3A_292 = arith.constant 16 : i32
      %mul3A_293 = arith.muli %scan3A_289, %mul3A_292 : i32
      %get3A_294 = arith.index_cast %mul3A_293 : i32 to index
      %get3A_295 = tpu.vector_load %arg15[%get3A_294] {strides = array<i32>} : memref<512xi32, #tpu.memory_space<vmem>>, vector<16xi32>,
      %get3A_296 = arith.index_cast %mul3A_293 : i32 to index
      %get3A_297 = tpu.vector_load %arg16[%get3A_296] {strides = array<i32>} : memref<512xi32, #tpu.memory_space<vmem>>, vector<16xi32>,
      %shift_right_logical3A_298 = arith.constant 3 : i32
      %shift_right_logical3A_299 = arith.shrui %scan3A_289, %shift_right_logical3A_298 : i32
      %rem3A_300 = arith.constant 2 : i32
      %rem3A_301 = arith.remsi %shift_right_logical3A_299, %rem3A_300 : i32
      %broadcast_in_dim3A = vector.broadcast %rem3A_301 : i32 to vector<16xi32>
      %while3A = scf.while (%while3A_1419 = %scan3A_291) : (i32) -> i32 {
        %le3A_1420 = arith.cmpi sle, %while3A_1419, %shift_right_logical3A_299 : i32
        scf.condition(%le3A_1420) %while3A_1419 : i32
      } do {
      ^bb0(%while3A_1419: i32):
        %dma_wait3A_1420 = arith.constant 0 : i32
        %dma_wait3A_1421 = arith.constant 0 : i32
        %dma_wait3A_1422 = arith.constant 0 : i32
        %dma_wait3A_1423 = arith.constant 0 : i32
        %dma_wait3A_1424 = tpu.memref_slice %arg18[%dma_wait3A_1421, %dma_wait3A_1422, %dma_wait3A_1423] : memref<2x128x128xf32, #tpu.memory_space<vmem>> -> memref<1x128x128xf32, #tpu.memory_space<vmem>>
        %dma_wait3A_1425 = tpu.memref_squeeze %dma_wait3A_1424 : memref<1x128x128xf32, #tpu.memory_space<vmem>> -> memref<128x128xf32, #tpu.memory_space<vmem>>
        %dma_wait3A_1426 = arith.constant 0 : i32
        %dma_wait3A_1427 = tpu.memref_slice %arg13[%dma_wait3A_1420, %dma_wait3A_1426] : memref<4x128xi32, #tpu.memory_space<vmem>> -> memref<1x128xi32, #tpu.memory_space<vmem>>
        %dma_wait3A_1428 = tpu.memref_squeeze %dma_wait3A_1427 : memref<1x128xi32, #tpu.memory_space<vmem>> -> memref<128xi32, #tpu.memory_space<vmem>>
        %dma_wait3A_1429 = arith.constant 0 : i32
        %dma_wait3A_1430 = arith.constant 0 : i32
        %dma_wait3A_1431 = tpu.memref_slice %arg7[%dma_wait3A_1429, %dma_wait3A_1430] : memref<50000x128xf32, #tpu.memory_space<hbm>> -> memref<50000x128xf32, #tpu.memory_space<hbm>>
        tpu.wait_indirect_dma semaphore(%arg23 : memref<!tpu.dma_semaphore, #tpu.memory_space<semaphore_mem>>) src(%dma_wait3A_1431 : memref<50000x128xf32, #tpu.memory_space<hbm>>) dst(%dma_wait3A_1425 : memref<128x128xf32, #tpu.memory_space<vmem>>)
        %add3A_1432 = arith.constant 2 : i32
        %add3A_1433 = arith.addi %while3A_1419, %add3A_1432 : i32
        %sub3A_1434 = arith.constant 1 : i32
        %sub3A_1435 = arith.subi %add3A_1433, %sub3A_1434 : i32
        %lt3A = arith.constant 4 : i32
        %lt3A_1436 = arith.cmpi slt, %sub3A_1435, %lt3A : i32
        %convert_element_type3A_1437 = arith.extui %lt3A_1436 : i1 to i32
        %cond3A_1438 = arith.constant 0 : i32
        %cond3A_1439 = arith.cmpi ne, %convert_element_type3A_1437, %cond3A_1438 : i32
        scf.if %cond3A_1439 {
          %rem3A_1442 = arith.constant 2 : i32
          %rem3A_1443 = arith.remsi %sub3A_1435, %rem3A_1442 : i32
          %dma_start3A_1444 = arith.constant 0 : i32
          %dma_start3A_1445 = arith.constant 0 : i32
          %dma_start3A_1446 = tpu.memref_slice %arg18[%rem3A_1443, %dma_start3A_1444, %dma_start3A_1445] : memref<2x128x128xf32, #tpu.memory_space<vmem>> -> memref<1x128x128xf32, #tpu.memory_space<vmem>>
          %dma_start3A_1447 = tpu.memref_squeeze %dma_start3A_1446 : memref<1x128x128xf32, #tpu.memory_space<vmem>> -> memref<128x128xf32, #tpu.memory_space<vmem>>
          %dma_start3A_1448 = arith.constant 0 : i32
          %dma_start3A_1449 = tpu.memref_slice %arg13[%sub3A_1435, %dma_start3A_1448] : memref<4x128xi32, #tpu.memory_space<vmem>> -> memref<1x128xi32, #tpu.memory_space<vmem>>
          %dma_start3A_1450 = tpu.memref_squeeze %dma_start3A_1449 : memref<1x128xi32, #tpu.memory_space<vmem>> -> memref<128xi32, #tpu.memory_space<vmem>>
          %dma_start3A_1451 = arith.constant 0 : i32
          %dma_start3A_1452 = arith.constant 0 : i32
          %dma_start3A_1453 = tpu.memref_slice %arg7[%dma_start3A_1451, %dma_start3A_1452] : memref<50000x128xf32, #tpu.memory_space<hbm>> -> memref<50000x128xf32, #tpu.memory_space<hbm>>
          tpu.enqueue_indirect_dma source(%dma_start3A_1453 : memref<50000x128xf32, #tpu.memory_space<hbm>>) target(%dma_start3A_1447 : memref<128x128xf32, #tpu.memory_space<vmem>>) offsets(%dma_start3A_1450 : memref<128xi32, #tpu.memory_space<vmem>>) semaphore(%arg23 : memref<!tpu.dma_semaphore, #tpu.memory_space<semaphore_mem>>)
        } else {
        }
        %add3A_1440 = arith.constant 1 : i32
        %add3A_1441 = arith.addi %while3A_1419, %add3A_1440 : i32
        scf.yield %add3A_1441 : i32
      }
      %broadcast_in_dim3A_302 = arith.constant 0.000000e+00 : f32
      %broadcast_in_dim3A_303 = vector.broadcast %broadcast_in_dim3A_302 : f32 to vector<16xf32>
      %slice3A_304 = vector.extract_strided_slice %get3A_295 {offsets = [0], sizes = [1], strides = [1]} : vector<16xi32> to vector<1xi32>
      %squeeze3A_305 = vector.extract %slice3A_304[0] : i32 from vector<1xi32>
      %shift_right_logical3A_306 = arith.constant 7 : i32
      %shift_right_logical3A_307 = arith.shrui %squeeze3A_305, %shift_right_logical3A_306 : i32
      %while3A_308 = scf.while (%while3A_1419 = %scan3A_290) : (i32) -> i32 {
        %le3A_1420 = arith.cmpi sle, %while3A_1419, %shift_right_logical3A_307 : i32
        scf.condition(%le3A_1420) %while3A_1419 : i32
      } do {
      ^bb0(%while3A_1419: i32):
        %dma_wait3A_1420 = arith.constant 0 : i32
        %dma_wait3A_1421 = arith.constant 0 : i32
        %dma_wait3A_1422 = arith.constant 0 : i32
        %dma_wait3A_1423 = tpu.memref_slice %arg17[%dma_wait3A_1420, %dma_wait3A_1421, %dma_wait3A_1422] : memref<8x64x128xf32, #tpu.memory_space<vmem>> -> memref<1x64x128xf32, #tpu.memory_space<vmem>>
        %dma_wait3A_1424 = tpu.memref_squeeze %dma_wait3A_1423 : memref<1x64x128xf32, #tpu.memory_space<vmem>> -> memref<64x128xf32, #tpu.memory_space<vmem>>
        %dma_wait3A_1425 = arith.constant 0 : i32
        %dma_wait3A_1426 = arith.constant 0 : i32
        %dma_wait3A_1427 = tpu.memref_slice %arg6[%dma_wait3A_1425, %dma_wait3A_1426] : memref<64x1000000xf32, #tpu.memory_space<hbm>> -> memref<64x128xf32, #tpu.memory_space<hbm>>
        %dma_wait3A_1428 = arith.constant 0 : i32
        %dma_wait3A_1429 = arith.constant 0 : i32
        %dma_wait3A_1430 = tpu.memref_slice %arg17[%dma_wait3A_1420, %dma_wait3A_1428, %dma_wait3A_1429] : memref<8x64x128xf32, #tpu.memory_space<vmem>> -> memref<1x64x128xf32, #tpu.memory_space<vmem>>
        %dma_wait3A_1431 = tpu.memref_squeeze %dma_wait3A_1430 : memref<1x64x128xf32, #tpu.memory_space<vmem>> -> memref<64x128xf32, #tpu.memory_space<vmem>>
        %dma_wait3A_1432 = arith.constant 0 : i32
        %dma_wait3A_1433 = arith.constant 0 : i32
        %dma_wait3A_1434 = tpu.memref_slice %arg6[%dma_wait3A_1432, %dma_wait3A_1433] : memref<64x1000000xf32, #tpu.memory_space<hbm>> -> memref<64x128xf32, #tpu.memory_space<hbm>>
        tpu.wait_dma2 semaphore(%arg22 : memref<!tpu.dma_semaphore, #tpu.memory_space<semaphore_mem>>) src(%dma_wait3A_1434 : memref<64x128xf32, #tpu.memory_space<hbm>>) dst(%dma_wait3A_1431 : memref<64x128xf32, #tpu.memory_space<vmem>>)
        %add3A_1435 = arith.constant 8 : i32
        %add3A_1436 = arith.addi %while3A_1419, %add3A_1435 : i32
        %sub3A_1437 = arith.constant 1 : i32
        %sub3A_1438 = arith.subi %add3A_1436, %sub3A_1437 : i32
        %le3A_1439 = arith.cmpi sle, %sub3A_1438, %shift_right_logical3A_96 : i32
        %convert_element_type3A_1440 = arith.extui %le3A_1439 : i1 to i32
        %cond3A_1441 = arith.constant 0 : i32
        %cond3A_1442 = arith.cmpi ne, %convert_element_type3A_1440, %cond3A_1441 : i32
        scf.if %cond3A_1442 {
          %mul3A_1445 = arith.constant 128 : i32
          %mul3A_1446 = arith.muli %sub3A_1438, %mul3A_1445 : i32
          %multiple_of3A = tpu.assume_multiple %mul3A_1446, 128 : i32
          %rem3A_1447 = arith.constant 8 : i32
          %rem3A_1448 = arith.remsi %sub3A_1438, %rem3A_1447 : i32
          %dma_start3A_1449 = arith.constant 0 : i32
          %dma_start3A_1450 = arith.constant 0 : i32
          %dma_start3A_1451 = tpu.memref_slice %arg17[%rem3A_1448, %dma_start3A_1449, %dma_start3A_1450] : memref<8x64x128xf32, #tpu.memory_space<vmem>> -> memref<1x64x128xf32, #tpu.memory_space<vmem>>
          %dma_start3A_1452 = tpu.memref_squeeze %dma_start3A_1451 : memref<1x64x128xf32, #tpu.memory_space<vmem>> -> memref<64x128xf32, #tpu.memory_space<vmem>>
          %dma_start3A_1453 = arith.constant 0 : i32
          %dma_start3A_1454 = tpu.memref_slice %arg6[%dma_start3A_1453, %multiple_of3A] : memref<64x1000000xf32, #tpu.memory_space<hbm>> -> memref<64x128xf32, #tpu.memory_space<hbm>>
          %dma_start3A_1455 = arith.constant 0 : i32
          %dma_start3A_1456 = arith.constant 0 : i32
          %dma_start3A_1457 = tpu.memref_slice %arg17[%rem3A_1448, %dma_start3A_1455, %dma_start3A_1456] : memref<8x64x128xf32, #tpu.memory_space<vmem>> -> memref<1x64x128xf32, #tpu.memory_space<vmem>>
          %dma_start3A_1458 = tpu.memref_squeeze %dma_start3A_1457 : memref<1x64x128xf32, #tpu.memory_space<vmem>> -> memref<64x128xf32, #tpu.memory_space<vmem>>
          %dma_start3A_1459 = arith.constant 0 : i32
          %dma_start3A_1460 = tpu.memref_slice %arg6[%dma_start3A_1459, %multiple_of3A] : memref<64x1000000xf32, #tpu.memory_space<hbm>> -> memref<64x128xf32, #tpu.memory_space<hbm>>
          tpu.enqueue_dma source(%dma_start3A_1460 : memref<64x128xf32, #tpu.memory_space<hbm>>) target(%dma_start3A_1458 : memref<64x128xf32, #tpu.memory_space<vmem>>) target_semaphore(%arg22 : memref<!tpu.dma_semaphore, #tpu.memory_space<semaphore_mem>>)
        } else {
        }
        %add3A_1443 = arith.constant 1 : i32
        %add3A_1444 = arith.addi %while3A_1419, %add3A_1443 : i32
        scf.yield %add3A_1444 : i32
      }
      %rem3A_309 = arith.constant 8 : i32
      %rem3A_310 = arith.remsi %shift_right_logical3A_307, %rem3A_309 : i32
      %broadcast_in_dim3A_311 = vector.broadcast %rem3A_310 : i32 to vector<16xi32>
      %add3A_312 = arith.constant 0 : i32
      %add3A_313 = arith.addi %mul3A_293, %add3A_312 : i32
      %mul3A_314 = arith.constant 128 : i32
      %mul3A_315 = arith.muli %shift_right_logical3A_299, %mul3A_314 : i32
      %sub3A = arith.subi %add3A_313, %mul3A_315 : i32
      %broadcast_in_dim3A_316 = vector.broadcast %sub3A : i32 to vector<16xi32>
      %and3A = arith.constant 127 : i32
      %and3A_317 = arith.andi %squeeze3A_305, %and3A : i32
      %broadcast_in_dim3A_318 = vector.broadcast %and3A_317 : i32 to vector<16xi32>
      %slice3A_319 = vector.extract_strided_slice %get3A_297 {offsets = [0], sizes = [1], strides = [1]} : vector<16xi32> to vector<1xi32>
      %squeeze3A_320 = vector.extract %slice3A_319[0] : i32 from vector<1xi32>
      %and3A_321 = arith.constant 1 : i32
      %and3A_322 = arith.andi %squeeze3A_320, %and3A_321 : i32
      %mul3A_323 = arith.constant 64 : i32
      %mul3A_324 = arith.muli %and3A_322, %mul3A_323 : i32
      %broadcast_in_dim3A_325 = arith.constant 0.000000e+00 : f32
      %broadcast_in_dim3A_326 = vector.broadcast %broadcast_in_dim3A_325 : f32 to vector<16xf32>
      %add3A_327 = arith.constant 0 : i32
      %add3A_328 = vector.broadcast %add3A_327 : i32 to vector<16xi32>
      %add3A_329 = arith.addi %iota3A, %add3A_328 : vector<16xi32>
      %gather3A = tpu.vector_load_idx %arg17[%broadcast_in_dim3A_311, %add3A_329, %broadcast_in_dim3A_318] : memref<8x64x128xf32, #tpu.memory_space<vmem>>[vector<16xi32>, vector<16xi32>, vector<16xi32>], vector<16xf32>,
      %add3A_330 = vector.broadcast %mul3A_324 : i32 to vector<16xi32>
      %add3A_331 = arith.addi %add3A_329, %add3A_330 : vector<16xi32>
      %gather3A_332 = tpu.vector_load_idx %arg18[%broadcast_in_dim3A, %broadcast_in_dim3A_316, %add3A_331] : memref<2x128x128xf32, #tpu.memory_space<vmem>>[vector<16xi32>, vector<16xi32>, vector<16xi32>], vector<16xf32>,
      %mul3A_333 = arith.mulf %gather3A, %gather3A_332 : vector<16xf32>
      %add3A_334 = arith.addf %broadcast_in_dim3A_326, %mul3A_333 : vector<16xf32>
      %add3A_335 = arith.constant 16 : i32
      %add3A_336 = vector.broadcast %add3A_335 : i32 to vector<16xi32>
      %add3A_337 = arith.addi %iota3A, %add3A_336 : vector<16xi32>
      %gather3A_338 = tpu.vector_load_idx %arg17[%broadcast_in_dim3A_311, %add3A_337, %broadcast_in_dim3A_318] : memref<8x64x128xf32, #tpu.memory_space<vmem>>[vector<16xi32>, vector<16xi32>, vector<16xi32>], vector<16xf32>,
      %add3A_339 = vector.broadcast %mul3A_324 : i32 to vector<16xi32>
      %add3A_340 = arith.addi %add3A_337, %add3A_339 : vector<16xi32>
      %gather3A_341 = tpu.vector_load_idx %arg18[%broadcast_in_dim3A, %broadcast_in_dim3A_316, %add3A_340] : memref<2x128x128xf32, #tpu.memory_space<vmem>>[vector<16xi32>, vector<16xi32>, vector<16xi32>], vector<16xf32>,
      %mul3A_342 = arith.mulf %gather3A_338, %gather3A_341 : vector<16xf32>
      %add3A_343 = arith.addf %add3A_334, %mul3A_342 : vector<16xf32>
      %add3A_344 = arith.constant 32 : i32
      %add3A_345 = vector.broadcast %add3A_344 : i32 to vector<16xi32>
      %add3A_346 = arith.addi %iota3A, %add3A_345 : vector<16xi32>
      %gather3A_347 = tpu.vector_load_idx %arg17[%broadcast_in_dim3A_311, %add3A_346, %broadcast_in_dim3A_318] : memref<8x64x128xf32, #tpu.memory_space<vmem>>[vector<16xi32>, vector<16xi32>, vector<16xi32>], vector<16xf32>,
      %add3A_348 = vector.broadcast %mul3A_324 : i32 to vector<16xi32>
      %add3A_349 = arith.addi %add3A_346, %add3A_348 : vector<16xi32>
      %gather3A_350 = tpu.vector_load_idx %arg18[%broadcast_in_dim3A, %broadcast_in_dim3A_316, %add3A_349] : memref<2x128x128xf32, #tpu.memory_space<vmem>>[vector<16xi32>, vector<16xi32>, vector<16xi32>], vector<16xf32>,
      %mul3A_351 = arith.mulf %gather3A_347, %gather3A_350 : vector<16xf32>
      %add3A_352 = arith.addf %add3A_343, %mul3A_351 : vector<16xf32>
      %add3A_353 = arith.constant 48 : i32
      %add3A_354 = vector.broadcast %add3A_353 : i32 to vector<16xi32>
      %add3A_355 = arith.addi %iota3A, %add3A_354 : vector<16xi32>
      %gather3A_356 = tpu.vector_load_idx %arg17[%broadcast_in_dim3A_311, %add3A_355, %broadcast_in_dim3A_318] : memref<8x64x128xf32, #tpu.memory_space<vmem>>[vector<16xi32>, vector<16xi32>, vector<16xi32>], vector<16xf32>,
      %add3A_357 = vector.broadcast %mul3A_324 : i32 to vector<16xi32>
      %add3A_358 = arith.addi %add3A_355, %add3A_357 : vector<16xi32>
      %gather3A_359 = tpu.vector_load_idx %arg18[%broadcast_in_dim3A, %broadcast_in_dim3A_316, %add3A_358] : memref<2x128x128xf32, #tpu.memory_space<vmem>>[vector<16xi32>, vector<16xi32>, vector<16xi32>], vector<16xf32>,
      %mul3A_360 = arith.mulf %gather3A_356, %gather3A_359 : vector<16xf32>
      %add3A_361 = arith.addf %add3A_352, %mul3A_360 : vector<16xf32>
      %reduce_sum3A = arith.constant true
      %reduce_sum3A_362 = vector.broadcast %reduce_sum3A : i1 to vector<16xi1>
      %reduce_sum3A_363 = tpu.scan <sum>, %add3A_361 masked %reduce_sum3A_362 : vector<16xf32>, vector<16xi1> -> vector<16xf32>
      %reduce_sum3A_364 = vector.extract %reduce_sum3A_363[15] : f32 from vector<16xf32>
      %broadcast_in_dim3A_365 = vector.broadcast %reduce_sum3A_364 : f32 to vector<16xf32>
      %eq3A = arith.constant 0 : i32
      %eq3A_366 = vector.broadcast %eq3A : i32 to vector<16xi32>
      %eq3A_367 = arith.cmpi eq, %iota3A, %eq3A_366 : vector<16xi32>
      %select_n3A = arith.select %eq3A_367, %broadcast_in_dim3A_365, %broadcast_in_dim3A_303 : vector<16xi1>, vector<16xf32>
      %slice3A_368 = vector.extract_strided_slice %get3A_295 {offsets = [1], sizes = [1], strides = [1]} : vector<16xi32> to vector<1xi32>
      %squeeze3A_369 = vector.extract %slice3A_368[0] : i32 from vector<1xi32>
      %shift_right_logical3A_370 = arith.constant 7 : i32
      %shift_right_logical3A_371 = arith.shrui %squeeze3A_369, %shift_right_logical3A_370 : i32
      %while3A_372 = scf.while (%while3A_1419 = %while3A_308) : (i32) -> i32 {
        %le3A_1420 = arith.cmpi sle, %while3A_1419, %shift_right_logical3A_371 : i32
        scf.condition(%le3A_1420) %while3A_1419 : i32
      } do {
      ^bb0(%while3A_1419: i32):
        %dma_wait3A_1420 = arith.constant 0 : i32
        %dma_wait3A_1421 = arith.constant 0 : i32
        %dma_wait3A_1422 = arith.constant 0 : i32
        %dma_wait3A_1423 = tpu.memref_slice %arg17[%dma_wait3A_1420, %dma_wait3A_1421, %dma_wait3A_1422] : memref<8x64x128xf32, #tpu.memory_space<vmem>> -> memref<1x64x128xf32, #tpu.memory_space<vmem>>
        %dma_wait3A_1424 = tpu.memref_squeeze %dma_wait3A_1423 : memref<1x64x128xf32, #tpu.memory_space<vmem>> -> memref<64x128xf32, #tpu.memory_space<vmem>>
        %dma_wait3A_1425 = arith.constant 0 : i32
        %dma_wait3A_1426 = arith.constant 0 : i32
        %dma_wait3A_1427 = tpu.memref_slice %arg6[%dma_wait3A_1425, %dma_wait3A_1426] : memref<64x1000000xf32, #tpu.memory_space<hbm>> -> memref<64x128xf32, #tpu.memory_space<hbm>>
        %dma_wait3A_1428 = arith.constant 0 : i32
        %dma_wait3A_1429 = arith.constant 0 : i32
        %dma_wait3A_1430 = tpu.memref_slice %arg17[%dma_wait3A_1420, %dma_wait3A_1428, %dma_wait3A_1429] : memref<8x64x128xf32, #tpu.memory_space<vmem>> -> memref<1x64x128xf32, #tpu.memory_space<vmem>>
        %dma_wait3A_1431 = tpu.memref_squeeze %dma_wait3A_1430 : memref<1x64x128xf32, #tpu.memory_space<vmem>> -> memref<64x128xf32, #tpu.memory_space<vmem>>
        %dma_wait3A_1432 = arith.constant 0 : i32
        %dma_wait3A_1433 = arith.constant 0 : i32
        %dma_wait3A_1434 = tpu.memref_slice %arg6[%dma_wait3A_1432, %dma_wait3A_1433] : memref<64x1000000xf32, #tpu.memory_space<hbm>> -> memref<64x128xf32, #tpu.memory_space<hbm>>
        tpu.wait_dma2 semaphore(%arg22 : memref<!tpu.dma_semaphore, #tpu.memory_space<semaphore_mem>>) src(%dma_wait3A_1434 : memref<64x128xf32, #tpu.memory_space<hbm>>) dst(%dma_wait3A_1431 : memref<64x128xf32, #tpu.memory_space<vmem>>)
        %add3A_1435 = arith.constant 8 : i32
        %add3A_1436 = arith.addi %while3A_1419, %add3A_1435 : i32
        %sub3A_1437 = arith.constant 1 : i32
        %sub3A_1438 = arith.subi %add3A_1436, %sub3A_1437 : i32
        %le3A_1439 = arith.cmpi sle, %sub3A_1438, %shift_right_logical3A_96 : i32
        %convert_element_type3A_1440 = arith.extui %le3A_1439 : i1 to i32
        %cond3A_1441 = arith.constant 0 : i32
        %cond3A_1442 = arith.cmpi ne, %convert_element_type3A_1440, %cond3A_1441 : i32
        scf.if %cond3A_1442 {
          %mul3A_1445 = arith.constant 128 : i32
          %mul3A_1446 = arith.muli %sub3A_1438, %mul3A_1445 : i32
          %multiple_of3A = tpu.assume_multiple %mul3A_1446, 128 : i32
          %rem3A_1447 = arith.constant 8 : i32
          %rem3A_1448 = arith.remsi %sub3A_1438, %rem3A_1447 : i32
          %dma_start3A_1449 = arith.constant 0 : i32
          %dma_start3A_1450 = arith.constant 0 : i32
          %dma_start3A_1451 = tpu.memref_slice %arg17[%rem3A_1448, %dma_start3A_1449, %dma_start3A_1450] : memref<8x64x128xf32, #tpu.memory_space<vmem>> -> memref<1x64x128xf32, #tpu.memory_space<vmem>>
          %dma_start3A_1452 = tpu.memref_squeeze %dma_start3A_1451 : memref<1x64x128xf32, #tpu.memory_space<vmem>> -> memref<64x128xf32, #tpu.memory_space<vmem>>
          %dma_start3A_1453 = arith.constant 0 : i32
          %dma_start3A_1454 = tpu.memref_slice %arg6[%dma_start3A_1453, %multiple_of3A] : memref<64x1000000xf32, #tpu.memory_space<hbm>> -> memref<64x128xf32, #tpu.memory_space<hbm>>
          %dma_start3A_1455 = arith.constant 0 : i32
          %dma_start3A_1456 = arith.constant 0 : i32
          %dma_start3A_1457 = tpu.memref_slice %arg17[%rem3A_1448, %dma_start3A_1455, %dma_start3A_1456] : memref<8x64x128xf32, #tpu.memory_space<vmem>> -> memref<1x64x128xf32, #tpu.memory_space<vmem>>
          %dma_start3A_1458 = tpu.memref_squeeze %dma_start3A_1457 : memref<1x64x128xf32, #tpu.memory_space<vmem>> -> memref<64x128xf32, #tpu.memory_space<vmem>>
          %dma_start3A_1459 = arith.constant 0 : i32
          %dma_start3A_1460 = tpu.memref_slice %arg6[%dma_start3A_1459, %multiple_of3A] : memref<64x1000000xf32, #tpu.memory_space<hbm>> -> memref<64x128xf32, #tpu.memory_space<hbm>>
          tpu.enqueue_dma source(%dma_start3A_1460 : memref<64x128xf32, #tpu.memory_space<hbm>>) target(%dma_start3A_1458 : memref<64x128xf32, #tpu.memory_space<vmem>>) target_semaphore(%arg22 : memref<!tpu.dma_semaphore, #tpu.memory_space<semaphore_mem>>)
        } else {
        }
        %add3A_1443 = arith.constant 1 : i32
        %add3A_1444 = arith.addi %while3A_1419, %add3A_1443 : i32
        scf.yield %add3A_1444 : i32
      }
      %rem3A_373 = arith.constant 8 : i32
      %rem3A_374 = arith.remsi %shift_right_logical3A_371, %rem3A_373 : i32
      %broadcast_in_dim3A_375 = vector.broadcast %rem3A_374 : i32 to vector<16xi32>
      %add3A_376 = arith.constant 1 : i32
      %add3A_377 = arith.addi %mul3A_293, %add3A_376 : i32
      %mul3A_378 = arith.constant 128 : i32
      %mul3A_379 = arith.muli %shift_right_logical3A_299, %mul3A_378 : i32
      %sub3A_380 = arith.subi %add3A_377, %mul3A_379 : i32
      %broadcast_in_dim3A_381 = vector.broadcast %sub3A_380 : i32 to vector<16xi32>
      %and3A_382 = arith.constant 127 : i32
      %and3A_383 = arith.andi %squeeze3A_369, %and3A_382 : i32
      %broadcast_in_dim3A_384 = vector.broadcast %and3A_383 : i32 to vector<16xi32>
      %slice3A_385 = vector.extract_strided_slice %get3A_297 {offsets = [1], sizes = [1], strides = [1]} : vector<16xi32> to vector<1xi32>
      %squeeze3A_386 = vector.extract %slice3A_385[0] : i32 from vector<1xi32>
      %and3A_387 = arith.constant 1 : i32
      %and3A_388 = arith.andi %squeeze3A_386, %and3A_387 : i32
      %mul3A_389 = arith.constant 64 : i32
      %mul3A_390 = arith.muli %and3A_388, %mul3A_389 : i32
      %broadcast_in_dim3A_391 = arith.constant 0.000000e+00 : f32
      %broadcast_in_dim3A_392 = vector.broadcast %broadcast_in_dim3A_391 : f32 to vector<16xf32>
      %add3A_393 = arith.constant 0 : i32
      %add3A_394 = vector.broadcast %add3A_393 : i32 to vector<16xi32>
      %add3A_395 = arith.addi %iota3A, %add3A_394 : vector<16xi32>
      %gather3A_396 = tpu.vector_load_idx %arg17[%broadcast_in_dim3A_375, %add3A_395, %broadcast_in_dim3A_384] : memref<8x64x128xf32, #tpu.memory_space<vmem>>[vector<16xi32>, vector<16xi32>, vector<16xi32>], vector<16xf32>,
      %add3A_397 = vector.broadcast %mul3A_390 : i32 to vector<16xi32>
      %add3A_398 = arith.addi %add3A_395, %add3A_397 : vector<16xi32>
      %gather3A_399 = tpu.vector_load_idx %arg18[%broadcast_in_dim3A, %broadcast_in_dim3A_381, %add3A_398] : memref<2x128x128xf32, #tpu.memory_space<vmem>>[vector<16xi32>, vector<16xi32>, vector<16xi32>], vector<16xf32>,
      %mul3A_400 = arith.mulf %gather3A_396, %gather3A_399 : vector<16xf32>
      %add3A_401 = arith.addf %broadcast_in_dim3A_392, %mul3A_400 : vector<16xf32>
      %add3A_402 = arith.constant 16 : i32
      %add3A_403 = vector.broadcast %add3A_402 : i32 to vector<16xi32>
      %add3A_404 = arith.addi %iota3A, %add3A_403 : vector<16xi32>
      %gather3A_405 = tpu.vector_load_idx %arg17[%broadcast_in_dim3A_375, %add3A_404, %broadcast_in_dim3A_384] : memref<8x64x128xf32, #tpu.memory_space<vmem>>[vector<16xi32>, vector<16xi32>, vector<16xi32>], vector<16xf32>,
      %add3A_406 = vector.broadcast %mul3A_390 : i32 to vector<16xi32>
      %add3A_407 = arith.addi %add3A_404, %add3A_406 : vector<16xi32>
      %gather3A_408 = tpu.vector_load_idx %arg18[%broadcast_in_dim3A, %broadcast_in_dim3A_381, %add3A_407] : memref<2x128x128xf32, #tpu.memory_space<vmem>>[vector<16xi32>, vector<16xi32>, vector<16xi32>], vector<16xf32>,
      %mul3A_409 = arith.mulf %gather3A_405, %gather3A_408 : vector<16xf32>
      %add3A_410 = arith.addf %add3A_401, %mul3A_409 : vector<16xf32>
      %add3A_411 = arith.constant 32 : i32
      %add3A_412 = vector.broadcast %add3A_411 : i32 to vector<16xi32>
      %add3A_413 = arith.addi %iota3A, %add3A_412 : vector<16xi32>
      %gather3A_414 = tpu.vector_load_idx %arg17[%broadcast_in_dim3A_375, %add3A_413, %broadcast_in_dim3A_384] : memref<8x64x128xf32, #tpu.memory_space<vmem>>[vector<16xi32>, vector<16xi32>, vector<16xi32>], vector<16xf32>,
      %add3A_415 = vector.broadcast %mul3A_390 : i32 to vector<16xi32>
      %add3A_416 = arith.addi %add3A_413, %add3A_415 : vector<16xi32>
      %gather3A_417 = tpu.vector_load_idx %arg18[%broadcast_in_dim3A, %broadcast_in_dim3A_381, %add3A_416] : memref<2x128x128xf32, #tpu.memory_space<vmem>>[vector<16xi32>, vector<16xi32>, vector<16xi32>], vector<16xf32>,
      %mul3A_418 = arith.mulf %gather3A_414, %gather3A_417 : vector<16xf32>
      %add3A_419 = arith.addf %add3A_410, %mul3A_418 : vector<16xf32>
      %add3A_420 = arith.constant 48 : i32
      %add3A_421 = vector.broadcast %add3A_420 : i32 to vector<16xi32>
      %add3A_422 = arith.addi %iota3A, %add3A_421 : vector<16xi32>
      %gather3A_423 = tpu.vector_load_idx %arg17[%broadcast_in_dim3A_375, %add3A_422, %broadcast_in_dim3A_384] : memref<8x64x128xf32, #tpu.memory_space<vmem>>[vector<16xi32>, vector<16xi32>, vector<16xi32>], vector<16xf32>,
      %add3A_424 = vector.broadcast %mul3A_390 : i32 to vector<16xi32>
      %add3A_425 = arith.addi %add3A_422, %add3A_424 : vector<16xi32>
      %gather3A_426 = tpu.vector_load_idx %arg18[%broadcast_in_dim3A, %broadcast_in_dim3A_381, %add3A_425] : memref<2x128x128xf32, #tpu.memory_space<vmem>>[vector<16xi32>, vector<16xi32>, vector<16xi32>], vector<16xf32>,
      %mul3A_427 = arith.mulf %gather3A_423, %gather3A_426 : vector<16xf32>
      %add3A_428 = arith.addf %add3A_419, %mul3A_427 : vector<16xf32>
      %reduce_sum3A_429 = arith.constant true
      %reduce_sum3A_430 = vector.broadcast %reduce_sum3A_429 : i1 to vector<16xi1>
      %reduce_sum3A_431 = tpu.scan <sum>, %add3A_428 masked %reduce_sum3A_430 : vector<16xf32>, vector<16xi1> -> vector<16xf32>
      %reduce_sum3A_432 = vector.extract %reduce_sum3A_431[15] : f32 from vector<16xf32>
      %broadcast_in_dim3A_433 = vector.broadcast %reduce_sum3A_432 : f32 to vector<16xf32>
      %eq3A_434 = arith.constant 1 : i32
      %eq3A_435 = vector.broadcast %eq3A_434 : i32 to vector<16xi32>
      %eq3A_436 = arith.cmpi eq, %iota3A, %eq3A_435 : vector<16xi32>
      %select_n3A_437 = arith.select %eq3A_436, %broadcast_in_dim3A_433, %select_n3A : vector<16xi1>, vector<16xf32>
      %slice3A_438 = vector.extract_strided_slice %get3A_295 {offsets = [2], sizes = [1], strides = [1]} : vector<16xi32> to vector<1xi32>
      %squeeze3A_439 = vector.extract %slice3A_438[0] : i32 from vector<1xi32>
      %shift_right_logical3A_440 = arith.constant 7 : i32
      %shift_right_logical3A_441 = arith.shrui %squeeze3A_439, %shift_right_logical3A_440 : i32
      %while3A_442 = scf.while (%while3A_1419 = %while3A_372) : (i32) -> i32 {
        %le3A_1420 = arith.cmpi sle, %while3A_1419, %shift_right_logical3A_441 : i32
        scf.condition(%le3A_1420) %while3A_1419 : i32
      } do {
      ^bb0(%while3A_1419: i32):
        %dma_wait3A_1420 = arith.constant 0 : i32
        %dma_wait3A_1421 = arith.constant 0 : i32
        %dma_wait3A_1422 = arith.constant 0 : i32
        %dma_wait3A_1423 = tpu.memref_slice %arg17[%dma_wait3A_1420, %dma_wait3A_1421, %dma_wait3A_1422] : memref<8x64x128xf32, #tpu.memory_space<vmem>> -> memref<1x64x128xf32, #tpu.memory_space<vmem>>
        %dma_wait3A_1424 = tpu.memref_squeeze %dma_wait3A_1423 : memref<1x64x128xf32, #tpu.memory_space<vmem>> -> memref<64x128xf32, #tpu.memory_space<vmem>>
        %dma_wait3A_1425 = arith.constant 0 : i32
        %dma_wait3A_1426 = arith.constant 0 : i32
        %dma_wait3A_1427 = tpu.memref_slice %arg6[%dma_wait3A_1425, %dma_wait3A_1426] : memref<64x1000000xf32, #tpu.memory_space<hbm>> -> memref<64x128xf32, #tpu.memory_space<hbm>>
        %dma_wait3A_1428 = arith.constant 0 : i32
        %dma_wait3A_1429 = arith.constant 0 : i32
        %dma_wait3A_1430 = tpu.memref_slice %arg17[%dma_wait3A_1420, %dma_wait3A_1428, %dma_wait3A_1429] : memref<8x64x128xf32, #tpu.memory_space<vmem>> -> memref<1x64x128xf32, #tpu.memory_space<vmem>>
        %dma_wait3A_1431 = tpu.memref_squeeze %dma_wait3A_1430 : memref<1x64x128xf32, #tpu.memory_space<vmem>> -> memref<64x128xf32, #tpu.memory_space<vmem>>
        %dma_wait3A_1432 = arith.constant 0 : i32
        %dma_wait3A_1433 = arith.constant 0 : i32
        %dma_wait3A_1434 = tpu.memref_slice %arg6[%dma_wait3A_1432, %dma_wait3A_1433] : memref<64x1000000xf32, #tpu.memory_space<hbm>> -> memref<64x128xf32, #tpu.memory_space<hbm>>
        tpu.wait_dma2 semaphore(%arg22 : memref<!tpu.dma_semaphore, #tpu.memory_space<semaphore_mem>>) src(%dma_wait3A_1434 : memref<64x128xf32, #tpu.memory_space<hbm>>) dst(%dma_wait3A_1431 : memref<64x128xf32, #tpu.memory_space<vmem>>)
        %add3A_1435 = arith.constant 8 : i32
        %add3A_1436 = arith.addi %while3A_1419, %add3A_1435 : i32
        %sub3A_1437 = arith.constant 1 : i32
        %sub3A_1438 = arith.subi %add3A_1436, %sub3A_1437 : i32
        %le3A_1439 = arith.cmpi sle, %sub3A_1438, %shift_right_logical3A_96 : i32
        %convert_element_type3A_1440 = arith.extui %le3A_1439 : i1 to i32
        %cond3A_1441 = arith.constant 0 : i32
        %cond3A_1442 = arith.cmpi ne, %convert_element_type3A_1440, %cond3A_1441 : i32
        scf.if %cond3A_1442 {
          %mul3A_1445 = arith.constant 128 : i32
          %mul3A_1446 = arith.muli %sub3A_1438, %mul3A_1445 : i32
          %multiple_of3A = tpu.assume_multiple %mul3A_1446, 128 : i32
          %rem3A_1447 = arith.constant 8 : i32
          %rem3A_1448 = arith.remsi %sub3A_1438, %rem3A_1447 : i32
          %dma_start3A_1449 = arith.constant 0 : i32
          %dma_start3A_1450 = arith.constant 0 : i32
          %dma_start3A_1451 = tpu.memref_slice %arg17[%rem3A_1448, %dma_start3A_1449, %dma_start3A_1450] : memref<8x64x128xf32, #tpu.memory_space<vmem>> -> memref<1x64x128xf32, #tpu.memory_space<vmem>>
          %dma_start3A_1452 = tpu.memref_squeeze %dma_start3A_1451 : memref<1x64x128xf32, #tpu.memory_space<vmem>> -> memref<64x128xf32, #tpu.memory_space<vmem>>
          %dma_start3A_1453 = arith.constant 0 : i32
          %dma_start3A_1454 = tpu.memref_slice %arg6[%dma_start3A_1453, %multiple_of3A] : memref<64x1000000xf32, #tpu.memory_space<hbm>> -> memref<64x128xf32, #tpu.memory_space<hbm>>
          %dma_start3A_1455 = arith.constant 0 : i32
          %dma_start3A_1456 = arith.constant 0 : i32
          %dma_start3A_1457 = tpu.memref_slice %arg17[%rem3A_1448, %dma_start3A_1455, %dma_start3A_1456] : memref<8x64x128xf32, #tpu.memory_space<vmem>> -> memref<1x64x128xf32, #tpu.memory_space<vmem>>
          %dma_start3A_1458 = tpu.memref_squeeze %dma_start3A_1457 : memref<1x64x128xf32, #tpu.memory_space<vmem>> -> memref<64x128xf32, #tpu.memory_space<vmem>>
          %dma_start3A_1459 = arith.constant 0 : i32
          %dma_start3A_1460 = tpu.memref_slice %arg6[%dma_start3A_1459, %multiple_of3A] : memref<64x1000000xf32, #tpu.memory_space<hbm>> -> memref<64x128xf32, #tpu.memory_space<hbm>>
          tpu.enqueue_dma source(%dma_start3A_1460 : memref<64x128xf32, #tpu.memory_space<hbm>>) target(%dma_start3A_1458 : memref<64x128xf32, #tpu.memory_space<vmem>>) target_semaphore(%arg22 : memref<!tpu.dma_semaphore, #tpu.memory_space<semaphore_mem>>)
        } else {
        }
        %add3A_1443 = arith.constant 1 : i32
        %add3A_1444 = arith.addi %while3A_1419, %add3A_1443 : i32
        scf.yield %add3A_1444 : i32
      }
      %rem3A_443 = arith.constant 8 : i32
      %rem3A_444 = arith.remsi %shift_right_logical3A_441, %rem3A_443 : i32
      %broadcast_in_dim3A_445 = vector.broadcast %rem3A_444 : i32 to vector<16xi32>
      %add3A_446 = arith.constant 2 : i32
      %add3A_447 = arith.addi %mul3A_293, %add3A_446 : i32
      %mul3A_448 = arith.constant 128 : i32
      %mul3A_449 = arith.muli %shift_right_logical3A_299, %mul3A_448 : i32
      %sub3A_450 = arith.subi %add3A_447, %mul3A_449 : i32
      %broadcast_in_dim3A_451 = vector.broadcast %sub3A_450 : i32 to vector<16xi32>
      %and3A_452 = arith.constant 127 : i32
      %and3A_453 = arith.andi %squeeze3A_439, %and3A_452 : i32
      %broadcast_in_dim3A_454 = vector.broadcast %and3A_453 : i32 to vector<16xi32>
      %slice3A_455 = vector.extract_strided_slice %get3A_297 {offsets = [2], sizes = [1], strides = [1]} : vector<16xi32> to vector<1xi32>
      %squeeze3A_456 = vector.extract %slice3A_455[0] : i32 from vector<1xi32>
      %and3A_457 = arith.constant 1 : i32
      %and3A_458 = arith.andi %squeeze3A_456, %and3A_457 : i32
      %mul3A_459 = arith.constant 64 : i32
      %mul3A_460 = arith.muli %and3A_458, %mul3A_459 : i32
      %broadcast_in_dim3A_461 = arith.constant 0.000000e+00 : f32
      %broadcast_in_dim3A_462 = vector.broadcast %broadcast_in_dim3A_461 : f32 to vector<16xf32>
      %add3A_463 = arith.constant 0 : i32
      %add3A_464 = vector.broadcast %add3A_463 : i32 to vector<16xi32>
      %add3A_465 = arith.addi %iota3A, %add3A_464 : vector<16xi32>
      %gather3A_466 = tpu.vector_load_idx %arg17[%broadcast_in_dim3A_445, %add3A_465, %broadcast_in_dim3A_454] : memref<8x64x128xf32, #tpu.memory_space<vmem>>[vector<16xi32>, vector<16xi32>, vector<16xi32>], vector<16xf32>,
      %add3A_467 = vector.broadcast %mul3A_460 : i32 to vector<16xi32>
      %add3A_468 = arith.addi %add3A_465, %add3A_467 : vector<16xi32>
      %gather3A_469 = tpu.vector_load_idx %arg18[%broadcast_in_dim3A, %broadcast_in_dim3A_451, %add3A_468] : memref<2x128x128xf32, #tpu.memory_space<vmem>>[vector<16xi32>, vector<16xi32>, vector<16xi32>], vector<16xf32>,
      %mul3A_470 = arith.mulf %gather3A_466, %gather3A_469 : vector<16xf32>
      %add3A_471 = arith.addf %broadcast_in_dim3A_462, %mul3A_470 : vector<16xf32>
      %add3A_472 = arith.constant 16 : i32
      %add3A_473 = vector.broadcast %add3A_472 : i32 to vector<16xi32>
      %add3A_474 = arith.addi %iota3A, %add3A_473 : vector<16xi32>
      %gather3A_475 = tpu.vector_load_idx %arg17[%broadcast_in_dim3A_445, %add3A_474, %broadcast_in_dim3A_454] : memref<8x64x128xf32, #tpu.memory_space<vmem>>[vector<16xi32>, vector<16xi32>, vector<16xi32>], vector<16xf32>,
      %add3A_476 = vector.broadcast %mul3A_460 : i32 to vector<16xi32>
      %add3A_477 = arith.addi %add3A_474, %add3A_476 : vector<16xi32>
      %gather3A_478 = tpu.vector_load_idx %arg18[%broadcast_in_dim3A, %broadcast_in_dim3A_451, %add3A_477] : memref<2x128x128xf32, #tpu.memory_space<vmem>>[vector<16xi32>, vector<16xi32>, vector<16xi32>], vector<16xf32>,
      %mul3A_479 = arith.mulf %gather3A_475, %gather3A_478 : vector<16xf32>
      %add3A_480 = arith.addf %add3A_471, %mul3A_479 : vector<16xf32>
      %add3A_481 = arith.constant 32 : i32
      %add3A_482 = vector.broadcast %add3A_481 : i32 to vector<16xi32>
      %add3A_483 = arith.addi %iota3A, %add3A_482 : vector<16xi32>
      %gather3A_484 = tpu.vector_load_idx %arg17[%broadcast_in_dim3A_445, %add3A_483, %broadcast_in_dim3A_454] : memref<8x64x128xf32, #tpu.memory_space<vmem>>[vector<16xi32>, vector<16xi32>, vector<16xi32>], vector<16xf32>,
      %add3A_485 = vector.broadcast %mul3A_460 : i32 to vector<16xi32>
      %add3A_486 = arith.addi %add3A_483, %add3A_485 : vector<16xi32>
      %gather3A_487 = tpu.vector_load_idx %arg18[%broadcast_in_dim3A, %broadcast_in_dim3A_451, %add3A_486] : memref<2x128x128xf32, #tpu.memory_space<vmem>>[vector<16xi32>, vector<16xi32>, vector<16xi32>], vector<16xf32>,
      %mul3A_488 = arith.mulf %gather3A_484, %gather3A_487 : vector<16xf32>
      %add3A_489 = arith.addf %add3A_480, %mul3A_488 : vector<16xf32>
      %add3A_490 = arith.constant 48 : i32
      %add3A_491 = vector.broadcast %add3A_490 : i32 to vector<16xi32>
      %add3A_492 = arith.addi %iota3A, %add3A_491 : vector<16xi32>
      %gather3A_493 = tpu.vector_load_idx %arg17[%broadcast_in_dim3A_445, %add3A_492, %broadcast_in_dim3A_454] : memref<8x64x128xf32, #tpu.memory_space<vmem>>[vector<16xi32>, vector<16xi32>, vector<16xi32>], vector<16xf32>,
      %add3A_494 = vector.broadcast %mul3A_460 : i32 to vector<16xi32>
      %add3A_495 = arith.addi %add3A_492, %add3A_494 : vector<16xi32>
      %gather3A_496 = tpu.vector_load_idx %arg18[%broadcast_in_dim3A, %broadcast_in_dim3A_451, %add3A_495] : memref<2x128x128xf32, #tpu.memory_space<vmem>>[vector<16xi32>, vector<16xi32>, vector<16xi32>], vector<16xf32>,
      %mul3A_497 = arith.mulf %gather3A_493, %gather3A_496 : vector<16xf32>
      %add3A_498 = arith.addf %add3A_489, %mul3A_497 : vector<16xf32>
      %reduce_sum3A_499 = arith.constant true
      %reduce_sum3A_500 = vector.broadcast %reduce_sum3A_499 : i1 to vector<16xi1>
      %reduce_sum3A_501 = tpu.scan <sum>, %add3A_498 masked %reduce_sum3A_500 : vector<16xf32>, vector<16xi1> -> vector<16xf32>
      %reduce_sum3A_502 = vector.extract %reduce_sum3A_501[15] : f32 from vector<16xf32>
      %broadcast_in_dim3A_503 = vector.broadcast %reduce_sum3A_502 : f32 to vector<16xf32>
      %eq3A_504 = arith.constant 2 : i32
      %eq3A_505 = vector.broadcast %eq3A_504 : i32 to vector<16xi32>
      %eq3A_506 = arith.cmpi eq, %iota3A, %eq3A_505 : vector<16xi32>
      %select_n3A_507 = arith.select %eq3A_506, %broadcast_in_dim3A_503, %select_n3A_437 : vector<16xi1>, vector<16xf32>
      %slice3A_508 = vector.extract_strided_slice %get3A_295 {offsets = [3], sizes = [1], strides = [1]} : vector<16xi32> to vector<1xi32>
      %squeeze3A_509 = vector.extract %slice3A_508[0] : i32 from vector<1xi32>
      %shift_right_logical3A_510 = arith.constant 7 : i32
      %shift_right_logical3A_511 = arith.shrui %squeeze3A_509, %shift_right_logical3A_510 : i32
      %while3A_512 = scf.while (%while3A_1419 = %while3A_442) : (i32) -> i32 {
        %le3A_1420 = arith.cmpi sle, %while3A_1419, %shift_right_logical3A_511 : i32
        scf.condition(%le3A_1420) %while3A_1419 : i32
      } do {
      ^bb0(%while3A_1419: i32):
        %dma_wait3A_1420 = arith.constant 0 : i32
        %dma_wait3A_1421 = arith.constant 0 : i32
        %dma_wait3A_1422 = arith.constant 0 : i32
        %dma_wait3A_1423 = tpu.memref_slice %arg17[%dma_wait3A_1420, %dma_wait3A_1421, %dma_wait3A_1422] : memref<8x64x128xf32, #tpu.memory_space<vmem>> -> memref<1x64x128xf32, #tpu.memory_space<vmem>>
        %dma_wait3A_1424 = tpu.memref_squeeze %dma_wait3A_1423 : memref<1x64x128xf32, #tpu.memory_space<vmem>> -> memref<64x128xf32, #tpu.memory_space<vmem>>
        %dma_wait3A_1425 = arith.constant 0 : i32
        %dma_wait3A_1426 = arith.constant 0 : i32
        %dma_wait3A_1427 = tpu.memref_slice %arg6[%dma_wait3A_1425, %dma_wait3A_1426] : memref<64x1000000xf32, #tpu.memory_space<hbm>> -> memref<64x128xf32, #tpu.memory_space<hbm>>
        %dma_wait3A_1428 = arith.constant 0 : i32
        %dma_wait3A_1429 = arith.constant 0 : i32
        %dma_wait3A_1430 = tpu.memref_slice %arg17[%dma_wait3A_1420, %dma_wait3A_1428, %dma_wait3A_1429] : memref<8x64x128xf32, #tpu.memory_space<vmem>> -> memref<1x64x128xf32, #tpu.memory_space<vmem>>
        %dma_wait3A_1431 = tpu.memref_squeeze %dma_wait3A_1430 : memref<1x64x128xf32, #tpu.memory_space<vmem>> -> memref<64x128xf32, #tpu.memory_space<vmem>>
        %dma_wait3A_1432 = arith.constant 0 : i32
        %dma_wait3A_1433 = arith.constant 0 : i32
        %dma_wait3A_1434 = tpu.memref_slice %arg6[%dma_wait3A_1432, %dma_wait3A_1433] : memref<64x1000000xf32, #tpu.memory_space<hbm>> -> memref<64x128xf32, #tpu.memory_space<hbm>>
        tpu.wait_dma2 semaphore(%arg22 : memref<!tpu.dma_semaphore, #tpu.memory_space<semaphore_mem>>) src(%dma_wait3A_1434 : memref<64x128xf32, #tpu.memory_space<hbm>>) dst(%dma_wait3A_1431 : memref<64x128xf32, #tpu.memory_space<vmem>>)
        %add3A_1435 = arith.constant 8 : i32
        %add3A_1436 = arith.addi %while3A_1419, %add3A_1435 : i32
        %sub3A_1437 = arith.constant 1 : i32
        %sub3A_1438 = arith.subi %add3A_1436, %sub3A_1437 : i32
        %le3A_1439 = arith.cmpi sle, %sub3A_1438, %shift_right_logical3A_96 : i32
        %convert_element_type3A_1440 = arith.extui %le3A_1439 : i1 to i32
        %cond3A_1441 = arith.constant 0 : i32
        %cond3A_1442 = arith.cmpi ne, %convert_element_type3A_1440, %cond3A_1441 : i32
        scf.if %cond3A_1442 {
          %mul3A_1445 = arith.constant 128 : i32
          %mul3A_1446 = arith.muli %sub3A_1438, %mul3A_1445 : i32
          %multiple_of3A = tpu.assume_multiple %mul3A_1446, 128 : i32
          %rem3A_1447 = arith.constant 8 : i32
          %rem3A_1448 = arith.remsi %sub3A_1438, %rem3A_1447 : i32
          %dma_start3A_1449 = arith.constant 0 : i32
          %dma_start3A_1450 = arith.constant 0 : i32
          %dma_start3A_1451 = tpu.memref_slice %arg17[%rem3A_1448, %dma_start3A_1449, %dma_start3A_1450] : memref<8x64x128xf32, #tpu.memory_space<vmem>> -> memref<1x64x128xf32, #tpu.memory_space<vmem>>
          %dma_start3A_1452 = tpu.memref_squeeze %dma_start3A_1451 : memref<1x64x128xf32, #tpu.memory_space<vmem>> -> memref<64x128xf32, #tpu.memory_space<vmem>>
          %dma_start3A_1453 = arith.constant 0 : i32
          %dma_start3A_1454 = tpu.memref_slice %arg6[%dma_start3A_1453, %multiple_of3A] : memref<64x1000000xf32, #tpu.memory_space<hbm>> -> memref<64x128xf32, #tpu.memory_space<hbm>>
          %dma_start3A_1455 = arith.constant 0 : i32
          %dma_start3A_1456 = arith.constant 0 : i32
          %dma_start3A_1457 = tpu.memref_slice %arg17[%rem3A_1448, %dma_start3A_1455, %dma_start3A_1456] : memref<8x64x128xf32, #tpu.memory_space<vmem>> -> memref<1x64x128xf32, #tpu.memory_space<vmem>>
          %dma_start3A_1458 = tpu.memref_squeeze %dma_start3A_1457 : memref<1x64x128xf32, #tpu.memory_space<vmem>> -> memref<64x128xf32, #tpu.memory_space<vmem>>
          %dma_start3A_1459 = arith.constant 0 : i32
          %dma_start3A_1460 = tpu.memref_slice %arg6[%dma_start3A_1459, %multiple_of3A] : memref<64x1000000xf32, #tpu.memory_space<hbm>> -> memref<64x128xf32, #tpu.memory_space<hbm>>
          tpu.enqueue_dma source(%dma_start3A_1460 : memref<64x128xf32, #tpu.memory_space<hbm>>) target(%dma_start3A_1458 : memref<64x128xf32, #tpu.memory_space<vmem>>) target_semaphore(%arg22 : memref<!tpu.dma_semaphore, #tpu.memory_space<semaphore_mem>>)
        } else {
        }
        %add3A_1443 = arith.constant 1 : i32
        %add3A_1444 = arith.addi %while3A_1419, %add3A_1443 : i32
        scf.yield %add3A_1444 : i32
      }
      %rem3A_513 = arith.constant 8 : i32
      %rem3A_514 = arith.remsi %shift_right_logical3A_511, %rem3A_513 : i32
      %broadcast_in_dim3A_515 = vector.broadcast %rem3A_514 : i32 to vector<16xi32>
      %add3A_516 = arith.constant 3 : i32
      %add3A_517 = arith.addi %mul3A_293, %add3A_516 : i32
      %mul3A_518 = arith.constant 128 : i32
      %mul3A_519 = arith.muli %shift_right_logical3A_299, %mul3A_518 : i32
      %sub3A_520 = arith.subi %add3A_517, %mul3A_519 : i32
      %broadcast_in_dim3A_521 = vector.broadcast %sub3A_520 : i32 to vector<16xi32>
      %and3A_522 = arith.constant 127 : i32
      %and3A_523 = arith.andi %squeeze3A_509, %and3A_522 : i32
      %broadcast_in_dim3A_524 = vector.broadcast %and3A_523 : i32 to vector<16xi32>
      %slice3A_525 = vector.extract_strided_slice %get3A_297 {offsets = [3], sizes = [1], strides = [1]} : vector<16xi32> to vector<1xi32>
      %squeeze3A_526 = vector.extract %slice3A_525[0] : i32 from vector<1xi32>
      %and3A_527 = arith.constant 1 : i32
      %and3A_528 = arith.andi %squeeze3A_526, %and3A_527 : i32
      %mul3A_529 = arith.constant 64 : i32
      %mul3A_530 = arith.muli %and3A_528, %mul3A_529 : i32
      %broadcast_in_dim3A_531 = arith.constant 0.000000e+00 : f32
      %broadcast_in_dim3A_532 = vector.broadcast %broadcast_in_dim3A_531 : f32 to vector<16xf32>
      %add3A_533 = arith.constant 0 : i32
      %add3A_534 = vector.broadcast %add3A_533 : i32 to vector<16xi32>
      %add3A_535 = arith.addi %iota3A, %add3A_534 : vector<16xi32>
      %gather3A_536 = tpu.vector_load_idx %arg17[%broadcast_in_dim3A_515, %add3A_535, %broadcast_in_dim3A_524] : memref<8x64x128xf32, #tpu.memory_space<vmem>>[vector<16xi32>, vector<16xi32>, vector<16xi32>], vector<16xf32>,
      %add3A_537 = vector.broadcast %mul3A_530 : i32 to vector<16xi32>
      %add3A_538 = arith.addi %add3A_535, %add3A_537 : vector<16xi32>
      %gather3A_539 = tpu.vector_load_idx %arg18[%broadcast_in_dim3A, %broadcast_in_dim3A_521, %add3A_538] : memref<2x128x128xf32, #tpu.memory_space<vmem>>[vector<16xi32>, vector<16xi32>, vector<16xi32>], vector<16xf32>,
      %mul3A_540 = arith.mulf %gather3A_536, %gather3A_539 : vector<16xf32>
      %add3A_541 = arith.addf %broadcast_in_dim3A_532, %mul3A_540 : vector<16xf32>
      %add3A_542 = arith.constant 16 : i32
      %add3A_543 = vector.broadcast %add3A_542 : i32 to vector<16xi32>
      %add3A_544 = arith.addi %iota3A, %add3A_543 : vector<16xi32>
      %gather3A_545 = tpu.vector_load_idx %arg17[%broadcast_in_dim3A_515, %add3A_544, %broadcast_in_dim3A_524] : memref<8x64x128xf32, #tpu.memory_space<vmem>>[vector<16xi32>, vector<16xi32>, vector<16xi32>], vector<16xf32>,
      %add3A_546 = vector.broadcast %mul3A_530 : i32 to vector<16xi32>
      %add3A_547 = arith.addi %add3A_544, %add3A_546 : vector<16xi32>
      %gather3A_548 = tpu.vector_load_idx %arg18[%broadcast_in_dim3A, %broadcast_in_dim3A_521, %add3A_547] : memref<2x128x128xf32, #tpu.memory_space<vmem>>[vector<16xi32>, vector<16xi32>, vector<16xi32>], vector<16xf32>,
      %mul3A_549 = arith.mulf %gather3A_545, %gather3A_548 : vector<16xf32>
      %add3A_550 = arith.addf %add3A_541, %mul3A_549 : vector<16xf32>
      %add3A_551 = arith.constant 32 : i32
      %add3A_552 = vector.broadcast %add3A_551 : i32 to vector<16xi32>
      %add3A_553 = arith.addi %iota3A, %add3A_552 : vector<16xi32>
      %gather3A_554 = tpu.vector_load_idx %arg17[%broadcast_in_dim3A_515, %add3A_553, %broadcast_in_dim3A_524] : memref<8x64x128xf32, #tpu.memory_space<vmem>>[vector<16xi32>, vector<16xi32>, vector<16xi32>], vector<16xf32>,
      %add3A_555 = vector.broadcast %mul3A_530 : i32 to vector<16xi32>
      %add3A_556 = arith.addi %add3A_553, %add3A_555 : vector<16xi32>
      %gather3A_557 = tpu.vector_load_idx %arg18[%broadcast_in_dim3A, %broadcast_in_dim3A_521, %add3A_556] : memref<2x128x128xf32, #tpu.memory_space<vmem>>[vector<16xi32>, vector<16xi32>, vector<16xi32>], vector<16xf32>,
      %mul3A_558 = arith.mulf %gather3A_554, %gather3A_557 : vector<16xf32>
      %add3A_559 = arith.addf %add3A_550, %mul3A_558 : vector<16xf32>
      %add3A_560 = arith.constant 48 : i32
      %add3A_561 = vector.broadcast %add3A_560 : i32 to vector<16xi32>
      %add3A_562 = arith.addi %iota3A, %add3A_561 : vector<16xi32>
      %gather3A_563 = tpu.vector_load_idx %arg17[%broadcast_in_dim3A_515, %add3A_562, %broadcast_in_dim3A_524] : memref<8x64x128xf32, #tpu.memory_space<vmem>>[vector<16xi32>, vector<16xi32>, vector<16xi32>], vector<16xf32>,
      %add3A_564 = vector.broadcast %mul3A_530 : i32 to vector<16xi32>
      %add3A_565 = arith.addi %add3A_562, %add3A_564 : vector<16xi32>
      %gather3A_566 = tpu.vector_load_idx %arg18[%broadcast_in_dim3A, %broadcast_in_dim3A_521, %add3A_565] : memref<2x128x128xf32, #tpu.memory_space<vmem>>[vector<16xi32>, vector<16xi32>, vector<16xi32>], vector<16xf32>,
      %mul3A_567 = arith.mulf %gather3A_563, %gather3A_566 : vector<16xf32>
      %add3A_568 = arith.addf %add3A_559, %mul3A_567 : vector<16xf32>
      %reduce_sum3A_569 = arith.constant true
      %reduce_sum3A_570 = vector.broadcast %reduce_sum3A_569 : i1 to vector<16xi1>
      %reduce_sum3A_571 = tpu.scan <sum>, %add3A_568 masked %reduce_sum3A_570 : vector<16xf32>, vector<16xi1> -> vector<16xf32>
      %reduce_sum3A_572 = vector.extract %reduce_sum3A_571[15] : f32 from vector<16xf32>
      %broadcast_in_dim3A_573 = vector.broadcast %reduce_sum3A_572 : f32 to vector<16xf32>
      %eq3A_574 = arith.constant 3 : i32
      %eq3A_575 = vector.broadcast %eq3A_574 : i32 to vector<16xi32>
      %eq3A_576 = arith.cmpi eq, %iota3A, %eq3A_575 : vector<16xi32>
      %select_n3A_577 = arith.select %eq3A_576, %broadcast_in_dim3A_573, %select_n3A_507 : vector<16xi1>, vector<16xf32>
      %slice3A_578 = vector.extract_strided_slice %get3A_295 {offsets = [4], sizes = [1], strides = [1]} : vector<16xi32> to vector<1xi32>
      %squeeze3A_579 = vector.extract %slice3A_578[0] : i32 from vector<1xi32>
      %shift_right_logical3A_580 = arith.constant 7 : i32
      %shift_right_logical3A_581 = arith.shrui %squeeze3A_579, %shift_right_logical3A_580 : i32
      %while3A_582 = scf.while (%while3A_1419 = %while3A_512) : (i32) -> i32 {
        %le3A_1420 = arith.cmpi sle, %while3A_1419, %shift_right_logical3A_581 : i32
        scf.condition(%le3A_1420) %while3A_1419 : i32
      } do {
      ^bb0(%while3A_1419: i32):
        %dma_wait3A_1420 = arith.constant 0 : i32
        %dma_wait3A_1421 = arith.constant 0 : i32
        %dma_wait3A_1422 = arith.constant 0 : i32
        %dma_wait3A_1423 = tpu.memref_slice %arg17[%dma_wait3A_1420, %dma_wait3A_1421, %dma_wait3A_1422] : memref<8x64x128xf32, #tpu.memory_space<vmem>> -> memref<1x64x128xf32, #tpu.memory_space<vmem>>
        %dma_wait3A_1424 = tpu.memref_squeeze %dma_wait3A_1423 : memref<1x64x128xf32, #tpu.memory_space<vmem>> -> memref<64x128xf32, #tpu.memory_space<vmem>>
        %dma_wait3A_1425 = arith.constant 0 : i32
        %dma_wait3A_1426 = arith.constant 0 : i32
        %dma_wait3A_1427 = tpu.memref_slice %arg6[%dma_wait3A_1425, %dma_wait3A_1426] : memref<64x1000000xf32, #tpu.memory_space<hbm>> -> memref<64x128xf32, #tpu.memory_space<hbm>>
        %dma_wait3A_1428 = arith.constant 0 : i32
        %dma_wait3A_1429 = arith.constant 0 : i32
        %dma_wait3A_1430 = tpu.memref_slice %arg17[%dma_wait3A_1420, %dma_wait3A_1428, %dma_wait3A_1429] : memref<8x64x128xf32, #tpu.memory_space<vmem>> -> memref<1x64x128xf32, #tpu.memory_space<vmem>>
        %dma_wait3A_1431 = tpu.memref_squeeze %dma_wait3A_1430 : memref<1x64x128xf32, #tpu.memory_space<vmem>> -> memref<64x128xf32, #tpu.memory_space<vmem>>
        %dma_wait3A_1432 = arith.constant 0 : i32
        %dma_wait3A_1433 = arith.constant 0 : i32
        %dma_wait3A_1434 = tpu.memref_slice %arg6[%dma_wait3A_1432, %dma_wait3A_1433] : memref<64x1000000xf32, #tpu.memory_space<hbm>> -> memref<64x128xf32, #tpu.memory_space<hbm>>
        tpu.wait_dma2 semaphore(%arg22 : memref<!tpu.dma_semaphore, #tpu.memory_space<semaphore_mem>>) src(%dma_wait3A_1434 : memref<64x128xf32, #tpu.memory_space<hbm>>) dst(%dma_wait3A_1431 : memref<64x128xf32, #tpu.memory_space<vmem>>)
        %add3A_1435 = arith.constant 8 : i32
        %add3A_1436 = arith.addi %while3A_1419, %add3A_1435 : i32
        %sub3A_1437 = arith.constant 1 : i32
        %sub3A_1438 = arith.subi %add3A_1436, %sub3A_1437 : i32
        %le3A_1439 = arith.cmpi sle, %sub3A_1438, %shift_right_logical3A_96 : i32
        %convert_element_type3A_1440 = arith.extui %le3A_1439 : i1 to i32
        %cond3A_1441 = arith.constant 0 : i32
        %cond3A_1442 = arith.cmpi ne, %convert_element_type3A_1440, %cond3A_1441 : i32
        scf.if %cond3A_1442 {
          %mul3A_1445 = arith.constant 128 : i32
          %mul3A_1446 = arith.muli %sub3A_1438, %mul3A_1445 : i32
          %multiple_of3A = tpu.assume_multiple %mul3A_1446, 128 : i32
          %rem3A_1447 = arith.constant 8 : i32
          %rem3A_1448 = arith.remsi %sub3A_1438, %rem3A_1447 : i32
          %dma_start3A_1449 = arith.constant 0 : i32
          %dma_start3A_1450 = arith.constant 0 : i32
          %dma_start3A_1451 = tpu.memref_slice %arg17[%rem3A_1448, %dma_start3A_1449, %dma_start3A_1450] : memref<8x64x128xf32, #tpu.memory_space<vmem>> -> memref<1x64x128xf32, #tpu.memory_space<vmem>>
          %dma_start3A_1452 = tpu.memref_squeeze %dma_start3A_1451 : memref<1x64x128xf32, #tpu.memory_space<vmem>> -> memref<64x128xf32, #tpu.memory_space<vmem>>
          %dma_start3A_1453 = arith.constant 0 : i32
          %dma_start3A_1454 = tpu.memref_slice %arg6[%dma_start3A_1453, %multiple_of3A] : memref<64x1000000xf32, #tpu.memory_space<hbm>> -> memref<64x128xf32, #tpu.memory_space<hbm>>
          %dma_start3A_1455 = arith.constant 0 : i32
          %dma_start3A_1456 = arith.constant 0 : i32
          %dma_start3A_1457 = tpu.memref_slice %arg17[%rem3A_1448, %dma_start3A_1455, %dma_start3A_1456] : memref<8x64x128xf32, #tpu.memory_space<vmem>> -> memref<1x64x128xf32, #tpu.memory_space<vmem>>
          %dma_start3A_1458 = tpu.memref_squeeze %dma_start3A_1457 : memref<1x64x128xf32, #tpu.memory_space<vmem>> -> memref<64x128xf32, #tpu.memory_space<vmem>>
          %dma_start3A_1459 = arith.constant 0 : i32
          %dma_start3A_1460 = tpu.memref_slice %arg6[%dma_start3A_1459, %multiple_of3A] : memref<64x1000000xf32, #tpu.memory_space<hbm>> -> memref<64x128xf32, #tpu.memory_space<hbm>>
          tpu.enqueue_dma source(%dma_start3A_1460 : memref<64x128xf32, #tpu.memory_space<hbm>>) target(%dma_start3A_1458 : memref<64x128xf32, #tpu.memory_space<vmem>>) target_semaphore(%arg22 : memref<!tpu.dma_semaphore, #tpu.memory_space<semaphore_mem>>)
        } else {
        }
        %add3A_1443 = arith.constant 1 : i32
        %add3A_1444 = arith.addi %while3A_1419, %add3A_1443 : i32
        scf.yield %add3A_1444 : i32
      }
      %rem3A_583 = arith.constant 8 : i32
      %rem3A_584 = arith.remsi %shift_right_logical3A_581, %rem3A_583 : i32
      %broadcast_in_dim3A_585 = vector.broadcast %rem3A_584 : i32 to vector<16xi32>
      %add3A_586 = arith.constant 4 : i32
      %add3A_587 = arith.addi %mul3A_293, %add3A_586 : i32
      %mul3A_588 = arith.constant 128 : i32
      %mul3A_589 = arith.muli %shift_right_logical3A_299, %mul3A_588 : i32
      %sub3A_590 = arith.subi %add3A_587, %mul3A_589 : i32
      %broadcast_in_dim3A_591 = vector.broadcast %sub3A_590 : i32 to vector<16xi32>
      %and3A_592 = arith.constant 127 : i32
      %and3A_593 = arith.andi %squeeze3A_579, %and3A_592 : i32
      %broadcast_in_dim3A_594 = vector.broadcast %and3A_593 : i32 to vector<16xi32>
      %slice3A_595 = vector.extract_strided_slice %get3A_297 {offsets = [4], sizes = [1], strides = [1]} : vector<16xi32> to vector<1xi32>
      %squeeze3A_596 = vector.extract %slice3A_595[0] : i32 from vector<1xi32>
      %and3A_597 = arith.constant 1 : i32
      %and3A_598 = arith.andi %squeeze3A_596, %and3A_597 : i32
      %mul3A_599 = arith.constant 64 : i32
      %mul3A_600 = arith.muli %and3A_598, %mul3A_599 : i32
      %broadcast_in_dim3A_601 = arith.constant 0.000000e+00 : f32
      %broadcast_in_dim3A_602 = vector.broadcast %broadcast_in_dim3A_601 : f32 to vector<16xf32>
      %add3A_603 = arith.constant 0 : i32
      %add3A_604 = vector.broadcast %add3A_603 : i32 to vector<16xi32>
      %add3A_605 = arith.addi %iota3A, %add3A_604 : vector<16xi32>
      %gather3A_606 = tpu.vector_load_idx %arg17[%broadcast_in_dim3A_585, %add3A_605, %broadcast_in_dim3A_594] : memref<8x64x128xf32, #tpu.memory_space<vmem>>[vector<16xi32>, vector<16xi32>, vector<16xi32>], vector<16xf32>,
      %add3A_607 = vector.broadcast %mul3A_600 : i32 to vector<16xi32>
      %add3A_608 = arith.addi %add3A_605, %add3A_607 : vector<16xi32>
      %gather3A_609 = tpu.vector_load_idx %arg18[%broadcast_in_dim3A, %broadcast_in_dim3A_591, %add3A_608] : memref<2x128x128xf32, #tpu.memory_space<vmem>>[vector<16xi32>, vector<16xi32>, vector<16xi32>], vector<16xf32>,
      %mul3A_610 = arith.mulf %gather3A_606, %gather3A_609 : vector<16xf32>
      %add3A_611 = arith.addf %broadcast_in_dim3A_602, %mul3A_610 : vector<16xf32>
      %add3A_612 = arith.constant 16 : i32
      %add3A_613 = vector.broadcast %add3A_612 : i32 to vector<16xi32>
      %add3A_614 = arith.addi %iota3A, %add3A_613 : vector<16xi32>
      %gather3A_615 = tpu.vector_load_idx %arg17[%broadcast_in_dim3A_585, %add3A_614, %broadcast_in_dim3A_594] : memref<8x64x128xf32, #tpu.memory_space<vmem>>[vector<16xi32>, vector<16xi32>, vector<16xi32>], vector<16xf32>,
      %add3A_616 = vector.broadcast %mul3A_600 : i32 to vector<16xi32>
      %add3A_617 = arith.addi %add3A_614, %add3A_616 : vector<16xi32>
      %gather3A_618 = tpu.vector_load_idx %arg18[%broadcast_in_dim3A, %broadcast_in_dim3A_591, %add3A_617] : memref<2x128x128xf32, #tpu.memory_space<vmem>>[vector<16xi32>, vector<16xi32>, vector<16xi32>], vector<16xf32>,
      %mul3A_619 = arith.mulf %gather3A_615, %gather3A_618 : vector<16xf32>
      %add3A_620 = arith.addf %add3A_611, %mul3A_619 : vector<16xf32>
      %add3A_621 = arith.constant 32 : i32
      %add3A_622 = vector.broadcast %add3A_621 : i32 to vector<16xi32>
      %add3A_623 = arith.addi %iota3A, %add3A_622 : vector<16xi32>
      %gather3A_624 = tpu.vector_load_idx %arg17[%broadcast_in_dim3A_585, %add3A_623, %broadcast_in_dim3A_594] : memref<8x64x128xf32, #tpu.memory_space<vmem>>[vector<16xi32>, vector<16xi32>, vector<16xi32>], vector<16xf32>,
      %add3A_625 = vector.broadcast %mul3A_600 : i32 to vector<16xi32>
      %add3A_626 = arith.addi %add3A_623, %add3A_625 : vector<16xi32>
      %gather3A_627 = tpu.vector_load_idx %arg18[%broadcast_in_dim3A, %broadcast_in_dim3A_591, %add3A_626] : memref<2x128x128xf32, #tpu.memory_space<vmem>>[vector<16xi32>, vector<16xi32>, vector<16xi32>], vector<16xf32>,
      %mul3A_628 = arith.mulf %gather3A_624, %gather3A_627 : vector<16xf32>
      %add3A_629 = arith.addf %add3A_620, %mul3A_628 : vector<16xf32>
      %add3A_630 = arith.constant 48 : i32
      %add3A_631 = vector.broadcast %add3A_630 : i32 to vector<16xi32>
      %add3A_632 = arith.addi %iota3A, %add3A_631 : vector<16xi32>
      %gather3A_633 = tpu.vector_load_idx %arg17[%broadcast_in_dim3A_585, %add3A_632, %broadcast_in_dim3A_594] : memref<8x64x128xf32, #tpu.memory_space<vmem>>[vector<16xi32>, vector<16xi32>, vector<16xi32>], vector<16xf32>,
      %add3A_634 = vector.broadcast %mul3A_600 : i32 to vector<16xi32>
      %add3A_635 = arith.addi %add3A_632, %add3A_634 : vector<16xi32>
      %gather3A_636 = tpu.vector_load_idx %arg18[%broadcast_in_dim3A, %broadcast_in_dim3A_591, %add3A_635] : memref<2x128x128xf32, #tpu.memory_space<vmem>>[vector<16xi32>, vector<16xi32>, vector<16xi32>], vector<16xf32>,
      %mul3A_637 = arith.mulf %gather3A_633, %gather3A_636 : vector<16xf32>
      %add3A_638 = arith.addf %add3A_629, %mul3A_637 : vector<16xf32>
      %reduce_sum3A_639 = arith.constant true
      %reduce_sum3A_640 = vector.broadcast %reduce_sum3A_639 : i1 to vector<16xi1>
      %reduce_sum3A_641 = tpu.scan <sum>, %add3A_638 masked %reduce_sum3A_640 : vector<16xf32>, vector<16xi1> -> vector<16xf32>
      %reduce_sum3A_642 = vector.extract %reduce_sum3A_641[15] : f32 from vector<16xf32>
      %broadcast_in_dim3A_643 = vector.broadcast %reduce_sum3A_642 : f32 to vector<16xf32>
      %eq3A_644 = arith.constant 4 : i32
      %eq3A_645 = vector.broadcast %eq3A_644 : i32 to vector<16xi32>
      %eq3A_646 = arith.cmpi eq, %iota3A, %eq3A_645 : vector<16xi32>
      %select_n3A_647 = arith.select %eq3A_646, %broadcast_in_dim3A_643, %select_n3A_577 : vector<16xi1>, vector<16xf32>
      %slice3A_648 = vector.extract_strided_slice %get3A_295 {offsets = [5], sizes = [1], strides = [1]} : vector<16xi32> to vector<1xi32>
      %squeeze3A_649 = vector.extract %slice3A_648[0] : i32 from vector<1xi32>
      %shift_right_logical3A_650 = arith.constant 7 : i32
      %shift_right_logical3A_651 = arith.shrui %squeeze3A_649, %shift_right_logical3A_650 : i32
      %while3A_652 = scf.while (%while3A_1419 = %while3A_582) : (i32) -> i32 {
        %le3A_1420 = arith.cmpi sle, %while3A_1419, %shift_right_logical3A_651 : i32
        scf.condition(%le3A_1420) %while3A_1419 : i32
      } do {
      ^bb0(%while3A_1419: i32):
        %dma_wait3A_1420 = arith.constant 0 : i32
        %dma_wait3A_1421 = arith.constant 0 : i32
        %dma_wait3A_1422 = arith.constant 0 : i32
        %dma_wait3A_1423 = tpu.memref_slice %arg17[%dma_wait3A_1420, %dma_wait3A_1421, %dma_wait3A_1422] : memref<8x64x128xf32, #tpu.memory_space<vmem>> -> memref<1x64x128xf32, #tpu.memory_space<vmem>>
        %dma_wait3A_1424 = tpu.memref_squeeze %dma_wait3A_1423 : memref<1x64x128xf32, #tpu.memory_space<vmem>> -> memref<64x128xf32, #tpu.memory_space<vmem>>
        %dma_wait3A_1425 = arith.constant 0 : i32
        %dma_wait3A_1426 = arith.constant 0 : i32
        %dma_wait3A_1427 = tpu.memref_slice %arg6[%dma_wait3A_1425, %dma_wait3A_1426] : memref<64x1000000xf32, #tpu.memory_space<hbm>> -> memref<64x128xf32, #tpu.memory_space<hbm>>
        %dma_wait3A_1428 = arith.constant 0 : i32
        %dma_wait3A_1429 = arith.constant 0 : i32
        %dma_wait3A_1430 = tpu.memref_slice %arg17[%dma_wait3A_1420, %dma_wait3A_1428, %dma_wait3A_1429] : memref<8x64x128xf32, #tpu.memory_space<vmem>> -> memref<1x64x128xf32, #tpu.memory_space<vmem>>
        %dma_wait3A_1431 = tpu.memref_squeeze %dma_wait3A_1430 : memref<1x64x128xf32, #tpu.memory_space<vmem>> -> memref<64x128xf32, #tpu.memory_space<vmem>>
        %dma_wait3A_1432 = arith.constant 0 : i32
        %dma_wait3A_1433 = arith.constant 0 : i32
        %dma_wait3A_1434 = tpu.memref_slice %arg6[%dma_wait3A_1432, %dma_wait3A_1433] : memref<64x1000000xf32, #tpu.memory_space<hbm>> -> memref<64x128xf32, #tpu.memory_space<hbm>>
        tpu.wait_dma2 semaphore(%arg22 : memref<!tpu.dma_semaphore, #tpu.memory_space<semaphore_mem>>) src(%dma_wait3A_1434 : memref<64x128xf32, #tpu.memory_space<hbm>>) dst(%dma_wait3A_1431 : memref<64x128xf32, #tpu.memory_space<vmem>>)
        %add3A_1435 = arith.constant 8 : i32
        %add3A_1436 = arith.addi %while3A_1419, %add3A_1435 : i32
        %sub3A_1437 = arith.constant 1 : i32
        %sub3A_1438 = arith.subi %add3A_1436, %sub3A_1437 : i32
        %le3A_1439 = arith.cmpi sle, %sub3A_1438, %shift_right_logical3A_96 : i32
        %convert_element_type3A_1440 = arith.extui %le3A_1439 : i1 to i32
        %cond3A_1441 = arith.constant 0 : i32
        %cond3A_1442 = arith.cmpi ne, %convert_element_type3A_1440, %cond3A_1441 : i32
        scf.if %cond3A_1442 {
          %mul3A_1445 = arith.constant 128 : i32
          %mul3A_1446 = arith.muli %sub3A_1438, %mul3A_1445 : i32
          %multiple_of3A = tpu.assume_multiple %mul3A_1446, 128 : i32
          %rem3A_1447 = arith.constant 8 : i32
          %rem3A_1448 = arith.remsi %sub3A_1438, %rem3A_1447 : i32
          %dma_start3A_1449 = arith.constant 0 : i32
          %dma_start3A_1450 = arith.constant 0 : i32
          %dma_start3A_1451 = tpu.memref_slice %arg17[%rem3A_1448, %dma_start3A_1449, %dma_start3A_1450] : memref<8x64x128xf32, #tpu.memory_space<vmem>> -> memref<1x64x128xf32, #tpu.memory_space<vmem>>
          %dma_start3A_1452 = tpu.memref_squeeze %dma_start3A_1451 : memref<1x64x128xf32, #tpu.memory_space<vmem>> -> memref<64x128xf32, #tpu.memory_space<vmem>>
          %dma_start3A_1453 = arith.constant 0 : i32
          %dma_start3A_1454 = tpu.memref_slice %arg6[%dma_start3A_1453, %multiple_of3A] : memref<64x1000000xf32, #tpu.memory_space<hbm>> -> memref<64x128xf32, #tpu.memory_space<hbm>>
          %dma_start3A_1455 = arith.constant 0 : i32
          %dma_start3A_1456 = arith.constant 0 : i32
          %dma_start3A_1457 = tpu.memref_slice %arg17[%rem3A_1448, %dma_start3A_1455, %dma_start3A_1456] : memref<8x64x128xf32, #tpu.memory_space<vmem>> -> memref<1x64x128xf32, #tpu.memory_space<vmem>>
          %dma_start3A_1458 = tpu.memref_squeeze %dma_start3A_1457 : memref<1x64x128xf32, #tpu.memory_space<vmem>> -> memref<64x128xf32, #tpu.memory_space<vmem>>
          %dma_start3A_1459 = arith.constant 0 : i32
          %dma_start3A_1460 = tpu.memref_slice %arg6[%dma_start3A_1459, %multiple_of3A] : memref<64x1000000xf32, #tpu.memory_space<hbm>> -> memref<64x128xf32, #tpu.memory_space<hbm>>
          tpu.enqueue_dma source(%dma_start3A_1460 : memref<64x128xf32, #tpu.memory_space<hbm>>) target(%dma_start3A_1458 : memref<64x128xf32, #tpu.memory_space<vmem>>) target_semaphore(%arg22 : memref<!tpu.dma_semaphore, #tpu.memory_space<semaphore_mem>>)
        } else {
        }
        %add3A_1443 = arith.constant 1 : i32
        %add3A_1444 = arith.addi %while3A_1419, %add3A_1443 : i32
        scf.yield %add3A_1444 : i32
      }
      %rem3A_653 = arith.constant 8 : i32
      %rem3A_654 = arith.remsi %shift_right_logical3A_651, %rem3A_653 : i32
      %broadcast_in_dim3A_655 = vector.broadcast %rem3A_654 : i32 to vector<16xi32>
      %add3A_656 = arith.constant 5 : i32
      %add3A_657 = arith.addi %mul3A_293, %add3A_656 : i32
      %mul3A_658 = arith.constant 128 : i32
      %mul3A_659 = arith.muli %shift_right_logical3A_299, %mul3A_658 : i32
      %sub3A_660 = arith.subi %add3A_657, %mul3A_659 : i32
      %broadcast_in_dim3A_661 = vector.broadcast %sub3A_660 : i32 to vector<16xi32>
      %and3A_662 = arith.constant 127 : i32
      %and3A_663 = arith.andi %squeeze3A_649, %and3A_662 : i32
      %broadcast_in_dim3A_664 = vector.broadcast %and3A_663 : i32 to vector<16xi32>
      %slice3A_665 = vector.extract_strided_slice %get3A_297 {offsets = [5], sizes = [1], strides = [1]} : vector<16xi32> to vector<1xi32>
      %squeeze3A_666 = vector.extract %slice3A_665[0] : i32 from vector<1xi32>
      %and3A_667 = arith.constant 1 : i32
      %and3A_668 = arith.andi %squeeze3A_666, %and3A_667 : i32
      %mul3A_669 = arith.constant 64 : i32
      %mul3A_670 = arith.muli %and3A_668, %mul3A_669 : i32
      %broadcast_in_dim3A_671 = arith.constant 0.000000e+00 : f32
      %broadcast_in_dim3A_672 = vector.broadcast %broadcast_in_dim3A_671 : f32 to vector<16xf32>
      %add3A_673 = arith.constant 0 : i32
      %add3A_674 = vector.broadcast %add3A_673 : i32 to vector<16xi32>
      %add3A_675 = arith.addi %iota3A, %add3A_674 : vector<16xi32>
      %gather3A_676 = tpu.vector_load_idx %arg17[%broadcast_in_dim3A_655, %add3A_675, %broadcast_in_dim3A_664] : memref<8x64x128xf32, #tpu.memory_space<vmem>>[vector<16xi32>, vector<16xi32>, vector<16xi32>], vector<16xf32>,
      %add3A_677 = vector.broadcast %mul3A_670 : i32 to vector<16xi32>
      %add3A_678 = arith.addi %add3A_675, %add3A_677 : vector<16xi32>
      %gather3A_679 = tpu.vector_load_idx %arg18[%broadcast_in_dim3A, %broadcast_in_dim3A_661, %add3A_678] : memref<2x128x128xf32, #tpu.memory_space<vmem>>[vector<16xi32>, vector<16xi32>, vector<16xi32>], vector<16xf32>,
      %mul3A_680 = arith.mulf %gather3A_676, %gather3A_679 : vector<16xf32>
      %add3A_681 = arith.addf %broadcast_in_dim3A_672, %mul3A_680 : vector<16xf32>
      %add3A_682 = arith.constant 16 : i32
      %add3A_683 = vector.broadcast %add3A_682 : i32 to vector<16xi32>
      %add3A_684 = arith.addi %iota3A, %add3A_683 : vector<16xi32>
      %gather3A_685 = tpu.vector_load_idx %arg17[%broadcast_in_dim3A_655, %add3A_684, %broadcast_in_dim3A_664] : memref<8x64x128xf32, #tpu.memory_space<vmem>>[vector<16xi32>, vector<16xi32>, vector<16xi32>], vector<16xf32>,
      %add3A_686 = vector.broadcast %mul3A_670 : i32 to vector<16xi32>
      %add3A_687 = arith.addi %add3A_684, %add3A_686 : vector<16xi32>
      %gather3A_688 = tpu.vector_load_idx %arg18[%broadcast_in_dim3A, %broadcast_in_dim3A_661, %add3A_687] : memref<2x128x128xf32, #tpu.memory_space<vmem>>[vector<16xi32>, vector<16xi32>, vector<16xi32>], vector<16xf32>,
      %mul3A_689 = arith.mulf %gather3A_685, %gather3A_688 : vector<16xf32>
      %add3A_690 = arith.addf %add3A_681, %mul3A_689 : vector<16xf32>
      %add3A_691 = arith.constant 32 : i32
      %add3A_692 = vector.broadcast %add3A_691 : i32 to vector<16xi32>
      %add3A_693 = arith.addi %iota3A, %add3A_692 : vector<16xi32>
      %gather3A_694 = tpu.vector_load_idx %arg17[%broadcast_in_dim3A_655, %add3A_693, %broadcast_in_dim3A_664] : memref<8x64x128xf32, #tpu.memory_space<vmem>>[vector<16xi32>, vector<16xi32>, vector<16xi32>], vector<16xf32>,
      %add3A_695 = vector.broadcast %mul3A_670 : i32 to vector<16xi32>
      %add3A_696 = arith.addi %add3A_693, %add3A_695 : vector<16xi32>
      %gather3A_697 = tpu.vector_load_idx %arg18[%broadcast_in_dim3A, %broadcast_in_dim3A_661, %add3A_696] : memref<2x128x128xf32, #tpu.memory_space<vmem>>[vector<16xi32>, vector<16xi32>, vector<16xi32>], vector<16xf32>,
      %mul3A_698 = arith.mulf %gather3A_694, %gather3A_697 : vector<16xf32>
      %add3A_699 = arith.addf %add3A_690, %mul3A_698 : vector<16xf32>
      %add3A_700 = arith.constant 48 : i32
      %add3A_701 = vector.broadcast %add3A_700 : i32 to vector<16xi32>
      %add3A_702 = arith.addi %iota3A, %add3A_701 : vector<16xi32>
      %gather3A_703 = tpu.vector_load_idx %arg17[%broadcast_in_dim3A_655, %add3A_702, %broadcast_in_dim3A_664] : memref<8x64x128xf32, #tpu.memory_space<vmem>>[vector<16xi32>, vector<16xi32>, vector<16xi32>], vector<16xf32>,
      %add3A_704 = vector.broadcast %mul3A_670 : i32 to vector<16xi32>
      %add3A_705 = arith.addi %add3A_702, %add3A_704 : vector<16xi32>
      %gather3A_706 = tpu.vector_load_idx %arg18[%broadcast_in_dim3A, %broadcast_in_dim3A_661, %add3A_705] : memref<2x128x128xf32, #tpu.memory_space<vmem>>[vector<16xi32>, vector<16xi32>, vector<16xi32>], vector<16xf32>,
      %mul3A_707 = arith.mulf %gather3A_703, %gather3A_706 : vector<16xf32>
      %add3A_708 = arith.addf %add3A_699, %mul3A_707 : vector<16xf32>
      %reduce_sum3A_709 = arith.constant true
      %reduce_sum3A_710 = vector.broadcast %reduce_sum3A_709 : i1 to vector<16xi1>
      %reduce_sum3A_711 = tpu.scan <sum>, %add3A_708 masked %reduce_sum3A_710 : vector<16xf32>, vector<16xi1> -> vector<16xf32>
      %reduce_sum3A_712 = vector.extract %reduce_sum3A_711[15] : f32 from vector<16xf32>
      %broadcast_in_dim3A_713 = vector.broadcast %reduce_sum3A_712 : f32 to vector<16xf32>
      %eq3A_714 = arith.constant 5 : i32
      %eq3A_715 = vector.broadcast %eq3A_714 : i32 to vector<16xi32>
      %eq3A_716 = arith.cmpi eq, %iota3A, %eq3A_715 : vector<16xi32>
      %select_n3A_717 = arith.select %eq3A_716, %broadcast_in_dim3A_713, %select_n3A_647 : vector<16xi1>, vector<16xf32>
      %slice3A_718 = vector.extract_strided_slice %get3A_295 {offsets = [6], sizes = [1], strides = [1]} : vector<16xi32> to vector<1xi32>
      %squeeze3A_719 = vector.extract %slice3A_718[0] : i32 from vector<1xi32>
      %shift_right_logical3A_720 = arith.constant 7 : i32
      %shift_right_logical3A_721 = arith.shrui %squeeze3A_719, %shift_right_logical3A_720 : i32
      %while3A_722 = scf.while (%while3A_1419 = %while3A_652) : (i32) -> i32 {
        %le3A_1420 = arith.cmpi sle, %while3A_1419, %shift_right_logical3A_721 : i32
        scf.condition(%le3A_1420) %while3A_1419 : i32
      } do {
      ^bb0(%while3A_1419: i32):
        %dma_wait3A_1420 = arith.constant 0 : i32
        %dma_wait3A_1421 = arith.constant 0 : i32
        %dma_wait3A_1422 = arith.constant 0 : i32
        %dma_wait3A_1423 = tpu.memref_slice %arg17[%dma_wait3A_1420, %dma_wait3A_1421, %dma_wait3A_1422] : memref<8x64x128xf32, #tpu.memory_space<vmem>> -> memref<1x64x128xf32, #tpu.memory_space<vmem>>
        %dma_wait3A_1424 = tpu.memref_squeeze %dma_wait3A_1423 : memref<1x64x128xf32, #tpu.memory_space<vmem>> -> memref<64x128xf32, #tpu.memory_space<vmem>>
        %dma_wait3A_1425 = arith.constant 0 : i32
        %dma_wait3A_1426 = arith.constant 0 : i32
        %dma_wait3A_1427 = tpu.memref_slice %arg6[%dma_wait3A_1425, %dma_wait3A_1426] : memref<64x1000000xf32, #tpu.memory_space<hbm>> -> memref<64x128xf32, #tpu.memory_space<hbm>>
        %dma_wait3A_1428 = arith.constant 0 : i32
        %dma_wait3A_1429 = arith.constant 0 : i32
        %dma_wait3A_1430 = tpu.memref_slice %arg17[%dma_wait3A_1420, %dma_wait3A_1428, %dma_wait3A_1429] : memref<8x64x128xf32, #tpu.memory_space<vmem>> -> memref<1x64x128xf32, #tpu.memory_space<vmem>>
        %dma_wait3A_1431 = tpu.memref_squeeze %dma_wait3A_1430 : memref<1x64x128xf32, #tpu.memory_space<vmem>> -> memref<64x128xf32, #tpu.memory_space<vmem>>
        %dma_wait3A_1432 = arith.constant 0 : i32
        %dma_wait3A_1433 = arith.constant 0 : i32
        %dma_wait3A_1434 = tpu.memref_slice %arg6[%dma_wait3A_1432, %dma_wait3A_1433] : memref<64x1000000xf32, #tpu.memory_space<hbm>> -> memref<64x128xf32, #tpu.memory_space<hbm>>
        tpu.wait_dma2 semaphore(%arg22 : memref<!tpu.dma_semaphore, #tpu.memory_space<semaphore_mem>>) src(%dma_wait3A_1434 : memref<64x128xf32, #tpu.memory_space<hbm>>) dst(%dma_wait3A_1431 : memref<64x128xf32, #tpu.memory_space<vmem>>)
        %add3A_1435 = arith.constant 8 : i32
        %add3A_1436 = arith.addi %while3A_1419, %add3A_1435 : i32
        %sub3A_1437 = arith.constant 1 : i32
        %sub3A_1438 = arith.subi %add3A_1436, %sub3A_1437 : i32
        %le3A_1439 = arith.cmpi sle, %sub3A_1438, %shift_right_logical3A_96 : i32
        %convert_element_type3A_1440 = arith.extui %le3A_1439 : i1 to i32
        %cond3A_1441 = arith.constant 0 : i32
        %cond3A_1442 = arith.cmpi ne, %convert_element_type3A_1440, %cond3A_1441 : i32
        scf.if %cond3A_1442 {
          %mul3A_1445 = arith.constant 128 : i32
          %mul3A_1446 = arith.muli %sub3A_1438, %mul3A_1445 : i32
          %multiple_of3A = tpu.assume_multiple %mul3A_1446, 128 : i32
          %rem3A_1447 = arith.constant 8 : i32
          %rem3A_1448 = arith.remsi %sub3A_1438, %rem3A_1447 : i32
          %dma_start3A_1449 = arith.constant 0 : i32
          %dma_start3A_1450 = arith.constant 0 : i32
          %dma_start3A_1451 = tpu.memref_slice %arg17[%rem3A_1448, %dma_start3A_1449, %dma_start3A_1450] : memref<8x64x128xf32, #tpu.memory_space<vmem>> -> memref<1x64x128xf32, #tpu.memory_space<vmem>>
          %dma_start3A_1452 = tpu.memref_squeeze %dma_start3A_1451 : memref<1x64x128xf32, #tpu.memory_space<vmem>> -> memref<64x128xf32, #tpu.memory_space<vmem>>
          %dma_start3A_1453 = arith.constant 0 : i32
          %dma_start3A_1454 = tpu.memref_slice %arg6[%dma_start3A_1453, %multiple_of3A] : memref<64x1000000xf32, #tpu.memory_space<hbm>> -> memref<64x128xf32, #tpu.memory_space<hbm>>
          %dma_start3A_1455 = arith.constant 0 : i32
          %dma_start3A_1456 = arith.constant 0 : i32
          %dma_start3A_1457 = tpu.memref_slice %arg17[%rem3A_1448, %dma_start3A_1455, %dma_start3A_1456] : memref<8x64x128xf32, #tpu.memory_space<vmem>> -> memref<1x64x128xf32, #tpu.memory_space<vmem>>
          %dma_start3A_1458 = tpu.memref_squeeze %dma_start3A_1457 : memref<1x64x128xf32, #tpu.memory_space<vmem>> -> memref<64x128xf32, #tpu.memory_space<vmem>>
          %dma_start3A_1459 = arith.constant 0 : i32
          %dma_start3A_1460 = tpu.memref_slice %arg6[%dma_start3A_1459, %multiple_of3A] : memref<64x1000000xf32, #tpu.memory_space<hbm>> -> memref<64x128xf32, #tpu.memory_space<hbm>>
          tpu.enqueue_dma source(%dma_start3A_1460 : memref<64x128xf32, #tpu.memory_space<hbm>>) target(%dma_start3A_1458 : memref<64x128xf32, #tpu.memory_space<vmem>>) target_semaphore(%arg22 : memref<!tpu.dma_semaphore, #tpu.memory_space<semaphore_mem>>)
        } else {
        }
        %add3A_1443 = arith.constant 1 : i32
        %add3A_1444 = arith.addi %while3A_1419, %add3A_1443 : i32
        scf.yield %add3A_1444 : i32
      }
      %rem3A_723 = arith.constant 8 : i32
      %rem3A_724 = arith.remsi %shift_right_logical3A_721, %rem3A_723 : i32
      %broadcast_in_dim3A_725 = vector.broadcast %rem3A_724 : i32 to vector<16xi32>
      %add3A_726 = arith.constant 6 : i32
      %add3A_727 = arith.addi %mul3A_293, %add3A_726 : i32
      %mul3A_728 = arith.constant 128 : i32
      %mul3A_729 = arith.muli %shift_right_logical3A_299, %mul3A_728 : i32
      %sub3A_730 = arith.subi %add3A_727, %mul3A_729 : i32
      %broadcast_in_dim3A_731 = vector.broadcast %sub3A_730 : i32 to vector<16xi32>
      %and3A_732 = arith.constant 127 : i32
      %and3A_733 = arith.andi %squeeze3A_719, %and3A_732 : i32
      %broadcast_in_dim3A_734 = vector.broadcast %and3A_733 : i32 to vector<16xi32>
      %slice3A_735 = vector.extract_strided_slice %get3A_297 {offsets = [6], sizes = [1], strides = [1]} : vector<16xi32> to vector<1xi32>
      %squeeze3A_736 = vector.extract %slice3A_735[0] : i32 from vector<1xi32>
      %and3A_737 = arith.constant 1 : i32
      %and3A_738 = arith.andi %squeeze3A_736, %and3A_737 : i32
      %mul3A_739 = arith.constant 64 : i32
      %mul3A_740 = arith.muli %and3A_738, %mul3A_739 : i32
      %broadcast_in_dim3A_741 = arith.constant 0.000000e+00 : f32
      %broadcast_in_dim3A_742 = vector.broadcast %broadcast_in_dim3A_741 : f32 to vector<16xf32>
      %add3A_743 = arith.constant 0 : i32
      %add3A_744 = vector.broadcast %add3A_743 : i32 to vector<16xi32>
      %add3A_745 = arith.addi %iota3A, %add3A_744 : vector<16xi32>
      %gather3A_746 = tpu.vector_load_idx %arg17[%broadcast_in_dim3A_725, %add3A_745, %broadcast_in_dim3A_734] : memref<8x64x128xf32, #tpu.memory_space<vmem>>[vector<16xi32>, vector<16xi32>, vector<16xi32>], vector<16xf32>,
      %add3A_747 = vector.broadcast %mul3A_740 : i32 to vector<16xi32>
      %add3A_748 = arith.addi %add3A_745, %add3A_747 : vector<16xi32>
      %gather3A_749 = tpu.vector_load_idx %arg18[%broadcast_in_dim3A, %broadcast_in_dim3A_731, %add3A_748] : memref<2x128x128xf32, #tpu.memory_space<vmem>>[vector<16xi32>, vector<16xi32>, vector<16xi32>], vector<16xf32>,
      %mul3A_750 = arith.mulf %gather3A_746, %gather3A_749 : vector<16xf32>
      %add3A_751 = arith.addf %broadcast_in_dim3A_742, %mul3A_750 : vector<16xf32>
      %add3A_752 = arith.constant 16 : i32
      %add3A_753 = vector.broadcast %add3A_752 : i32 to vector<16xi32>
      %add3A_754 = arith.addi %iota3A, %add3A_753 : vector<16xi32>
      %gather3A_755 = tpu.vector_load_idx %arg17[%broadcast_in_dim3A_725, %add3A_754, %broadcast_in_dim3A_734] : memref<8x64x128xf32, #tpu.memory_space<vmem>>[vector<16xi32>, vector<16xi32>, vector<16xi32>], vector<16xf32>,
      %add3A_756 = vector.broadcast %mul3A_740 : i32 to vector<16xi32>
      %add3A_757 = arith.addi %add3A_754, %add3A_756 : vector<16xi32>
      %gather3A_758 = tpu.vector_load_idx %arg18[%broadcast_in_dim3A, %broadcast_in_dim3A_731, %add3A_757] : memref<2x128x128xf32, #tpu.memory_space<vmem>>[vector<16xi32>, vector<16xi32>, vector<16xi32>], vector<16xf32>,
      %mul3A_759 = arith.mulf %gather3A_755, %gather3A_758 : vector<16xf32>
      %add3A_760 = arith.addf %add3A_751, %mul3A_759 : vector<16xf32>
      %add3A_761 = arith.constant 32 : i32
      %add3A_762 = vector.broadcast %add3A_761 : i32 to vector<16xi32>
      %add3A_763 = arith.addi %iota3A, %add3A_762 : vector<16xi32>
      %gather3A_764 = tpu.vector_load_idx %arg17[%broadcast_in_dim3A_725, %add3A_763, %broadcast_in_dim3A_734] : memref<8x64x128xf32, #tpu.memory_space<vmem>>[vector<16xi32>, vector<16xi32>, vector<16xi32>], vector<16xf32>,
      %add3A_765 = vector.broadcast %mul3A_740 : i32 to vector<16xi32>
      %add3A_766 = arith.addi %add3A_763, %add3A_765 : vector<16xi32>
      %gather3A_767 = tpu.vector_load_idx %arg18[%broadcast_in_dim3A, %broadcast_in_dim3A_731, %add3A_766] : memref<2x128x128xf32, #tpu.memory_space<vmem>>[vector<16xi32>, vector<16xi32>, vector<16xi32>], vector<16xf32>,
      %mul3A_768 = arith.mulf %gather3A_764, %gather3A_767 : vector<16xf32>
      %add3A_769 = arith.addf %add3A_760, %mul3A_768 : vector<16xf32>
      %add3A_770 = arith.constant 48 : i32
      %add3A_771 = vector.broadcast %add3A_770 : i32 to vector<16xi32>
      %add3A_772 = arith.addi %iota3A, %add3A_771 : vector<16xi32>
      %gather3A_773 = tpu.vector_load_idx %arg17[%broadcast_in_dim3A_725, %add3A_772, %broadcast_in_dim3A_734] : memref<8x64x128xf32, #tpu.memory_space<vmem>>[vector<16xi32>, vector<16xi32>, vector<16xi32>], vector<16xf32>,
      %add3A_774 = vector.broadcast %mul3A_740 : i32 to vector<16xi32>
      %add3A_775 = arith.addi %add3A_772, %add3A_774 : vector<16xi32>
      %gather3A_776 = tpu.vector_load_idx %arg18[%broadcast_in_dim3A, %broadcast_in_dim3A_731, %add3A_775] : memref<2x128x128xf32, #tpu.memory_space<vmem>>[vector<16xi32>, vector<16xi32>, vector<16xi32>], vector<16xf32>,
      %mul3A_777 = arith.mulf %gather3A_773, %gather3A_776 : vector<16xf32>
      %add3A_778 = arith.addf %add3A_769, %mul3A_777 : vector<16xf32>
      %reduce_sum3A_779 = arith.constant true
      %reduce_sum3A_780 = vector.broadcast %reduce_sum3A_779 : i1 to vector<16xi1>
      %reduce_sum3A_781 = tpu.scan <sum>, %add3A_778 masked %reduce_sum3A_780 : vector<16xf32>, vector<16xi1> -> vector<16xf32>
      %reduce_sum3A_782 = vector.extract %reduce_sum3A_781[15] : f32 from vector<16xf32>
      %broadcast_in_dim3A_783 = vector.broadcast %reduce_sum3A_782 : f32 to vector<16xf32>
      %eq3A_784 = arith.constant 6 : i32
      %eq3A_785 = vector.broadcast %eq3A_784 : i32 to vector<16xi32>
      %eq3A_786 = arith.cmpi eq, %iota3A, %eq3A_785 : vector<16xi32>
      %select_n3A_787 = arith.select %eq3A_786, %broadcast_in_dim3A_783, %select_n3A_717 : vector<16xi1>, vector<16xf32>
      %slice3A_788 = vector.extract_strided_slice %get3A_295 {offsets = [7], sizes = [1], strides = [1]} : vector<16xi32> to vector<1xi32>
      %squeeze3A_789 = vector.extract %slice3A_788[0] : i32 from vector<1xi32>
      %shift_right_logical3A_790 = arith.constant 7 : i32
      %shift_right_logical3A_791 = arith.shrui %squeeze3A_789, %shift_right_logical3A_790 : i32
      %while3A_792 = scf.while (%while3A_1419 = %while3A_722) : (i32) -> i32 {
        %le3A_1420 = arith.cmpi sle, %while3A_1419, %shift_right_logical3A_791 : i32
        scf.condition(%le3A_1420) %while3A_1419 : i32
      } do {
      ^bb0(%while3A_1419: i32):
        %dma_wait3A_1420 = arith.constant 0 : i32
        %dma_wait3A_1421 = arith.constant 0 : i32
        %dma_wait3A_1422 = arith.constant 0 : i32
        %dma_wait3A_1423 = tpu.memref_slice %arg17[%dma_wait3A_1420, %dma_wait3A_1421, %dma_wait3A_1422] : memref<8x64x128xf32, #tpu.memory_space<vmem>> -> memref<1x64x128xf32, #tpu.memory_space<vmem>>
        %dma_wait3A_1424 = tpu.memref_squeeze %dma_wait3A_1423 : memref<1x64x128xf32, #tpu.memory_space<vmem>> -> memref<64x128xf32, #tpu.memory_space<vmem>>
        %dma_wait3A_1425 = arith.constant 0 : i32
        %dma_wait3A_1426 = arith.constant 0 : i32
        %dma_wait3A_1427 = tpu.memref_slice %arg6[%dma_wait3A_1425, %dma_wait3A_1426] : memref<64x1000000xf32, #tpu.memory_space<hbm>> -> memref<64x128xf32, #tpu.memory_space<hbm>>
        %dma_wait3A_1428 = arith.constant 0 : i32
        %dma_wait3A_1429 = arith.constant 0 : i32
        %dma_wait3A_1430 = tpu.memref_slice %arg17[%dma_wait3A_1420, %dma_wait3A_1428, %dma_wait3A_1429] : memref<8x64x128xf32, #tpu.memory_space<vmem>> -> memref<1x64x128xf32, #tpu.memory_space<vmem>>
        %dma_wait3A_1431 = tpu.memref_squeeze %dma_wait3A_1430 : memref<1x64x128xf32, #tpu.memory_space<vmem>> -> memref<64x128xf32, #tpu.memory_space<vmem>>
        %dma_wait3A_1432 = arith.constant 0 : i32
        %dma_wait3A_1433 = arith.constant 0 : i32
        %dma_wait3A_1434 = tpu.memref_slice %arg6[%dma_wait3A_1432, %dma_wait3A_1433] : memref<64x1000000xf32, #tpu.memory_space<hbm>> -> memref<64x128xf32, #tpu.memory_space<hbm>>
        tpu.wait_dma2 semaphore(%arg22 : memref<!tpu.dma_semaphore, #tpu.memory_space<semaphore_mem>>) src(%dma_wait3A_1434 : memref<64x128xf32, #tpu.memory_space<hbm>>) dst(%dma_wait3A_1431 : memref<64x128xf32, #tpu.memory_space<vmem>>)
        %add3A_1435 = arith.constant 8 : i32
        %add3A_1436 = arith.addi %while3A_1419, %add3A_1435 : i32
        %sub3A_1437 = arith.constant 1 : i32
        %sub3A_1438 = arith.subi %add3A_1436, %sub3A_1437 : i32
        %le3A_1439 = arith.cmpi sle, %sub3A_1438, %shift_right_logical3A_96 : i32
        %convert_element_type3A_1440 = arith.extui %le3A_1439 : i1 to i32
        %cond3A_1441 = arith.constant 0 : i32
        %cond3A_1442 = arith.cmpi ne, %convert_element_type3A_1440, %cond3A_1441 : i32
        scf.if %cond3A_1442 {
          %mul3A_1445 = arith.constant 128 : i32
          %mul3A_1446 = arith.muli %sub3A_1438, %mul3A_1445 : i32
          %multiple_of3A = tpu.assume_multiple %mul3A_1446, 128 : i32
          %rem3A_1447 = arith.constant 8 : i32
          %rem3A_1448 = arith.remsi %sub3A_1438, %rem3A_1447 : i32
          %dma_start3A_1449 = arith.constant 0 : i32
          %dma_start3A_1450 = arith.constant 0 : i32
          %dma_start3A_1451 = tpu.memref_slice %arg17[%rem3A_1448, %dma_start3A_1449, %dma_start3A_1450] : memref<8x64x128xf32, #tpu.memory_space<vmem>> -> memref<1x64x128xf32, #tpu.memory_space<vmem>>
          %dma_start3A_1452 = tpu.memref_squeeze %dma_start3A_1451 : memref<1x64x128xf32, #tpu.memory_space<vmem>> -> memref<64x128xf32, #tpu.memory_space<vmem>>
          %dma_start3A_1453 = arith.constant 0 : i32
          %dma_start3A_1454 = tpu.memref_slice %arg6[%dma_start3A_1453, %multiple_of3A] : memref<64x1000000xf32, #tpu.memory_space<hbm>> -> memref<64x128xf32, #tpu.memory_space<hbm>>
          %dma_start3A_1455 = arith.constant 0 : i32
          %dma_start3A_1456 = arith.constant 0 : i32
          %dma_start3A_1457 = tpu.memref_slice %arg17[%rem3A_1448, %dma_start3A_1455, %dma_start3A_1456] : memref<8x64x128xf32, #tpu.memory_space<vmem>> -> memref<1x64x128xf32, #tpu.memory_space<vmem>>
          %dma_start3A_1458 = tpu.memref_squeeze %dma_start3A_1457 : memref<1x64x128xf32, #tpu.memory_space<vmem>> -> memref<64x128xf32, #tpu.memory_space<vmem>>
          %dma_start3A_1459 = arith.constant 0 : i32
          %dma_start3A_1460 = tpu.memref_slice %arg6[%dma_start3A_1459, %multiple_of3A] : memref<64x1000000xf32, #tpu.memory_space<hbm>> -> memref<64x128xf32, #tpu.memory_space<hbm>>
          tpu.enqueue_dma source(%dma_start3A_1460 : memref<64x128xf32, #tpu.memory_space<hbm>>) target(%dma_start3A_1458 : memref<64x128xf32, #tpu.memory_space<vmem>>) target_semaphore(%arg22 : memref<!tpu.dma_semaphore, #tpu.memory_space<semaphore_mem>>)
        } else {
        }
        %add3A_1443 = arith.constant 1 : i32
        %add3A_1444 = arith.addi %while3A_1419, %add3A_1443 : i32
        scf.yield %add3A_1444 : i32
      }
      %rem3A_793 = arith.constant 8 : i32
      %rem3A_794 = arith.remsi %shift_right_logical3A_791, %rem3A_793 : i32
      %broadcast_in_dim3A_795 = vector.broadcast %rem3A_794 : i32 to vector<16xi32>
      %add3A_796 = arith.constant 7 : i32
      %add3A_797 = arith.addi %mul3A_293, %add3A_796 : i32
      %mul3A_798 = arith.constant 128 : i32
      %mul3A_799 = arith.muli %shift_right_logical3A_299, %mul3A_798 : i32
      %sub3A_800 = arith.subi %add3A_797, %mul3A_799 : i32
      %broadcast_in_dim3A_801 = vector.broadcast %sub3A_800 : i32 to vector<16xi32>
      %and3A_802 = arith.constant 127 : i32
      %and3A_803 = arith.andi %squeeze3A_789, %and3A_802 : i32
      %broadcast_in_dim3A_804 = vector.broadcast %and3A_803 : i32 to vector<16xi32>
      %slice3A_805 = vector.extract_strided_slice %get3A_297 {offsets = [7], sizes = [1], strides = [1]} : vector<16xi32> to vector<1xi32>
      %squeeze3A_806 = vector.extract %slice3A_805[0] : i32 from vector<1xi32>
      %and3A_807 = arith.constant 1 : i32
      %and3A_808 = arith.andi %squeeze3A_806, %and3A_807 : i32
      %mul3A_809 = arith.constant 64 : i32
      %mul3A_810 = arith.muli %and3A_808, %mul3A_809 : i32
      %broadcast_in_dim3A_811 = arith.constant 0.000000e+00 : f32
      %broadcast_in_dim3A_812 = vector.broadcast %broadcast_in_dim3A_811 : f32 to vector<16xf32>
      %add3A_813 = arith.constant 0 : i32
      %add3A_814 = vector.broadcast %add3A_813 : i32 to vector<16xi32>
      %add3A_815 = arith.addi %iota3A, %add3A_814 : vector<16xi32>
      %gather3A_816 = tpu.vector_load_idx %arg17[%broadcast_in_dim3A_795, %add3A_815, %broadcast_in_dim3A_804] : memref<8x64x128xf32, #tpu.memory_space<vmem>>[vector<16xi32>, vector<16xi32>, vector<16xi32>], vector<16xf32>,
      %add3A_817 = vector.broadcast %mul3A_810 : i32 to vector<16xi32>
      %add3A_818 = arith.addi %add3A_815, %add3A_817 : vector<16xi32>
      %gather3A_819 = tpu.vector_load_idx %arg18[%broadcast_in_dim3A, %broadcast_in_dim3A_801, %add3A_818] : memref<2x128x128xf32, #tpu.memory_space<vmem>>[vector<16xi32>, vector<16xi32>, vector<16xi32>], vector<16xf32>,
      %mul3A_820 = arith.mulf %gather3A_816, %gather3A_819 : vector<16xf32>
      %add3A_821 = arith.addf %broadcast_in_dim3A_812, %mul3A_820 : vector<16xf32>
      %add3A_822 = arith.constant 16 : i32
      %add3A_823 = vector.broadcast %add3A_822 : i32 to vector<16xi32>
      %add3A_824 = arith.addi %iota3A, %add3A_823 : vector<16xi32>
      %gather3A_825 = tpu.vector_load_idx %arg17[%broadcast_in_dim3A_795, %add3A_824, %broadcast_in_dim3A_804] : memref<8x64x128xf32, #tpu.memory_space<vmem>>[vector<16xi32>, vector<16xi32>, vector<16xi32>], vector<16xf32>,
      %add3A_826 = vector.broadcast %mul3A_810 : i32 to vector<16xi32>
      %add3A_827 = arith.addi %add3A_824, %add3A_826 : vector<16xi32>
      %gather3A_828 = tpu.vector_load_idx %arg18[%broadcast_in_dim3A, %broadcast_in_dim3A_801, %add3A_827] : memref<2x128x128xf32, #tpu.memory_space<vmem>>[vector<16xi32>, vector<16xi32>, vector<16xi32>], vector<16xf32>,
      %mul3A_829 = arith.mulf %gather3A_825, %gather3A_828 : vector<16xf32>
      %add3A_830 = arith.addf %add3A_821, %mul3A_829 : vector<16xf32>
      %add3A_831 = arith.constant 32 : i32
      %add3A_832 = vector.broadcast %add3A_831 : i32 to vector<16xi32>
      %add3A_833 = arith.addi %iota3A, %add3A_832 : vector<16xi32>
      %gather3A_834 = tpu.vector_load_idx %arg17[%broadcast_in_dim3A_795, %add3A_833, %broadcast_in_dim3A_804] : memref<8x64x128xf32, #tpu.memory_space<vmem>>[vector<16xi32>, vector<16xi32>, vector<16xi32>], vector<16xf32>,
      %add3A_835 = vector.broadcast %mul3A_810 : i32 to vector<16xi32>
      %add3A_836 = arith.addi %add3A_833, %add3A_835 : vector<16xi32>
      %gather3A_837 = tpu.vector_load_idx %arg18[%broadcast_in_dim3A, %broadcast_in_dim3A_801, %add3A_836] : memref<2x128x128xf32, #tpu.memory_space<vmem>>[vector<16xi32>, vector<16xi32>, vector<16xi32>], vector<16xf32>,
      %mul3A_838 = arith.mulf %gather3A_834, %gather3A_837 : vector<16xf32>
      %add3A_839 = arith.addf %add3A_830, %mul3A_838 : vector<16xf32>
      %add3A_840 = arith.constant 48 : i32
      %add3A_841 = vector.broadcast %add3A_840 : i32 to vector<16xi32>
      %add3A_842 = arith.addi %iota3A, %add3A_841 : vector<16xi32>
      %gather3A_843 = tpu.vector_load_idx %arg17[%broadcast_in_dim3A_795, %add3A_842, %broadcast_in_dim3A_804] : memref<8x64x128xf32, #tpu.memory_space<vmem>>[vector<16xi32>, vector<16xi32>, vector<16xi32>], vector<16xf32>,
      %add3A_844 = vector.broadcast %mul3A_810 : i32 to vector<16xi32>
      %add3A_845 = arith.addi %add3A_842, %add3A_844 : vector<16xi32>
      %gather3A_846 = tpu.vector_load_idx %arg18[%broadcast_in_dim3A, %broadcast_in_dim3A_801, %add3A_845] : memref<2x128x128xf32, #tpu.memory_space<vmem>>[vector<16xi32>, vector<16xi32>, vector<16xi32>], vector<16xf32>,
      %mul3A_847 = arith.mulf %gather3A_843, %gather3A_846 : vector<16xf32>
      %add3A_848 = arith.addf %add3A_839, %mul3A_847 : vector<16xf32>
      %reduce_sum3A_849 = arith.constant true
      %reduce_sum3A_850 = vector.broadcast %reduce_sum3A_849 : i1 to vector<16xi1>
      %reduce_sum3A_851 = tpu.scan <sum>, %add3A_848 masked %reduce_sum3A_850 : vector<16xf32>, vector<16xi1> -> vector<16xf32>
      %reduce_sum3A_852 = vector.extract %reduce_sum3A_851[15] : f32 from vector<16xf32>
      %broadcast_in_dim3A_853 = vector.broadcast %reduce_sum3A_852 : f32 to vector<16xf32>
      %eq3A_854 = arith.constant 7 : i32
      %eq3A_855 = vector.broadcast %eq3A_854 : i32 to vector<16xi32>
      %eq3A_856 = arith.cmpi eq, %iota3A, %eq3A_855 : vector<16xi32>
      %select_n3A_857 = arith.select %eq3A_856, %broadcast_in_dim3A_853, %select_n3A_787 : vector<16xi1>, vector<16xf32>
      %slice3A_858 = vector.extract_strided_slice %get3A_295 {offsets = [8], sizes = [1], strides = [1]} : vector<16xi32> to vector<1xi32>
      %squeeze3A_859 = vector.extract %slice3A_858[0] : i32 from vector<1xi32>
      %shift_right_logical3A_860 = arith.constant 7 : i32
      %shift_right_logical3A_861 = arith.shrui %squeeze3A_859, %shift_right_logical3A_860 : i32
      %while3A_862 = scf.while (%while3A_1419 = %while3A_792) : (i32) -> i32 {
        %le3A_1420 = arith.cmpi sle, %while3A_1419, %shift_right_logical3A_861 : i32
        scf.condition(%le3A_1420) %while3A_1419 : i32
      } do {
      ^bb0(%while3A_1419: i32):
        %dma_wait3A_1420 = arith.constant 0 : i32
        %dma_wait3A_1421 = arith.constant 0 : i32
        %dma_wait3A_1422 = arith.constant 0 : i32
        %dma_wait3A_1423 = tpu.memref_slice %arg17[%dma_wait3A_1420, %dma_wait3A_1421, %dma_wait3A_1422] : memref<8x64x128xf32, #tpu.memory_space<vmem>> -> memref<1x64x128xf32, #tpu.memory_space<vmem>>
        %dma_wait3A_1424 = tpu.memref_squeeze %dma_wait3A_1423 : memref<1x64x128xf32, #tpu.memory_space<vmem>> -> memref<64x128xf32, #tpu.memory_space<vmem>>
        %dma_wait3A_1425 = arith.constant 0 : i32
        %dma_wait3A_1426 = arith.constant 0 : i32
        %dma_wait3A_1427 = tpu.memref_slice %arg6[%dma_wait3A_1425, %dma_wait3A_1426] : memref<64x1000000xf32, #tpu.memory_space<hbm>> -> memref<64x128xf32, #tpu.memory_space<hbm>>
        %dma_wait3A_1428 = arith.constant 0 : i32
        %dma_wait3A_1429 = arith.constant 0 : i32
        %dma_wait3A_1430 = tpu.memref_slice %arg17[%dma_wait3A_1420, %dma_wait3A_1428, %dma_wait3A_1429] : memref<8x64x128xf32, #tpu.memory_space<vmem>> -> memref<1x64x128xf32, #tpu.memory_space<vmem>>
        %dma_wait3A_1431 = tpu.memref_squeeze %dma_wait3A_1430 : memref<1x64x128xf32, #tpu.memory_space<vmem>> -> memref<64x128xf32, #tpu.memory_space<vmem>>
        %dma_wait3A_1432 = arith.constant 0 : i32
        %dma_wait3A_1433 = arith.constant 0 : i32
        %dma_wait3A_1434 = tpu.memref_slice %arg6[%dma_wait3A_1432, %dma_wait3A_1433] : memref<64x1000000xf32, #tpu.memory_space<hbm>> -> memref<64x128xf32, #tpu.memory_space<hbm>>
        tpu.wait_dma2 semaphore(%arg22 : memref<!tpu.dma_semaphore, #tpu.memory_space<semaphore_mem>>) src(%dma_wait3A_1434 : memref<64x128xf32, #tpu.memory_space<hbm>>) dst(%dma_wait3A_1431 : memref<64x128xf32, #tpu.memory_space<vmem>>)
        %add3A_1435 = arith.constant 8 : i32
        %add3A_1436 = arith.addi %while3A_1419, %add3A_1435 : i32
        %sub3A_1437 = arith.constant 1 : i32
        %sub3A_1438 = arith.subi %add3A_1436, %sub3A_1437 : i32
        %le3A_1439 = arith.cmpi sle, %sub3A_1438, %shift_right_logical3A_96 : i32
        %convert_element_type3A_1440 = arith.extui %le3A_1439 : i1 to i32
        %cond3A_1441 = arith.constant 0 : i32
        %cond3A_1442 = arith.cmpi ne, %convert_element_type3A_1440, %cond3A_1441 : i32
        scf.if %cond3A_1442 {
          %mul3A_1445 = arith.constant 128 : i32
          %mul3A_1446 = arith.muli %sub3A_1438, %mul3A_1445 : i32
          %multiple_of3A = tpu.assume_multiple %mul3A_1446, 128 : i32
          %rem3A_1447 = arith.constant 8 : i32
          %rem3A_1448 = arith.remsi %sub3A_1438, %rem3A_1447 : i32
          %dma_start3A_1449 = arith.constant 0 : i32
          %dma_start3A_1450 = arith.constant 0 : i32
          %dma_start3A_1451 = tpu.memref_slice %arg17[%rem3A_1448, %dma_start3A_1449, %dma_start3A_1450] : memref<8x64x128xf32, #tpu.memory_space<vmem>> -> memref<1x64x128xf32, #tpu.memory_space<vmem>>
          %dma_start3A_1452 = tpu.memref_squeeze %dma_start3A_1451 : memref<1x64x128xf32, #tpu.memory_space<vmem>> -> memref<64x128xf32, #tpu.memory_space<vmem>>
          %dma_start3A_1453 = arith.constant 0 : i32
          %dma_start3A_1454 = tpu.memref_slice %arg6[%dma_start3A_1453, %multiple_of3A] : memref<64x1000000xf32, #tpu.memory_space<hbm>> -> memref<64x128xf32, #tpu.memory_space<hbm>>
          %dma_start3A_1455 = arith.constant 0 : i32
          %dma_start3A_1456 = arith.constant 0 : i32
          %dma_start3A_1457 = tpu.memref_slice %arg17[%rem3A_1448, %dma_start3A_1455, %dma_start3A_1456] : memref<8x64x128xf32, #tpu.memory_space<vmem>> -> memref<1x64x128xf32, #tpu.memory_space<vmem>>
          %dma_start3A_1458 = tpu.memref_squeeze %dma_start3A_1457 : memref<1x64x128xf32, #tpu.memory_space<vmem>> -> memref<64x128xf32, #tpu.memory_space<vmem>>
          %dma_start3A_1459 = arith.constant 0 : i32
          %dma_start3A_1460 = tpu.memref_slice %arg6[%dma_start3A_1459, %multiple_of3A] : memref<64x1000000xf32, #tpu.memory_space<hbm>> -> memref<64x128xf32, #tpu.memory_space<hbm>>
          tpu.enqueue_dma source(%dma_start3A_1460 : memref<64x128xf32, #tpu.memory_space<hbm>>) target(%dma_start3A_1458 : memref<64x128xf32, #tpu.memory_space<vmem>>) target_semaphore(%arg22 : memref<!tpu.dma_semaphore, #tpu.memory_space<semaphore_mem>>)
        } else {
        }
        %add3A_1443 = arith.constant 1 : i32
        %add3A_1444 = arith.addi %while3A_1419, %add3A_1443 : i32
        scf.yield %add3A_1444 : i32
      }
      %rem3A_863 = arith.constant 8 : i32
      %rem3A_864 = arith.remsi %shift_right_logical3A_861, %rem3A_863 : i32
      %broadcast_in_dim3A_865 = vector.broadcast %rem3A_864 : i32 to vector<16xi32>
      %add3A_866 = arith.constant 8 : i32
      %add3A_867 = arith.addi %mul3A_293, %add3A_866 : i32
      %mul3A_868 = arith.constant 128 : i32
      %mul3A_869 = arith.muli %shift_right_logical3A_299, %mul3A_868 : i32
      %sub3A_870 = arith.subi %add3A_867, %mul3A_869 : i32
      %broadcast_in_dim3A_871 = vector.broadcast %sub3A_870 : i32 to vector<16xi32>
      %and3A_872 = arith.constant 127 : i32
      %and3A_873 = arith.andi %squeeze3A_859, %and3A_872 : i32
      %broadcast_in_dim3A_874 = vector.broadcast %and3A_873 : i32 to vector<16xi32>
      %slice3A_875 = vector.extract_strided_slice %get3A_297 {offsets = [8], sizes = [1], strides = [1]} : vector<16xi32> to vector<1xi32>
      %squeeze3A_876 = vector.extract %slice3A_875[0] : i32 from vector<1xi32>
      %and3A_877 = arith.constant 1 : i32
      %and3A_878 = arith.andi %squeeze3A_876, %and3A_877 : i32
      %mul3A_879 = arith.constant 64 : i32
      %mul3A_880 = arith.muli %and3A_878, %mul3A_879 : i32
      %broadcast_in_dim3A_881 = arith.constant 0.000000e+00 : f32
      %broadcast_in_dim3A_882 = vector.broadcast %broadcast_in_dim3A_881 : f32 to vector<16xf32>
      %add3A_883 = arith.constant 0 : i32
      %add3A_884 = vector.broadcast %add3A_883 : i32 to vector<16xi32>
      %add3A_885 = arith.addi %iota3A, %add3A_884 : vector<16xi32>
      %gather3A_886 = tpu.vector_load_idx %arg17[%broadcast_in_dim3A_865, %add3A_885, %broadcast_in_dim3A_874] : memref<8x64x128xf32, #tpu.memory_space<vmem>>[vector<16xi32>, vector<16xi32>, vector<16xi32>], vector<16xf32>,
      %add3A_887 = vector.broadcast %mul3A_880 : i32 to vector<16xi32>
      %add3A_888 = arith.addi %add3A_885, %add3A_887 : vector<16xi32>
      %gather3A_889 = tpu.vector_load_idx %arg18[%broadcast_in_dim3A, %broadcast_in_dim3A_871, %add3A_888] : memref<2x128x128xf32, #tpu.memory_space<vmem>>[vector<16xi32>, vector<16xi32>, vector<16xi32>], vector<16xf32>,
      %mul3A_890 = arith.mulf %gather3A_886, %gather3A_889 : vector<16xf32>
      %add3A_891 = arith.addf %broadcast_in_dim3A_882, %mul3A_890 : vector<16xf32>
      %add3A_892 = arith.constant 16 : i32
      %add3A_893 = vector.broadcast %add3A_892 : i32 to vector<16xi32>
      %add3A_894 = arith.addi %iota3A, %add3A_893 : vector<16xi32>
      %gather3A_895 = tpu.vector_load_idx %arg17[%broadcast_in_dim3A_865, %add3A_894, %broadcast_in_dim3A_874] : memref<8x64x128xf32, #tpu.memory_space<vmem>>[vector<16xi32>, vector<16xi32>, vector<16xi32>], vector<16xf32>,
      %add3A_896 = vector.broadcast %mul3A_880 : i32 to vector<16xi32>
      %add3A_897 = arith.addi %add3A_894, %add3A_896 : vector<16xi32>
      %gather3A_898 = tpu.vector_load_idx %arg18[%broadcast_in_dim3A, %broadcast_in_dim3A_871, %add3A_897] : memref<2x128x128xf32, #tpu.memory_space<vmem>>[vector<16xi32>, vector<16xi32>, vector<16xi32>], vector<16xf32>,
      %mul3A_899 = arith.mulf %gather3A_895, %gather3A_898 : vector<16xf32>
      %add3A_900 = arith.addf %add3A_891, %mul3A_899 : vector<16xf32>
      %add3A_901 = arith.constant 32 : i32
      %add3A_902 = vector.broadcast %add3A_901 : i32 to vector<16xi32>
      %add3A_903 = arith.addi %iota3A, %add3A_902 : vector<16xi32>
      %gather3A_904 = tpu.vector_load_idx %arg17[%broadcast_in_dim3A_865, %add3A_903, %broadcast_in_dim3A_874] : memref<8x64x128xf32, #tpu.memory_space<vmem>>[vector<16xi32>, vector<16xi32>, vector<16xi32>], vector<16xf32>,
      %add3A_905 = vector.broadcast %mul3A_880 : i32 to vector<16xi32>
      %add3A_906 = arith.addi %add3A_903, %add3A_905 : vector<16xi32>
      %gather3A_907 = tpu.vector_load_idx %arg18[%broadcast_in_dim3A, %broadcast_in_dim3A_871, %add3A_906] : memref<2x128x128xf32, #tpu.memory_space<vmem>>[vector<16xi32>, vector<16xi32>, vector<16xi32>], vector<16xf32>,
      %mul3A_908 = arith.mulf %gather3A_904, %gather3A_907 : vector<16xf32>
      %add3A_909 = arith.addf %add3A_900, %mul3A_908 : vector<16xf32>
      %add3A_910 = arith.constant 48 : i32
      %add3A_911 = vector.broadcast %add3A_910 : i32 to vector<16xi32>
      %add3A_912 = arith.addi %iota3A, %add3A_911 : vector<16xi32>
      %gather3A_913 = tpu.vector_load_idx %arg17[%broadcast_in_dim3A_865, %add3A_912, %broadcast_in_dim3A_874] : memref<8x64x128xf32, #tpu.memory_space<vmem>>[vector<16xi32>, vector<16xi32>, vector<16xi32>], vector<16xf32>,
      %add3A_914 = vector.broadcast %mul3A_880 : i32 to vector<16xi32>
      %add3A_915 = arith.addi %add3A_912, %add3A_914 : vector<16xi32>
      %gather3A_916 = tpu.vector_load_idx %arg18[%broadcast_in_dim3A, %broadcast_in_dim3A_871, %add3A_915] : memref<2x128x128xf32, #tpu.memory_space<vmem>>[vector<16xi32>, vector<16xi32>, vector<16xi32>], vector<16xf32>,
      %mul3A_917 = arith.mulf %gather3A_913, %gather3A_916 : vector<16xf32>
      %add3A_918 = arith.addf %add3A_909, %mul3A_917 : vector<16xf32>
      %reduce_sum3A_919 = arith.constant true
      %reduce_sum3A_920 = vector.broadcast %reduce_sum3A_919 : i1 to vector<16xi1>
      %reduce_sum3A_921 = tpu.scan <sum>, %add3A_918 masked %reduce_sum3A_920 : vector<16xf32>, vector<16xi1> -> vector<16xf32>
      %reduce_sum3A_922 = vector.extract %reduce_sum3A_921[15] : f32 from vector<16xf32>
      %broadcast_in_dim3A_923 = vector.broadcast %reduce_sum3A_922 : f32 to vector<16xf32>
      %eq3A_924 = arith.constant 8 : i32
      %eq3A_925 = vector.broadcast %eq3A_924 : i32 to vector<16xi32>
      %eq3A_926 = arith.cmpi eq, %iota3A, %eq3A_925 : vector<16xi32>
      %select_n3A_927 = arith.select %eq3A_926, %broadcast_in_dim3A_923, %select_n3A_857 : vector<16xi1>, vector<16xf32>
      %slice3A_928 = vector.extract_strided_slice %get3A_295 {offsets = [9], sizes = [1], strides = [1]} : vector<16xi32> to vector<1xi32>
      %squeeze3A_929 = vector.extract %slice3A_928[0] : i32 from vector<1xi32>
      %shift_right_logical3A_930 = arith.constant 7 : i32
      %shift_right_logical3A_931 = arith.shrui %squeeze3A_929, %shift_right_logical3A_930 : i32
      %while3A_932 = scf.while (%while3A_1419 = %while3A_862) : (i32) -> i32 {
        %le3A_1420 = arith.cmpi sle, %while3A_1419, %shift_right_logical3A_931 : i32
        scf.condition(%le3A_1420) %while3A_1419 : i32
      } do {
      ^bb0(%while3A_1419: i32):
        %dma_wait3A_1420 = arith.constant 0 : i32
        %dma_wait3A_1421 = arith.constant 0 : i32
        %dma_wait3A_1422 = arith.constant 0 : i32
        %dma_wait3A_1423 = tpu.memref_slice %arg17[%dma_wait3A_1420, %dma_wait3A_1421, %dma_wait3A_1422] : memref<8x64x128xf32, #tpu.memory_space<vmem>> -> memref<1x64x128xf32, #tpu.memory_space<vmem>>
        %dma_wait3A_1424 = tpu.memref_squeeze %dma_wait3A_1423 : memref<1x64x128xf32, #tpu.memory_space<vmem>> -> memref<64x128xf32, #tpu.memory_space<vmem>>
        %dma_wait3A_1425 = arith.constant 0 : i32
        %dma_wait3A_1426 = arith.constant 0 : i32
        %dma_wait3A_1427 = tpu.memref_slice %arg6[%dma_wait3A_1425, %dma_wait3A_1426] : memref<64x1000000xf32, #tpu.memory_space<hbm>> -> memref<64x128xf32, #tpu.memory_space<hbm>>
        %dma_wait3A_1428 = arith.constant 0 : i32
        %dma_wait3A_1429 = arith.constant 0 : i32
        %dma_wait3A_1430 = tpu.memref_slice %arg17[%dma_wait3A_1420, %dma_wait3A_1428, %dma_wait3A_1429] : memref<8x64x128xf32, #tpu.memory_space<vmem>> -> memref<1x64x128xf32, #tpu.memory_space<vmem>>
        %dma_wait3A_1431 = tpu.memref_squeeze %dma_wait3A_1430 : memref<1x64x128xf32, #tpu.memory_space<vmem>> -> memref<64x128xf32, #tpu.memory_space<vmem>>
        %dma_wait3A_1432 = arith.constant 0 : i32
        %dma_wait3A_1433 = arith.constant 0 : i32
        %dma_wait3A_1434 = tpu.memref_slice %arg6[%dma_wait3A_1432, %dma_wait3A_1433] : memref<64x1000000xf32, #tpu.memory_space<hbm>> -> memref<64x128xf32, #tpu.memory_space<hbm>>
        tpu.wait_dma2 semaphore(%arg22 : memref<!tpu.dma_semaphore, #tpu.memory_space<semaphore_mem>>) src(%dma_wait3A_1434 : memref<64x128xf32, #tpu.memory_space<hbm>>) dst(%dma_wait3A_1431 : memref<64x128xf32, #tpu.memory_space<vmem>>)
        %add3A_1435 = arith.constant 8 : i32
        %add3A_1436 = arith.addi %while3A_1419, %add3A_1435 : i32
        %sub3A_1437 = arith.constant 1 : i32
        %sub3A_1438 = arith.subi %add3A_1436, %sub3A_1437 : i32
        %le3A_1439 = arith.cmpi sle, %sub3A_1438, %shift_right_logical3A_96 : i32
        %convert_element_type3A_1440 = arith.extui %le3A_1439 : i1 to i32
        %cond3A_1441 = arith.constant 0 : i32
        %cond3A_1442 = arith.cmpi ne, %convert_element_type3A_1440, %cond3A_1441 : i32
        scf.if %cond3A_1442 {
          %mul3A_1445 = arith.constant 128 : i32
          %mul3A_1446 = arith.muli %sub3A_1438, %mul3A_1445 : i32
          %multiple_of3A = tpu.assume_multiple %mul3A_1446, 128 : i32
          %rem3A_1447 = arith.constant 8 : i32
          %rem3A_1448 = arith.remsi %sub3A_1438, %rem3A_1447 : i32
          %dma_start3A_1449 = arith.constant 0 : i32
          %dma_start3A_1450 = arith.constant 0 : i32
          %dma_start3A_1451 = tpu.memref_slice %arg17[%rem3A_1448, %dma_start3A_1449, %dma_start3A_1450] : memref<8x64x128xf32, #tpu.memory_space<vmem>> -> memref<1x64x128xf32, #tpu.memory_space<vmem>>
          %dma_start3A_1452 = tpu.memref_squeeze %dma_start3A_1451 : memref<1x64x128xf32, #tpu.memory_space<vmem>> -> memref<64x128xf32, #tpu.memory_space<vmem>>
          %dma_start3A_1453 = arith.constant 0 : i32
          %dma_start3A_1454 = tpu.memref_slice %arg6[%dma_start3A_1453, %multiple_of3A] : memref<64x1000000xf32, #tpu.memory_space<hbm>> -> memref<64x128xf32, #tpu.memory_space<hbm>>
          %dma_start3A_1455 = arith.constant 0 : i32
          %dma_start3A_1456 = arith.constant 0 : i32
          %dma_start3A_1457 = tpu.memref_slice %arg17[%rem3A_1448, %dma_start3A_1455, %dma_start3A_1456] : memref<8x64x128xf32, #tpu.memory_space<vmem>> -> memref<1x64x128xf32, #tpu.memory_space<vmem>>
          %dma_start3A_1458 = tpu.memref_squeeze %dma_start3A_1457 : memref<1x64x128xf32, #tpu.memory_space<vmem>> -> memref<64x128xf32, #tpu.memory_space<vmem>>
          %dma_start3A_1459 = arith.constant 0 : i32
          %dma_start3A_1460 = tpu.memref_slice %arg6[%dma_start3A_1459, %multiple_of3A] : memref<64x1000000xf32, #tpu.memory_space<hbm>> -> memref<64x128xf32, #tpu.memory_space<hbm>>
          tpu.enqueue_dma source(%dma_start3A_1460 : memref<64x128xf32, #tpu.memory_space<hbm>>) target(%dma_start3A_1458 : memref<64x128xf32, #tpu.memory_space<vmem>>) target_semaphore(%arg22 : memref<!tpu.dma_semaphore, #tpu.memory_space<semaphore_mem>>)
        } else {
        }
        %add3A_1443 = arith.constant 1 : i32
        %add3A_1444 = arith.addi %while3A_1419, %add3A_1443 : i32
        scf.yield %add3A_1444 : i32
      }
      %rem3A_933 = arith.constant 8 : i32
      %rem3A_934 = arith.remsi %shift_right_logical3A_931, %rem3A_933 : i32
      %broadcast_in_dim3A_935 = vector.broadcast %rem3A_934 : i32 to vector<16xi32>
      %add3A_936 = arith.constant 9 : i32
      %add3A_937 = arith.addi %mul3A_293, %add3A_936 : i32
      %mul3A_938 = arith.constant 128 : i32
      %mul3A_939 = arith.muli %shift_right_logical3A_299, %mul3A_938 : i32
      %sub3A_940 = arith.subi %add3A_937, %mul3A_939 : i32
      %broadcast_in_dim3A_941 = vector.broadcast %sub3A_940 : i32 to vector<16xi32>
      %and3A_942 = arith.constant 127 : i32
      %and3A_943 = arith.andi %squeeze3A_929, %and3A_942 : i32
      %broadcast_in_dim3A_944 = vector.broadcast %and3A_943 : i32 to vector<16xi32>
      %slice3A_945 = vector.extract_strided_slice %get3A_297 {offsets = [9], sizes = [1], strides = [1]} : vector<16xi32> to vector<1xi32>
      %squeeze3A_946 = vector.extract %slice3A_945[0] : i32 from vector<1xi32>
      %and3A_947 = arith.constant 1 : i32
      %and3A_948 = arith.andi %squeeze3A_946, %and3A_947 : i32
      %mul3A_949 = arith.constant 64 : i32
      %mul3A_950 = arith.muli %and3A_948, %mul3A_949 : i32
      %broadcast_in_dim3A_951 = arith.constant 0.000000e+00 : f32
      %broadcast_in_dim3A_952 = vector.broadcast %broadcast_in_dim3A_951 : f32 to vector<16xf32>
      %add3A_953 = arith.constant 0 : i32
      %add3A_954 = vector.broadcast %add3A_953 : i32 to vector<16xi32>
      %add3A_955 = arith.addi %iota3A, %add3A_954 : vector<16xi32>
      %gather3A_956 = tpu.vector_load_idx %arg17[%broadcast_in_dim3A_935, %add3A_955, %broadcast_in_dim3A_944] : memref<8x64x128xf32, #tpu.memory_space<vmem>>[vector<16xi32>, vector<16xi32>, vector<16xi32>], vector<16xf32>,
      %add3A_957 = vector.broadcast %mul3A_950 : i32 to vector<16xi32>
      %add3A_958 = arith.addi %add3A_955, %add3A_957 : vector<16xi32>
      %gather3A_959 = tpu.vector_load_idx %arg18[%broadcast_in_dim3A, %broadcast_in_dim3A_941, %add3A_958] : memref<2x128x128xf32, #tpu.memory_space<vmem>>[vector<16xi32>, vector<16xi32>, vector<16xi32>], vector<16xf32>,
      %mul3A_960 = arith.mulf %gather3A_956, %gather3A_959 : vector<16xf32>
      %add3A_961 = arith.addf %broadcast_in_dim3A_952, %mul3A_960 : vector<16xf32>
      %add3A_962 = arith.constant 16 : i32
      %add3A_963 = vector.broadcast %add3A_962 : i32 to vector<16xi32>
      %add3A_964 = arith.addi %iota3A, %add3A_963 : vector<16xi32>
      %gather3A_965 = tpu.vector_load_idx %arg17[%broadcast_in_dim3A_935, %add3A_964, %broadcast_in_dim3A_944] : memref<8x64x128xf32, #tpu.memory_space<vmem>>[vector<16xi32>, vector<16xi32>, vector<16xi32>], vector<16xf32>,
      %add3A_966 = vector.broadcast %mul3A_950 : i32 to vector<16xi32>
      %add3A_967 = arith.addi %add3A_964, %add3A_966 : vector<16xi32>
      %gather3A_968 = tpu.vector_load_idx %arg18[%broadcast_in_dim3A, %broadcast_in_dim3A_941, %add3A_967] : memref<2x128x128xf32, #tpu.memory_space<vmem>>[vector<16xi32>, vector<16xi32>, vector<16xi32>], vector<16xf32>,
      %mul3A_969 = arith.mulf %gather3A_965, %gather3A_968 : vector<16xf32>
      %add3A_970 = arith.addf %add3A_961, %mul3A_969 : vector<16xf32>
      %add3A_971 = arith.constant 32 : i32
      %add3A_972 = vector.broadcast %add3A_971 : i32 to vector<16xi32>
      %add3A_973 = arith.addi %iota3A, %add3A_972 : vector<16xi32>
      %gather3A_974 = tpu.vector_load_idx %arg17[%broadcast_in_dim3A_935, %add3A_973, %broadcast_in_dim3A_944] : memref<8x64x128xf32, #tpu.memory_space<vmem>>[vector<16xi32>, vector<16xi32>, vector<16xi32>], vector<16xf32>,
      %add3A_975 = vector.broadcast %mul3A_950 : i32 to vector<16xi32>
      %add3A_976 = arith.addi %add3A_973, %add3A_975 : vector<16xi32>
      %gather3A_977 = tpu.vector_load_idx %arg18[%broadcast_in_dim3A, %broadcast_in_dim3A_941, %add3A_976] : memref<2x128x128xf32, #tpu.memory_space<vmem>>[vector<16xi32>, vector<16xi32>, vector<16xi32>], vector<16xf32>,
      %mul3A_978 = arith.mulf %gather3A_974, %gather3A_977 : vector<16xf32>
      %add3A_979 = arith.addf %add3A_970, %mul3A_978 : vector<16xf32>
      %add3A_980 = arith.constant 48 : i32
      %add3A_981 = vector.broadcast %add3A_980 : i32 to vector<16xi32>
      %add3A_982 = arith.addi %iota3A, %add3A_981 : vector<16xi32>
      %gather3A_983 = tpu.vector_load_idx %arg17[%broadcast_in_dim3A_935, %add3A_982, %broadcast_in_dim3A_944] : memref<8x64x128xf32, #tpu.memory_space<vmem>>[vector<16xi32>, vector<16xi32>, vector<16xi32>], vector<16xf32>,
      %add3A_984 = vector.broadcast %mul3A_950 : i32 to vector<16xi32>
      %add3A_985 = arith.addi %add3A_982, %add3A_984 : vector<16xi32>
      %gather3A_986 = tpu.vector_load_idx %arg18[%broadcast_in_dim3A, %broadcast_in_dim3A_941, %add3A_985] : memref<2x128x128xf32, #tpu.memory_space<vmem>>[vector<16xi32>, vector<16xi32>, vector<16xi32>], vector<16xf32>,
      %mul3A_987 = arith.mulf %gather3A_983, %gather3A_986 : vector<16xf32>
      %add3A_988 = arith.addf %add3A_979, %mul3A_987 : vector<16xf32>
      %reduce_sum3A_989 = arith.constant true
      %reduce_sum3A_990 = vector.broadcast %reduce_sum3A_989 : i1 to vector<16xi1>
      %reduce_sum3A_991 = tpu.scan <sum>, %add3A_988 masked %reduce_sum3A_990 : vector<16xf32>, vector<16xi1> -> vector<16xf32>
      %reduce_sum3A_992 = vector.extract %reduce_sum3A_991[15] : f32 from vector<16xf32>
      %broadcast_in_dim3A_993 = vector.broadcast %reduce_sum3A_992 : f32 to vector<16xf32>
      %eq3A_994 = arith.constant 9 : i32
      %eq3A_995 = vector.broadcast %eq3A_994 : i32 to vector<16xi32>
      %eq3A_996 = arith.cmpi eq, %iota3A, %eq3A_995 : vector<16xi32>
      %select_n3A_997 = arith.select %eq3A_996, %broadcast_in_dim3A_993, %select_n3A_927 : vector<16xi1>, vector<16xf32>
      %slice3A_998 = vector.extract_strided_slice %get3A_295 {offsets = [10], sizes = [1], strides = [1]} : vector<16xi32> to vector<1xi32>
      %squeeze3A_999 = vector.extract %slice3A_998[0] : i32 from vector<1xi32>
      %shift_right_logical3A_1000 = arith.constant 7 : i32
      %shift_right_logical3A_1001 = arith.shrui %squeeze3A_999, %shift_right_logical3A_1000 : i32
      %while3A_1002 = scf.while (%while3A_1419 = %while3A_932) : (i32) -> i32 {
        %le3A_1420 = arith.cmpi sle, %while3A_1419, %shift_right_logical3A_1001 : i32
        scf.condition(%le3A_1420) %while3A_1419 : i32
      } do {
      ^bb0(%while3A_1419: i32):
        %dma_wait3A_1420 = arith.constant 0 : i32
        %dma_wait3A_1421 = arith.constant 0 : i32
        %dma_wait3A_1422 = arith.constant 0 : i32
        %dma_wait3A_1423 = tpu.memref_slice %arg17[%dma_wait3A_1420, %dma_wait3A_1421, %dma_wait3A_1422] : memref<8x64x128xf32, #tpu.memory_space<vmem>> -> memref<1x64x128xf32, #tpu.memory_space<vmem>>
        %dma_wait3A_1424 = tpu.memref_squeeze %dma_wait3A_1423 : memref<1x64x128xf32, #tpu.memory_space<vmem>> -> memref<64x128xf32, #tpu.memory_space<vmem>>
        %dma_wait3A_1425 = arith.constant 0 : i32
        %dma_wait3A_1426 = arith.constant 0 : i32
        %dma_wait3A_1427 = tpu.memref_slice %arg6[%dma_wait3A_1425, %dma_wait3A_1426] : memref<64x1000000xf32, #tpu.memory_space<hbm>> -> memref<64x128xf32, #tpu.memory_space<hbm>>
        %dma_wait3A_1428 = arith.constant 0 : i32
        %dma_wait3A_1429 = arith.constant 0 : i32
        %dma_wait3A_1430 = tpu.memref_slice %arg17[%dma_wait3A_1420, %dma_wait3A_1428, %dma_wait3A_1429] : memref<8x64x128xf32, #tpu.memory_space<vmem>> -> memref<1x64x128xf32, #tpu.memory_space<vmem>>
        %dma_wait3A_1431 = tpu.memref_squeeze %dma_wait3A_1430 : memref<1x64x128xf32, #tpu.memory_space<vmem>> -> memref<64x128xf32, #tpu.memory_space<vmem>>
        %dma_wait3A_1432 = arith.constant 0 : i32
        %dma_wait3A_1433 = arith.constant 0 : i32
        %dma_wait3A_1434 = tpu.memref_slice %arg6[%dma_wait3A_1432, %dma_wait3A_1433] : memref<64x1000000xf32, #tpu.memory_space<hbm>> -> memref<64x128xf32, #tpu.memory_space<hbm>>
        tpu.wait_dma2 semaphore(%arg22 : memref<!tpu.dma_semaphore, #tpu.memory_space<semaphore_mem>>) src(%dma_wait3A_1434 : memref<64x128xf32, #tpu.memory_space<hbm>>) dst(%dma_wait3A_1431 : memref<64x128xf32, #tpu.memory_space<vmem>>)
        %add3A_1435 = arith.constant 8 : i32
        %add3A_1436 = arith.addi %while3A_1419, %add3A_1435 : i32
        %sub3A_1437 = arith.constant 1 : i32
        %sub3A_1438 = arith.subi %add3A_1436, %sub3A_1437 : i32
        %le3A_1439 = arith.cmpi sle, %sub3A_1438, %shift_right_logical3A_96 : i32
        %convert_element_type3A_1440 = arith.extui %le3A_1439 : i1 to i32
        %cond3A_1441 = arith.constant 0 : i32
        %cond3A_1442 = arith.cmpi ne, %convert_element_type3A_1440, %cond3A_1441 : i32
        scf.if %cond3A_1442 {
          %mul3A_1445 = arith.constant 128 : i32
          %mul3A_1446 = arith.muli %sub3A_1438, %mul3A_1445 : i32
          %multiple_of3A = tpu.assume_multiple %mul3A_1446, 128 : i32
          %rem3A_1447 = arith.constant 8 : i32
          %rem3A_1448 = arith.remsi %sub3A_1438, %rem3A_1447 : i32
          %dma_start3A_1449 = arith.constant 0 : i32
          %dma_start3A_1450 = arith.constant 0 : i32
          %dma_start3A_1451 = tpu.memref_slice %arg17[%rem3A_1448, %dma_start3A_1449, %dma_start3A_1450] : memref<8x64x128xf32, #tpu.memory_space<vmem>> -> memref<1x64x128xf32, #tpu.memory_space<vmem>>
          %dma_start3A_1452 = tpu.memref_squeeze %dma_start3A_1451 : memref<1x64x128xf32, #tpu.memory_space<vmem>> -> memref<64x128xf32, #tpu.memory_space<vmem>>
          %dma_start3A_1453 = arith.constant 0 : i32
          %dma_start3A_1454 = tpu.memref_slice %arg6[%dma_start3A_1453, %multiple_of3A] : memref<64x1000000xf32, #tpu.memory_space<hbm>> -> memref<64x128xf32, #tpu.memory_space<hbm>>
          %dma_start3A_1455 = arith.constant 0 : i32
          %dma_start3A_1456 = arith.constant 0 : i32
          %dma_start3A_1457 = tpu.memref_slice %arg17[%rem3A_1448, %dma_start3A_1455, %dma_start3A_1456] : memref<8x64x128xf32, #tpu.memory_space<vmem>> -> memref<1x64x128xf32, #tpu.memory_space<vmem>>
          %dma_start3A_1458 = tpu.memref_squeeze %dma_start3A_1457 : memref<1x64x128xf32, #tpu.memory_space<vmem>> -> memref<64x128xf32, #tpu.memory_space<vmem>>
          %dma_start3A_1459 = arith.constant 0 : i32
          %dma_start3A_1460 = tpu.memref_slice %arg6[%dma_start3A_1459, %multiple_of3A] : memref<64x1000000xf32, #tpu.memory_space<hbm>> -> memref<64x128xf32, #tpu.memory_space<hbm>>
          tpu.enqueue_dma source(%dma_start3A_1460 : memref<64x128xf32, #tpu.memory_space<hbm>>) target(%dma_start3A_1458 : memref<64x128xf32, #tpu.memory_space<vmem>>) target_semaphore(%arg22 : memref<!tpu.dma_semaphore, #tpu.memory_space<semaphore_mem>>)
        } else {
        }
        %add3A_1443 = arith.constant 1 : i32
        %add3A_1444 = arith.addi %while3A_1419, %add3A_1443 : i32
        scf.yield %add3A_1444 : i32
      }
      %rem3A_1003 = arith.constant 8 : i32
      %rem3A_1004 = arith.remsi %shift_right_logical3A_1001, %rem3A_1003 : i32
      %broadcast_in_dim3A_1005 = vector.broadcast %rem3A_1004 : i32 to vector<16xi32>
      %add3A_1006 = arith.constant 10 : i32
      %add3A_1007 = arith.addi %mul3A_293, %add3A_1006 : i32
      %mul3A_1008 = arith.constant 128 : i32
      %mul3A_1009 = arith.muli %shift_right_logical3A_299, %mul3A_1008 : i32
      %sub3A_1010 = arith.subi %add3A_1007, %mul3A_1009 : i32
      %broadcast_in_dim3A_1011 = vector.broadcast %sub3A_1010 : i32 to vector<16xi32>
      %and3A_1012 = arith.constant 127 : i32
      %and3A_1013 = arith.andi %squeeze3A_999, %and3A_1012 : i32
      %broadcast_in_dim3A_1014 = vector.broadcast %and3A_1013 : i32 to vector<16xi32>
      %slice3A_1015 = vector.extract_strided_slice %get3A_297 {offsets = [10], sizes = [1], strides = [1]} : vector<16xi32> to vector<1xi32>
      %squeeze3A_1016 = vector.extract %slice3A_1015[0] : i32 from vector<1xi32>
      %and3A_1017 = arith.constant 1 : i32
      %and3A_1018 = arith.andi %squeeze3A_1016, %and3A_1017 : i32
      %mul3A_1019 = arith.constant 64 : i32
      %mul3A_1020 = arith.muli %and3A_1018, %mul3A_1019 : i32
      %broadcast_in_dim3A_1021 = arith.constant 0.000000e+00 : f32
      %broadcast_in_dim3A_1022 = vector.broadcast %broadcast_in_dim3A_1021 : f32 to vector<16xf32>
      %add3A_1023 = arith.constant 0 : i32
      %add3A_1024 = vector.broadcast %add3A_1023 : i32 to vector<16xi32>
      %add3A_1025 = arith.addi %iota3A, %add3A_1024 : vector<16xi32>
      %gather3A_1026 = tpu.vector_load_idx %arg17[%broadcast_in_dim3A_1005, %add3A_1025, %broadcast_in_dim3A_1014] : memref<8x64x128xf32, #tpu.memory_space<vmem>>[vector<16xi32>, vector<16xi32>, vector<16xi32>], vector<16xf32>,
      %add3A_1027 = vector.broadcast %mul3A_1020 : i32 to vector<16xi32>
      %add3A_1028 = arith.addi %add3A_1025, %add3A_1027 : vector<16xi32>
      %gather3A_1029 = tpu.vector_load_idx %arg18[%broadcast_in_dim3A, %broadcast_in_dim3A_1011, %add3A_1028] : memref<2x128x128xf32, #tpu.memory_space<vmem>>[vector<16xi32>, vector<16xi32>, vector<16xi32>], vector<16xf32>,
      %mul3A_1030 = arith.mulf %gather3A_1026, %gather3A_1029 : vector<16xf32>
      %add3A_1031 = arith.addf %broadcast_in_dim3A_1022, %mul3A_1030 : vector<16xf32>
      %add3A_1032 = arith.constant 16 : i32
      %add3A_1033 = vector.broadcast %add3A_1032 : i32 to vector<16xi32>
      %add3A_1034 = arith.addi %iota3A, %add3A_1033 : vector<16xi32>
      %gather3A_1035 = tpu.vector_load_idx %arg17[%broadcast_in_dim3A_1005, %add3A_1034, %broadcast_in_dim3A_1014] : memref<8x64x128xf32, #tpu.memory_space<vmem>>[vector<16xi32>, vector<16xi32>, vector<16xi32>], vector<16xf32>,
      %add3A_1036 = vector.broadcast %mul3A_1020 : i32 to vector<16xi32>
      %add3A_1037 = arith.addi %add3A_1034, %add3A_1036 : vector<16xi32>
      %gather3A_1038 = tpu.vector_load_idx %arg18[%broadcast_in_dim3A, %broadcast_in_dim3A_1011, %add3A_1037] : memref<2x128x128xf32, #tpu.memory_space<vmem>>[vector<16xi32>, vector<16xi32>, vector<16xi32>], vector<16xf32>,
      %mul3A_1039 = arith.mulf %gather3A_1035, %gather3A_1038 : vector<16xf32>
      %add3A_1040 = arith.addf %add3A_1031, %mul3A_1039 : vector<16xf32>
      %add3A_1041 = arith.constant 32 : i32
      %add3A_1042 = vector.broadcast %add3A_1041 : i32 to vector<16xi32>
      %add3A_1043 = arith.addi %iota3A, %add3A_1042 : vector<16xi32>
      %gather3A_1044 = tpu.vector_load_idx %arg17[%broadcast_in_dim3A_1005, %add3A_1043, %broadcast_in_dim3A_1014] : memref<8x64x128xf32, #tpu.memory_space<vmem>>[vector<16xi32>, vector<16xi32>, vector<16xi32>], vector<16xf32>,
      %add3A_1045 = vector.broadcast %mul3A_1020 : i32 to vector<16xi32>
      %add3A_1046 = arith.addi %add3A_1043, %add3A_1045 : vector<16xi32>
      %gather3A_1047 = tpu.vector_load_idx %arg18[%broadcast_in_dim3A, %broadcast_in_dim3A_1011, %add3A_1046] : memref<2x128x128xf32, #tpu.memory_space<vmem>>[vector<16xi32>, vector<16xi32>, vector<16xi32>], vector<16xf32>,
      %mul3A_1048 = arith.mulf %gather3A_1044, %gather3A_1047 : vector<16xf32>
      %add3A_1049 = arith.addf %add3A_1040, %mul3A_1048 : vector<16xf32>
      %add3A_1050 = arith.constant 48 : i32
      %add3A_1051 = vector.broadcast %add3A_1050 : i32 to vector<16xi32>
      %add3A_1052 = arith.addi %iota3A, %add3A_1051 : vector<16xi32>
      %gather3A_1053 = tpu.vector_load_idx %arg17[%broadcast_in_dim3A_1005, %add3A_1052, %broadcast_in_dim3A_1014] : memref<8x64x128xf32, #tpu.memory_space<vmem>>[vector<16xi32>, vector<16xi32>, vector<16xi32>], vector<16xf32>,
      %add3A_1054 = vector.broadcast %mul3A_1020 : i32 to vector<16xi32>
      %add3A_1055 = arith.addi %add3A_1052, %add3A_1054 : vector<16xi32>
      %gather3A_1056 = tpu.vector_load_idx %arg18[%broadcast_in_dim3A, %broadcast_in_dim3A_1011, %add3A_1055] : memref<2x128x128xf32, #tpu.memory_space<vmem>>[vector<16xi32>, vector<16xi32>, vector<16xi32>], vector<16xf32>,
      %mul3A_1057 = arith.mulf %gather3A_1053, %gather3A_1056 : vector<16xf32>
      %add3A_1058 = arith.addf %add3A_1049, %mul3A_1057 : vector<16xf32>
      %reduce_sum3A_1059 = arith.constant true
      %reduce_sum3A_1060 = vector.broadcast %reduce_sum3A_1059 : i1 to vector<16xi1>
      %reduce_sum3A_1061 = tpu.scan <sum>, %add3A_1058 masked %reduce_sum3A_1060 : vector<16xf32>, vector<16xi1> -> vector<16xf32>
      %reduce_sum3A_1062 = vector.extract %reduce_sum3A_1061[15] : f32 from vector<16xf32>
      %broadcast_in_dim3A_1063 = vector.broadcast %reduce_sum3A_1062 : f32 to vector<16xf32>
      %eq3A_1064 = arith.constant 10 : i32
      %eq3A_1065 = vector.broadcast %eq3A_1064 : i32 to vector<16xi32>
      %eq3A_1066 = arith.cmpi eq, %iota3A, %eq3A_1065 : vector<16xi32>
      %select_n3A_1067 = arith.select %eq3A_1066, %broadcast_in_dim3A_1063, %select_n3A_997 : vector<16xi1>, vector<16xf32>
      %slice3A_1068 = vector.extract_strided_slice %get3A_295 {offsets = [11], sizes = [1], strides = [1]} : vector<16xi32> to vector<1xi32>
      %squeeze3A_1069 = vector.extract %slice3A_1068[0] : i32 from vector<1xi32>
      %shift_right_logical3A_1070 = arith.constant 7 : i32
      %shift_right_logical3A_1071 = arith.shrui %squeeze3A_1069, %shift_right_logical3A_1070 : i32
      %while3A_1072 = scf.while (%while3A_1419 = %while3A_1002) : (i32) -> i32 {
        %le3A_1420 = arith.cmpi sle, %while3A_1419, %shift_right_logical3A_1071 : i32
        scf.condition(%le3A_1420) %while3A_1419 : i32
      } do {
      ^bb0(%while3A_1419: i32):
        %dma_wait3A_1420 = arith.constant 0 : i32
        %dma_wait3A_1421 = arith.constant 0 : i32
        %dma_wait3A_1422 = arith.constant 0 : i32
        %dma_wait3A_1423 = tpu.memref_slice %arg17[%dma_wait3A_1420, %dma_wait3A_1421, %dma_wait3A_1422] : memref<8x64x128xf32, #tpu.memory_space<vmem>> -> memref<1x64x128xf32, #tpu.memory_space<vmem>>
        %dma_wait3A_1424 = tpu.memref_squeeze %dma_wait3A_1423 : memref<1x64x128xf32, #tpu.memory_space<vmem>> -> memref<64x128xf32, #tpu.memory_space<vmem>>
        %dma_wait3A_1425 = arith.constant 0 : i32
        %dma_wait3A_1426 = arith.constant 0 : i32
        %dma_wait3A_1427 = tpu.memref_slice %arg6[%dma_wait3A_1425, %dma_wait3A_1426] : memref<64x1000000xf32, #tpu.memory_space<hbm>> -> memref<64x128xf32, #tpu.memory_space<hbm>>
        %dma_wait3A_1428 = arith.constant 0 : i32
        %dma_wait3A_1429 = arith.constant 0 : i32
        %dma_wait3A_1430 = tpu.memref_slice %arg17[%dma_wait3A_1420, %dma_wait3A_1428, %dma_wait3A_1429] : memref<8x64x128xf32, #tpu.memory_space<vmem>> -> memref<1x64x128xf32, #tpu.memory_space<vmem>>
        %dma_wait3A_1431 = tpu.memref_squeeze %dma_wait3A_1430 : memref<1x64x128xf32, #tpu.memory_space<vmem>> -> memref<64x128xf32, #tpu.memory_space<vmem>>
        %dma_wait3A_1432 = arith.constant 0 : i32
        %dma_wait3A_1433 = arith.constant 0 : i32
        %dma_wait3A_1434 = tpu.memref_slice %arg6[%dma_wait3A_1432, %dma_wait3A_1433] : memref<64x1000000xf32, #tpu.memory_space<hbm>> -> memref<64x128xf32, #tpu.memory_space<hbm>>
        tpu.wait_dma2 semaphore(%arg22 : memref<!tpu.dma_semaphore, #tpu.memory_space<semaphore_mem>>) src(%dma_wait3A_1434 : memref<64x128xf32, #tpu.memory_space<hbm>>) dst(%dma_wait3A_1431 : memref<64x128xf32, #tpu.memory_space<vmem>>)
        %add3A_1435 = arith.constant 8 : i32
        %add3A_1436 = arith.addi %while3A_1419, %add3A_1435 : i32
        %sub3A_1437 = arith.constant 1 : i32
        %sub3A_1438 = arith.subi %add3A_1436, %sub3A_1437 : i32
        %le3A_1439 = arith.cmpi sle, %sub3A_1438, %shift_right_logical3A_96 : i32
        %convert_element_type3A_1440 = arith.extui %le3A_1439 : i1 to i32
        %cond3A_1441 = arith.constant 0 : i32
        %cond3A_1442 = arith.cmpi ne, %convert_element_type3A_1440, %cond3A_1441 : i32
        scf.if %cond3A_1442 {
          %mul3A_1445 = arith.constant 128 : i32
          %mul3A_1446 = arith.muli %sub3A_1438, %mul3A_1445 : i32
          %multiple_of3A = tpu.assume_multiple %mul3A_1446, 128 : i32
          %rem3A_1447 = arith.constant 8 : i32
          %rem3A_1448 = arith.remsi %sub3A_1438, %rem3A_1447 : i32
          %dma_start3A_1449 = arith.constant 0 : i32
          %dma_start3A_1450 = arith.constant 0 : i32
          %dma_start3A_1451 = tpu.memref_slice %arg17[%rem3A_1448, %dma_start3A_1449, %dma_start3A_1450] : memref<8x64x128xf32, #tpu.memory_space<vmem>> -> memref<1x64x128xf32, #tpu.memory_space<vmem>>
          %dma_start3A_1452 = tpu.memref_squeeze %dma_start3A_1451 : memref<1x64x128xf32, #tpu.memory_space<vmem>> -> memref<64x128xf32, #tpu.memory_space<vmem>>
          %dma_start3A_1453 = arith.constant 0 : i32
          %dma_start3A_1454 = tpu.memref_slice %arg6[%dma_start3A_1453, %multiple_of3A] : memref<64x1000000xf32, #tpu.memory_space<hbm>> -> memref<64x128xf32, #tpu.memory_space<hbm>>
          %dma_start3A_1455 = arith.constant 0 : i32
          %dma_start3A_1456 = arith.constant 0 : i32
          %dma_start3A_1457 = tpu.memref_slice %arg17[%rem3A_1448, %dma_start3A_1455, %dma_start3A_1456] : memref<8x64x128xf32, #tpu.memory_space<vmem>> -> memref<1x64x128xf32, #tpu.memory_space<vmem>>
          %dma_start3A_1458 = tpu.memref_squeeze %dma_start3A_1457 : memref<1x64x128xf32, #tpu.memory_space<vmem>> -> memref<64x128xf32, #tpu.memory_space<vmem>>
          %dma_start3A_1459 = arith.constant 0 : i32
          %dma_start3A_1460 = tpu.memref_slice %arg6[%dma_start3A_1459, %multiple_of3A] : memref<64x1000000xf32, #tpu.memory_space<hbm>> -> memref<64x128xf32, #tpu.memory_space<hbm>>
          tpu.enqueue_dma source(%dma_start3A_1460 : memref<64x128xf32, #tpu.memory_space<hbm>>) target(%dma_start3A_1458 : memref<64x128xf32, #tpu.memory_space<vmem>>) target_semaphore(%arg22 : memref<!tpu.dma_semaphore, #tpu.memory_space<semaphore_mem>>)
        } else {
        }
        %add3A_1443 = arith.constant 1 : i32
        %add3A_1444 = arith.addi %while3A_1419, %add3A_1443 : i32
        scf.yield %add3A_1444 : i32
      }
      %rem3A_1073 = arith.constant 8 : i32
      %rem3A_1074 = arith.remsi %shift_right_logical3A_1071, %rem3A_1073 : i32
      %broadcast_in_dim3A_1075 = vector.broadcast %rem3A_1074 : i32 to vector<16xi32>
      %add3A_1076 = arith.constant 11 : i32
      %add3A_1077 = arith.addi %mul3A_293, %add3A_1076 : i32
      %mul3A_1078 = arith.constant 128 : i32
      %mul3A_1079 = arith.muli %shift_right_logical3A_299, %mul3A_1078 : i32
      %sub3A_1080 = arith.subi %add3A_1077, %mul3A_1079 : i32
      %broadcast_in_dim3A_1081 = vector.broadcast %sub3A_1080 : i32 to vector<16xi32>
      %and3A_1082 = arith.constant 127 : i32
      %and3A_1083 = arith.andi %squeeze3A_1069, %and3A_1082 : i32
      %broadcast_in_dim3A_1084 = vector.broadcast %and3A_1083 : i32 to vector<16xi32>
      %slice3A_1085 = vector.extract_strided_slice %get3A_297 {offsets = [11], sizes = [1], strides = [1]} : vector<16xi32> to vector<1xi32>
      %squeeze3A_1086 = vector.extract %slice3A_1085[0] : i32 from vector<1xi32>
      %and3A_1087 = arith.constant 1 : i32
      %and3A_1088 = arith.andi %squeeze3A_1086, %and3A_1087 : i32
      %mul3A_1089 = arith.constant 64 : i32
      %mul3A_1090 = arith.muli %and3A_1088, %mul3A_1089 : i32
      %broadcast_in_dim3A_1091 = arith.constant 0.000000e+00 : f32
      %broadcast_in_dim3A_1092 = vector.broadcast %broadcast_in_dim3A_1091 : f32 to vector<16xf32>
      %add3A_1093 = arith.constant 0 : i32
      %add3A_1094 = vector.broadcast %add3A_1093 : i32 to vector<16xi32>
      %add3A_1095 = arith.addi %iota3A, %add3A_1094 : vector<16xi32>
      %gather3A_1096 = tpu.vector_load_idx %arg17[%broadcast_in_dim3A_1075, %add3A_1095, %broadcast_in_dim3A_1084] : memref<8x64x128xf32, #tpu.memory_space<vmem>>[vector<16xi32>, vector<16xi32>, vector<16xi32>], vector<16xf32>,
      %add3A_1097 = vector.broadcast %mul3A_1090 : i32 to vector<16xi32>
      %add3A_1098 = arith.addi %add3A_1095, %add3A_1097 : vector<16xi32>
      %gather3A_1099 = tpu.vector_load_idx %arg18[%broadcast_in_dim3A, %broadcast_in_dim3A_1081, %add3A_1098] : memref<2x128x128xf32, #tpu.memory_space<vmem>>[vector<16xi32>, vector<16xi32>, vector<16xi32>], vector<16xf32>,
      %mul3A_1100 = arith.mulf %gather3A_1096, %gather3A_1099 : vector<16xf32>
      %add3A_1101 = arith.addf %broadcast_in_dim3A_1092, %mul3A_1100 : vector<16xf32>
      %add3A_1102 = arith.constant 16 : i32
      %add3A_1103 = vector.broadcast %add3A_1102 : i32 to vector<16xi32>
      %add3A_1104 = arith.addi %iota3A, %add3A_1103 : vector<16xi32>
      %gather3A_1105 = tpu.vector_load_idx %arg17[%broadcast_in_dim3A_1075, %add3A_1104, %broadcast_in_dim3A_1084] : memref<8x64x128xf32, #tpu.memory_space<vmem>>[vector<16xi32>, vector<16xi32>, vector<16xi32>], vector<16xf32>,
      %add3A_1106 = vector.broadcast %mul3A_1090 : i32 to vector<16xi32>
      %add3A_1107 = arith.addi %add3A_1104, %add3A_1106 : vector<16xi32>
      %gather3A_1108 = tpu.vector_load_idx %arg18[%broadcast_in_dim3A, %broadcast_in_dim3A_1081, %add3A_1107] : memref<2x128x128xf32, #tpu.memory_space<vmem>>[vector<16xi32>, vector<16xi32>, vector<16xi32>], vector<16xf32>,
      %mul3A_1109 = arith.mulf %gather3A_1105, %gather3A_1108 : vector<16xf32>
      %add3A_1110 = arith.addf %add3A_1101, %mul3A_1109 : vector<16xf32>
      %add3A_1111 = arith.constant 32 : i32
      %add3A_1112 = vector.broadcast %add3A_1111 : i32 to vector<16xi32>
      %add3A_1113 = arith.addi %iota3A, %add3A_1112 : vector<16xi32>
      %gather3A_1114 = tpu.vector_load_idx %arg17[%broadcast_in_dim3A_1075, %add3A_1113, %broadcast_in_dim3A_1084] : memref<8x64x128xf32, #tpu.memory_space<vmem>>[vector<16xi32>, vector<16xi32>, vector<16xi32>], vector<16xf32>,
      %add3A_1115 = vector.broadcast %mul3A_1090 : i32 to vector<16xi32>
      %add3A_1116 = arith.addi %add3A_1113, %add3A_1115 : vector<16xi32>
      %gather3A_1117 = tpu.vector_load_idx %arg18[%broadcast_in_dim3A, %broadcast_in_dim3A_1081, %add3A_1116] : memref<2x128x128xf32, #tpu.memory_space<vmem>>[vector<16xi32>, vector<16xi32>, vector<16xi32>], vector<16xf32>,
      %mul3A_1118 = arith.mulf %gather3A_1114, %gather3A_1117 : vector<16xf32>
      %add3A_1119 = arith.addf %add3A_1110, %mul3A_1118 : vector<16xf32>
      %add3A_1120 = arith.constant 48 : i32
      %add3A_1121 = vector.broadcast %add3A_1120 : i32 to vector<16xi32>
      %add3A_1122 = arith.addi %iota3A, %add3A_1121 : vector<16xi32>
      %gather3A_1123 = tpu.vector_load_idx %arg17[%broadcast_in_dim3A_1075, %add3A_1122, %broadcast_in_dim3A_1084] : memref<8x64x128xf32, #tpu.memory_space<vmem>>[vector<16xi32>, vector<16xi32>, vector<16xi32>], vector<16xf32>,
      %add3A_1124 = vector.broadcast %mul3A_1090 : i32 to vector<16xi32>
      %add3A_1125 = arith.addi %add3A_1122, %add3A_1124 : vector<16xi32>
      %gather3A_1126 = tpu.vector_load_idx %arg18[%broadcast_in_dim3A, %broadcast_in_dim3A_1081, %add3A_1125] : memref<2x128x128xf32, #tpu.memory_space<vmem>>[vector<16xi32>, vector<16xi32>, vector<16xi32>], vector<16xf32>,
      %mul3A_1127 = arith.mulf %gather3A_1123, %gather3A_1126 : vector<16xf32>
      %add3A_1128 = arith.addf %add3A_1119, %mul3A_1127 : vector<16xf32>
      %reduce_sum3A_1129 = arith.constant true
      %reduce_sum3A_1130 = vector.broadcast %reduce_sum3A_1129 : i1 to vector<16xi1>
      %reduce_sum3A_1131 = tpu.scan <sum>, %add3A_1128 masked %reduce_sum3A_1130 : vector<16xf32>, vector<16xi1> -> vector<16xf32>
      %reduce_sum3A_1132 = vector.extract %reduce_sum3A_1131[15] : f32 from vector<16xf32>
      %broadcast_in_dim3A_1133 = vector.broadcast %reduce_sum3A_1132 : f32 to vector<16xf32>
      %eq3A_1134 = arith.constant 11 : i32
      %eq3A_1135 = vector.broadcast %eq3A_1134 : i32 to vector<16xi32>
      %eq3A_1136 = arith.cmpi eq, %iota3A, %eq3A_1135 : vector<16xi32>
      %select_n3A_1137 = arith.select %eq3A_1136, %broadcast_in_dim3A_1133, %select_n3A_1067 : vector<16xi1>, vector<16xf32>
      %slice3A_1138 = vector.extract_strided_slice %get3A_295 {offsets = [12], sizes = [1], strides = [1]} : vector<16xi32> to vector<1xi32>
      %squeeze3A_1139 = vector.extract %slice3A_1138[0] : i32 from vector<1xi32>
      %shift_right_logical3A_1140 = arith.constant 7 : i32
      %shift_right_logical3A_1141 = arith.shrui %squeeze3A_1139, %shift_right_logical3A_1140 : i32
      %while3A_1142 = scf.while (%while3A_1419 = %while3A_1072) : (i32) -> i32 {
        %le3A_1420 = arith.cmpi sle, %while3A_1419, %shift_right_logical3A_1141 : i32
        scf.condition(%le3A_1420) %while3A_1419 : i32
      } do {
      ^bb0(%while3A_1419: i32):
        %dma_wait3A_1420 = arith.constant 0 : i32
        %dma_wait3A_1421 = arith.constant 0 : i32
        %dma_wait3A_1422 = arith.constant 0 : i32
        %dma_wait3A_1423 = tpu.memref_slice %arg17[%dma_wait3A_1420, %dma_wait3A_1421, %dma_wait3A_1422] : memref<8x64x128xf32, #tpu.memory_space<vmem>> -> memref<1x64x128xf32, #tpu.memory_space<vmem>>
        %dma_wait3A_1424 = tpu.memref_squeeze %dma_wait3A_1423 : memref<1x64x128xf32, #tpu.memory_space<vmem>> -> memref<64x128xf32, #tpu.memory_space<vmem>>
        %dma_wait3A_1425 = arith.constant 0 : i32
        %dma_wait3A_1426 = arith.constant 0 : i32
        %dma_wait3A_1427 = tpu.memref_slice %arg6[%dma_wait3A_1425, %dma_wait3A_1426] : memref<64x1000000xf32, #tpu.memory_space<hbm>> -> memref<64x128xf32, #tpu.memory_space<hbm>>
        %dma_wait3A_1428 = arith.constant 0 : i32
        %dma_wait3A_1429 = arith.constant 0 : i32
        %dma_wait3A_1430 = tpu.memref_slice %arg17[%dma_wait3A_1420, %dma_wait3A_1428, %dma_wait3A_1429] : memref<8x64x128xf32, #tpu.memory_space<vmem>> -> memref<1x64x128xf32, #tpu.memory_space<vmem>>
        %dma_wait3A_1431 = tpu.memref_squeeze %dma_wait3A_1430 : memref<1x64x128xf32, #tpu.memory_space<vmem>> -> memref<64x128xf32, #tpu.memory_space<vmem>>
        %dma_wait3A_1432 = arith.constant 0 : i32
        %dma_wait3A_1433 = arith.constant 0 : i32
        %dma_wait3A_1434 = tpu.memref_slice %arg6[%dma_wait3A_1432, %dma_wait3A_1433] : memref<64x1000000xf32, #tpu.memory_space<hbm>> -> memref<64x128xf32, #tpu.memory_space<hbm>>
        tpu.wait_dma2 semaphore(%arg22 : memref<!tpu.dma_semaphore, #tpu.memory_space<semaphore_mem>>) src(%dma_wait3A_1434 : memref<64x128xf32, #tpu.memory_space<hbm>>) dst(%dma_wait3A_1431 : memref<64x128xf32, #tpu.memory_space<vmem>>)
        %add3A_1435 = arith.constant 8 : i32
        %add3A_1436 = arith.addi %while3A_1419, %add3A_1435 : i32
        %sub3A_1437 = arith.constant 1 : i32
        %sub3A_1438 = arith.subi %add3A_1436, %sub3A_1437 : i32
        %le3A_1439 = arith.cmpi sle, %sub3A_1438, %shift_right_logical3A_96 : i32
        %convert_element_type3A_1440 = arith.extui %le3A_1439 : i1 to i32
        %cond3A_1441 = arith.constant 0 : i32
        %cond3A_1442 = arith.cmpi ne, %convert_element_type3A_1440, %cond3A_1441 : i32
        scf.if %cond3A_1442 {
          %mul3A_1445 = arith.constant 128 : i32
          %mul3A_1446 = arith.muli %sub3A_1438, %mul3A_1445 : i32
          %multiple_of3A = tpu.assume_multiple %mul3A_1446, 128 : i32
          %rem3A_1447 = arith.constant 8 : i32
          %rem3A_1448 = arith.remsi %sub3A_1438, %rem3A_1447 : i32
          %dma_start3A_1449 = arith.constant 0 : i32
          %dma_start3A_1450 = arith.constant 0 : i32
          %dma_start3A_1451 = tpu.memref_slice %arg17[%rem3A_1448, %dma_start3A_1449, %dma_start3A_1450] : memref<8x64x128xf32, #tpu.memory_space<vmem>> -> memref<1x64x128xf32, #tpu.memory_space<vmem>>
          %dma_start3A_1452 = tpu.memref_squeeze %dma_start3A_1451 : memref<1x64x128xf32, #tpu.memory_space<vmem>> -> memref<64x128xf32, #tpu.memory_space<vmem>>
          %dma_start3A_1453 = arith.constant 0 : i32
          %dma_start3A_1454 = tpu.memref_slice %arg6[%dma_start3A_1453, %multiple_of3A] : memref<64x1000000xf32, #tpu.memory_space<hbm>> -> memref<64x128xf32, #tpu.memory_space<hbm>>
          %dma_start3A_1455 = arith.constant 0 : i32
          %dma_start3A_1456 = arith.constant 0 : i32
          %dma_start3A_1457 = tpu.memref_slice %arg17[%rem3A_1448, %dma_start3A_1455, %dma_start3A_1456] : memref<8x64x128xf32, #tpu.memory_space<vmem>> -> memref<1x64x128xf32, #tpu.memory_space<vmem>>
          %dma_start3A_1458 = tpu.memref_squeeze %dma_start3A_1457 : memref<1x64x128xf32, #tpu.memory_space<vmem>> -> memref<64x128xf32, #tpu.memory_space<vmem>>
          %dma_start3A_1459 = arith.constant 0 : i32
          %dma_start3A_1460 = tpu.memref_slice %arg6[%dma_start3A_1459, %multiple_of3A] : memref<64x1000000xf32, #tpu.memory_space<hbm>> -> memref<64x128xf32, #tpu.memory_space<hbm>>
          tpu.enqueue_dma source(%dma_start3A_1460 : memref<64x128xf32, #tpu.memory_space<hbm>>) target(%dma_start3A_1458 : memref<64x128xf32, #tpu.memory_space<vmem>>) target_semaphore(%arg22 : memref<!tpu.dma_semaphore, #tpu.memory_space<semaphore_mem>>)
        } else {
        }
        %add3A_1443 = arith.constant 1 : i32
        %add3A_1444 = arith.addi %while3A_1419, %add3A_1443 : i32
        scf.yield %add3A_1444 : i32
      }
      %rem3A_1143 = arith.constant 8 : i32
      %rem3A_1144 = arith.remsi %shift_right_logical3A_1141, %rem3A_1143 : i32
      %broadcast_in_dim3A_1145 = vector.broadcast %rem3A_1144 : i32 to vector<16xi32>
      %add3A_1146 = arith.constant 12 : i32
      %add3A_1147 = arith.addi %mul3A_293, %add3A_1146 : i32
      %mul3A_1148 = arith.constant 128 : i32
      %mul3A_1149 = arith.muli %shift_right_logical3A_299, %mul3A_1148 : i32
      %sub3A_1150 = arith.subi %add3A_1147, %mul3A_1149 : i32
      %broadcast_in_dim3A_1151 = vector.broadcast %sub3A_1150 : i32 to vector<16xi32>
      %and3A_1152 = arith.constant 127 : i32
      %and3A_1153 = arith.andi %squeeze3A_1139, %and3A_1152 : i32
      %broadcast_in_dim3A_1154 = vector.broadcast %and3A_1153 : i32 to vector<16xi32>
      %slice3A_1155 = vector.extract_strided_slice %get3A_297 {offsets = [12], sizes = [1], strides = [1]} : vector<16xi32> to vector<1xi32>
      %squeeze3A_1156 = vector.extract %slice3A_1155[0] : i32 from vector<1xi32>
      %and3A_1157 = arith.constant 1 : i32
      %and3A_1158 = arith.andi %squeeze3A_1156, %and3A_1157 : i32
      %mul3A_1159 = arith.constant 64 : i32
      %mul3A_1160 = arith.muli %and3A_1158, %mul3A_1159 : i32
      %broadcast_in_dim3A_1161 = arith.constant 0.000000e+00 : f32
      %broadcast_in_dim3A_1162 = vector.broadcast %broadcast_in_dim3A_1161 : f32 to vector<16xf32>
      %add3A_1163 = arith.constant 0 : i32
      %add3A_1164 = vector.broadcast %add3A_1163 : i32 to vector<16xi32>
      %add3A_1165 = arith.addi %iota3A, %add3A_1164 : vector<16xi32>
      %gather3A_1166 = tpu.vector_load_idx %arg17[%broadcast_in_dim3A_1145, %add3A_1165, %broadcast_in_dim3A_1154] : memref<8x64x128xf32, #tpu.memory_space<vmem>>[vector<16xi32>, vector<16xi32>, vector<16xi32>], vector<16xf32>,
      %add3A_1167 = vector.broadcast %mul3A_1160 : i32 to vector<16xi32>
      %add3A_1168 = arith.addi %add3A_1165, %add3A_1167 : vector<16xi32>
      %gather3A_1169 = tpu.vector_load_idx %arg18[%broadcast_in_dim3A, %broadcast_in_dim3A_1151, %add3A_1168] : memref<2x128x128xf32, #tpu.memory_space<vmem>>[vector<16xi32>, vector<16xi32>, vector<16xi32>], vector<16xf32>,
      %mul3A_1170 = arith.mulf %gather3A_1166, %gather3A_1169 : vector<16xf32>
      %add3A_1171 = arith.addf %broadcast_in_dim3A_1162, %mul3A_1170 : vector<16xf32>
      %add3A_1172 = arith.constant 16 : i32
      %add3A_1173 = vector.broadcast %add3A_1172 : i32 to vector<16xi32>
      %add3A_1174 = arith.addi %iota3A, %add3A_1173 : vector<16xi32>
      %gather3A_1175 = tpu.vector_load_idx %arg17[%broadcast_in_dim3A_1145, %add3A_1174, %broadcast_in_dim3A_1154] : memref<8x64x128xf32, #tpu.memory_space<vmem>>[vector<16xi32>, vector<16xi32>, vector<16xi32>], vector<16xf32>,
      %add3A_1176 = vector.broadcast %mul3A_1160 : i32 to vector<16xi32>
      %add3A_1177 = arith.addi %add3A_1174, %add3A_1176 : vector<16xi32>
      %gather3A_1178 = tpu.vector_load_idx %arg18[%broadcast_in_dim3A, %broadcast_in_dim3A_1151, %add3A_1177] : memref<2x128x128xf32, #tpu.memory_space<vmem>>[vector<16xi32>, vector<16xi32>, vector<16xi32>], vector<16xf32>,
      %mul3A_1179 = arith.mulf %gather3A_1175, %gather3A_1178 : vector<16xf32>
      %add3A_1180 = arith.addf %add3A_1171, %mul3A_1179 : vector<16xf32>
      %add3A_1181 = arith.constant 32 : i32
      %add3A_1182 = vector.broadcast %add3A_1181 : i32 to vector<16xi32>
      %add3A_1183 = arith.addi %iota3A, %add3A_1182 : vector<16xi32>
      %gather3A_1184 = tpu.vector_load_idx %arg17[%broadcast_in_dim3A_1145, %add3A_1183, %broadcast_in_dim3A_1154] : memref<8x64x128xf32, #tpu.memory_space<vmem>>[vector<16xi32>, vector<16xi32>, vector<16xi32>], vector<16xf32>,
      %add3A_1185 = vector.broadcast %mul3A_1160 : i32 to vector<16xi32>
      %add3A_1186 = arith.addi %add3A_1183, %add3A_1185 : vector<16xi32>
      %gather3A_1187 = tpu.vector_load_idx %arg18[%broadcast_in_dim3A, %broadcast_in_dim3A_1151, %add3A_1186] : memref<2x128x128xf32, #tpu.memory_space<vmem>>[vector<16xi32>, vector<16xi32>, vector<16xi32>], vector<16xf32>,
      %mul3A_1188 = arith.mulf %gather3A_1184, %gather3A_1187 : vector<16xf32>
      %add3A_1189 = arith.addf %add3A_1180, %mul3A_1188 : vector<16xf32>
      %add3A_1190 = arith.constant 48 : i32
      %add3A_1191 = vector.broadcast %add3A_1190 : i32 to vector<16xi32>
      %add3A_1192 = arith.addi %iota3A, %add3A_1191 : vector<16xi32>
      %gather3A_1193 = tpu.vector_load_idx %arg17[%broadcast_in_dim3A_1145, %add3A_1192, %broadcast_in_dim3A_1154] : memref<8x64x128xf32, #tpu.memory_space<vmem>>[vector<16xi32>, vector<16xi32>, vector<16xi32>], vector<16xf32>,
      %add3A_1194 = vector.broadcast %mul3A_1160 : i32 to vector<16xi32>
      %add3A_1195 = arith.addi %add3A_1192, %add3A_1194 : vector<16xi32>
      %gather3A_1196 = tpu.vector_load_idx %arg18[%broadcast_in_dim3A, %broadcast_in_dim3A_1151, %add3A_1195] : memref<2x128x128xf32, #tpu.memory_space<vmem>>[vector<16xi32>, vector<16xi32>, vector<16xi32>], vector<16xf32>,
      %mul3A_1197 = arith.mulf %gather3A_1193, %gather3A_1196 : vector<16xf32>
      %add3A_1198 = arith.addf %add3A_1189, %mul3A_1197 : vector<16xf32>
      %reduce_sum3A_1199 = arith.constant true
      %reduce_sum3A_1200 = vector.broadcast %reduce_sum3A_1199 : i1 to vector<16xi1>
      %reduce_sum3A_1201 = tpu.scan <sum>, %add3A_1198 masked %reduce_sum3A_1200 : vector<16xf32>, vector<16xi1> -> vector<16xf32>
      %reduce_sum3A_1202 = vector.extract %reduce_sum3A_1201[15] : f32 from vector<16xf32>
      %broadcast_in_dim3A_1203 = vector.broadcast %reduce_sum3A_1202 : f32 to vector<16xf32>
      %eq3A_1204 = arith.constant 12 : i32
      %eq3A_1205 = vector.broadcast %eq3A_1204 : i32 to vector<16xi32>
      %eq3A_1206 = arith.cmpi eq, %iota3A, %eq3A_1205 : vector<16xi32>
      %select_n3A_1207 = arith.select %eq3A_1206, %broadcast_in_dim3A_1203, %select_n3A_1137 : vector<16xi1>, vector<16xf32>
      %slice3A_1208 = vector.extract_strided_slice %get3A_295 {offsets = [13], sizes = [1], strides = [1]} : vector<16xi32> to vector<1xi32>
      %squeeze3A_1209 = vector.extract %slice3A_1208[0] : i32 from vector<1xi32>
      %shift_right_logical3A_1210 = arith.constant 7 : i32
      %shift_right_logical3A_1211 = arith.shrui %squeeze3A_1209, %shift_right_logical3A_1210 : i32
      %while3A_1212 = scf.while (%while3A_1419 = %while3A_1142) : (i32) -> i32 {
        %le3A_1420 = arith.cmpi sle, %while3A_1419, %shift_right_logical3A_1211 : i32
        scf.condition(%le3A_1420) %while3A_1419 : i32
      } do {
      ^bb0(%while3A_1419: i32):
        %dma_wait3A_1420 = arith.constant 0 : i32
        %dma_wait3A_1421 = arith.constant 0 : i32
        %dma_wait3A_1422 = arith.constant 0 : i32
        %dma_wait3A_1423 = tpu.memref_slice %arg17[%dma_wait3A_1420, %dma_wait3A_1421, %dma_wait3A_1422] : memref<8x64x128xf32, #tpu.memory_space<vmem>> -> memref<1x64x128xf32, #tpu.memory_space<vmem>>
        %dma_wait3A_1424 = tpu.memref_squeeze %dma_wait3A_1423 : memref<1x64x128xf32, #tpu.memory_space<vmem>> -> memref<64x128xf32, #tpu.memory_space<vmem>>
        %dma_wait3A_1425 = arith.constant 0 : i32
        %dma_wait3A_1426 = arith.constant 0 : i32
        %dma_wait3A_1427 = tpu.memref_slice %arg6[%dma_wait3A_1425, %dma_wait3A_1426] : memref<64x1000000xf32, #tpu.memory_space<hbm>> -> memref<64x128xf32, #tpu.memory_space<hbm>>
        %dma_wait3A_1428 = arith.constant 0 : i32
        %dma_wait3A_1429 = arith.constant 0 : i32
        %dma_wait3A_1430 = tpu.memref_slice %arg17[%dma_wait3A_1420, %dma_wait3A_1428, %dma_wait3A_1429] : memref<8x64x128xf32, #tpu.memory_space<vmem>> -> memref<1x64x128xf32, #tpu.memory_space<vmem>>
        %dma_wait3A_1431 = tpu.memref_squeeze %dma_wait3A_1430 : memref<1x64x128xf32, #tpu.memory_space<vmem>> -> memref<64x128xf32, #tpu.memory_space<vmem>>
        %dma_wait3A_1432 = arith.constant 0 : i32
        %dma_wait3A_1433 = arith.constant 0 : i32
        %dma_wait3A_1434 = tpu.memref_slice %arg6[%dma_wait3A_1432, %dma_wait3A_1433] : memref<64x1000000xf32, #tpu.memory_space<hbm>> -> memref<64x128xf32, #tpu.memory_space<hbm>>
        tpu.wait_dma2 semaphore(%arg22 : memref<!tpu.dma_semaphore, #tpu.memory_space<semaphore_mem>>) src(%dma_wait3A_1434 : memref<64x128xf32, #tpu.memory_space<hbm>>) dst(%dma_wait3A_1431 : memref<64x128xf32, #tpu.memory_space<vmem>>)
        %add3A_1435 = arith.constant 8 : i32
        %add3A_1436 = arith.addi %while3A_1419, %add3A_1435 : i32
        %sub3A_1437 = arith.constant 1 : i32
        %sub3A_1438 = arith.subi %add3A_1436, %sub3A_1437 : i32
        %le3A_1439 = arith.cmpi sle, %sub3A_1438, %shift_right_logical3A_96 : i32
        %convert_element_type3A_1440 = arith.extui %le3A_1439 : i1 to i32
        %cond3A_1441 = arith.constant 0 : i32
        %cond3A_1442 = arith.cmpi ne, %convert_element_type3A_1440, %cond3A_1441 : i32
        scf.if %cond3A_1442 {
          %mul3A_1445 = arith.constant 128 : i32
          %mul3A_1446 = arith.muli %sub3A_1438, %mul3A_1445 : i32
          %multiple_of3A = tpu.assume_multiple %mul3A_1446, 128 : i32
          %rem3A_1447 = arith.constant 8 : i32
          %rem3A_1448 = arith.remsi %sub3A_1438, %rem3A_1447 : i32
          %dma_start3A_1449 = arith.constant 0 : i32
          %dma_start3A_1450 = arith.constant 0 : i32
          %dma_start3A_1451 = tpu.memref_slice %arg17[%rem3A_1448, %dma_start3A_1449, %dma_start3A_1450] : memref<8x64x128xf32, #tpu.memory_space<vmem>> -> memref<1x64x128xf32, #tpu.memory_space<vmem>>
          %dma_start3A_1452 = tpu.memref_squeeze %dma_start3A_1451 : memref<1x64x128xf32, #tpu.memory_space<vmem>> -> memref<64x128xf32, #tpu.memory_space<vmem>>
          %dma_start3A_1453 = arith.constant 0 : i32
          %dma_start3A_1454 = tpu.memref_slice %arg6[%dma_start3A_1453, %multiple_of3A] : memref<64x1000000xf32, #tpu.memory_space<hbm>> -> memref<64x128xf32, #tpu.memory_space<hbm>>
          %dma_start3A_1455 = arith.constant 0 : i32
          %dma_start3A_1456 = arith.constant 0 : i32
          %dma_start3A_1457 = tpu.memref_slice %arg17[%rem3A_1448, %dma_start3A_1455, %dma_start3A_1456] : memref<8x64x128xf32, #tpu.memory_space<vmem>> -> memref<1x64x128xf32, #tpu.memory_space<vmem>>
          %dma_start3A_1458 = tpu.memref_squeeze %dma_start3A_1457 : memref<1x64x128xf32, #tpu.memory_space<vmem>> -> memref<64x128xf32, #tpu.memory_space<vmem>>
          %dma_start3A_1459 = arith.constant 0 : i32
          %dma_start3A_1460 = tpu.memref_slice %arg6[%dma_start3A_1459, %multiple_of3A] : memref<64x1000000xf32, #tpu.memory_space<hbm>> -> memref<64x128xf32, #tpu.memory_space<hbm>>
          tpu.enqueue_dma source(%dma_start3A_1460 : memref<64x128xf32, #tpu.memory_space<hbm>>) target(%dma_start3A_1458 : memref<64x128xf32, #tpu.memory_space<vmem>>) target_semaphore(%arg22 : memref<!tpu.dma_semaphore, #tpu.memory_space<semaphore_mem>>)
        } else {
        }
        %add3A_1443 = arith.constant 1 : i32
        %add3A_1444 = arith.addi %while3A_1419, %add3A_1443 : i32
        scf.yield %add3A_1444 : i32
      }
      %rem3A_1213 = arith.constant 8 : i32
      %rem3A_1214 = arith.remsi %shift_right_logical3A_1211, %rem3A_1213 : i32
      %broadcast_in_dim3A_1215 = vector.broadcast %rem3A_1214 : i32 to vector<16xi32>
      %add3A_1216 = arith.constant 13 : i32
      %add3A_1217 = arith.addi %mul3A_293, %add3A_1216 : i32
      %mul3A_1218 = arith.constant 128 : i32
      %mul3A_1219 = arith.muli %shift_right_logical3A_299, %mul3A_1218 : i32
      %sub3A_1220 = arith.subi %add3A_1217, %mul3A_1219 : i32
      %broadcast_in_dim3A_1221 = vector.broadcast %sub3A_1220 : i32 to vector<16xi32>
      %and3A_1222 = arith.constant 127 : i32
      %and3A_1223 = arith.andi %squeeze3A_1209, %and3A_1222 : i32
      %broadcast_in_dim3A_1224 = vector.broadcast %and3A_1223 : i32 to vector<16xi32>
      %slice3A_1225 = vector.extract_strided_slice %get3A_297 {offsets = [13], sizes = [1], strides = [1]} : vector<16xi32> to vector<1xi32>
      %squeeze3A_1226 = vector.extract %slice3A_1225[0] : i32 from vector<1xi32>
      %and3A_1227 = arith.constant 1 : i32
      %and3A_1228 = arith.andi %squeeze3A_1226, %and3A_1227 : i32
      %mul3A_1229 = arith.constant 64 : i32
      %mul3A_1230 = arith.muli %and3A_1228, %mul3A_1229 : i32
      %broadcast_in_dim3A_1231 = arith.constant 0.000000e+00 : f32
      %broadcast_in_dim3A_1232 = vector.broadcast %broadcast_in_dim3A_1231 : f32 to vector<16xf32>
      %add3A_1233 = arith.constant 0 : i32
      %add3A_1234 = vector.broadcast %add3A_1233 : i32 to vector<16xi32>
      %add3A_1235 = arith.addi %iota3A, %add3A_1234 : vector<16xi32>
      %gather3A_1236 = tpu.vector_load_idx %arg17[%broadcast_in_dim3A_1215, %add3A_1235, %broadcast_in_dim3A_1224] : memref<8x64x128xf32, #tpu.memory_space<vmem>>[vector<16xi32>, vector<16xi32>, vector<16xi32>], vector<16xf32>,
      %add3A_1237 = vector.broadcast %mul3A_1230 : i32 to vector<16xi32>
      %add3A_1238 = arith.addi %add3A_1235, %add3A_1237 : vector<16xi32>
      %gather3A_1239 = tpu.vector_load_idx %arg18[%broadcast_in_dim3A, %broadcast_in_dim3A_1221, %add3A_1238] : memref<2x128x128xf32, #tpu.memory_space<vmem>>[vector<16xi32>, vector<16xi32>, vector<16xi32>], vector<16xf32>,
      %mul3A_1240 = arith.mulf %gather3A_1236, %gather3A_1239 : vector<16xf32>
      %add3A_1241 = arith.addf %broadcast_in_dim3A_1232, %mul3A_1240 : vector<16xf32>
      %add3A_1242 = arith.constant 16 : i32
      %add3A_1243 = vector.broadcast %add3A_1242 : i32 to vector<16xi32>
      %add3A_1244 = arith.addi %iota3A, %add3A_1243 : vector<16xi32>
      %gather3A_1245 = tpu.vector_load_idx %arg17[%broadcast_in_dim3A_1215, %add3A_1244, %broadcast_in_dim3A_1224] : memref<8x64x128xf32, #tpu.memory_space<vmem>>[vector<16xi32>, vector<16xi32>, vector<16xi32>], vector<16xf32>,
      %add3A_1246 = vector.broadcast %mul3A_1230 : i32 to vector<16xi32>
      %add3A_1247 = arith.addi %add3A_1244, %add3A_1246 : vector<16xi32>
      %gather3A_1248 = tpu.vector_load_idx %arg18[%broadcast_in_dim3A, %broadcast_in_dim3A_1221, %add3A_1247] : memref<2x128x128xf32, #tpu.memory_space<vmem>>[vector<16xi32>, vector<16xi32>, vector<16xi32>], vector<16xf32>,
      %mul3A_1249 = arith.mulf %gather3A_1245, %gather3A_1248 : vector<16xf32>
      %add3A_1250 = arith.addf %add3A_1241, %mul3A_1249 : vector<16xf32>
      %add3A_1251 = arith.constant 32 : i32
      %add3A_1252 = vector.broadcast %add3A_1251 : i32 to vector<16xi32>
      %add3A_1253 = arith.addi %iota3A, %add3A_1252 : vector<16xi32>
      %gather3A_1254 = tpu.vector_load_idx %arg17[%broadcast_in_dim3A_1215, %add3A_1253, %broadcast_in_dim3A_1224] : memref<8x64x128xf32, #tpu.memory_space<vmem>>[vector<16xi32>, vector<16xi32>, vector<16xi32>], vector<16xf32>,
      %add3A_1255 = vector.broadcast %mul3A_1230 : i32 to vector<16xi32>
      %add3A_1256 = arith.addi %add3A_1253, %add3A_1255 : vector<16xi32>
      %gather3A_1257 = tpu.vector_load_idx %arg18[%broadcast_in_dim3A, %broadcast_in_dim3A_1221, %add3A_1256] : memref<2x128x128xf32, #tpu.memory_space<vmem>>[vector<16xi32>, vector<16xi32>, vector<16xi32>], vector<16xf32>,
      %mul3A_1258 = arith.mulf %gather3A_1254, %gather3A_1257 : vector<16xf32>
      %add3A_1259 = arith.addf %add3A_1250, %mul3A_1258 : vector<16xf32>
      %add3A_1260 = arith.constant 48 : i32
      %add3A_1261 = vector.broadcast %add3A_1260 : i32 to vector<16xi32>
      %add3A_1262 = arith.addi %iota3A, %add3A_1261 : vector<16xi32>
      %gather3A_1263 = tpu.vector_load_idx %arg17[%broadcast_in_dim3A_1215, %add3A_1262, %broadcast_in_dim3A_1224] : memref<8x64x128xf32, #tpu.memory_space<vmem>>[vector<16xi32>, vector<16xi32>, vector<16xi32>], vector<16xf32>,
      %add3A_1264 = vector.broadcast %mul3A_1230 : i32 to vector<16xi32>
      %add3A_1265 = arith.addi %add3A_1262, %add3A_1264 : vector<16xi32>
      %gather3A_1266 = tpu.vector_load_idx %arg18[%broadcast_in_dim3A, %broadcast_in_dim3A_1221, %add3A_1265] : memref<2x128x128xf32, #tpu.memory_space<vmem>>[vector<16xi32>, vector<16xi32>, vector<16xi32>], vector<16xf32>,
      %mul3A_1267 = arith.mulf %gather3A_1263, %gather3A_1266 : vector<16xf32>
      %add3A_1268 = arith.addf %add3A_1259, %mul3A_1267 : vector<16xf32>
      %reduce_sum3A_1269 = arith.constant true
      %reduce_sum3A_1270 = vector.broadcast %reduce_sum3A_1269 : i1 to vector<16xi1>
      %reduce_sum3A_1271 = tpu.scan <sum>, %add3A_1268 masked %reduce_sum3A_1270 : vector<16xf32>, vector<16xi1> -> vector<16xf32>
      %reduce_sum3A_1272 = vector.extract %reduce_sum3A_1271[15] : f32 from vector<16xf32>
      %broadcast_in_dim3A_1273 = vector.broadcast %reduce_sum3A_1272 : f32 to vector<16xf32>
      %eq3A_1274 = arith.constant 13 : i32
      %eq3A_1275 = vector.broadcast %eq3A_1274 : i32 to vector<16xi32>
      %eq3A_1276 = arith.cmpi eq, %iota3A, %eq3A_1275 : vector<16xi32>
      %select_n3A_1277 = arith.select %eq3A_1276, %broadcast_in_dim3A_1273, %select_n3A_1207 : vector<16xi1>, vector<16xf32>
      %slice3A_1278 = vector.extract_strided_slice %get3A_295 {offsets = [14], sizes = [1], strides = [1]} : vector<16xi32> to vector<1xi32>
      %squeeze3A_1279 = vector.extract %slice3A_1278[0] : i32 from vector<1xi32>
      %shift_right_logical3A_1280 = arith.constant 7 : i32
      %shift_right_logical3A_1281 = arith.shrui %squeeze3A_1279, %shift_right_logical3A_1280 : i32
      %while3A_1282 = scf.while (%while3A_1419 = %while3A_1212) : (i32) -> i32 {
        %le3A_1420 = arith.cmpi sle, %while3A_1419, %shift_right_logical3A_1281 : i32
        scf.condition(%le3A_1420) %while3A_1419 : i32
      } do {
      ^bb0(%while3A_1419: i32):
        %dma_wait3A_1420 = arith.constant 0 : i32
        %dma_wait3A_1421 = arith.constant 0 : i32
        %dma_wait3A_1422 = arith.constant 0 : i32
        %dma_wait3A_1423 = tpu.memref_slice %arg17[%dma_wait3A_1420, %dma_wait3A_1421, %dma_wait3A_1422] : memref<8x64x128xf32, #tpu.memory_space<vmem>> -> memref<1x64x128xf32, #tpu.memory_space<vmem>>
        %dma_wait3A_1424 = tpu.memref_squeeze %dma_wait3A_1423 : memref<1x64x128xf32, #tpu.memory_space<vmem>> -> memref<64x128xf32, #tpu.memory_space<vmem>>
        %dma_wait3A_1425 = arith.constant 0 : i32
        %dma_wait3A_1426 = arith.constant 0 : i32
        %dma_wait3A_1427 = tpu.memref_slice %arg6[%dma_wait3A_1425, %dma_wait3A_1426] : memref<64x1000000xf32, #tpu.memory_space<hbm>> -> memref<64x128xf32, #tpu.memory_space<hbm>>
        %dma_wait3A_1428 = arith.constant 0 : i32
        %dma_wait3A_1429 = arith.constant 0 : i32
        %dma_wait3A_1430 = tpu.memref_slice %arg17[%dma_wait3A_1420, %dma_wait3A_1428, %dma_wait3A_1429] : memref<8x64x128xf32, #tpu.memory_space<vmem>> -> memref<1x64x128xf32, #tpu.memory_space<vmem>>
        %dma_wait3A_1431 = tpu.memref_squeeze %dma_wait3A_1430 : memref<1x64x128xf32, #tpu.memory_space<vmem>> -> memref<64x128xf32, #tpu.memory_space<vmem>>
        %dma_wait3A_1432 = arith.constant 0 : i32
        %dma_wait3A_1433 = arith.constant 0 : i32
        %dma_wait3A_1434 = tpu.memref_slice %arg6[%dma_wait3A_1432, %dma_wait3A_1433] : memref<64x1000000xf32, #tpu.memory_space<hbm>> -> memref<64x128xf32, #tpu.memory_space<hbm>>
        tpu.wait_dma2 semaphore(%arg22 : memref<!tpu.dma_semaphore, #tpu.memory_space<semaphore_mem>>) src(%dma_wait3A_1434 : memref<64x128xf32, #tpu.memory_space<hbm>>) dst(%dma_wait3A_1431 : memref<64x128xf32, #tpu.memory_space<vmem>>)
        %add3A_1435 = arith.constant 8 : i32
        %add3A_1436 = arith.addi %while3A_1419, %add3A_1435 : i32
        %sub3A_1437 = arith.constant 1 : i32
        %sub3A_1438 = arith.subi %add3A_1436, %sub3A_1437 : i32
        %le3A_1439 = arith.cmpi sle, %sub3A_1438, %shift_right_logical3A_96 : i32
        %convert_element_type3A_1440 = arith.extui %le3A_1439 : i1 to i32
        %cond3A_1441 = arith.constant 0 : i32
        %cond3A_1442 = arith.cmpi ne, %convert_element_type3A_1440, %cond3A_1441 : i32
        scf.if %cond3A_1442 {
          %mul3A_1445 = arith.constant 128 : i32
          %mul3A_1446 = arith.muli %sub3A_1438, %mul3A_1445 : i32
          %multiple_of3A = tpu.assume_multiple %mul3A_1446, 128 : i32
          %rem3A_1447 = arith.constant 8 : i32
          %rem3A_1448 = arith.remsi %sub3A_1438, %rem3A_1447 : i32
          %dma_start3A_1449 = arith.constant 0 : i32
          %dma_start3A_1450 = arith.constant 0 : i32
          %dma_start3A_1451 = tpu.memref_slice %arg17[%rem3A_1448, %dma_start3A_1449, %dma_start3A_1450] : memref<8x64x128xf32, #tpu.memory_space<vmem>> -> memref<1x64x128xf32, #tpu.memory_space<vmem>>
          %dma_start3A_1452 = tpu.memref_squeeze %dma_start3A_1451 : memref<1x64x128xf32, #tpu.memory_space<vmem>> -> memref<64x128xf32, #tpu.memory_space<vmem>>
          %dma_start3A_1453 = arith.constant 0 : i32
          %dma_start3A_1454 = tpu.memref_slice %arg6[%dma_start3A_1453, %multiple_of3A] : memref<64x1000000xf32, #tpu.memory_space<hbm>> -> memref<64x128xf32, #tpu.memory_space<hbm>>
          %dma_start3A_1455 = arith.constant 0 : i32
          %dma_start3A_1456 = arith.constant 0 : i32
          %dma_start3A_1457 = tpu.memref_slice %arg17[%rem3A_1448, %dma_start3A_1455, %dma_start3A_1456] : memref<8x64x128xf32, #tpu.memory_space<vmem>> -> memref<1x64x128xf32, #tpu.memory_space<vmem>>
          %dma_start3A_1458 = tpu.memref_squeeze %dma_start3A_1457 : memref<1x64x128xf32, #tpu.memory_space<vmem>> -> memref<64x128xf32, #tpu.memory_space<vmem>>
          %dma_start3A_1459 = arith.constant 0 : i32
          %dma_start3A_1460 = tpu.memref_slice %arg6[%dma_start3A_1459, %multiple_of3A] : memref<64x1000000xf32, #tpu.memory_space<hbm>> -> memref<64x128xf32, #tpu.memory_space<hbm>>
          tpu.enqueue_dma source(%dma_start3A_1460 : memref<64x128xf32, #tpu.memory_space<hbm>>) target(%dma_start3A_1458 : memref<64x128xf32, #tpu.memory_space<vmem>>) target_semaphore(%arg22 : memref<!tpu.dma_semaphore, #tpu.memory_space<semaphore_mem>>)
        } else {
        }
        %add3A_1443 = arith.constant 1 : i32
        %add3A_1444 = arith.addi %while3A_1419, %add3A_1443 : i32
        scf.yield %add3A_1444 : i32
      }
      %rem3A_1283 = arith.constant 8 : i32
      %rem3A_1284 = arith.remsi %shift_right_logical3A_1281, %rem3A_1283 : i32
      %broadcast_in_dim3A_1285 = vector.broadcast %rem3A_1284 : i32 to vector<16xi32>
      %add3A_1286 = arith.constant 14 : i32
      %add3A_1287 = arith.addi %mul3A_293, %add3A_1286 : i32
      %mul3A_1288 = arith.constant 128 : i32
      %mul3A_1289 = arith.muli %shift_right_logical3A_299, %mul3A_1288 : i32
      %sub3A_1290 = arith.subi %add3A_1287, %mul3A_1289 : i32
      %broadcast_in_dim3A_1291 = vector.broadcast %sub3A_1290 : i32 to vector<16xi32>
      %and3A_1292 = arith.constant 127 : i32
      %and3A_1293 = arith.andi %squeeze3A_1279, %and3A_1292 : i32
      %broadcast_in_dim3A_1294 = vector.broadcast %and3A_1293 : i32 to vector<16xi32>
      %slice3A_1295 = vector.extract_strided_slice %get3A_297 {offsets = [14], sizes = [1], strides = [1]} : vector<16xi32> to vector<1xi32>
      %squeeze3A_1296 = vector.extract %slice3A_1295[0] : i32 from vector<1xi32>
      %and3A_1297 = arith.constant 1 : i32
      %and3A_1298 = arith.andi %squeeze3A_1296, %and3A_1297 : i32
      %mul3A_1299 = arith.constant 64 : i32
      %mul3A_1300 = arith.muli %and3A_1298, %mul3A_1299 : i32
      %broadcast_in_dim3A_1301 = arith.constant 0.000000e+00 : f32
      %broadcast_in_dim3A_1302 = vector.broadcast %broadcast_in_dim3A_1301 : f32 to vector<16xf32>
      %add3A_1303 = arith.constant 0 : i32
      %add3A_1304 = vector.broadcast %add3A_1303 : i32 to vector<16xi32>
      %add3A_1305 = arith.addi %iota3A, %add3A_1304 : vector<16xi32>
      %gather3A_1306 = tpu.vector_load_idx %arg17[%broadcast_in_dim3A_1285, %add3A_1305, %broadcast_in_dim3A_1294] : memref<8x64x128xf32, #tpu.memory_space<vmem>>[vector<16xi32>, vector<16xi32>, vector<16xi32>], vector<16xf32>,
      %add3A_1307 = vector.broadcast %mul3A_1300 : i32 to vector<16xi32>
      %add3A_1308 = arith.addi %add3A_1305, %add3A_1307 : vector<16xi32>
      %gather3A_1309 = tpu.vector_load_idx %arg18[%broadcast_in_dim3A, %broadcast_in_dim3A_1291, %add3A_1308] : memref<2x128x128xf32, #tpu.memory_space<vmem>>[vector<16xi32>, vector<16xi32>, vector<16xi32>], vector<16xf32>,
      %mul3A_1310 = arith.mulf %gather3A_1306, %gather3A_1309 : vector<16xf32>
      %add3A_1311 = arith.addf %broadcast_in_dim3A_1302, %mul3A_1310 : vector<16xf32>
      %add3A_1312 = arith.constant 16 : i32
      %add3A_1313 = vector.broadcast %add3A_1312 : i32 to vector<16xi32>
      %add3A_1314 = arith.addi %iota3A, %add3A_1313 : vector<16xi32>
      %gather3A_1315 = tpu.vector_load_idx %arg17[%broadcast_in_dim3A_1285, %add3A_1314, %broadcast_in_dim3A_1294] : memref<8x64x128xf32, #tpu.memory_space<vmem>>[vector<16xi32>, vector<16xi32>, vector<16xi32>], vector<16xf32>,
      %add3A_1316 = vector.broadcast %mul3A_1300 : i32 to vector<16xi32>
      %add3A_1317 = arith.addi %add3A_1314, %add3A_1316 : vector<16xi32>
      %gather3A_1318 = tpu.vector_load_idx %arg18[%broadcast_in_dim3A, %broadcast_in_dim3A_1291, %add3A_1317] : memref<2x128x128xf32, #tpu.memory_space<vmem>>[vector<16xi32>, vector<16xi32>, vector<16xi32>], vector<16xf32>,
      %mul3A_1319 = arith.mulf %gather3A_1315, %gather3A_1318 : vector<16xf32>
      %add3A_1320 = arith.addf %add3A_1311, %mul3A_1319 : vector<16xf32>
      %add3A_1321 = arith.constant 32 : i32
      %add3A_1322 = vector.broadcast %add3A_1321 : i32 to vector<16xi32>
      %add3A_1323 = arith.addi %iota3A, %add3A_1322 : vector<16xi32>
      %gather3A_1324 = tpu.vector_load_idx %arg17[%broadcast_in_dim3A_1285, %add3A_1323, %broadcast_in_dim3A_1294] : memref<8x64x128xf32, #tpu.memory_space<vmem>>[vector<16xi32>, vector<16xi32>, vector<16xi32>], vector<16xf32>,
      %add3A_1325 = vector.broadcast %mul3A_1300 : i32 to vector<16xi32>
      %add3A_1326 = arith.addi %add3A_1323, %add3A_1325 : vector<16xi32>
      %gather3A_1327 = tpu.vector_load_idx %arg18[%broadcast_in_dim3A, %broadcast_in_dim3A_1291, %add3A_1326] : memref<2x128x128xf32, #tpu.memory_space<vmem>>[vector<16xi32>, vector<16xi32>, vector<16xi32>], vector<16xf32>,
      %mul3A_1328 = arith.mulf %gather3A_1324, %gather3A_1327 : vector<16xf32>
      %add3A_1329 = arith.addf %add3A_1320, %mul3A_1328 : vector<16xf32>
      %add3A_1330 = arith.constant 48 : i32
      %add3A_1331 = vector.broadcast %add3A_1330 : i32 to vector<16xi32>
      %add3A_1332 = arith.addi %iota3A, %add3A_1331 : vector<16xi32>
      %gather3A_1333 = tpu.vector_load_idx %arg17[%broadcast_in_dim3A_1285, %add3A_1332, %broadcast_in_dim3A_1294] : memref<8x64x128xf32, #tpu.memory_space<vmem>>[vector<16xi32>, vector<16xi32>, vector<16xi32>], vector<16xf32>,
      %add3A_1334 = vector.broadcast %mul3A_1300 : i32 to vector<16xi32>
      %add3A_1335 = arith.addi %add3A_1332, %add3A_1334 : vector<16xi32>
      %gather3A_1336 = tpu.vector_load_idx %arg18[%broadcast_in_dim3A, %broadcast_in_dim3A_1291, %add3A_1335] : memref<2x128x128xf32, #tpu.memory_space<vmem>>[vector<16xi32>, vector<16xi32>, vector<16xi32>], vector<16xf32>,
      %mul3A_1337 = arith.mulf %gather3A_1333, %gather3A_1336 : vector<16xf32>
      %add3A_1338 = arith.addf %add3A_1329, %mul3A_1337 : vector<16xf32>
      %reduce_sum3A_1339 = arith.constant true
      %reduce_sum3A_1340 = vector.broadcast %reduce_sum3A_1339 : i1 to vector<16xi1>
      %reduce_sum3A_1341 = tpu.scan <sum>, %add3A_1338 masked %reduce_sum3A_1340 : vector<16xf32>, vector<16xi1> -> vector<16xf32>
      %reduce_sum3A_1342 = vector.extract %reduce_sum3A_1341[15] : f32 from vector<16xf32>
      %broadcast_in_dim3A_1343 = vector.broadcast %reduce_sum3A_1342 : f32 to vector<16xf32>
      %eq3A_1344 = arith.constant 14 : i32
      %eq3A_1345 = vector.broadcast %eq3A_1344 : i32 to vector<16xi32>
      %eq3A_1346 = arith.cmpi eq, %iota3A, %eq3A_1345 : vector<16xi32>
      %select_n3A_1347 = arith.select %eq3A_1346, %broadcast_in_dim3A_1343, %select_n3A_1277 : vector<16xi1>, vector<16xf32>
      %slice3A_1348 = vector.extract_strided_slice %get3A_295 {offsets = [15], sizes = [1], strides = [1]} : vector<16xi32> to vector<1xi32>
      %squeeze3A_1349 = vector.extract %slice3A_1348[0] : i32 from vector<1xi32>
      %shift_right_logical3A_1350 = arith.constant 7 : i32
      %shift_right_logical3A_1351 = arith.shrui %squeeze3A_1349, %shift_right_logical3A_1350 : i32
      %while3A_1352 = scf.while (%while3A_1419 = %while3A_1282) : (i32) -> i32 {
        %le3A_1420 = arith.cmpi sle, %while3A_1419, %shift_right_logical3A_1351 : i32
        scf.condition(%le3A_1420) %while3A_1419 : i32
      } do {
      ^bb0(%while3A_1419: i32):
        %dma_wait3A_1420 = arith.constant 0 : i32
        %dma_wait3A_1421 = arith.constant 0 : i32
        %dma_wait3A_1422 = arith.constant 0 : i32
        %dma_wait3A_1423 = tpu.memref_slice %arg17[%dma_wait3A_1420, %dma_wait3A_1421, %dma_wait3A_1422] : memref<8x64x128xf32, #tpu.memory_space<vmem>> -> memref<1x64x128xf32, #tpu.memory_space<vmem>>
        %dma_wait3A_1424 = tpu.memref_squeeze %dma_wait3A_1423 : memref<1x64x128xf32, #tpu.memory_space<vmem>> -> memref<64x128xf32, #tpu.memory_space<vmem>>
        %dma_wait3A_1425 = arith.constant 0 : i32
        %dma_wait3A_1426 = arith.constant 0 : i32
        %dma_wait3A_1427 = tpu.memref_slice %arg6[%dma_wait3A_1425, %dma_wait3A_1426] : memref<64x1000000xf32, #tpu.memory_space<hbm>> -> memref<64x128xf32, #tpu.memory_space<hbm>>
        %dma_wait3A_1428 = arith.constant 0 : i32
        %dma_wait3A_1429 = arith.constant 0 : i32
        %dma_wait3A_1430 = tpu.memref_slice %arg17[%dma_wait3A_1420, %dma_wait3A_1428, %dma_wait3A_1429] : memref<8x64x128xf32, #tpu.memory_space<vmem>> -> memref<1x64x128xf32, #tpu.memory_space<vmem>>
        %dma_wait3A_1431 = tpu.memref_squeeze %dma_wait3A_1430 : memref<1x64x128xf32, #tpu.memory_space<vmem>> -> memref<64x128xf32, #tpu.memory_space<vmem>>
        %dma_wait3A_1432 = arith.constant 0 : i32
        %dma_wait3A_1433 = arith.constant 0 : i32
        %dma_wait3A_1434 = tpu.memref_slice %arg6[%dma_wait3A_1432, %dma_wait3A_1433] : memref<64x1000000xf32, #tpu.memory_space<hbm>> -> memref<64x128xf32, #tpu.memory_space<hbm>>
        tpu.wait_dma2 semaphore(%arg22 : memref<!tpu.dma_semaphore, #tpu.memory_space<semaphore_mem>>) src(%dma_wait3A_1434 : memref<64x128xf32, #tpu.memory_space<hbm>>) dst(%dma_wait3A_1431 : memref<64x128xf32, #tpu.memory_space<vmem>>)
        %add3A_1435 = arith.constant 8 : i32
        %add3A_1436 = arith.addi %while3A_1419, %add3A_1435 : i32
        %sub3A_1437 = arith.constant 1 : i32
        %sub3A_1438 = arith.subi %add3A_1436, %sub3A_1437 : i32
        %le3A_1439 = arith.cmpi sle, %sub3A_1438, %shift_right_logical3A_96 : i32
        %convert_element_type3A_1440 = arith.extui %le3A_1439 : i1 to i32
        %cond3A_1441 = arith.constant 0 : i32
        %cond3A_1442 = arith.cmpi ne, %convert_element_type3A_1440, %cond3A_1441 : i32
        scf.if %cond3A_1442 {
          %mul3A_1445 = arith.constant 128 : i32
          %mul3A_1446 = arith.muli %sub3A_1438, %mul3A_1445 : i32
          %multiple_of3A = tpu.assume_multiple %mul3A_1446, 128 : i32
          %rem3A_1447 = arith.constant 8 : i32
          %rem3A_1448 = arith.remsi %sub3A_1438, %rem3A_1447 : i32
          %dma_start3A_1449 = arith.constant 0 : i32
          %dma_start3A_1450 = arith.constant 0 : i32
          %dma_start3A_1451 = tpu.memref_slice %arg17[%rem3A_1448, %dma_start3A_1449, %dma_start3A_1450] : memref<8x64x128xf32, #tpu.memory_space<vmem>> -> memref<1x64x128xf32, #tpu.memory_space<vmem>>
          %dma_start3A_1452 = tpu.memref_squeeze %dma_start3A_1451 : memref<1x64x128xf32, #tpu.memory_space<vmem>> -> memref<64x128xf32, #tpu.memory_space<vmem>>
          %dma_start3A_1453 = arith.constant 0 : i32
          %dma_start3A_1454 = tpu.memref_slice %arg6[%dma_start3A_1453, %multiple_of3A] : memref<64x1000000xf32, #tpu.memory_space<hbm>> -> memref<64x128xf32, #tpu.memory_space<hbm>>
          %dma_start3A_1455 = arith.constant 0 : i32
          %dma_start3A_1456 = arith.constant 0 : i32
          %dma_start3A_1457 = tpu.memref_slice %arg17[%rem3A_1448, %dma_start3A_1455, %dma_start3A_1456] : memref<8x64x128xf32, #tpu.memory_space<vmem>> -> memref<1x64x128xf32, #tpu.memory_space<vmem>>
          %dma_start3A_1458 = tpu.memref_squeeze %dma_start3A_1457 : memref<1x64x128xf32, #tpu.memory_space<vmem>> -> memref<64x128xf32, #tpu.memory_space<vmem>>
          %dma_start3A_1459 = arith.constant 0 : i32
          %dma_start3A_1460 = tpu.memref_slice %arg6[%dma_start3A_1459, %multiple_of3A] : memref<64x1000000xf32, #tpu.memory_space<hbm>> -> memref<64x128xf32, #tpu.memory_space<hbm>>
          tpu.enqueue_dma source(%dma_start3A_1460 : memref<64x128xf32, #tpu.memory_space<hbm>>) target(%dma_start3A_1458 : memref<64x128xf32, #tpu.memory_space<vmem>>) target_semaphore(%arg22 : memref<!tpu.dma_semaphore, #tpu.memory_space<semaphore_mem>>)
        } else {
        }
        %add3A_1443 = arith.constant 1 : i32
        %add3A_1444 = arith.addi %while3A_1419, %add3A_1443 : i32
        scf.yield %add3A_1444 : i32
      }
      %rem3A_1353 = arith.constant 8 : i32
      %rem3A_1354 = arith.remsi %shift_right_logical3A_1351, %rem3A_1353 : i32
      %broadcast_in_dim3A_1355 = vector.broadcast %rem3A_1354 : i32 to vector<16xi32>
      %add3A_1356 = arith.constant 15 : i32
      %add3A_1357 = arith.addi %mul3A_293, %add3A_1356 : i32
      %mul3A_1358 = arith.constant 128 : i32
      %mul3A_1359 = arith.muli %shift_right_logical3A_299, %mul3A_1358 : i32
      %sub3A_1360 = arith.subi %add3A_1357, %mul3A_1359 : i32
      %broadcast_in_dim3A_1361 = vector.broadcast %sub3A_1360 : i32 to vector<16xi32>
      %and3A_1362 = arith.constant 127 : i32
      %and3A_1363 = arith.andi %squeeze3A_1349, %and3A_1362 : i32
      %broadcast_in_dim3A_1364 = vector.broadcast %and3A_1363 : i32 to vector<16xi32>
      %slice3A_1365 = vector.extract_strided_slice %get3A_297 {offsets = [15], sizes = [1], strides = [1]} : vector<16xi32> to vector<1xi32>
      %squeeze3A_1366 = vector.extract %slice3A_1365[0] : i32 from vector<1xi32>
      %and3A_1367 = arith.constant 1 : i32
      %and3A_1368 = arith.andi %squeeze3A_1366, %and3A_1367 : i32
      %mul3A_1369 = arith.constant 64 : i32
      %mul3A_1370 = arith.muli %and3A_1368, %mul3A_1369 : i32
      %broadcast_in_dim3A_1371 = arith.constant 0.000000e+00 : f32
      %broadcast_in_dim3A_1372 = vector.broadcast %broadcast_in_dim3A_1371 : f32 to vector<16xf32>
      %add3A_1373 = arith.constant 0 : i32
      %add3A_1374 = vector.broadcast %add3A_1373 : i32 to vector<16xi32>
      %add3A_1375 = arith.addi %iota3A, %add3A_1374 : vector<16xi32>
      %gather3A_1376 = tpu.vector_load_idx %arg17[%broadcast_in_dim3A_1355, %add3A_1375, %broadcast_in_dim3A_1364] : memref<8x64x128xf32, #tpu.memory_space<vmem>>[vector<16xi32>, vector<16xi32>, vector<16xi32>], vector<16xf32>,
      %add3A_1377 = vector.broadcast %mul3A_1370 : i32 to vector<16xi32>
      %add3A_1378 = arith.addi %add3A_1375, %add3A_1377 : vector<16xi32>
      %gather3A_1379 = tpu.vector_load_idx %arg18[%broadcast_in_dim3A, %broadcast_in_dim3A_1361, %add3A_1378] : memref<2x128x128xf32, #tpu.memory_space<vmem>>[vector<16xi32>, vector<16xi32>, vector<16xi32>], vector<16xf32>,
      %mul3A_1380 = arith.mulf %gather3A_1376, %gather3A_1379 : vector<16xf32>
      %add3A_1381 = arith.addf %broadcast_in_dim3A_1372, %mul3A_1380 : vector<16xf32>
      %add3A_1382 = arith.constant 16 : i32
      %add3A_1383 = vector.broadcast %add3A_1382 : i32 to vector<16xi32>
      %add3A_1384 = arith.addi %iota3A, %add3A_1383 : vector<16xi32>
      %gather3A_1385 = tpu.vector_load_idx %arg17[%broadcast_in_dim3A_1355, %add3A_1384, %broadcast_in_dim3A_1364] : memref<8x64x128xf32, #tpu.memory_space<vmem>>[vector<16xi32>, vector<16xi32>, vector<16xi32>], vector<16xf32>,
      %add3A_1386 = vector.broadcast %mul3A_1370 : i32 to vector<16xi32>
      %add3A_1387 = arith.addi %add3A_1384, %add3A_1386 : vector<16xi32>
      %gather3A_1388 = tpu.vector_load_idx %arg18[%broadcast_in_dim3A, %broadcast_in_dim3A_1361, %add3A_1387] : memref<2x128x128xf32, #tpu.memory_space<vmem>>[vector<16xi32>, vector<16xi32>, vector<16xi32>], vector<16xf32>,
      %mul3A_1389 = arith.mulf %gather3A_1385, %gather3A_1388 : vector<16xf32>
      %add3A_1390 = arith.addf %add3A_1381, %mul3A_1389 : vector<16xf32>
      %add3A_1391 = arith.constant 32 : i32
      %add3A_1392 = vector.broadcast %add3A_1391 : i32 to vector<16xi32>
      %add3A_1393 = arith.addi %iota3A, %add3A_1392 : vector<16xi32>
      %gather3A_1394 = tpu.vector_load_idx %arg17[%broadcast_in_dim3A_1355, %add3A_1393, %broadcast_in_dim3A_1364] : memref<8x64x128xf32, #tpu.memory_space<vmem>>[vector<16xi32>, vector<16xi32>, vector<16xi32>], vector<16xf32>,
      %add3A_1395 = vector.broadcast %mul3A_1370 : i32 to vector<16xi32>
      %add3A_1396 = arith.addi %add3A_1393, %add3A_1395 : vector<16xi32>
      %gather3A_1397 = tpu.vector_load_idx %arg18[%broadcast_in_dim3A, %broadcast_in_dim3A_1361, %add3A_1396] : memref<2x128x128xf32, #tpu.memory_space<vmem>>[vector<16xi32>, vector<16xi32>, vector<16xi32>], vector<16xf32>,
      %mul3A_1398 = arith.mulf %gather3A_1394, %gather3A_1397 : vector<16xf32>
      %add3A_1399 = arith.addf %add3A_1390, %mul3A_1398 : vector<16xf32>
      %add3A_1400 = arith.constant 48 : i32
      %add3A_1401 = vector.broadcast %add3A_1400 : i32 to vector<16xi32>
      %add3A_1402 = arith.addi %iota3A, %add3A_1401 : vector<16xi32>
      %gather3A_1403 = tpu.vector_load_idx %arg17[%broadcast_in_dim3A_1355, %add3A_1402, %broadcast_in_dim3A_1364] : memref<8x64x128xf32, #tpu.memory_space<vmem>>[vector<16xi32>, vector<16xi32>, vector<16xi32>], vector<16xf32>,
      %add3A_1404 = vector.broadcast %mul3A_1370 : i32 to vector<16xi32>
      %add3A_1405 = arith.addi %add3A_1402, %add3A_1404 : vector<16xi32>
      %gather3A_1406 = tpu.vector_load_idx %arg18[%broadcast_in_dim3A, %broadcast_in_dim3A_1361, %add3A_1405] : memref<2x128x128xf32, #tpu.memory_space<vmem>>[vector<16xi32>, vector<16xi32>, vector<16xi32>], vector<16xf32>,
      %mul3A_1407 = arith.mulf %gather3A_1403, %gather3A_1406 : vector<16xf32>
      %add3A_1408 = arith.addf %add3A_1399, %mul3A_1407 : vector<16xf32>
      %reduce_sum3A_1409 = arith.constant true
      %reduce_sum3A_1410 = vector.broadcast %reduce_sum3A_1409 : i1 to vector<16xi1>
      %reduce_sum3A_1411 = tpu.scan <sum>, %add3A_1408 masked %reduce_sum3A_1410 : vector<16xf32>, vector<16xi1> -> vector<16xf32>
      %reduce_sum3A_1412 = vector.extract %reduce_sum3A_1411[15] : f32 from vector<16xf32>
      %broadcast_in_dim3A_1413 = vector.broadcast %reduce_sum3A_1412 : f32 to vector<16xf32>
      %eq3A_1414 = arith.constant 15 : i32
      %eq3A_1415 = vector.broadcast %eq3A_1414 : i32 to vector<16xi32>
      %eq3A_1416 = arith.cmpi eq, %iota3A, %eq3A_1415 : vector<16xi32>
      %select_n3A_1417 = arith.select %eq3A_1416, %broadcast_in_dim3A_1413, %select_n3A_1347 : vector<16xi1>, vector<16xf32>
      %swap3A = arith.index_cast %mul3A_293 : i32 to index
      %swap3A_1418 = tpu.vector_load %arg21[%swap3A] {strides = array<i32>} : memref<512xf32, #tpu.memory_space<vmem>>, vector<16xf32>,
      tpu.vector_store %arg21[%swap3A], %select_n3A_1417 {strides = array<i32>} : memref<512xf32, #tpu.memory_space<vmem>>, vector<16xf32>,
      scf.yield %while3A_1352, %while3A : i32, i32
    }
    %scan3A_154 = arith.constant 32 : i32
    %dma_wait3A = arith.constant 0 : i32
    %dma_wait3A_155 = arith.constant 0 : i32
    %dma_wait3A_156 = tpu.memref_slice %arg19[%dma_wait3A_155] : memref<512xf32, #tpu.memory_space<vmem>> -> memref<128xf32, #tpu.memory_space<vmem>>
    %dma_wait3A_157 = arith.constant 0 : i32
    %dma_wait3A_158 = tpu.memref_slice %arg11[%dma_wait3A, %dma_wait3A_157] : memref<4x128xi32, #tpu.memory_space<vmem>> -> memref<1x128xi32, #tpu.memory_space<vmem>>
    %dma_wait3A_159 = tpu.memref_squeeze %dma_wait3A_158 : memref<1x128xi32, #tpu.memory_space<vmem>> -> memref<128xi32, #tpu.memory_space<vmem>>
    %dma_wait3A_160 = arith.constant 0 : i32
    %dma_wait3A_161 = tpu.memref_slice %arg8[%dma_wait3A_160] : memref<1000000xf32, #tpu.memory_space<hbm>> -> memref<1000000xf32, #tpu.memory_space<hbm>>
    tpu.wait_indirect_dma semaphore(%arg24 : memref<!tpu.dma_semaphore, #tpu.memory_space<semaphore_mem>>) src(%dma_wait3A_161 : memref<1000000xf32, #tpu.memory_space<hbm>>) dst(%dma_wait3A_156 : memref<128xf32, #tpu.memory_space<vmem>>)
    %dma_wait3A_162 = arith.constant 0 : i32
    %dma_wait3A_163 = arith.constant 0 : i32
    %dma_wait3A_164 = tpu.memref_slice %arg20[%dma_wait3A_163] : memref<512xf32, #tpu.memory_space<vmem>> -> memref<128xf32, #tpu.memory_space<vmem>>
    %dma_wait3A_165 = arith.constant 0 : i32
    %dma_wait3A_166 = tpu.memref_slice %arg12[%dma_wait3A_162, %dma_wait3A_165] : memref<4x128xi32, #tpu.memory_space<vmem>> -> memref<1x128xi32, #tpu.memory_space<vmem>>
    %dma_wait3A_167 = tpu.memref_squeeze %dma_wait3A_166 : memref<1x128xi32, #tpu.memory_space<vmem>> -> memref<128xi32, #tpu.memory_space<vmem>>
    %dma_wait3A_168 = arith.constant 0 : i32
    %dma_wait3A_169 = tpu.memref_slice %arg9[%dma_wait3A_168] : memref<100000xf32, #tpu.memory_space<hbm>> -> memref<100000xf32, #tpu.memory_space<hbm>>
    tpu.wait_indirect_dma semaphore(%arg24 : memref<!tpu.dma_semaphore, #tpu.memory_space<semaphore_mem>>) src(%dma_wait3A_169 : memref<100000xf32, #tpu.memory_space<hbm>>) dst(%dma_wait3A_164 : memref<128xf32, #tpu.memory_space<vmem>>)
    %dma_wait3A_170 = arith.constant 1 : i32
    %dma_wait3A_171 = arith.constant 128 : i32
    %dma_wait3A_172 = tpu.memref_slice %arg19[%dma_wait3A_171] : memref<512xf32, #tpu.memory_space<vmem>> -> memref<128xf32, #tpu.memory_space<vmem>>
    %dma_wait3A_173 = arith.constant 0 : i32
    %dma_wait3A_174 = tpu.memref_slice %arg11[%dma_wait3A_170, %dma_wait3A_173] : memref<4x128xi32, #tpu.memory_space<vmem>> -> memref<1x128xi32, #tpu.memory_space<vmem>>
    %dma_wait3A_175 = tpu.memref_squeeze %dma_wait3A_174 : memref<1x128xi32, #tpu.memory_space<vmem>> -> memref<128xi32, #tpu.memory_space<vmem>>
    %dma_wait3A_176 = arith.constant 0 : i32
    %dma_wait3A_177 = tpu.memref_slice %arg8[%dma_wait3A_176] : memref<1000000xf32, #tpu.memory_space<hbm>> -> memref<1000000xf32, #tpu.memory_space<hbm>>
    tpu.wait_indirect_dma semaphore(%arg24 : memref<!tpu.dma_semaphore, #tpu.memory_space<semaphore_mem>>) src(%dma_wait3A_177 : memref<1000000xf32, #tpu.memory_space<hbm>>) dst(%dma_wait3A_172 : memref<128xf32, #tpu.memory_space<vmem>>)
    %dma_wait3A_178 = arith.constant 1 : i32
    %dma_wait3A_179 = arith.constant 128 : i32
    %dma_wait3A_180 = tpu.memref_slice %arg20[%dma_wait3A_179] : memref<512xf32, #tpu.memory_space<vmem>> -> memref<128xf32, #tpu.memory_space<vmem>>
    %dma_wait3A_181 = arith.constant 0 : i32
    %dma_wait3A_182 = tpu.memref_slice %arg12[%dma_wait3A_178, %dma_wait3A_181] : memref<4x128xi32, #tpu.memory_space<vmem>> -> memref<1x128xi32, #tpu.memory_space<vmem>>
    %dma_wait3A_183 = tpu.memref_squeeze %dma_wait3A_182 : memref<1x128xi32, #tpu.memory_space<vmem>> -> memref<128xi32, #tpu.memory_space<vmem>>
    %dma_wait3A_184 = arith.constant 0 : i32
    %dma_wait3A_185 = tpu.memref_slice %arg9[%dma_wait3A_184] : memref<100000xf32, #tpu.memory_space<hbm>> -> memref<100000xf32, #tpu.memory_space<hbm>>
    tpu.wait_indirect_dma semaphore(%arg24 : memref<!tpu.dma_semaphore, #tpu.memory_space<semaphore_mem>>) src(%dma_wait3A_185 : memref<100000xf32, #tpu.memory_space<hbm>>) dst(%dma_wait3A_180 : memref<128xf32, #tpu.memory_space<vmem>>)
    %dma_wait3A_186 = arith.constant 2 : i32
    %dma_wait3A_187 = arith.constant 256 : i32
    %dma_wait3A_188 = tpu.memref_slice %arg19[%dma_wait3A_187] : memref<512xf32, #tpu.memory_space<vmem>> -> memref<128xf32, #tpu.memory_space<vmem>>
    %dma_wait3A_189 = arith.constant 0 : i32
    %dma_wait3A_190 = tpu.memref_slice %arg11[%dma_wait3A_186, %dma_wait3A_189] : memref<4x128xi32, #tpu.memory_space<vmem>> -> memref<1x128xi32, #tpu.memory_space<vmem>>
    %dma_wait3A_191 = tpu.memref_squeeze %dma_wait3A_190 : memref<1x128xi32, #tpu.memory_space<vmem>> -> memref<128xi32, #tpu.memory_space<vmem>>
    %dma_wait3A_192 = arith.constant 0 : i32
    %dma_wait3A_193 = tpu.memref_slice %arg8[%dma_wait3A_192] : memref<1000000xf32, #tpu.memory_space<hbm>> -> memref<1000000xf32, #tpu.memory_space<hbm>>
    tpu.wait_indirect_dma semaphore(%arg24 : memref<!tpu.dma_semaphore, #tpu.memory_space<semaphore_mem>>) src(%dma_wait3A_193 : memref<1000000xf32, #tpu.memory_space<hbm>>) dst(%dma_wait3A_188 : memref<128xf32, #tpu.memory_space<vmem>>)
    %dma_wait3A_194 = arith.constant 2 : i32
    %dma_wait3A_195 = arith.constant 256 : i32
    %dma_wait3A_196 = tpu.memref_slice %arg20[%dma_wait3A_195] : memref<512xf32, #tpu.memory_space<vmem>> -> memref<128xf32, #tpu.memory_space<vmem>>
    %dma_wait3A_197 = arith.constant 0 : i32
    %dma_wait3A_198 = tpu.memref_slice %arg12[%dma_wait3A_194, %dma_wait3A_197] : memref<4x128xi32, #tpu.memory_space<vmem>> -> memref<1x128xi32, #tpu.memory_space<vmem>>
    %dma_wait3A_199 = tpu.memref_squeeze %dma_wait3A_198 : memref<1x128xi32, #tpu.memory_space<vmem>> -> memref<128xi32, #tpu.memory_space<vmem>>
    %dma_wait3A_200 = arith.constant 0 : i32
    %dma_wait3A_201 = tpu.memref_slice %arg9[%dma_wait3A_200] : memref<100000xf32, #tpu.memory_space<hbm>> -> memref<100000xf32, #tpu.memory_space<hbm>>
    tpu.wait_indirect_dma semaphore(%arg24 : memref<!tpu.dma_semaphore, #tpu.memory_space<semaphore_mem>>) src(%dma_wait3A_201 : memref<100000xf32, #tpu.memory_space<hbm>>) dst(%dma_wait3A_196 : memref<128xf32, #tpu.memory_space<vmem>>)
    %dma_wait3A_202 = arith.constant 3 : i32
    %dma_wait3A_203 = arith.constant 384 : i32
    %dma_wait3A_204 = tpu.memref_slice %arg19[%dma_wait3A_203] : memref<512xf32, #tpu.memory_space<vmem>> -> memref<128xf32, #tpu.memory_space<vmem>>
    %dma_wait3A_205 = arith.constant 0 : i32
    %dma_wait3A_206 = tpu.memref_slice %arg11[%dma_wait3A_202, %dma_wait3A_205] : memref<4x128xi32, #tpu.memory_space<vmem>> -> memref<1x128xi32, #tpu.memory_space<vmem>>
    %dma_wait3A_207 = tpu.memref_squeeze %dma_wait3A_206 : memref<1x128xi32, #tpu.memory_space<vmem>> -> memref<128xi32, #tpu.memory_space<vmem>>
    %dma_wait3A_208 = arith.constant 0 : i32
    %dma_wait3A_209 = tpu.memref_slice %arg8[%dma_wait3A_208] : memref<1000000xf32, #tpu.memory_space<hbm>> -> memref<1000000xf32, #tpu.memory_space<hbm>>
    tpu.wait_indirect_dma semaphore(%arg24 : memref<!tpu.dma_semaphore, #tpu.memory_space<semaphore_mem>>) src(%dma_wait3A_209 : memref<1000000xf32, #tpu.memory_space<hbm>>) dst(%dma_wait3A_204 : memref<128xf32, #tpu.memory_space<vmem>>)
    %dma_wait3A_210 = arith.constant 3 : i32
    %dma_wait3A_211 = arith.constant 384 : i32
    %dma_wait3A_212 = tpu.memref_slice %arg20[%dma_wait3A_211] : memref<512xf32, #tpu.memory_space<vmem>> -> memref<128xf32, #tpu.memory_space<vmem>>
    %dma_wait3A_213 = arith.constant 0 : i32
    %dma_wait3A_214 = tpu.memref_slice %arg12[%dma_wait3A_210, %dma_wait3A_213] : memref<4x128xi32, #tpu.memory_space<vmem>> -> memref<1x128xi32, #tpu.memory_space<vmem>>
    %dma_wait3A_215 = tpu.memref_squeeze %dma_wait3A_214 : memref<1x128xi32, #tpu.memory_space<vmem>> -> memref<128xi32, #tpu.memory_space<vmem>>
    %dma_wait3A_216 = arith.constant 0 : i32
    %dma_wait3A_217 = tpu.memref_slice %arg9[%dma_wait3A_216] : memref<100000xf32, #tpu.memory_space<hbm>> -> memref<100000xf32, #tpu.memory_space<hbm>>
    tpu.wait_indirect_dma semaphore(%arg24 : memref<!tpu.dma_semaphore, #tpu.memory_space<semaphore_mem>>) src(%dma_wait3A_217 : memref<100000xf32, #tpu.memory_space<hbm>>) dst(%dma_wait3A_212 : memref<128xf32, #tpu.memory_space<vmem>>)
    %scan3A_218 = arith.constant 0 : i32
    %scan3A_219 = arith.constant 0 : i32
    %scan3A_220 = arith.constant 32 : i32
    %scan3A_221 = arith.addi %scan3A_219, %scan3A_220 : i32
    %scan3A_222 = arith.constant 1 : i32
    %scan3A_223 = scf.for %scan3A_289 = %scan3A_219 to %scan3A_221 step %scan3A_222 iter_args(%scan3A_290 = %scan3A_218) -> (i32)  : i32 {
      %mul3A_291 = arith.constant 16 : i32
      %mul3A_292 = arith.muli %scan3A_289, %mul3A_291 : i32
      %get3A_293 = arith.index_cast %mul3A_292 : i32 to index
      %get3A_294 = tpu.vector_load %arg21[%get3A_293] {strides = array<i32>} : memref<512xf32, #tpu.memory_space<vmem>>, vector<16xf32>,
      %get3A_295 = arith.index_cast %mul3A_292 : i32 to index
      %get3A_296 = tpu.vector_load %arg19[%get3A_295] {strides = array<i32>} : memref<512xf32, #tpu.memory_space<vmem>>, vector<16xf32>,
      %add3A_297 = arith.addf %get3A_294, %get3A_296 : vector<16xf32>
      %get3A_298 = arith.index_cast %mul3A_292 : i32 to index
      %get3A_299 = tpu.vector_load %arg20[%get3A_298] {strides = array<i32>} : memref<512xf32, #tpu.memory_space<vmem>>, vector<16xf32>,
      %add3A_300 = arith.addf %add3A_297, %get3A_299 : vector<16xf32>
      %add3A_301 = arith.constant 3.500000e+00 : f32
      %add3A_302 = vector.broadcast %add3A_301 : f32 to vector<16xf32>
      %add3A_303 = arith.addf %add3A_300, %add3A_302 : vector<16xf32>
      %swap3A = arith.index_cast %mul3A_292 : i32 to index
      %swap3A_304 = tpu.vector_load %arg21[%swap3A] {strides = array<i32>} : memref<512xf32, #tpu.memory_space<vmem>>, vector<16xf32>,
      tpu.vector_store %arg21[%swap3A], %add3A_303 {strides = array<i32>} : memref<512xf32, #tpu.memory_space<vmem>>, vector<16xf32>,
      %scan3A_305 = arith.constant 0 : i32
      scf.yield %scan3A_305 : i32
    }
    %scan3A_224 = arith.constant 32 : i32
    %dma_start3A_225 = arith.constant 0 : i32
    %dma_start3A_226 = arith.constant 0 : i32
    %dma_start3A_227 = tpu.memref_slice %arg21[%dma_start3A_226] : memref<512xf32, #tpu.memory_space<vmem>> -> memref<128xf32, #tpu.memory_space<vmem>>
    %dma_start3A_228 = arith.constant 0 : i32
    %dma_start3A_229 = tpu.memref_slice %arg14[%dma_start3A_225, %dma_start3A_228] : memref<4x128xi32, #tpu.memory_space<vmem>> -> memref<1x128xi32, #tpu.memory_space<vmem>>
    %dma_start3A_230 = tpu.memref_squeeze %dma_start3A_229 : memref<1x128xi32, #tpu.memory_space<vmem>> -> memref<128xi32, #tpu.memory_space<vmem>>
    %dma_start3A_231 = arith.constant 0 : i32
    %dma_start3A_232 = tpu.memref_slice %arg10[%dma_start3A_231] : memref<16384xf32, #tpu.memory_space<hbm>> -> memref<16384xf32, #tpu.memory_space<hbm>>
    tpu.enqueue_indirect_dma source(%dma_start3A_227 : memref<128xf32, #tpu.memory_space<vmem>>) target(%dma_start3A_232 : memref<16384xf32, #tpu.memory_space<hbm>>) offsets(%dma_start3A_230 : memref<128xi32, #tpu.memory_space<vmem>>) semaphore(%arg24 : memref<!tpu.dma_semaphore, #tpu.memory_space<semaphore_mem>>)
    %dma_start3A_233 = arith.constant 1 : i32
    %dma_start3A_234 = arith.constant 128 : i32
    %dma_start3A_235 = tpu.memref_slice %arg21[%dma_start3A_234] : memref<512xf32, #tpu.memory_space<vmem>> -> memref<128xf32, #tpu.memory_space<vmem>>
    %dma_start3A_236 = arith.constant 0 : i32
    %dma_start3A_237 = tpu.memref_slice %arg14[%dma_start3A_233, %dma_start3A_236] : memref<4x128xi32, #tpu.memory_space<vmem>> -> memref<1x128xi32, #tpu.memory_space<vmem>>
    %dma_start3A_238 = tpu.memref_squeeze %dma_start3A_237 : memref<1x128xi32, #tpu.memory_space<vmem>> -> memref<128xi32, #tpu.memory_space<vmem>>
    %dma_start3A_239 = arith.constant 0 : i32
    %dma_start3A_240 = tpu.memref_slice %arg10[%dma_start3A_239] : memref<16384xf32, #tpu.memory_space<hbm>> -> memref<16384xf32, #tpu.memory_space<hbm>>
    tpu.enqueue_indirect_dma source(%dma_start3A_235 : memref<128xf32, #tpu.memory_space<vmem>>) target(%dma_start3A_240 : memref<16384xf32, #tpu.memory_space<hbm>>) offsets(%dma_start3A_238 : memref<128xi32, #tpu.memory_space<vmem>>) semaphore(%arg24 : memref<!tpu.dma_semaphore, #tpu.memory_space<semaphore_mem>>)
    %dma_start3A_241 = arith.constant 2 : i32
    %dma_start3A_242 = arith.constant 256 : i32
    %dma_start3A_243 = tpu.memref_slice %arg21[%dma_start3A_242] : memref<512xf32, #tpu.memory_space<vmem>> -> memref<128xf32, #tpu.memory_space<vmem>>
    %dma_start3A_244 = arith.constant 0 : i32
    %dma_start3A_245 = tpu.memref_slice %arg14[%dma_start3A_241, %dma_start3A_244] : memref<4x128xi32, #tpu.memory_space<vmem>> -> memref<1x128xi32, #tpu.memory_space<vmem>>
    %dma_start3A_246 = tpu.memref_squeeze %dma_start3A_245 : memref<1x128xi32, #tpu.memory_space<vmem>> -> memref<128xi32, #tpu.memory_space<vmem>>
    %dma_start3A_247 = arith.constant 0 : i32
    %dma_start3A_248 = tpu.memref_slice %arg10[%dma_start3A_247] : memref<16384xf32, #tpu.memory_space<hbm>> -> memref<16384xf32, #tpu.memory_space<hbm>>
    tpu.enqueue_indirect_dma source(%dma_start3A_243 : memref<128xf32, #tpu.memory_space<vmem>>) target(%dma_start3A_248 : memref<16384xf32, #tpu.memory_space<hbm>>) offsets(%dma_start3A_246 : memref<128xi32, #tpu.memory_space<vmem>>) semaphore(%arg24 : memref<!tpu.dma_semaphore, #tpu.memory_space<semaphore_mem>>)
    %dma_start3A_249 = arith.constant 3 : i32
    %dma_start3A_250 = arith.constant 384 : i32
    %dma_start3A_251 = tpu.memref_slice %arg21[%dma_start3A_250] : memref<512xf32, #tpu.memory_space<vmem>> -> memref<128xf32, #tpu.memory_space<vmem>>
    %dma_start3A_252 = arith.constant 0 : i32
    %dma_start3A_253 = tpu.memref_slice %arg14[%dma_start3A_249, %dma_start3A_252] : memref<4x128xi32, #tpu.memory_space<vmem>> -> memref<1x128xi32, #tpu.memory_space<vmem>>
    %dma_start3A_254 = tpu.memref_squeeze %dma_start3A_253 : memref<1x128xi32, #tpu.memory_space<vmem>> -> memref<128xi32, #tpu.memory_space<vmem>>
    %dma_start3A_255 = arith.constant 0 : i32
    %dma_start3A_256 = tpu.memref_slice %arg10[%dma_start3A_255] : memref<16384xf32, #tpu.memory_space<hbm>> -> memref<16384xf32, #tpu.memory_space<hbm>>
    tpu.enqueue_indirect_dma source(%dma_start3A_251 : memref<128xf32, #tpu.memory_space<vmem>>) target(%dma_start3A_256 : memref<16384xf32, #tpu.memory_space<hbm>>) offsets(%dma_start3A_254 : memref<128xi32, #tpu.memory_space<vmem>>) semaphore(%arg24 : memref<!tpu.dma_semaphore, #tpu.memory_space<semaphore_mem>>)
    %dma_wait3A_257 = arith.constant 0 : i32
    %dma_wait3A_258 = arith.constant 0 : i32
    %dma_wait3A_259 = tpu.memref_slice %arg21[%dma_wait3A_258] : memref<512xf32, #tpu.memory_space<vmem>> -> memref<128xf32, #tpu.memory_space<vmem>>
    %dma_wait3A_260 = arith.constant 0 : i32
    %dma_wait3A_261 = tpu.memref_slice %arg14[%dma_wait3A_257, %dma_wait3A_260] : memref<4x128xi32, #tpu.memory_space<vmem>> -> memref<1x128xi32, #tpu.memory_space<vmem>>
    %dma_wait3A_262 = tpu.memref_squeeze %dma_wait3A_261 : memref<1x128xi32, #tpu.memory_space<vmem>> -> memref<128xi32, #tpu.memory_space<vmem>>
    %dma_wait3A_263 = arith.constant 0 : i32
    %dma_wait3A_264 = tpu.memref_slice %arg10[%dma_wait3A_263] : memref<16384xf32, #tpu.memory_space<hbm>> -> memref<16384xf32, #tpu.memory_space<hbm>>
    tpu.wait_indirect_dma semaphore(%arg24 : memref<!tpu.dma_semaphore, #tpu.memory_space<semaphore_mem>>) src(%dma_wait3A_259 : memref<128xf32, #tpu.memory_space<vmem>>) dst(%dma_wait3A_264 : memref<16384xf32, #tpu.memory_space<hbm>>)
    %dma_wait3A_265 = arith.constant 1 : i32
    %dma_wait3A_266 = arith.constant 128 : i32
    %dma_wait3A_267 = tpu.memref_slice %arg21[%dma_wait3A_266] : memref<512xf32, #tpu.memory_space<vmem>> -> memref<128xf32, #tpu.memory_space<vmem>>
    %dma_wait3A_268 = arith.constant 0 : i32
    %dma_wait3A_269 = tpu.memref_slice %arg14[%dma_wait3A_265, %dma_wait3A_268] : memref<4x128xi32, #tpu.memory_space<vmem>> -> memref<1x128xi32, #tpu.memory_space<vmem>>
    %dma_wait3A_270 = tpu.memref_squeeze %dma_wait3A_269 : memref<1x128xi32, #tpu.memory_space<vmem>> -> memref<128xi32, #tpu.memory_space<vmem>>
    %dma_wait3A_271 = arith.constant 0 : i32
    %dma_wait3A_272 = tpu.memref_slice %arg10[%dma_wait3A_271] : memref<16384xf32, #tpu.memory_space<hbm>> -> memref<16384xf32, #tpu.memory_space<hbm>>
    tpu.wait_indirect_dma semaphore(%arg24 : memref<!tpu.dma_semaphore, #tpu.memory_space<semaphore_mem>>) src(%dma_wait3A_267 : memref<128xf32, #tpu.memory_space<vmem>>) dst(%dma_wait3A_272 : memref<16384xf32, #tpu.memory_space<hbm>>)
    %dma_wait3A_273 = arith.constant 2 : i32
    %dma_wait3A_274 = arith.constant 256 : i32
    %dma_wait3A_275 = tpu.memref_slice %arg21[%dma_wait3A_274] : memref<512xf32, #tpu.memory_space<vmem>> -> memref<128xf32, #tpu.memory_space<vmem>>
    %dma_wait3A_276 = arith.constant 0 : i32
    %dma_wait3A_277 = tpu.memref_slice %arg14[%dma_wait3A_273, %dma_wait3A_276] : memref<4x128xi32, #tpu.memory_space<vmem>> -> memref<1x128xi32, #tpu.memory_space<vmem>>
    %dma_wait3A_278 = tpu.memref_squeeze %dma_wait3A_277 : memref<1x128xi32, #tpu.memory_space<vmem>> -> memref<128xi32, #tpu.memory_space<vmem>>
    %dma_wait3A_279 = arith.constant 0 : i32
    %dma_wait3A_280 = tpu.memref_slice %arg10[%dma_wait3A_279] : memref<16384xf32, #tpu.memory_space<hbm>> -> memref<16384xf32, #tpu.memory_space<hbm>>
    tpu.wait_indirect_dma semaphore(%arg24 : memref<!tpu.dma_semaphore, #tpu.memory_space<semaphore_mem>>) src(%dma_wait3A_275 : memref<128xf32, #tpu.memory_space<vmem>>) dst(%dma_wait3A_280 : memref<16384xf32, #tpu.memory_space<hbm>>)
    %dma_wait3A_281 = arith.constant 3 : i32
    %dma_wait3A_282 = arith.constant 384 : i32
    %dma_wait3A_283 = tpu.memref_slice %arg21[%dma_wait3A_282] : memref<512xf32, #tpu.memory_space<vmem>> -> memref<128xf32, #tpu.memory_space<vmem>>
    %dma_wait3A_284 = arith.constant 0 : i32
    %dma_wait3A_285 = tpu.memref_slice %arg14[%dma_wait3A_281, %dma_wait3A_284] : memref<4x128xi32, #tpu.memory_space<vmem>> -> memref<1x128xi32, #tpu.memory_space<vmem>>
    %dma_wait3A_286 = tpu.memref_squeeze %dma_wait3A_285 : memref<1x128xi32, #tpu.memory_space<vmem>> -> memref<128xi32, #tpu.memory_space<vmem>>
    %dma_wait3A_287 = arith.constant 0 : i32
    %dma_wait3A_288 = tpu.memref_slice %arg10[%dma_wait3A_287] : memref<16384xf32, #tpu.memory_space<hbm>> -> memref<16384xf32, #tpu.memory_space<hbm>>
    tpu.wait_indirect_dma semaphore(%arg24 : memref<!tpu.dma_semaphore, #tpu.memory_space<semaphore_mem>>) src(%dma_wait3A_283 : memref<128xf32, #tpu.memory_space<vmem>>) dst(%dma_wait3A_288 : memref<16384xf32, #tpu.memory_space<hbm>>)
    return
  }
}

</mosaic_0001>

<sc_bundles>
// kernel: _svd_predict.3.cloned.1.call-start
scs
__scs_entry_jumppad:
0x0: {  	(pc) =	sbr.rel $0x88, $3  }
0x1: {  	(tag) =	ssettag $0x0;
	lr =	simm.s32 $0x1  }
0x2: {  	[smem:$0x3F9B] =	sst lr;
	_ =	strace $0xD0000000  }
0x3: {  	_ = 	snop  }
0x4: {  	_ = 	snop  }
0x5: {  	_ = 	snop  }
0x6: {  	_ = 	snop  }
0x7: {  	_ = 	snop  }
__scs_overlays_trampoline_lowered:
0x8: {  	[smem:$0x3FAA] =	sst s0  }
0x9: {  	[smem:$0x3FAB] =	sst s1  }
0xa: {  	[smem:$0x3FAC] =	sst s2  }
0xb: {  	[smem:$0x3FAD] =	sst s3  }
0xc: {  	[smem:$0x3FAE] =	sst s4  }
0xd: {  	[smem:$0x3FAF] =	sst s5  }
0xe: {  	[smem:$0x3FB0] =	sst s6  }
0xf: {  	[smem:$0x3FB1] =	sst s7  }
0x10: {  	[smem:$0x3FB2] =	sst s8  }
0x11: {  	[smem:$0x3FB3] =	sst s9;
	s0 =	simm.s32 @!p0 $0x0  }
0x12: {  	s1 =	sld [smem:$0x3F99];
	s0 =	simm.s32 @p0 $0x1  }
0x13: {  	[smem:$0x3FB4] =	sst s0;
	s0 =	simm.s32 @!p1 $0x0  }
0x14: {  	s2 =	sld [smem:$0x3F98];
	s0 =	simm.s32 @p1 $0x1  }
0x15: {  	[smem:$0x3FB5] =	sst s0;
	s0 =	simm.s32 @!p2 $0x0  }
0x16: {  	s3 =	sld [smem:$0x3FDB];
	s0 =	simm.s32 @p2 $0x1  }
0x17: {  	s4 =	simm.s32 $0x1BF5;
	[smem:$0x3FB7] =	sst s0  }
0x18: {  	s0 =	sld [smem:$0x3F9A];
	_ =	swait.ge [sflag:s4], $0x0  }
0x19: {  	s7 =	sld [smem:$0x3F9B]  }
0x1a: {  	s8 =	sadd.s32 $0xFFFFE003, lr  }
0x1b: {  	s9 =	sadd.s32 $0xFFFFFEF7, lr;
	s5 =	simm.s32 $0xFFFFFFFF;
	p2 =	slt.u32 s8, $0xFFFFF086  }
0x1c: {  	p1 =	slt.u32 s9, $0xF7A;
	s5 =	simm.s32 @!p2 $0x0  }
0x1d: {  	s5 =	simm.s32 @p1 $0x1;
	p0 =	seq.s32 s7, s2  }
0x1e: {  	s7 =	smul.u32 @!p0 $0xF7A, s2;
	p2 =	seq.s32 @!p0 s5, $0x0  }
0x1f: {  	s9 =	smul.u32 $0xF7A, s1;
	s8 =	simm.s32 @!p0 $0x1BF5;
	p2 =	por !p2, p0  }
0x20: {  	[sflag:s8] =	ssyncset.s32 @!p0 $0xFFFFF086;
	s6 =	sadd.s32 @!p0 s3, s7;
	s7 =	simm.s32 @!p0 $0x108  }
0x21: {  	s3 =	sadd.s32 s3, s9;
	s6 =	sadd.s32 @!p0 $0x88, s6;
	s7 =	simm.s32 @p2 $0x1082  }
0x22: {  	[simem:s7], [sflag:s8] =	dma.local @!p0 [hbm:s6], $0xF7A  }
0x23: {  	s9 =	sor.u32 $0xD0000000, s2;
	s6 =	simm.s32 $0x108;
	_ =	swait.ge @!p0 [sflag:s8], $0x0  }
0x24: {  	s3 =	sadd.s32 $0x88, s3;
	s6 =	simm.s32 @!p1 $0x1082;
	[sflag:s4] =	ssyncset.s32 $0xFFFFF086  }
0x25: {  	[simem:s6], [sflag:s4] =	dma.local [hbm:s3], $0xF7A  }
0x26: {  	[smem:$0x3F9B] =	sst s1;
	(tag) =	ssettag s2;
	_ =	strace s9  }
0x27: {  	s1 =	sld [smem:$0x3FAB]  }
0x28: {  	s2 =	sld [smem:$0x3FAC]  }
0x29: {  	s4 =	sld [smem:$0x3FAE]  }
0x2a: {  	p0 =	seq.s32 s5, $0x0;
	s5 =	sld [smem:$0x3FAF]  }
0x2b: {  	s6 =	sld [smem:$0x3FB0]  }
0x2c: {  	s7 =	sld [smem:$0x3FB1]  }
0x2d: {  	s3 =	simm.s32 $0x108;
	s8 =	sld [smem:$0x3FB2]  }
0x2e: {  	s3 =	simm.s32 @!p0 $0x1082;
	s9 =	sld [smem:$0x3FB3]  }
0x2f: {  	lr =	sadd.s32 s0, s3;
	s0 =	sld [smem:$0x3FAA]  }
0x30: {  	s3 =	sld [smem:$0x3FAD]  }
0x31: {  	[smem:$0x3FB6] =	sst s10  }
0x32: {  	s10 =	sld [smem:$0x3FB4];
	_ =	sdelay $0x3  }
0x33: {  	p0 =	seq.s32 s10, $0x1;
	s10 =	sld [smem:$0x3FB6];
	_ =	sdelay $0x3  }
0x34: {  	[smem:$0x3FB6] =	sst s10  }
0x35: {  	s10 =	sld [smem:$0x3FB5];
	_ =	sdelay $0x3  }
0x36: {  	p1 =	seq.s32 s10, $0x1;
	s10 =	sld [smem:$0x3FB6];
	_ =	sdelay $0x3  }
0x37: {  	[smem:$0x3FB6] =	sst s10  }
0x38: {  	s10 =	sld [smem:$0x3FB7]  }
0x39: {  	_ = 	snop;
	(pc) =	sbr.ind lr, $3  }
0x3a: {  	_ = 	snop  }
0x3b: {  	_ = 	snop  }
0x3c: {  	p2 =	seq.s32 s10, $0x1;
	s10 =	sld [smem:$0x3FB6]  }
0x3d: {  	_ =	shalt  }
0x3e: {  	_ =	shalt  }
0x3f: {  	_ =	shalt  }
0x40: {  	_ =	shalt  }
0x41: {  	_ =	shalt  }
0x42: {  	_ =	shalt  }
0x43: {  	_ =	shalt  }
0x44: {  	_ =	shalt  }
0x45: {  	_ =	shalt  }
0x46: {  	_ =	shalt  }
0x47: {  	_ =	shalt  }
0x48: {  	_ =	shalt  }
0x49: {  	_ =	shalt  }
0x4a: {  	_ =	shalt  }
0x4b: {  	_ =	shalt  }
0x4c: {  	_ =	shalt  }
0x4d: {  	_ =	shalt  }
0x4e: {  	_ =	shalt  }
0x4f: {  	_ =	shalt  }
0x50: {  	_ =	shalt  }
0x51: {  	_ =	shalt  }
0x52: {  	_ =	shalt  }
0x53: {  	_ =	shalt  }
0x54: {  	_ =	shalt  }
0x55: {  	_ =	shalt  }
0x56: {  	_ =	shalt  }
0x57: {  	_ =	shalt  }
0x58: {  	_ =	shalt  }
0x59: {  	_ =	shalt  }
0x5a: {  	_ =	shalt  }
0x5b: {  	_ =	shalt  }
0x5c: {  	_ =	shalt  }
0x5d: {  	_ =	shalt  }
0x5e: {  	_ =	shalt  }
0x5f: {  	_ =	shalt  }
0x60: {  	_ =	shalt  }
0x61: {  	_ =	shalt  }
0x62: {  	_ =	shalt  }
0x63: {  	_ =	shalt  }
0x64: {  	_ =	shalt  }
0x65: {  	_ =	shalt  }
0x66: {  	_ =	shalt  }
0x67: {  	_ =	shalt  }
0x68: {  	_ =	shalt  }
0x69: {  	_ =	shalt  }
0x6a: {  	_ =	shalt  }
0x6b: {  	_ =	shalt  }
0x6c: {  	_ =	shalt  }
0x6d: {  	_ =	shalt  }
0x6e: {  	_ =	shalt  }
0x6f: {  	_ =	shalt  }
0x70: {  	_ =	shalt  }
0x71: {  	_ =	shalt  }
0x72: {  	_ =	shalt  }
0x73: {  	_ =	shalt  }
0x74: {  	_ =	shalt  }
0x75: {  	_ =	shalt  }
0x76: {  	_ =	shalt  }
0x77: {  	_ =	shalt  }
0x78: {  	_ =	shalt  }
0x79: {  	_ =	shalt  }
0x7a: {  	_ =	shalt  }
0x7b: {  	_ =	shalt  }
0x7c: {  	_ =	shalt  }
0x7d: {  	_ =	shalt  }
0x7e: {  	_ =	shalt  }
0x7f: {  	_ =	shalt  }
0x80: {  	_ =	shalt  }
0x81: {  	_ =	shalt  }
0x82: {  	_ =	shalt  }
0x83: {  	_ =	shalt  }
0x84: {  	_ =	shalt  }
0x85: {  	_ =	shalt  }
0x86: {  	_ =	shalt  }
0x87: {  	_ =	shalt  }
.Lfunc_end0:
.L_simem_size_0:
called_computation.2_lowered:
.L_overlay_start_0:
0x88: {  	s2 =	sld [smem:$0x3FD9]  }
0x89: {  	s3 =	sld [smem:$0x3FFE];
	_ =	sdelay $0x1  }
0x8a: {  	s1 =	srdreg.scid  }
0x8b: {  	s0 =	sand.u32 $0x1, s1  }
0x8c: {  	s17 =	sshll.u32 s0, $0xA;
	s2 =	sadd.s32 s3, s2  }
0x8d: {  	s2 =	sadd.s32 s2, s17  }
0x8e: {  	[smem:$0x3FC2] =	sst s2  }
0x8f: {  	_ = 	snop  }
0x90: {  	s2 =	sld [smem:$0x3FC7]  }
0x91: {  	s18 =	sld [smem:$0x3FD0];
	(tm) =	ssettm $0x1  }
0x92: {  	s4 =	sld [smem:$0x3FFB];
	_ =	sdelay $0x3  }
0x93: {  	_ =	strace s4  }
0x94: {  	s4 =	sld [smem:$0x3FFC];
	_ =	sdelay $0x3  }
0x95: {  	_ =	strace s4  }
0x96: {  	s4 =	sld [smem:$0x3FFD];
	_ =	sdelay $0x3  }
0x97: {  	_ =	strace s4  }
0x98: {  	_ =	strace $0x8FFFFFFF  }
0x99: {  	s19 =	sld [smem:$0x3FDB];
	_ =	sdelay $0x1  }
0x9a: {  	s5 =	simm.s32 $_scs_section_size  }
0x9b: {  	s6 =	simm.s32 $_size__tile_overlayer_lowered;
	s7 =	simm.s32 $_tile_overlayer_lowered  }
0x9c: {  	s22 =	simm.s32 $0x1BFF;
	s21 =	sshll.u32 s7, $0x1;
	s4 =	sadd.s32 s5, s19  }
0x9d: {  	s8 =	simm.s32 $0x0;
	s20 =	sshll.u32 s6, $0x1;
	s6 =	sadd.s32 s21, s4  }
0x9e: {  	[timem:s8], [sflag:s22] =	dma.local [hbm:s6], s20  }
0x9f: {  	_ =	swait.ge [sflag:s22], s20  }
0xa0: {  	s5 =	ssub.s32 $0x0, s20;
	[sflag:s22] =	ssyncset.done $0x0  }
0xa1: {  	[sflag:s22] =	ssyncadd.s32 s5;
	_ =	sdelay $0x1  }
0xa2: {  	s23 =	simm.s32 $0x1B8B  }
0xa3: {  	_ =	swait.ge [sflag:s23], $0x1  }
0xa4: {  	[sflag:s23] =	ssyncset.done $0x0  }
0xa5: {  	s25 =	simm.s32 $0x1B8E;
	s24 =	sld [smem:$0x3FFE];
	[sflag:s23] =	ssyncadd.s32 $0xFFFFFFFF  }
0xa6: {  	s26 =	simm.s32 $execute0_lowered;
	[smem:$0x3FD2] =	sst s25  }
0xa7: {  	s6 =	sshll.u32 s26, $0x1;
	_ =	strace $0x8000004C;
	[dreg:$0x1] =	wrdreg $0xFFFFFFFF  }
0xa8: {  	s28 =	simm.s32 $_size_execute0_lowered;
	s4 =	sadd.s32 s4, s6;
	[dreg:$0x0] =	wrdreg $0x0  }
0xa9: {  	s6 =	sshll.u32 s28, $0x1;
	[dreg:$0x2] =	wrdreg s4  }
0xaa: {  	[dreg:$0x3] =	wrdreg s6  }
0xab: {  	[dreg:$0x4] =	wrdreg $0xC0  }
0xac: {  	_ =	task [dreg:s8], $0x5FFFF  }
0xad: {  	[dreg:$0x1] =	wrdreg $0xFFFFFFFF  }
0xae: {  	[dreg:$0x0] =	wrdreg $0x60  }
0xaf: {  	[dreg:$0x2] =	wrdreg s24  }
0xb0: {  	[dreg:$0x3] =	wrdreg s2  }
0xb1: {  	[dreg:$0x4] =	wrdreg s18  }
0xb2: {  	[dreg:$0x5] =	wrdreg $0x9  }
0xb3: {  	_ =	task.clear_ibuf [dreg:s8], $0x6FFFF;
	_ =	strace $0x9000004C  }
0xb4: {  	s29 =	simm.s32 $0x9;
	_ =	strace $0x8000004E  }
0xb5: {  	_ =	swait.ge [sflag:s29], $0x1  }
0xb6: {  	[sflag:s29] =	ssyncadd.s32 $0xFFFFFFFF  }
0xb7: {  	_ =	strace $0x9000004E  }
0xb8: {  	_ =	sfence  }
0xb9: {  	s30 =	sld [smem:$0x0];
	_ =	sdelay $0x2  }
0xba: {  	s31 =	sshll.u32 s1, $0xD;
	s1 =	sshrl.u32 s1, $0x2  }
0xbb: {  	s3 =	sand.u32 $0x4000, s31;
	s1 =	sadd.s32 s1, s30  }
0xbc: {  	s0 =	sor.u32 s3, s0;
	s1 =	sshll.u32 s1, $0x11  }
0xbd: {  	s0 =	sor.u32 s1, s0  }
0xbe: {  	s0 =	sadd.s32 $0x8F2B, s0  }
0xbf: {  	[sflag:s0] =	ssyncadd.remote.s32 $0x1  }
0xc0: {  	_ =	sfence.sel $0xFFFF  }
0xc1: {  	[dreg:$0x0] =	wrdreg $0xFFFFFFFF;
	(pc) =	sbr.abs _section_cstart, $3  }
0xc2: {  	[dreg:$0x1] =	wrdreg $0xFFFFFFFF  }
0xc3: {  	_ =	task.clear_ibuf [dreg:s8], $0x2FFFF;
	_ =	strace $0x9FFFFFFF  }
0xc4: {  	(tm) =	ssettm $0x7FFFFFFF  }
0xc5: {  	_ =	shalt  }
tec
execute0_lowered:
.L_overlay_start_1:
0x0: {  	(tag) =	ssettag $0x1  }
0x1: {  	s0 =	rddreg [dreg:$0x0]  }
0x2: {  	s1 =	rddreg [dreg:$0x1];
	s3 =	simm.s32 $0x0;
	s7 =	srdreg.scid  }
0x3: {  	s2 =	stileid.u32;
	s30 =	simm.s32 $0x80;
	s28 =	simm.s32 $0x3  }
0x4: {  	s29 =	simm.s32 $0x2;
	[smem:$0x7FF] =	sst s3;
	s7 =	sand.u32 $0x1, s7  }
0x5: {  	s4 =	sadd.s32 $0x1F200, s0;
	s9 =	sshll.u32 s2, $0x7;
	s12 =	sshll.u32 s7, $0x6  }
0x6: {  	s11 =	sadd.s32 $0x23400, s0;
	s8 =	ssub.s32 $0x2, s7;
	s12 =	sor.u32 s12, s9  }
0x7: {  	_ =	strace $0x8000004D;
	s13 =	sshrl.u32 s8, $0x1;
	s14 =	sadd.s32 s11, s12  }
0x8: {  	s13 =	ssub.s32 s8, s13;
	s15 =	sadd.s32 s0, s12;
	[dreg:$0x4] =	wrdreg s14  }
0x9: {  	[dreg:$0x5] =	wrdreg s15;
	s14 =	sor.u32 $0x10, s12;
	s31 =	smax.u32 s13, $0x1  }
0xa: {  	s10 =	sadd.s32 $0x23C00, s0;
	s16 =	sadd.s32 s4, s14;
	[dreg:$0x12] =	wrdreg s31  }
0xb: {  	s5 =	sadd.s32 $0x187200, s0;
	s17 =	sadd.s32 s10, s14;
	[dreg:$0x6] =	wrdreg s16  }
0xc: {  	s6 =	sadd.s32 $0x800, s0;
	s18 =	sadd.s32 s11, s14;
	[dreg:$0x7] =	wrdreg s17  }
0xd: {  	s15 =	sor.u32 $0x20, s12;
	s19 =	sadd.s32 s0, s14;
	[dreg:$0x8] =	wrdreg s18  }
0xe: {  	s7 =	sadd.s32 $0x1FA00, s0;
	s20 =	sadd.s32 s4, s15;
	[dreg:$0x9] =	wrdreg s19  }
0xf: {  	s8 =	sadd.s32 s4, s12;
	s21 =	sadd.s32 s10, s15;
	[dreg:$0xa] =	wrdreg s20  }
0x10: {  	v0 =	vlaneseq.u32;
	vm0 =	vcmask $0x704;
	s9 =	sadd.s32 s10, s12;
	s22 =	sadd.s32 s11, s15;
	[dreg:$0xb] =	wrdreg s21  }
0x11: {  	vm1 =	vcmask $0xB08;
	vm2 =	vcmask $0xF0C;
	vm3 =	vcmask $0x1310;
	s12 =	sor.u32 $0x30, s12;
	s23 =	sadd.s32 s0, s15;
	[dreg:$0xc] =	wrdreg s22  }
0x12: {  	vm4 =	vcmask $0x1714;
	vm5 =	vcmask $0x1B18;
	vm6 =	vcmask $0x1F1C;
	s24 =	sadd.s32 s4, s12;
	s25 =	sadd.s32 s10, s12;
	[dreg:$0xd] =	wrdreg s23  }
0x13: {  	vm7 =	vcmask $0x2320;
	vm8 =	vcmask $0x2724;
	vm9 =	vcmask $0x2B28;
	s26 =	sadd.s32 s11, s12;
	s0 =	sadd.s32 s0, s12;
	[dreg:$0xe] =	wrdreg s24  }
0x14: {  	vm10 =	vcmask $0x2F2C;
	vm11 =	vcmask $0x3330;
	vm12 =	vcmask $0x3734;
	s12 =	simm.s32 $0x600;
	s14 =	simm.s32 $0x680;
	[dreg:$0xf] =	wrdreg s25  }
0x15: {  	vm13 =	vcmask $0x3B38;
	vm14 =	vmmov $0x7fff;
	v1 =	vmul.u32 $0x80, v0;
	s10 =	simm.s32 $0x1;
	s11 =	simm.s32 $0x0;
	[dreg:$0x10] =	wrdreg s26  }
0x16: {  	v3 =	vor.u32 $0x10, v0;
	v5 =	vor.u32 $0x20, v0;
	v7 =	vor.u32 $0x30, v0;
	[dreg:$0x11] =	wrdreg s0;
	s25 =	simm.s32 $0x4;
	s17 =	simm.s32 $0x700  }
0x17: {  	v2 =	vor.u32 $0x800, v1;
	v4 =	vor.u32 $0x1000, v1;
	v6 =	vor.u32 $0x1800, v1;
	s19 =	simm.s32 $0x780;
	s0 =	simm.s32 $0x10C00;
	s26 =	simm.s32 $0xC00  }
.LBB2_1:
0x18: {  	[tilespmem:s3], [sflag:$0x4] =	stream.linear.gather [hbm4b:s8+s3], $0x80, $0x38;
	[tilespmem:$0x19200] =	vst v63  }
0x19: {  	_ =	swait.ge [sflag:s25], $0x80  }
0x1a: {  	[sflag:s25] =	ssyncset.done $0x0  }
0x1b: {  	s4 =	simm.s32 $0x200;
	[sflag:s25] =	ssyncadd.s32 $0xFFFFFF80  }
0x1c: {  	[tilespmem:s4], [sflag:$0x4] =	stream.linear.gather [hbm4b:s9+s3], $0x80, $0x38;
	[tilespmem:$0x19200] =	vst v63  }
0x1d: {  	_ =	swait.ge [sflag:s25], $0x80  }
0x1e: {  	[sflag:s25] =	ssyncset.done $0x0  }
0x1f: {  	s15 =	simm.s32 $0x400;
	s2 =	rddreg [dreg:$0x4];
	[sflag:s25] =	ssyncadd.s32 $0xFFFFFF80  }
0x20: {  	[tilespmem:s15], [sflag:$0x4] =	stream.linear.gather [hbm4b:s2+s3], $0x80, $0x38;
	[tilespmem:$0x19200] =	vst v63  }
0x21: {  	_ =	swait.ge [sflag:s25], $0x80  }
0x22: {  	[sflag:s25] =	ssyncset.done $0x0  }
0x23: {  	s21 =	rddreg [dreg:$0x5];
	[sflag:s25] =	ssyncadd.s32 $0xFFFFFF80  }
0x24: {  	[tilespmem:s12], [sflag:$0x4] =	stream.linear.gather [hbm4b:s21+s3], $0x80, $0x38;
	[tilespmem:$0x19200] =	vst v63  }
0x25: {  	_ =	swait.ge [sflag:s25], $0x80  }
0x26: {  	[sflag:s25] =	ssyncset.done $0x0  }
0x27: {  	s22 =	rddreg [dreg:$0x6];
	[sflag:s25] =	ssyncadd.s32 $0xFFFFFF80  }
0x28: {  	[tilespmem:s30], [sflag:$0x4] =	stream.linear.gather [hbm4b:s22+s3], $0x80, $0x38;
	[tilespmem:$0x19200] =	vst v63  }
0x29: {  	_ =	swait.ge [sflag:s25], $0x80  }
0x2a: {  	[sflag:s25] =	ssyncset.done $0x0  }
0x2b: {  	s12 =	simm.s32 $0x280;
	s23 =	rddreg [dreg:$0x7];
	[sflag:s25] =	ssyncadd.s32 $0xFFFFFF80  }
0x2c: {  	[tilespmem:s12], [sflag:$0x4] =	stream.linear.gather [hbm4b:s23+s3], $0x80, $0x38;
	[tilespmem:$0x19200] =	vst v63  }
0x2d: {  	_ =	swait.ge [sflag:s25], $0x80  }
0x2e: {  	[sflag:s25] =	ssyncset.done $0x0  }
0x2f: {  	s13 =	simm.s32 $0x480;
	s24 =	rddreg [dreg:$0x8];
	[sflag:s25] =	ssyncadd.s32 $0xFFFFFF80  }
0x30: {  	[tilespmem:s13], [sflag:$0x4] =	stream.linear.gather [hbm4b:s24+s3], $0x80, $0x38;
	[tilespmem:$0x19200] =	vst v63  }
0x31: {  	_ =	swait.ge [sflag:s25], $0x80  }
0x32: {  	[sflag:s25] =	ssyncset.done $0x0  }
0x33: {  	s13 =	rddreg [dreg:$0x9];
	[sflag:s25] =	ssyncadd.s32 $0xFFFFFF80  }
0x34: {  	[tilespmem:s14], [sflag:$0x4] =	stream.linear.gather [hbm4b:s13+s3], $0x80, $0x38;
	[tilespmem:$0x19200] =	vst v63  }
0x35: {  	_ =	swait.ge [sflag:s25], $0x80  }
0x36: {  	[sflag:s25] =	ssyncset.done $0x0  }
0x37: {  	s13 =	simm.s32 $0x100;
	s16 =	rddreg [dreg:$0xa];
	[sflag:s25] =	ssyncadd.s32 $0xFFFFFF80  }
0x38: {  	[tilespmem:s13], [sflag:$0x4] =	stream.linear.gather [hbm4b:s16+s3], $0x80, $0x38;
	[tilespmem:$0x19200] =	vst v63  }
0x39: {  	_ =	swait.ge [sflag:s25], $0x80  }
0x3a: {  	[sflag:s25] =	ssyncset.done $0x0  }
0x3b: {  	s14 =	simm.s32 $0x300;
	s18 =	rddreg [dreg:$0xb];
	[sflag:s25] =	ssyncadd.s32 $0xFFFFFF80  }
0x3c: {  	[tilespmem:s14], [sflag:$0x4] =	stream.linear.gather [hbm4b:s18+s3], $0x80, $0x38;
	[tilespmem:$0x19200] =	vst v63  }
0x3d: {  	_ =	swait.ge [sflag:s25], $0x80  }
0x3e: {  	[sflag:s25] =	ssyncset.done $0x0  }
0x3f: {  	s16 =	simm.s32 $0x500;
	s20 =	rddreg [dreg:$0xc];
	[sflag:s25] =	ssyncadd.s32 $0xFFFFFF80  }
0x40: {  	[tilespmem:s16], [sflag:$0x4] =	stream.linear.gather [hbm4b:s20+s3], $0x80, $0x38;
	[tilespmem:$0x19200] =	vst v63  }
0x41: {  	_ =	swait.ge [sflag:s25], $0x80  }
0x42: {  	[sflag:s25] =	ssyncset.done $0x0  }
0x43: {  	s21 =	rddreg [dreg:$0xd];
	[sflag:s25] =	ssyncadd.s32 $0xFFFFFF80  }
0x44: {  	[tilespmem:s17], [sflag:$0x4] =	stream.linear.gather [hbm4b:s21+s3], $0x80, $0x38;
	[tilespmem:$0x19200] =	vst v63  }
0x45: {  	_ =	swait.ge [sflag:s25], $0x80  }
0x46: {  	[sflag:s25] =	ssyncset.done $0x0  }
0x47: {  	s16 =	simm.s32 $0x180;
	s22 =	rddreg [dreg:$0xe];
	[sflag:s25] =	ssyncadd.s32 $0xFFFFFF80  }
0x48: {  	[tilespmem:s16], [sflag:$0x4] =	stream.linear.gather [hbm4b:s22+s3], $0x80, $0x38;
	[tilespmem:$0x19200] =	vst v63  }
0x49: {  	_ =	swait.ge [sflag:s25], $0x80  }
0x4a: {  	[sflag:s25] =	ssyncset.done $0x0  }
0x4b: {  	s17 =	simm.s32 $0x380;
	s23 =	rddreg [dreg:$0xf];
	[sflag:s25] =	ssyncadd.s32 $0xFFFFFF80  }
0x4c: {  	[tilespmem:s17], [sflag:$0x4] =	stream.linear.gather [hbm4b:s23+s3], $0x80, $0x38;
	[tilespmem:$0x19200] =	vst v63  }
0x4d: {  	_ =	swait.ge [sflag:s25], $0x80  }
0x4e: {  	[sflag:s25] =	ssyncset.done $0x0  }
0x4f: {  	s18 =	simm.s32 $0x580;
	s24 =	rddreg [dreg:$0x10];
	[sflag:s25] =	ssyncadd.s32 $0xFFFFFF80  }
0x50: {  	[tilespmem:s18], [sflag:$0x4] =	stream.linear.gather [hbm4b:s24+s3], $0x80, $0x38;
	[tilespmem:$0x19200] =	vst v63  }
0x51: {  	_ =	swait.ge [sflag:s25], $0x80  }
0x52: {  	[sflag:s25] =	ssyncset.done $0x0  }
0x53: {  	s20 =	rddreg [dreg:$0x11];
	[sflag:s25] =	ssyncadd.s32 $0xFFFFFF80  }
0x54: {  	[tilespmem:s19], [sflag:$0x4] =	stream.linear.gather [hbm4b:s20+s3], $0x80, $0x38;
	[tilespmem:$0x19200] =	vst v63  }
0x55: {  	_ =	swait.ge [sflag:s25], $0x80  }
0x56: {  	[sflag:s25] =	ssyncset.done $0x0  }
0x57: {  	s21 =	simm.s32 $0x800;
	[sflag:s25] =	ssyncadd.s32 $0xFFFFFF80  }
0x58: {  	[tilespmem:s21], [sflag:$0x4] =	stream.linear.gather [hbm4b:s8+s3], $0x200, $0x38;
	[tilespmem:$0x19200] =	vst v63  }
0x59: {  	_ =	swait.ge [sflag:s25], $0x200  }
0x5a: {  	[sflag:s25] =	ssyncset.done $0x0  }
0x5b: {  	s22 =	simm.s32 $0xA00;
	[sflag:s25] =	ssyncadd.s32 $0xFFFFFE00  }
0x5c: {  	[tilespmem:s22], [sflag:$0x4] =	stream.linear.gather [hbm4b:s9+s3], $0x200, $0x38;
	[tilespmem:$0x19200] =	vst v63  }
0x5d: {  	_ =	swait.ge [sflag:s25], $0x200  }
0x5e: {  	[sflag:s25] =	ssyncset.done $0x0  }
0x5f: {  	s23 =	simm.s32 $0x18C00;
	[sflag:s25] =	ssyncadd.s32 $0xFFFFFE00  }
0x60: {  	[tilespmem:s23], [sflag:$0x3] =	stream.indirect.gather [hbm4b:s6+s30], $0x1, s3, s30, $0xb8;
	[tilespmem:$0x19200] =	vst v63  }
0x61: {  	s24 =	simm.s32 $0x18E00  }
0x62: {  	[tilespmem:s24], [sflag:$0x3] =	stream.indirect.gather [hbm4b:s7+s30], $0x1, s4, s30, $0xb8;
	[tilespmem:$0x19200] =	vst v63  }
0x63: {  	s18 =	simm.s32 $0x18C80  }
0x64: {  	[tilespmem:s18], [sflag:$0x3] =	stream.indirect.gather [hbm4b:s6+s30], $0x1, s30, s30, $0xb8;
	[tilespmem:$0x19200] =	vst v63  }
0x65: {  	s19 =	simm.s32 $0x18E80  }
0x66: {  	[tilespmem:s19], [sflag:$0x3] =	stream.indirect.gather [hbm4b:s7+s30], $0x1, s12, s30, $0xb8;
	[tilespmem:$0x19200] =	vst v63  }
0x67: {  	s20 =	simm.s32 $0x18D00  }
0x68: {  	[tilespmem:s20], [sflag:$0x3] =	stream.indirect.gather [hbm4b:s6+s30], $0x1, s13, s30, $0xb8;
	[tilespmem:$0x19200] =	vst v63  }
0x69: {  	s21 =	simm.s32 $0x18F00  }
0x6a: {  	[tilespmem:s21], [sflag:$0x3] =	stream.indirect.gather [hbm4b:s7+s30], $0x1, s14, s30, $0xb8;
	[tilespmem:$0x19200] =	vst v63  }
0x6b: {  	s22 =	simm.s32 $0x18D80  }
0x6c: {  	[tilespmem:s22], [sflag:$0x3] =	stream.indirect.gather [hbm4b:s6+s30], $0x1, s16, s30, $0xb8;
	[tilespmem:$0x19200] =	vst v63  }
0x6d: {  	s23 =	simm.s32 $0x18F80  }
0x6e: {  	[tilespmem:s23], [sflag:$0x3] =	stream.indirect.gather [hbm4b:s7+s30], $0x1, s17, s30, $0xb8;
	[tilespmem:$0x19200] =	vst v63  }
0x6f: {  	v8 =	vld [tilespmem:$0x800]  }
0x70: {  	v9 =	vld [tilespmem:$0x9F0];
	_ =	sdelay $0x3  }
0x71: {  	(v2sf) =	vpush v8, $0x0  }
0x72: {  	(v2sf) =	vpush v9, $0xF;
	_ =	sdelay $0xd  }
0x73: {  	s4 =	spop (v2sf)  }
0x74: {  	s24 =	spop (v2sf)  }
0x75: {  	s16 =	sshrl.u32 s4, $0x7;
	s31 =	sshrl.u32 s24, $0x7  }
0x76: {  	p0 =	sgt.u32 s16, s31  }
0x77: {  	s12 =	sshll.u32 @!p0 s16, $0xD  }
0x78: {  	s4 =	sand.u32 @!p0 $0xFFFFF80, s4;
	s13 =	simm.s32 @!p0 $0x400;
	s12 =	sand.u32 @!p0 $0xE000, s12  }
0x79: {  	s14 =	simm.s32 @!p0 $0x7A1400;
	s4 =	sadd.s32 @!p0 s1, s4;
	s12 =	sor.u32 @!p0 $0xC00, s12  }
0x7a: {  	[tilespmem:s12], [sflag:$0x1] =	stream.strided.gather @!p0 [hbm4b:s4+s13], $0x2000, s14, s13, $0x38;
	[tilespmem:$0x19200] =	vst v63  }
0x7b: {  	p0 =	sge.u32 s16, s31  }
0x7c: {  	s4 =	sadd.s32 @!p0 $0x1, s16  }
0x7d: {  	s12 =	sshll.u32 @!p0 s4, $0xD;
	s4 =	sshll.u32 @!p0 s4, $0x7  }
0x7e: {  	s13 =	simm.s32 @!p0 $0x400;
	s12 =	sand.u32 @!p0 $0xE000, s12;
	s4 =	sand.u32 @!p0 $0x1FFFFF80, s4  }
0x7f: {  	s14 =	simm.s32 @!p0 $0x7A1400;
	s12 =	sor.u32 @!p0 $0xC00, s12;
	s4 =	sadd.s32 @!p0 s1, s4  }
0x80: {  	[tilespmem:s12], [sflag:$0x1] =	stream.strided.gather @!p0 [hbm4b:s4+s13], $0x2000, s14, s13, $0x38;
	[tilespmem:$0x19200] =	vst v63  }
0x81: {  	s4 =	sadd.s32 $0x2, s16  }
0x82: {  	p0 =	sgt.u32 s4, s31  }
0x83: {  	s12 =	sshll.u32 @!p0 s4, $0xD;
	s4 =	sshll.u32 @!p0 s4, $0x7  }
0x84: {  	s13 =	simm.s32 @!p0 $0x400;
	s12 =	sand.u32 @!p0 $0xE000, s12;
	s4 =	sand.u32 @!p0 $0x1FFFFF80, s4  }
0x85: {  	s14 =	simm.s32 @!p0 $0x7A1400;
	s12 =	sor.u32 @!p0 $0xC00, s12;
	s4 =	sadd.s32 @!p0 s1, s4  }
0x86: {  	[tilespmem:s12], [sflag:$0x1] =	stream.strided.gather @!p0 [hbm4b:s4+s13], $0x2000, s14, s13, $0x38;
	[tilespmem:$0x19200] =	vst v63  }
0x87: {  	s4 =	sadd.s32 $0x3, s16  }
0x88: {  	p0 =	sgt.u32 s4, s31  }
0x89: {  	s12 =	sshll.u32 @!p0 s4, $0xD;
	s4 =	sshll.u32 @!p0 s4, $0x7  }
0x8a: {  	s13 =	simm.s32 @!p0 $0x400;
	s12 =	sand.u32 @!p0 $0xE000, s12;
	s4 =	sand.u32 @!p0 $0x1FFFFF80, s4  }
0x8b: {  	s14 =	simm.s32 @!p0 $0x7A1400;
	s12 =	sor.u32 @!p0 $0xC00, s12;
	s4 =	sadd.s32 @!p0 s1, s4  }
0x8c: {  	[tilespmem:s12], [sflag:$0x1] =	stream.strided.gather @!p0 [hbm4b:s4+s13], $0x2000, s14, s13, $0x38;
	[tilespmem:$0x19200] =	vst v63  }
0x8d: {  	s4 =	sadd.s32 $0x4, s16  }
0x8e: {  	p0 =	sgt.u32 s4, s31  }
0x8f: {  	s12 =	sshll.u32 @!p0 s4, $0xD;
	s4 =	sshll.u32 @!p0 s4, $0x7  }
0x90: {  	s13 =	simm.s32 @!p0 $0x400;
	s12 =	sand.u32 @!p0 $0xE000, s12;
	s4 =	sand.u32 @!p0 $0x1FFFFF80, s4  }
0x91: {  	s14 =	simm.s32 @!p0 $0x7A1400;
	s12 =	sor.u32 @!p0 $0xC00, s12;
	s4 =	sadd.s32 @!p0 s1, s4  }
0x92: {  	[tilespmem:s12], [sflag:$0x1] =	stream.strided.gather @!p0 [hbm4b:s4+s13], $0x2000, s14, s13, $0x38;
	[tilespmem:$0x19200] =	vst v63  }
0x93: {  	s4 =	sadd.s32 $0x5, s16  }
0x94: {  	p0 =	sgt.u32 s4, s31  }
0x95: {  	s12 =	sshll.u32 @!p0 s4, $0xD;
	s4 =	sshll.u32 @!p0 s4, $0x7  }
0x96: {  	s13 =	simm.s32 @!p0 $0x400;
	s12 =	sand.u32 @!p0 $0xE000, s12;
	s4 =	sand.u32 @!p0 $0x1FFFFF80, s4  }
0x97: {  	s14 =	simm.s32 @!p0 $0x7A1400;
	s12 =	sor.u32 @!p0 $0xC00, s12;
	s4 =	sadd.s32 @!p0 s1, s4  }
0x98: {  	[tilespmem:s12], [sflag:$0x1] =	stream.strided.gather @!p0 [hbm4b:s4+s13], $0x2000, s14, s13, $0x38;
	[tilespmem:$0x19200] =	vst v63  }
0x99: {  	s4 =	sadd.s32 $0x6, s16  }
0x9a: {  	p0 =	sgt.u32 s4, s31  }
0x9b: {  	s12 =	sshll.u32 @!p0 s4, $0xD;
	s4 =	sshll.u32 @!p0 s4, $0x7;
	s14 =	simm.s32 @!p0 $0x7A1400  }
0x9c: {  	s13 =	simm.s32 @!p0 $0x400;
	s12 =	sand.u32 @!p0 $0xE000, s12;
	s4 =	sand.u32 @!p0 $0x1FFFFF80, s4  }
.Ltmp0:
0x9d: {  	s12 =	sor.u32 @!p0 $0xC00, s12;
	s4 =	sadd.s32 @!p0 s1, s4;
	(pc) =	sbr.rel .LBB2_2-.Ltmp0, $4  }
0x9e: {  	[tilespmem:s12], [sflag:$0x1] =	stream.strided.gather @!p0 [hbm4b:s4+s13], $0x2000, s14, s13, $0x38;
	[tilespmem:$0x19200] =	vst v63  }
0x9f: {  	_ = 	snop  }
0xa0: {  	[tilespmem:s0], [sflag:$0x2] =	stream.indirect.gather [hbm4b:s5+s30], $0x80, s15, s30, $0xb8;
	[tilespmem:$0x19200] =	vst v63  }
0xa1: {  	s12 =	simm.s32 $0x0;
	s15 =	simm.s32 $0x0  }
.LBB2_58:
0xa2: {  	(v2sf) =	vpush v8, $0xF;
	_ =	sdelay $0xd  }
0xa3: {  	s2 =	sand.u32 $0x7, s18;
	s23 =	sor.u32 $0xF, s13  }
0xa4: {  	s17 =	sand.u32 $0x7F, s17;
	s15 =	ssub.s32 s23, s15;
	s24 =	spop (v2sf)  }
0xa5: {  	s2 =	sshll.u32 s2, $0xD;
	s15 =	sshll.u32 s15, $0x7;
	s18 =	sshll.u32 s24, $0x6  }
0xa6: {  	s2 =	sor.u32 s17, s2;
	s4 =	sadd.s32 s4, s15;
	s18 =	sand.u32 $0x40, s18  }
0xa7: {  	v8 =	vor.u32 s2, v1;
	s4 =	sor.u32 s4, s18  }
0xa8: {  	v24 =	vor.u32 s4, v0  }
0xa9: {  	v25 =	vor.u32 s2, v2  }
0xaa: {  	v26 =	vor.u32 s4, v3  }
0xab: {  	v27 =	vor.u32 s2, v4  }
0xac: {  	v8 =	vld.idx.msk [tilespmem:v8+s26+$0x0], $0xffff;
	v28 =	vor.u32 s4, v5  }
0xad: {  	v29 =	vor.u32 s2, v6;
	v24 =	vld.idx.msk [tilespmem:v24+s0+$0x0], $0xffff  }
0xae: {  	v25 =	vld.idx.msk [tilespmem:v25+s26+$0x0], $0xffff;
	v30 =	vor.u32 s4, v7  }
0xaf: {  	v26 =	vld.idx.msk [tilespmem:v26+s0+$0x0], $0xffff  }
0xb0: {  	v27 =	vld.idx.msk [tilespmem:v27+s26+$0x0], $0xffff  }
0xb1: {  	v28 =	vld.idx.msk [tilespmem:v28+s0+$0x0], $0xffff  }
0xb2: {  	v49 =	vld.idx.msk [tilespmem:v29+s26+$0x0], $0xffff;
	v8 =	vmul.f32 v24, v8  }
0xb3: {  	v50 =	vld.idx.msk [tilespmem:v30+s0+$0x0], $0xffff  }
0xb4: {  	v25 =	vmul.f32 v26, v25;
	v8 =	vadd.f32 $0.0e+00, v8;
	_ =	sdelay $0x1  }
0xb5: {  	v51 =	vmul.f32 v28, v27;
	v8 =	vadd.f32 v25, v8  }
0xb6: {  	v10 =	vbroadcast v10, $0xF;
	v11 =	vbroadcast v11, $0xF  }
0xb7: {  	v12 =	vbroadcast v12, $0xF;
	v24 =	vmul.f32 v50, v49;
	v8 =	vadd.f32 v51, v8  }
0xb8: {  	v52 =	vbroadcast v13, $0xF;
	v10 =	vsel vm0, v11, v10  }
0xb9: {  	v53 =	vbroadcast v14, $0xF;
	v10 =	vsel vm1, v12, v10;
	v8 =	vadd.f32 v24, v8  }
0xba: {  	v54 =	vbroadcast v15, $0xF;
	v10 =	vsel vm2, v52, v10  }
0xbb: {  	v55 =	vbroadcast v16, $0xF;
	v10 =	vsel vm3, v53, v10;
	(xrf2) =	vadd.scan.msk.f32 $0xffff, v8  }
0xbc: {  	v56 =	vbroadcast v17, $0xF;
	v8 =	vsel vm4, v54, v10  }
0xbd: {  	v57 =	vbroadcast v18, $0xF;
	v8 =	vsel vm5, v55, v8  }
0xbe: {  	v58 =	vbroadcast v19, $0xF;
	v8 =	vsel vm6, v56, v8  }
0xbf: {  	v59 =	vbroadcast v20, $0xF;
	v8 =	vsel vm7, v57, v8  }
0xc0: {  	v60 =	vbroadcast v21, $0xF;
	v8 =	vsel vm8, v58, v8  }
0xc1: {  	v61 =	vbroadcast v22, $0xF;
	s12 =	sadd.s32 $0x1, s12;
	v8 =	vsel vm9, v59, v8  }
0xc2: {  	v62 =	vbroadcast v23, $0xF;
	p0 =	sne.s32 s12, $0x20;
	v8 =	vsel vm10, v60, v8  }
.Ltmp1:
0xc3: {  	v9 =	vbroadcast v9, $0xF;
	v8 =	vsel vm11, v61, v8;
	(pc) =	sbr.rel @!p0 .LBB2_59-.Ltmp1, $4  }
0xc4: {  	v8 =	vsel vm12, v62, v8  }
0xc5: {  	v8 =	vsel vm13, v9, v8;
	v63, _, _ =	vpop (xrf2)  }
0xc6: {  	v8 =	vsel vm14, v8, v63  }
0xc7: {  	s15 =	smov.u32 s14;
	[tilespmem:s13+$0x19000] =	vst v8  }
.LBB2_2:
0xc8: {  	s4 =	sshrl.u32 s12, $0x3  }
0xc9: {  	p0 =	sgt.s32 s15, s4  }
.Ltmp2:
0xca: {  	_ = 	snop;
	(pc) =	sbr.rel @!p0 .LBB2_4-.Ltmp2, $4  }
0xcb: {  	_ = 	snop  }
0xcc: {  	s13 =	sshll.u32 s12, $0x4  }
0xcd: {  	v9 =	vld [tilespmem:s13+$0x800]  }
0xce: {  	v8 =	vld [tilespmem:s13+$0xA00]  }
.Ltmp3:
0xcf: {  	(pc) =	sbr.rel .LBB2_10-.Ltmp3, $2  }
0xd0: {  	_ =	sdelay $0x2  }
0xd1: {  	s14 =	smov.u32 s15  }
.LBB2_4:
0xd2: {  	s18 =	sadd.s32 $0x1, s15;
	s14 =	sadd.s32 $0x1, s4  }
0xd3: {  	p2 =	sne.s32 s14, s18  }
.Ltmp4:
0xd4: {  	p0 =	sgt.s32 s15, $0x2;
	(pc) =	sbr.rel @!p2 .LBB2_5-.Ltmp4, $4  }
0xd5: {  	s17 =	sshrl.u32 @!p0 s18, $0x1F  }
0xd6: {  	s24 =	sshll.u32 s15, $0x9;
	s17 =	sadd.s32 @!p0 s17, s18;
	p0 =	por p0, p0  }
0xd7: {  	_ =	swait.ge [sflag:s29], $0x4000;
	s15 =	sshra.s32 s24, $0x2;
	s17 =	sand.u32 @!p0 $0xFFFE, s17  }
0xd8: {  	p1 =	por $0x0, $0x0;
	s15 =	sadd.s32 $0x480, s15;
	s19 =	ssub.s32 @!p0 s18, s17  }
0xd9: {  	s17 =	sadd.s32 $0x1, s18;
	s19 =	sshll.u32 @!p0 s19, $0x10;
	[sflag:s29] =	ssyncset.done $0x0  }
0xda: {  	p1 =	sgt.s32 s18, $0x2;
	s18 =	sshra.s32 @!p0 s19, $0x2;
	[sflag:s29] =	ssyncadd.s32 $0xFFFFC000  }
0xdb: {  	s19 =	simm.s32 @!p0 $0x80;
	p2 =	sne.s32 s14, s17;
	s18 =	sadd.s32 @!p0 $0x10C00, s18  }
0xdc: {  	[tilespmem:s18], [sflag:$0x2] =	stream.indirect.gather @!p0 [hbm4b:s5+s19], $0x80, s15, s19, $0xb8;
	[tilespmem:$0x19200] =	vst v63  }
.Ltmp5:
0xdd: {  	_ = 	snop;
	(pc) =	sbr.rel @!p2 .LBB2_7-.Ltmp5, $4  }
0xde: {  	s18 =	sshrl.u32 @!p1 s17, $0x1F  }
0xdf: {  	p0 =	por p1, p1;
	s18 =	sadd.s32 @!p1 s18, s17  }
0xe0: {  	_ =	swait.ge [sflag:s29], $0x4000;
	s18 =	sand.u32 @!p0 $0xFFFE, s18  }
0xe1: {  	p1 =	por $0x1, $0x1;
	s19 =	ssub.s32 @!p0 s17, s18;
	s18 =	smov.u32 s15  }
.LBB2_8:
0xe2: {  	s19 =	sshll.u32 @!p0 s19, $0x10;
	s20 =	smov.u32 s17  }
0xe3: {  	s18 =	sadd.s32 $0x80, s18;
	s17 =	sadd.s32 $0x1, s17;
	p2 =	sgt.s32 s20, $0x2  }
0xe4: {  	[sflag:s29] =	ssyncset.done $0x0;
	s19 =	sshra.s32 @!p0 s19, $0x2;
	s20 =	simm.s32 @!p0 $0x80  }
0xe5: {  	p3 =	sne.s32 s14, s17;
	[sflag:s29] =	ssyncadd.s32 $0xFFFFC000;
	s19 =	sadd.s32 @!p0 $0x10C00, s19  }
0xe6: {  	[tilespmem:s19], [sflag:$0x2] =	stream.indirect.gather @!p0 [hbm4b:s5+s20], $0x80, s18, s20, $0xb8;
	[tilespmem:$0x19200] =	vst v63  }
.Ltmp6:
0xe7: {  	_ = 	snop;
	(pc) =	sbr.rel @p3 .LBB2_8-.Ltmp6, $4  }
0xe8: {  	s19 =	sshrl.u32 @!p2 s17, $0x1F;
	_ =	swait.ge [sflag:s29], $0x4000  }
0xe9: {  	p0 =	por p2, p2;
	s19 =	sadd.s32 @!p2 s19, s17  }
0xea: {  	s19 =	sand.u32 @!p0 $0xFFFE, s19  }
0xeb: {  	s19 =	ssub.s32 @!p0 s17, s19  }
.LBB2_9:
0xec: {  	s17 =	sshll.u32 @!p0 s19, $0x10;
	[sflag:s29] =	ssyncset.done $0x0  }
0xed: {  	s18 =	sadd.s32 @p1 $0x80, s18;
	s19 =	simm.s32 @!p0 $0x80;
	s17 =	sshra.s32 @!p0 s17, $0x2  }
0xee: {  	[sflag:s29] =	ssyncadd.s32 $0xFFFFC000;
	s15 =	smov.u32 @p1 s18;
	s17 =	sadd.s32 @!p0 $0x10C00, s17  }
0xef: {  	[tilespmem:s17], [sflag:$0x2] =	stream.indirect.gather @!p0 [hbm4b:s5+s19], $0x80, s15, s19, $0xb8;
	[tilespmem:$0x19200] =	vst v63  }
.LBB2_10:
0xf0: {  	_ =	sdelay $0x1  }
0xf1: {  	(v2sf) =	vpush v9, $0x0;
	_ =	sdelay $0xe  }
0xf2: {  	s17 =	spop (v2sf)  }
0xf3: {  	s15 =	sshrl.u32 s17, $0x7  }
0xf4: {  	p0 =	sgt.s32 s16, s15  }
.Ltmp7:
0xf5: {  	_ = 	snop;
	(pc) =	sbr.rel @p0 .LBB2_13-.Ltmp7, $1  }
0xf6: {  	_ =	sdelay $0x3  }
0xf7: {  	s20 =	sadd.s32 $0xFFFFFFFF, s16;
	s18 =	sshll.u32 s16, $0xF;
	s23 =	sshll.u32 s16, $0x7  }
0xf8: {  	_ =	swait.ge [sflag:s10], $0x2000;
	s18 =	sadd.s32 $0x38000, s18;
	s24 =	sadd.s32 $0x8, s20  }
0xf9: {  	s19 =	sadd.s32 $0x380, s23;
	[sflag:s10] =	ssyncset.done $0x0;
	p0 =	sgt.s32 s24, s31  }
0xfa: {  	s20 =	sadd.s32 $0x1, s20;
	[sflag:s10] =	ssyncadd.s32 $0xFFFFE000;
	s16 =	sand.u32 @!p0 $0x38000, s18  }
0xfb: {  	s21 =	simm.s32 @!p0 $0x400;
	s23 =	sand.u32 @!p0 $0x1FFFFF80, s19;
	s16 =	sshrl.u32 @!p0 s16, $0x2  }
0xfc: {  	s22 =	simm.s32 @!p0 $0x7A1400;
	s23 =	sadd.s32 @!p0 s1, s23;
	s16 =	sor.u32 @!p0 $0xC00, s16  }
0xfd: {  	[tilespmem:s16], [sflag:$0x1] =	stream.strided.gather @!p0 [hbm4b:s23+s21], $0x2000, s22, s21, $0x38;
	[tilespmem:$0x19200] =	vst v63  }
0xfe: {  	p0 =	sne.s32 s15, s20  }
.Ltmp8:
0xff: {  	_ = 	snop;
	(pc) =	sbr.rel @!p0 .LBB2_13-.Ltmp8, $2  }
0x100: {  	_ =	sdelay $0x2  }
0x101: {  	s16 =	sadd.s32 $0x1, s15  }
.LBB2_12:
0x102: {  	_ =	swait.ge [sflag:s10], $0x2000;
	s21 =	sadd.s32 $0x8, s20;
	s20 =	sadd.s32 $0x1, s20  }
0x103: {  	s18 =	sadd.s32 $0x8000, s18;
	p1 =	sne.s32 s15, s20  }
.Ltmp9:
0x104: {  	s19 =	sadd.s32 $0x80, s19;
	p0 =	sgt.s32 s21, s31;
	(pc) =	sbr.rel @p1 .LBB2_12-.Ltmp9, $4  }
0x105: {  	s21 =	sand.u32 @!p0 $0x38000, s18;
	s22 =	simm.s32 @!p0 $0x400;
	s23 =	simm.s32 @!p0 $0x7A1400  }
0x106: {  	s24 =	sand.u32 @!p0 $0x1FFFFF80, s19;
	s21 =	sshrl.u32 @!p0 s21, $0x2;
	[sflag:s10] =	ssyncset.done $0x0  }
0x107: {  	s24 =	sadd.s32 @!p0 s1, s24;
	s21 =	sor.u32 @!p0 $0xC00, s21;
	[sflag:s10] =	ssyncadd.s32 $0xFFFFE000  }
0x108: {  	[tilespmem:s21], [sflag:$0x1] =	stream.strided.gather @!p0 [hbm4b:s24+s22], $0x2000, s23, s22, $0x38;
	[tilespmem:$0x19200] =	vst v63  }
.LBB2_13:
0x109: {  	(v2sf) =	vpush v8, $0x0;
	_ =	sdelay $0xc  }
0x10a: {  	s18 =	sand.u32 $0x1, s4  }
0x10b: {  	s19 =	sand.u32 $0x7, s15;
	s15 =	sshll.u32 s4, $0x7;
	s17 =	sand.u32 $0x7F, s17  }
0x10c: {  	s20 =	ssub.s32 s13, s15;
	s19 =	sshll.u32 s19, $0xD;
	s22 =	spop (v2sf)  }
0x10d: {  	s4 =	sshll.u32 s18, $0xE;
	s23 =	sshll.u32 s20, $0x7;
	s21 =	sshll.u32 s22, $0x6  }
0x10e: {  	s17 =	sor.u32 s17, s19;
	s18 =	sadd.s32 s4, s23;
	s24 =	sand.u32 $0x40, s21  }
0x10f: {  	v10 =	vor.u32 s17, v1;
	s18 =	sor.u32 s18, s24  }
0x110: {  	v11 =	vor.u32 s18, v0  }
0x111: {  	v12 =	vor.u32 s17, v2  }
0x112: {  	v13 =	vor.u32 s18, v3  }
0x113: {  	v14 =	vor.u32 s17, v4  }
0x114: {  	v10 =	vld.idx.msk [tilespmem:v10+s26+$0x0], $0xffff;
	v15 =	vor.u32 s18, v5  }
0x115: {  	v17 =	vor.u32 s18, v7;
	v11 =	vld.idx.msk [tilespmem:v11+s0+$0x0], $0xffff  }
0x116: {  	v16 =	vor.u32 s17, v6;
	v12 =	vld.idx.msk [tilespmem:v12+s26+$0x0], $0xffff  }
0x117: {  	v13 =	vld.idx.msk [tilespmem:v13+s0+$0x0], $0xffff  }
0x118: {  	v14 =	vld.idx.msk [tilespmem:v14+s26+$0x0], $0xffff;
	(v2sf) =	vpush v9, $0x1  }
0x119: {  	v15 =	vld.idx.msk [tilespmem:v15+s0+$0x0], $0xffff  }
0x11a: {  	v62 =	vld.idx.msk [tilespmem:v17+s0+$0x0], $0xffff;
	v10 =	vmul.f32 v11, v10  }
0x11b: {  	v11 =	vld.idx.msk [tilespmem:v16+s26+$0x0], $0xffff  }
0x11c: {  	v12 =	vmul.f32 v13, v12;
	v10 =	vadd.f32 $0.0e+00, v10;
	_ =	sdelay $0x1  }
0x11d: {  	v63 =	vmul.f32 v15, v14;
	v10 =	vadd.f32 v12, v10;
	_ =	sdelay $0x1  }
0x11e: {  	v11 =	vmul.f32 v62, v11;
	v10 =	vadd.f32 v63, v10;
	_ =	sdelay $0x1  }
0x11f: {  	v10 =	vadd.f32 v11, v10;
	_ =	sdelay $0x1  }
0x120: {  	(xrf2) =	vadd.scan.msk.f32 $0xffff, v10;
	_ =	sdelay $0x2  }
0x121: {  	s17 =	spop (v2sf)  }
0x122: {  	s18 =	sshrl.u32 s17, $0x7  }
0x123: {  	p0 =	sgt.s32 s16, s18  }
.Ltmp10:
0x124: {  	_ = 	snop;
	(pc) =	sbr.rel @p0 .LBB2_16-.Ltmp10, $2  }
0x125: {  	_ =	sdelay $0x2  }
0x126: {  	v10, _, _ =	vpop (xrf2)  }
0x127: {  	s21 =	sadd.s32 $0xFFFFFFFF, s16;
	s19 =	sshll.u32 s16, $0xF;
	s23 =	sshll.u32 s16, $0x7  }
0x128: {  	_ =	swait.ge [sflag:s10], $0x2000;
	s19 =	sadd.s32 $0x38000, s19;
	s24 =	sadd.s32 $0x8, s21  }
0x129: {  	s20 =	sadd.s32 $0x380, s23;
	[sflag:s10] =	ssyncset.done $0x0;
	p0 =	sgt.s32 s24, s31  }
0x12a: {  	s21 =	sadd.s32 $0x1, s21;
	[sflag:s10] =	ssyncadd.s32 $0xFFFFE000;
	s16 =	sand.u32 @!p0 $0x38000, s19  }
0x12b: {  	s22 =	simm.s32 @!p0 $0x400;
	s24 =	sand.u32 @!p0 $0x1FFFFF80, s20;
	s16 =	sshrl.u32 @!p0 s16, $0x2  }
0x12c: {  	s23 =	simm.s32 @!p0 $0x7A1400;
	s24 =	sadd.s32 @!p0 s1, s24;
	s16 =	sor.u32 @!p0 $0xC00, s16  }
0x12d: {  	[tilespmem:s16], [sflag:$0x1] =	stream.strided.gather @!p0 [hbm4b:s24+s22], $0x2000, s23, s22, $0x38;
	[tilespmem:$0x19200] =	vst v63  }
0x12e: {  	p0 =	sne.s32 s18, s21  }
.Ltmp11:
0x12f: {  	_ = 	snop;
	(pc) =	sbr.rel @!p0 .LBB2_16-.Ltmp11, $2  }
0x130: {  	_ =	sdelay $0x2  }
0x131: {  	s16 =	sadd.s32 $0x1, s18  }
.LBB2_15:
0x132: {  	_ =	swait.ge [sflag:s10], $0x2000;
	s22 =	sadd.s32 $0x8, s21;
	s21 =	sadd.s32 $0x1, s21  }
0x133: {  	s19 =	sadd.s32 $0x8000, s19;
	p1 =	sne.s32 s18, s21  }
.Ltmp12:
0x134: {  	s20 =	sadd.s32 $0x80, s20;
	p0 =	sgt.s32 s22, s31;
	(pc) =	sbr.rel @p1 .LBB2_15-.Ltmp12, $4  }
0x135: {  	s22 =	sand.u32 @!p0 $0x38000, s19;
	s23 =	simm.s32 @!p0 $0x400;
	s24 =	simm.s32 @!p0 $0x7A1400  }
0x136: {  	s2 =	sand.u32 @!p0 $0x1FFFFF80, s20;
	s22 =	sshrl.u32 @!p0 s22, $0x2;
	[sflag:s10] =	ssyncset.done $0x0  }
0x137: {  	s2 =	sadd.s32 @!p0 s1, s2;
	s22 =	sor.u32 @!p0 $0xC00, s22;
	[sflag:s10] =	ssyncadd.s32 $0xFFFFE000  }
0x138: {  	[tilespmem:s22], [sflag:$0x1] =	stream.strided.gather @!p0 [hbm4b:s2+s23], $0x2000, s24, s23, $0x38;
	[tilespmem:$0x19200] =	vst v63  }
.LBB2_16:
0x139: {  	(v2sf) =	vpush v8, $0x1;
	_ =	sdelay $0xd  }
0x13a: {  	s2 =	sand.u32 $0x7, s18;
	s23 =	sor.u32 $0x1, s13  }
0x13b: {  	s17 =	sand.u32 $0x7F, s17;
	s18 =	ssub.s32 s23, s15;
	s19 =	spop (v2sf)  }
0x13c: {  	s2 =	sshll.u32 s2, $0xD;
	s18 =	sshll.u32 s18, $0x7;
	s19 =	sshll.u32 s19, $0x6  }
0x13d: {  	s2 =	sor.u32 s17, s2;
	s24 =	sadd.s32 s4, s18;
	s19 =	sand.u32 $0x40, s19  }
0x13e: {  	v11 =	vor.u32 s2, v1;
	s17 =	sor.u32 s24, s19  }
0x13f: {  	v12 =	vor.u32 s17, v0  }
0x140: {  	v13 =	vor.u32 s2, v2  }
0x141: {  	v14 =	vor.u32 s17, v3  }
0x142: {  	v15 =	vor.u32 s2, v4  }
0x143: {  	v11 =	vld.idx.msk [tilespmem:v11+s26+$0x0], $0xffff;
	v16 =	vor.u32 s17, v5  }
0x144: {  	v17 =	vor.u32 s2, v6;
	v12 =	vld.idx.msk [tilespmem:v12+s0+$0x0], $0xffff  }
0x145: {  	v13 =	vld.idx.msk [tilespmem:v13+s26+$0x0], $0xffff;
	v18 =	vor.u32 s17, v7  }
0x146: {  	v14 =	vld.idx.msk [tilespmem:v14+s0+$0x0], $0xffff  }
0x147: {  	v15 =	vld.idx.msk [tilespmem:v15+s26+$0x0], $0xffff;
	(v2sf) =	vpush v9, $0x2  }
0x148: {  	v16 =	vld.idx.msk [tilespmem:v16+s0+$0x0], $0xffff  }
0x149: {  	v61 =	vld.idx.msk [tilespmem:v17+s26+$0x0], $0xffff;
	v11 =	vmul.f32 v12, v11  }
0x14a: {  	v62 =	vld.idx.msk [tilespmem:v18+s0+$0x0], $0xffff  }
0x14b: {  	v13 =	vmul.f32 v14, v13;
	v11 =	vadd.f32 $0.0e+00, v11;
	_ =	sdelay $0x1  }
0x14c: {  	v63 =	vmul.f32 v16, v15;
	v11 =	vadd.f32 v13, v11;
	_ =	sdelay $0x1  }
0x14d: {  	v12 =	vmul.f32 v62, v61;
	v11 =	vadd.f32 v63, v11;
	_ =	sdelay $0x1  }
0x14e: {  	v11 =	vadd.f32 v12, v11;
	_ =	sdelay $0x1  }
0x14f: {  	(xrf2) =	vadd.scan.msk.f32 $0xffff, v11;
	_ =	sdelay $0x2  }
0x150: {  	s17 =	spop (v2sf)  }
0x151: {  	s18 =	sshrl.u32 s17, $0x7  }
0x152: {  	p0 =	sgt.s32 s16, s18  }
.Ltmp13:
0x153: {  	_ = 	snop;
	(pc) =	sbr.rel @p0 .LBB2_19-.Ltmp13, $2  }
0x154: {  	_ =	sdelay $0x2  }
0x155: {  	v11, _, _ =	vpop (xrf2)  }
0x156: {  	s2 =	sadd.s32 $0xFFFFFFFF, s16;
	s19 =	sshll.u32 s16, $0xF;
	s23 =	sshll.u32 s16, $0x7  }
0x157: {  	_ =	swait.ge [sflag:s10], $0x2000;
	s19 =	sadd.s32 $0x38000, s19;
	s24 =	sadd.s32 $0x8, s2  }
0x158: {  	s20 =	sadd.s32 $0x380, s23;
	[sflag:s10] =	ssyncset.done $0x0;
	p0 =	sgt.s32 s24, s31  }
0x159: {  	s21 =	sadd.s32 $0x1, s2;
	[sflag:s10] =	ssyncadd.s32 $0xFFFFE000;
	s2 =	sand.u32 @!p0 $0x38000, s19  }
0x15a: {  	s16 =	simm.s32 @!p0 $0x400;
	s23 =	sand.u32 @!p0 $0x1FFFFF80, s20;
	s2 =	sshrl.u32 @!p0 s2, $0x2  }
0x15b: {  	s22 =	simm.s32 @!p0 $0x7A1400;
	s23 =	sadd.s32 @!p0 s1, s23;
	s2 =	sor.u32 @!p0 $0xC00, s2  }
0x15c: {  	[tilespmem:s2], [sflag:$0x1] =	stream.strided.gather @!p0 [hbm4b:s23+s16], $0x2000, s22, s16, $0x38;
	[tilespmem:$0x19200] =	vst v63  }
0x15d: {  	p0 =	sne.s32 s18, s21  }
.Ltmp14:
0x15e: {  	_ = 	snop;
	(pc) =	sbr.rel @!p0 .LBB2_19-.Ltmp14, $2  }
0x15f: {  	_ =	sdelay $0x2  }
0x160: {  	s16 =	sadd.s32 $0x1, s18  }
.LBB2_18:
0x161: {  	_ =	swait.ge [sflag:s10], $0x2000;
	s2 =	sadd.s32 $0x8, s21;
	s21 =	sadd.s32 $0x1, s21  }
0x162: {  	s19 =	sadd.s32 $0x8000, s19;
	p1 =	sne.s32 s18, s21  }
.Ltmp15:
0x163: {  	s20 =	sadd.s32 $0x80, s20;
	p0 =	sgt.s32 s2, s31;
	(pc) =	sbr.rel @p1 .LBB2_18-.Ltmp15, $4  }
0x164: {  	s2 =	sand.u32 @!p0 $0x38000, s19;
	s22 =	simm.s32 @!p0 $0x400;
	s23 =	simm.s32 @!p0 $0x7A1400  }
0x165: {  	s24 =	sand.u32 @!p0 $0x1FFFFF80, s20;
	s2 =	sshrl.u32 @!p0 s2, $0x2;
	[sflag:s10] =	ssyncset.done $0x0  }
0x166: {  	s24 =	sadd.s32 @!p0 s1, s24;
	s2 =	sor.u32 @!p0 $0xC00, s2;
	[sflag:s10] =	ssyncadd.s32 $0xFFFFE000  }
0x167: {  	[tilespmem:s2], [sflag:$0x1] =	stream.strided.gather @!p0 [hbm4b:s24+s22], $0x2000, s23, s22, $0x38;
	[tilespmem:$0x19200] =	vst v63  }
.LBB2_19:
0x168: {  	(v2sf) =	vpush v8, $0x2;
	_ =	sdelay $0xd  }
0x169: {  	s2 =	sand.u32 $0x7, s18;
	s23 =	sor.u32 $0x2, s13  }
0x16a: {  	s17 =	sand.u32 $0x7F, s17;
	s18 =	ssub.s32 s23, s15;
	s19 =	spop (v2sf)  }
0x16b: {  	s2 =	sshll.u32 s2, $0xD;
	s18 =	sshll.u32 s18, $0x7;
	s19 =	sshll.u32 s19, $0x6  }
0x16c: {  	s2 =	sor.u32 s17, s2;
	s24 =	sadd.s32 s4, s18;
	s19 =	sand.u32 $0x40, s19  }
0x16d: {  	v12 =	vor.u32 s2, v1;
	s17 =	sor.u32 s24, s19  }
0x16e: {  	v13 =	vor.u32 s17, v0  }
0x16f: {  	v14 =	vor.u32 s2, v2  }
0x170: {  	v15 =	vor.u32 s17, v3  }
0x171: {  	v16 =	vor.u32 s2, v4  }
0x172: {  	v12 =	vld.idx.msk [tilespmem:v12+s26+$0x0], $0xffff;
	v17 =	vor.u32 s17, v5  }
0x173: {  	v19 =	vor.u32 s17, v7;
	v13 =	vld.idx.msk [tilespmem:v13+s0+$0x0], $0xffff  }
0x174: {  	v18 =	vor.u32 s2, v6;
	v14 =	vld.idx.msk [tilespmem:v14+s26+$0x0], $0xffff  }
0x175: {  	v15 =	vld.idx.msk [tilespmem:v15+s0+$0x0], $0xffff  }
0x176: {  	v16 =	vld.idx.msk [tilespmem:v16+s26+$0x0], $0xffff;
	(v2sf) =	vpush v9, $0x3  }
0x177: {  	v17 =	vld.idx.msk [tilespmem:v17+s0+$0x0], $0xffff  }
0x178: {  	v63 =	vld.idx.msk [tilespmem:v19+s0+$0x0], $0xffff;
	v12 =	vmul.f32 v13, v12  }
0x179: {  	v13 =	vld.idx.msk [tilespmem:v18+s26+$0x0], $0xffff  }
0x17a: {  	v14 =	vmul.f32 v15, v14;
	v12 =	vadd.f32 $0.0e+00, v12;
	_ =	sdelay $0x1  }
0x17b: {  	v12 =	vadd.f32 v14, v12;
	v14 =	vmul.f32 v17, v16;
	_ =	sdelay $0x1  }
0x17c: {  	v13 =	vmul.f32 v63, v13;
	v12 =	vadd.f32 v14, v12;
	_ =	sdelay $0x1  }
0x17d: {  	v12 =	vadd.f32 v13, v12;
	_ =	sdelay $0x1  }
0x17e: {  	(xrf2) =	vadd.scan.msk.f32 $0xffff, v12;
	_ =	sdelay $0x2  }
0x17f: {  	s17 =	spop (v2sf)  }
0x180: {  	s18 =	sshrl.u32 s17, $0x7  }
0x181: {  	p0 =	sgt.s32 s16, s18  }
.Ltmp16:
0x182: {  	_ = 	snop;
	(pc) =	sbr.rel @p0 .LBB2_22-.Ltmp16, $2  }
0x183: {  	_ =	sdelay $0x2  }
0x184: {  	v12, _, _ =	vpop (xrf2)  }
0x185: {  	s2 =	sadd.s32 $0xFFFFFFFF, s16;
	s19 =	sshll.u32 s16, $0xF;
	s23 =	sshll.u32 s16, $0x7  }
0x186: {  	_ =	swait.ge [sflag:s10], $0x2000;
	s19 =	sadd.s32 $0x38000, s19;
	s24 =	sadd.s32 $0x8, s2  }
0x187: {  	s20 =	sadd.s32 $0x380, s23;
	[sflag:s10] =	ssyncset.done $0x0;
	p0 =	sgt.s32 s24, s31  }
0x188: {  	s21 =	sadd.s32 $0x1, s2;
	[sflag:s10] =	ssyncadd.s32 $0xFFFFE000;
	s2 =	sand.u32 @!p0 $0x38000, s19  }
0x189: {  	s16 =	simm.s32 @!p0 $0x400;
	s23 =	sand.u32 @!p0 $0x1FFFFF80, s20;
	s2 =	sshrl.u32 @!p0 s2, $0x2  }
0x18a: {  	s22 =	simm.s32 @!p0 $0x7A1400;
	s23 =	sadd.s32 @!p0 s1, s23;
	s2 =	sor.u32 @!p0 $0xC00, s2  }
0x18b: {  	[tilespmem:s2], [sflag:$0x1] =	stream.strided.gather @!p0 [hbm4b:s23+s16], $0x2000, s22, s16, $0x38;
	[tilespmem:$0x19200] =	vst v63  }
0x18c: {  	p0 =	sne.s32 s18, s21  }
.Ltmp17:
0x18d: {  	_ = 	snop;
	(pc) =	sbr.rel @!p0 .LBB2_22-.Ltmp17, $2  }
0x18e: {  	_ =	sdelay $0x2  }
0x18f: {  	s16 =	sadd.s32 $0x1, s18  }
.LBB2_21:
0x190: {  	_ =	swait.ge [sflag:s10], $0x2000;
	s2 =	sadd.s32 $0x8, s21;
	s21 =	sadd.s32 $0x1, s21  }
0x191: {  	s19 =	sadd.s32 $0x8000, s19;
	p1 =	sne.s32 s18, s21  }
.Ltmp18:
0x192: {  	s20 =	sadd.s32 $0x80, s20;
	p0 =	sgt.s32 s2, s31;
	(pc) =	sbr.rel @p1 .LBB2_21-.Ltmp18, $4  }
0x193: {  	s2 =	sand.u32 @!p0 $0x38000, s19;
	s22 =	simm.s32 @!p0 $0x400;
	s23 =	simm.s32 @!p0 $0x7A1400  }
0x194: {  	s24 =	sand.u32 @!p0 $0x1FFFFF80, s20;
	s2 =	sshrl.u32 @!p0 s2, $0x2;
	[sflag:s10] =	ssyncset.done $0x0  }
0x195: {  	s24 =	sadd.s32 @!p0 s1, s24;
	s2 =	sor.u32 @!p0 $0xC00, s2;
	[sflag:s10] =	ssyncadd.s32 $0xFFFFE000  }
0x196: {  	[tilespmem:s2], [sflag:$0x1] =	stream.strided.gather @!p0 [hbm4b:s24+s22], $0x2000, s23, s22, $0x38;
	[tilespmem:$0x19200] =	vst v63  }
.LBB2_22:
0x197: {  	(v2sf) =	vpush v8, $0x3;
	_ =	sdelay $0xd  }
0x198: {  	s2 =	sand.u32 $0x7, s18;
	s23 =	sor.u32 $0x3, s13  }
0x199: {  	s17 =	sand.u32 $0x7F, s17;
	s18 =	ssub.s32 s23, s15;
	s19 =	spop (v2sf)  }
0x19a: {  	s2 =	sshll.u32 s2, $0xD;
	s18 =	sshll.u32 s18, $0x7;
	s19 =	sshll.u32 s19, $0x6  }
0x19b: {  	s2 =	sor.u32 s17, s2;
	s24 =	sadd.s32 s4, s18;
	s19 =	sand.u32 $0x40, s19  }
0x19c: {  	v13 =	vor.u32 s2, v1;
	s17 =	sor.u32 s24, s19  }
0x19d: {  	v14 =	vor.u32 s17, v0  }
0x19e: {  	v15 =	vor.u32 s2, v2  }
0x19f: {  	v16 =	vor.u32 s17, v3  }
0x1a0: {  	v17 =	vor.u32 s2, v4  }
0x1a1: {  	v13 =	vld.idx.msk [tilespmem:v13+s26+$0x0], $0xffff;
	v18 =	vor.u32 s17, v5  }
0x1a2: {  	v20 =	vor.u32 s17, v7;
	v14 =	vld.idx.msk [tilespmem:v14+s0+$0x0], $0xffff  }
0x1a3: {  	v19 =	vor.u32 s2, v6;
	v15 =	vld.idx.msk [tilespmem:v15+s26+$0x0], $0xffff  }
0x1a4: {  	v16 =	vld.idx.msk [tilespmem:v16+s0+$0x0], $0xffff  }
0x1a5: {  	v17 =	vld.idx.msk [tilespmem:v17+s26+$0x0], $0xffff;
	(v2sf) =	vpush v9, $0x4  }
0x1a6: {  	v18 =	vld.idx.msk [tilespmem:v18+s0+$0x0], $0xffff  }
0x1a7: {  	v63 =	vld.idx.msk [tilespmem:v20+s0+$0x0], $0xffff;
	v13 =	vmul.f32 v14, v13  }
0x1a8: {  	v14 =	vld.idx.msk [tilespmem:v19+s26+$0x0], $0xffff  }
0x1a9: {  	v15 =	vmul.f32 v16, v15;
	v13 =	vadd.f32 $0.0e+00, v13;
	_ =	sdelay $0x1  }
0x1aa: {  	v13 =	vadd.f32 v15, v13;
	v15 =	vmul.f32 v18, v17;
	_ =	sdelay $0x1  }
0x1ab: {  	v14 =	vmul.f32 v63, v14;
	v13 =	vadd.f32 v15, v13;
	_ =	sdelay $0x1  }
0x1ac: {  	v13 =	vadd.f32 v14, v13;
	_ =	sdelay $0x1  }
0x1ad: {  	(xrf2) =	vadd.scan.msk.f32 $0xffff, v13;
	_ =	sdelay $0x2  }
0x1ae: {  	s17 =	spop (v2sf)  }
0x1af: {  	s18 =	sshrl.u32 s17, $0x7  }
0x1b0: {  	p0 =	sgt.s32 s16, s18  }
.Ltmp19:
0x1b1: {  	_ = 	snop;
	(pc) =	sbr.rel @p0 .LBB2_25-.Ltmp19, $2  }
0x1b2: {  	_ =	sdelay $0x2  }
0x1b3: {  	v13, _, _ =	vpop (xrf2)  }
0x1b4: {  	s2 =	sadd.s32 $0xFFFFFFFF, s16;
	s19 =	sshll.u32 s16, $0xF;
	s23 =	sshll.u32 s16, $0x7  }
0x1b5: {  	_ =	swait.ge [sflag:s10], $0x2000;
	s19 =	sadd.s32 $0x38000, s19;
	s24 =	sadd.s32 $0x8, s2  }
0x1b6: {  	s20 =	sadd.s32 $0x380, s23;
	[sflag:s10] =	ssyncset.done $0x0;
	p0 =	sgt.s32 s24, s31  }
0x1b7: {  	s21 =	sadd.s32 $0x1, s2;
	[sflag:s10] =	ssyncadd.s32 $0xFFFFE000;
	s2 =	sand.u32 @!p0 $0x38000, s19  }
0x1b8: {  	s16 =	simm.s32 @!p0 $0x400;
	s23 =	sand.u32 @!p0 $0x1FFFFF80, s20;
	s2 =	sshrl.u32 @!p0 s2, $0x2  }
0x1b9: {  	s22 =	simm.s32 @!p0 $0x7A1400;
	s23 =	sadd.s32 @!p0 s1, s23;
	s2 =	sor.u32 @!p0 $0xC00, s2  }
0x1ba: {  	[tilespmem:s2], [sflag:$0x1] =	stream.strided.gather @!p0 [hbm4b:s23+s16], $0x2000, s22, s16, $0x38;
	[tilespmem:$0x19200] =	vst v63  }
0x1bb: {  	p0 =	sne.s32 s18, s21  }
.Ltmp20:
0x1bc: {  	_ = 	snop;
	(pc) =	sbr.rel @!p0 .LBB2_25-.Ltmp20, $2  }
0x1bd: {  	_ =	sdelay $0x2  }
0x1be: {  	s16 =	sadd.s32 $0x1, s18  }
.LBB2_24:
0x1bf: {  	_ =	swait.ge [sflag:s10], $0x2000;
	s2 =	sadd.s32 $0x8, s21;
	s21 =	sadd.s32 $0x1, s21  }
0x1c0: {  	s19 =	sadd.s32 $0x8000, s19;
	p1 =	sne.s32 s18, s21  }
.Ltmp21:
0x1c1: {  	s20 =	sadd.s32 $0x80, s20;
	p0 =	sgt.s32 s2, s31;
	(pc) =	sbr.rel @p1 .LBB2_24-.Ltmp21, $4  }
0x1c2: {  	s2 =	sand.u32 @!p0 $0x38000, s19;
	s22 =	simm.s32 @!p0 $0x400;
	s23 =	simm.s32 @!p0 $0x7A1400  }
0x1c3: {  	s24 =	sand.u32 @!p0 $0x1FFFFF80, s20;
	s2 =	sshrl.u32 @!p0 s2, $0x2;
	[sflag:s10] =	ssyncset.done $0x0  }
0x1c4: {  	s24 =	sadd.s32 @!p0 s1, s24;
	s2 =	sor.u32 @!p0 $0xC00, s2;
	[sflag:s10] =	ssyncadd.s32 $0xFFFFE000  }
0x1c5: {  	[tilespmem:s2], [sflag:$0x1] =	stream.strided.gather @!p0 [hbm4b:s24+s22], $0x2000, s23, s22, $0x38;
	[tilespmem:$0x19200] =	vst v63  }
.LBB2_25:
0x1c6: {  	(v2sf) =	vpush v8, $0x4;
	_ =	sdelay $0xd  }
0x1c7: {  	s2 =	sand.u32 $0x7, s18;
	s23 =	sor.u32 $0x4, s13  }
0x1c8: {  	s17 =	sand.u32 $0x7F, s17;
	s18 =	ssub.s32 s23, s15;
	s19 =	spop (v2sf)  }
0x1c9: {  	s2 =	sshll.u32 s2, $0xD;
	s18 =	sshll.u32 s18, $0x7;
	s19 =	sshll.u32 s19, $0x6  }
0x1ca: {  	s2 =	sor.u32 s17, s2;
	s24 =	sadd.s32 s4, s18;
	s19 =	sand.u32 $0x40, s19  }
0x1cb: {  	v14 =	vor.u32 s2, v1;
	s17 =	sor.u32 s24, s19  }
0x1cc: {  	v15 =	vor.u32 s17, v0  }
0x1cd: {  	v16 =	vor.u32 s2, v2  }
0x1ce: {  	v17 =	vor.u32 s17, v3  }
0x1cf: {  	v18 =	vor.u32 s2, v4  }
0x1d0: {  	v14 =	vld.idx.msk [tilespmem:v14+s26+$0x0], $0xffff;
	v19 =	vor.u32 s17, v5  }
0x1d1: {  	v21 =	vor.u32 s17, v7;
	v15 =	vld.idx.msk [tilespmem:v15+s0+$0x0], $0xffff  }
0x1d2: {  	v20 =	vor.u32 s2, v6;
	v16 =	vld.idx.msk [tilespmem:v16+s26+$0x0], $0xffff  }
0x1d3: {  	v17 =	vld.idx.msk [tilespmem:v17+s0+$0x0], $0xffff  }
0x1d4: {  	v18 =	vld.idx.msk [tilespmem:v18+s26+$0x0], $0xffff;
	(v2sf) =	vpush v9, $0x5  }
0x1d5: {  	v19 =	vld.idx.msk [tilespmem:v19+s0+$0x0], $0xffff  }
0x1d6: {  	v62 =	vld.idx.msk [tilespmem:v21+s0+$0x0], $0xffff;
	v14 =	vmul.f32 v15, v14  }
0x1d7: {  	v15 =	vld.idx.msk [tilespmem:v20+s26+$0x0], $0xffff  }
0x1d8: {  	v16 =	vmul.f32 v17, v16;
	v14 =	vadd.f32 $0.0e+00, v14;
	_ =	sdelay $0x1  }
0x1d9: {  	v63 =	vmul.f32 v19, v18;
	v14 =	vadd.f32 v16, v14;
	_ =	sdelay $0x1  }
0x1da: {  	v15 =	vmul.f32 v62, v15;
	v14 =	vadd.f32 v63, v14;
	_ =	sdelay $0x1  }
0x1db: {  	v14 =	vadd.f32 v15, v14;
	_ =	sdelay $0x1  }
0x1dc: {  	(xrf2) =	vadd.scan.msk.f32 $0xffff, v14;
	_ =	sdelay $0x2  }
0x1dd: {  	s17 =	spop (v2sf)  }
0x1de: {  	s18 =	sshrl.u32 s17, $0x7  }
0x1df: {  	p0 =	sgt.s32 s16, s18  }
.Ltmp22:
0x1e0: {  	_ = 	snop;
	(pc) =	sbr.rel @p0 .LBB2_28-.Ltmp22, $2  }
0x1e1: {  	_ =	sdelay $0x2  }
0x1e2: {  	v14, _, _ =	vpop (xrf2)  }
0x1e3: {  	s2 =	sadd.s32 $0xFFFFFFFF, s16;
	s19 =	sshll.u32 s16, $0xF;
	s23 =	sshll.u32 s16, $0x7  }
0x1e4: {  	_ =	swait.ge [sflag:s10], $0x2000;
	s19 =	sadd.s32 $0x38000, s19;
	s24 =	sadd.s32 $0x8, s2  }
0x1e5: {  	s20 =	sadd.s32 $0x380, s23;
	[sflag:s10] =	ssyncset.done $0x0;
	p0 =	sgt.s32 s24, s31  }
0x1e6: {  	s21 =	sadd.s32 $0x1, s2;
	[sflag:s10] =	ssyncadd.s32 $0xFFFFE000;
	s2 =	sand.u32 @!p0 $0x38000, s19  }
0x1e7: {  	s16 =	simm.s32 @!p0 $0x400;
	s23 =	sand.u32 @!p0 $0x1FFFFF80, s20;
	s2 =	sshrl.u32 @!p0 s2, $0x2  }
0x1e8: {  	s22 =	simm.s32 @!p0 $0x7A1400;
	s23 =	sadd.s32 @!p0 s1, s23;
	s2 =	sor.u32 @!p0 $0xC00, s2  }
0x1e9: {  	[tilespmem:s2], [sflag:$0x1] =	stream.strided.gather @!p0 [hbm4b:s23+s16], $0x2000, s22, s16, $0x38;
	[tilespmem:$0x19200] =	vst v63  }
0x1ea: {  	p0 =	sne.s32 s18, s21  }
.Ltmp23:
0x1eb: {  	_ = 	snop;
	(pc) =	sbr.rel @!p0 .LBB2_28-.Ltmp23, $2  }
0x1ec: {  	_ =	sdelay $0x2  }
0x1ed: {  	s16 =	sadd.s32 $0x1, s18  }
.LBB2_27:
0x1ee: {  	_ =	swait.ge [sflag:s10], $0x2000;
	s2 =	sadd.s32 $0x8, s21;
	s21 =	sadd.s32 $0x1, s21  }
0x1ef: {  	s19 =	sadd.s32 $0x8000, s19;
	p1 =	sne.s32 s18, s21  }
.Ltmp24:
0x1f0: {  	s20 =	sadd.s32 $0x80, s20;
	p0 =	sgt.s32 s2, s31;
	(pc) =	sbr.rel @p1 .LBB2_27-.Ltmp24, $4  }
0x1f1: {  	s2 =	sand.u32 @!p0 $0x38000, s19;
	s22 =	simm.s32 @!p0 $0x400;
	s23 =	simm.s32 @!p0 $0x7A1400  }
0x1f2: {  	s24 =	sand.u32 @!p0 $0x1FFFFF80, s20;
	s2 =	sshrl.u32 @!p0 s2, $0x2;
	[sflag:s10] =	ssyncset.done $0x0  }
0x1f3: {  	s24 =	sadd.s32 @!p0 s1, s24;
	s2 =	sor.u32 @!p0 $0xC00, s2;
	[sflag:s10] =	ssyncadd.s32 $0xFFFFE000  }
0x1f4: {  	[tilespmem:s2], [sflag:$0x1] =	stream.strided.gather @!p0 [hbm4b:s24+s22], $0x2000, s23, s22, $0x38;
	[tilespmem:$0x19200] =	vst v63  }
.LBB2_28:
0x1f5: {  	(v2sf) =	vpush v8, $0x5;
	_ =	sdelay $0xd  }
0x1f6: {  	s2 =	sand.u32 $0x7, s18;
	s23 =	sor.u32 $0x5, s13  }
0x1f7: {  	s17 =	sand.u32 $0x7F, s17;
	s18 =	ssub.s32 s23, s15;
	s19 =	spop (v2sf)  }
0x1f8: {  	s2 =	sshll.u32 s2, $0xD;
	s18 =	sshll.u32 s18, $0x7;
	s19 =	sshll.u32 s19, $0x6  }
0x1f9: {  	s2 =	sor.u32 s17, s2;
	s24 =	sadd.s32 s4, s18;
	s19 =	sand.u32 $0x40, s19  }
0x1fa: {  	v15 =	vor.u32 s2, v1;
	s17 =	sor.u32 s24, s19  }
0x1fb: {  	v16 =	vor.u32 s17, v0  }
0x1fc: {  	v17 =	vor.u32 s2, v2  }
0x1fd: {  	v18 =	vor.u32 s17, v3  }
0x1fe: {  	v19 =	vor.u32 s2, v4  }
0x1ff: {  	v15 =	vld.idx.msk [tilespmem:v15+s26+$0x0], $0xffff;
	v20 =	vor.u32 s17, v5  }
0x200: {  	v22 =	vor.u32 s17, v7;
	v16 =	vld.idx.msk [tilespmem:v16+s0+$0x0], $0xffff  }
0x201: {  	v21 =	vor.u32 s2, v6;
	v17 =	vld.idx.msk [tilespmem:v17+s26+$0x0], $0xffff  }
0x202: {  	v18 =	vld.idx.msk [tilespmem:v18+s0+$0x0], $0xffff  }
0x203: {  	v19 =	vld.idx.msk [tilespmem:v19+s26+$0x0], $0xffff;
	(v2sf) =	vpush v9, $0x6  }
0x204: {  	v20 =	vld.idx.msk [tilespmem:v20+s0+$0x0], $0xffff  }
0x205: {  	v63 =	vld.idx.msk [tilespmem:v22+s0+$0x0], $0xffff;
	v15 =	vmul.f32 v16, v15  }
0x206: {  	v16 =	vld.idx.msk [tilespmem:v21+s26+$0x0], $0xffff  }
0x207: {  	v17 =	vmul.f32 v18, v17;
	v15 =	vadd.f32 $0.0e+00, v15;
	_ =	sdelay $0x1  }
0x208: {  	v15 =	vadd.f32 v17, v15;
	v17 =	vmul.f32 v20, v19;
	_ =	sdelay $0x1  }
0x209: {  	v16 =	vmul.f32 v63, v16;
	v15 =	vadd.f32 v17, v15;
	_ =	sdelay $0x1  }
0x20a: {  	v15 =	vadd.f32 v16, v15;
	_ =	sdelay $0x1  }
0x20b: {  	(xrf2) =	vadd.scan.msk.f32 $0xffff, v15;
	_ =	sdelay $0x2  }
0x20c: {  	s17 =	spop (v2sf)  }
0x20d: {  	s18 =	sshrl.u32 s17, $0x7  }
0x20e: {  	p0 =	sgt.s32 s16, s18  }
.Ltmp25:
0x20f: {  	_ = 	snop;
	(pc) =	sbr.rel @p0 .LBB2_31-.Ltmp25, $2  }
0x210: {  	_ =	sdelay $0x2  }
0x211: {  	v15, _, _ =	vpop (xrf2)  }
0x212: {  	s2 =	sadd.s32 $0xFFFFFFFF, s16;
	s19 =	sshll.u32 s16, $0xF;
	s23 =	sshll.u32 s16, $0x7  }
0x213: {  	_ =	swait.ge [sflag:s10], $0x2000;
	s19 =	sadd.s32 $0x38000, s19;
	s24 =	sadd.s32 $0x8, s2  }
0x214: {  	s20 =	sadd.s32 $0x380, s23;
	[sflag:s10] =	ssyncset.done $0x0;
	p0 =	sgt.s32 s24, s31  }
0x215: {  	s21 =	sadd.s32 $0x1, s2;
	[sflag:s10] =	ssyncadd.s32 $0xFFFFE000;
	s2 =	sand.u32 @!p0 $0x38000, s19  }
0x216: {  	s16 =	simm.s32 @!p0 $0x400;
	s23 =	sand.u32 @!p0 $0x1FFFFF80, s20;
	s2 =	sshrl.u32 @!p0 s2, $0x2  }
0x217: {  	s22 =	simm.s32 @!p0 $0x7A1400;
	s23 =	sadd.s32 @!p0 s1, s23;
	s2 =	sor.u32 @!p0 $0xC00, s2  }
0x218: {  	[tilespmem:s2], [sflag:$0x1] =	stream.strided.gather @!p0 [hbm4b:s23+s16], $0x2000, s22, s16, $0x38;
	[tilespmem:$0x19200] =	vst v63  }
0x219: {  	p0 =	sne.s32 s18, s21  }
.Ltmp26:
0x21a: {  	_ = 	snop;
	(pc) =	sbr.rel @!p0 .LBB2_31-.Ltmp26, $2  }
0x21b: {  	_ =	sdelay $0x2  }
0x21c: {  	s16 =	sadd.s32 $0x1, s18  }
.LBB2_30:
0x21d: {  	_ =	swait.ge [sflag:s10], $0x2000;
	s2 =	sadd.s32 $0x8, s21;
	s21 =	sadd.s32 $0x1, s21  }
0x21e: {  	s19 =	sadd.s32 $0x8000, s19;
	p1 =	sne.s32 s18, s21  }
.Ltmp27:
0x21f: {  	s20 =	sadd.s32 $0x80, s20;
	p0 =	sgt.s32 s2, s31;
	(pc) =	sbr.rel @p1 .LBB2_30-.Ltmp27, $4  }
0x220: {  	s2 =	sand.u32 @!p0 $0x38000, s19;
	s22 =	simm.s32 @!p0 $0x400;
	s23 =	simm.s32 @!p0 $0x7A1400  }
0x221: {  	s24 =	sand.u32 @!p0 $0x1FFFFF80, s20;
	s2 =	sshrl.u32 @!p0 s2, $0x2;
	[sflag:s10] =	ssyncset.done $0x0  }
0x222: {  	s24 =	sadd.s32 @!p0 s1, s24;
	s2 =	sor.u32 @!p0 $0xC00, s2;
	[sflag:s10] =	ssyncadd.s32 $0xFFFFE000  }
0x223: {  	[tilespmem:s2], [sflag:$0x1] =	stream.strided.gather @!p0 [hbm4b:s24+s22], $0x2000, s23, s22, $0x38;
	[tilespmem:$0x19200] =	vst v63  }
.LBB2_31:
0x224: {  	(v2sf) =	vpush v8, $0x6;
	_ =	sdelay $0xd  }
0x225: {  	s2 =	sand.u32 $0x7, s18;
	s23 =	sor.u32 $0x6, s13  }
0x226: {  	s17 =	sand.u32 $0x7F, s17;
	s18 =	ssub.s32 s23, s15;
	s19 =	spop (v2sf)  }
0x227: {  	s2 =	sshll.u32 s2, $0xD;
	s18 =	sshll.u32 s18, $0x7;
	s19 =	sshll.u32 s19, $0x6  }
0x228: {  	s2 =	sor.u32 s17, s2;
	s24 =	sadd.s32 s4, s18;
	s19 =	sand.u32 $0x40, s19  }
0x229: {  	v16 =	vor.u32 s2, v1;
	s17 =	sor.u32 s24, s19  }
0x22a: {  	v17 =	vor.u32 s17, v0  }
0x22b: {  	v18 =	vor.u32 s2, v2  }
0x22c: {  	v19 =	vor.u32 s17, v3  }
0x22d: {  	v20 =	vor.u32 s2, v4  }
0x22e: {  	v16 =	vld.idx.msk [tilespmem:v16+s26+$0x0], $0xffff;
	v21 =	vor.u32 s17, v5  }
0x22f: {  	v23 =	vor.u32 s17, v7;
	v17 =	vld.idx.msk [tilespmem:v17+s0+$0x0], $0xffff  }
0x230: {  	v22 =	vor.u32 s2, v6;
	v18 =	vld.idx.msk [tilespmem:v18+s26+$0x0], $0xffff  }
0x231: {  	v19 =	vld.idx.msk [tilespmem:v19+s0+$0x0], $0xffff  }
0x232: {  	v20 =	vld.idx.msk [tilespmem:v20+s26+$0x0], $0xffff;
	(v2sf) =	vpush v9, $0x7  }
0x233: {  	v21 =	vld.idx.msk [tilespmem:v21+s0+$0x0], $0xffff  }
0x234: {  	v63 =	vld.idx.msk [tilespmem:v23+s0+$0x0], $0xffff;
	v16 =	vmul.f32 v17, v16  }
0x235: {  	v17 =	vld.idx.msk [tilespmem:v22+s26+$0x0], $0xffff  }
0x236: {  	v18 =	vmul.f32 v19, v18;
	v16 =	vadd.f32 $0.0e+00, v16;
	_ =	sdelay $0x1  }
0x237: {  	v16 =	vadd.f32 v18, v16;
	v18 =	vmul.f32 v21, v20;
	_ =	sdelay $0x1  }
0x238: {  	v17 =	vmul.f32 v63, v17;
	v16 =	vadd.f32 v18, v16;
	_ =	sdelay $0x1  }
0x239: {  	v16 =	vadd.f32 v17, v16;
	_ =	sdelay $0x1  }
0x23a: {  	(xrf2) =	vadd.scan.msk.f32 $0xffff, v16;
	_ =	sdelay $0x2  }
0x23b: {  	s17 =	spop (v2sf)  }
0x23c: {  	s18 =	sshrl.u32 s17, $0x7  }
0x23d: {  	p0 =	sgt.s32 s16, s18  }
.Ltmp28:
0x23e: {  	_ = 	snop;
	(pc) =	sbr.rel @p0 .LBB2_34-.Ltmp28, $2  }
0x23f: {  	_ =	sdelay $0x2  }
0x240: {  	v16, _, _ =	vpop (xrf2)  }
0x241: {  	s2 =	sadd.s32 $0xFFFFFFFF, s16;
	s19 =	sshll.u32 s16, $0xF;
	s23 =	sshll.u32 s16, $0x7  }
0x242: {  	_ =	swait.ge [sflag:s10], $0x2000;
	s19 =	sadd.s32 $0x38000, s19;
	s24 =	sadd.s32 $0x8, s2  }
0x243: {  	s20 =	sadd.s32 $0x380, s23;
	[sflag:s10] =	ssyncset.done $0x0;
	p0 =	sgt.s32 s24, s31  }
0x244: {  	s21 =	sadd.s32 $0x1, s2;
	[sflag:s10] =	ssyncadd.s32 $0xFFFFE000;
	s2 =	sand.u32 @!p0 $0x38000, s19  }
0x245: {  	s16 =	simm.s32 @!p0 $0x400;
	s23 =	sand.u32 @!p0 $0x1FFFFF80, s20;
	s2 =	sshrl.u32 @!p0 s2, $0x2  }
0x246: {  	s22 =	simm.s32 @!p0 $0x7A1400;
	s23 =	sadd.s32 @!p0 s1, s23;
	s2 =	sor.u32 @!p0 $0xC00, s2  }
0x247: {  	[tilespmem:s2], [sflag:$0x1] =	stream.strided.gather @!p0 [hbm4b:s23+s16], $0x2000, s22, s16, $0x38;
	[tilespmem:$0x19200] =	vst v63  }
0x248: {  	p0 =	sne.s32 s18, s21  }
.Ltmp29:
0x249: {  	_ = 	snop;
	(pc) =	sbr.rel @!p0 .LBB2_34-.Ltmp29, $2  }
0x24a: {  	_ =	sdelay $0x2  }
0x24b: {  	s16 =	sadd.s32 $0x1, s18  }
.LBB2_33:
0x24c: {  	_ =	swait.ge [sflag:s10], $0x2000;
	s2 =	sadd.s32 $0x8, s21;
	s21 =	sadd.s32 $0x1, s21  }
0x24d: {  	s19 =	sadd.s32 $0x8000, s19;
	p1 =	sne.s32 s18, s21  }
.Ltmp30:
0x24e: {  	s20 =	sadd.s32 $0x80, s20;
	p0 =	sgt.s32 s2, s31;
	(pc) =	sbr.rel @p1 .LBB2_33-.Ltmp30, $4  }
0x24f: {  	s2 =	sand.u32 @!p0 $0x38000, s19;
	s22 =	simm.s32 @!p0 $0x400;
	s23 =	simm.s32 @!p0 $0x7A1400  }
0x250: {  	s24 =	sand.u32 @!p0 $0x1FFFFF80, s20;
	s2 =	sshrl.u32 @!p0 s2, $0x2;
	[sflag:s10] =	ssyncset.done $0x0  }
0x251: {  	s24 =	sadd.s32 @!p0 s1, s24;
	s2 =	sor.u32 @!p0 $0xC00, s2;
	[sflag:s10] =	ssyncadd.s32 $0xFFFFE000  }
0x252: {  	[tilespmem:s2], [sflag:$0x1] =	stream.strided.gather @!p0 [hbm4b:s24+s22], $0x2000, s23, s22, $0x38;
	[tilespmem:$0x19200] =	vst v63  }
.LBB2_34:
0x253: {  	(v2sf) =	vpush v8, $0x7;
	_ =	sdelay $0xd  }
0x254: {  	s2 =	sand.u32 $0x7, s18;
	s23 =	sor.u32 $0x7, s13  }
0x255: {  	s17 =	sand.u32 $0x7F, s17;
	s18 =	ssub.s32 s23, s15;
	s19 =	spop (v2sf)  }
0x256: {  	s2 =	sshll.u32 s2, $0xD;
	s18 =	sshll.u32 s18, $0x7;
	s19 =	sshll.u32 s19, $0x6  }
0x257: {  	s2 =	sor.u32 s17, s2;
	s24 =	sadd.s32 s4, s18;
	s19 =	sand.u32 $0x40, s19  }
0x258: {  	v17 =	vor.u32 s2, v1;
	s17 =	sor.u32 s24, s19  }
0x259: {  	v18 =	vor.u32 s17, v0  }
0x25a: {  	v19 =	vor.u32 s2, v2  }
0x25b: {  	v20 =	vor.u32 s17, v3  }
0x25c: {  	v21 =	vor.u32 s2, v4  }
0x25d: {  	v17 =	vld.idx.msk [tilespmem:v17+s26+$0x0], $0xffff;
	v22 =	vor.u32 s17, v5  }
0x25e: {  	v24 =	vor.u32 s17, v7;
	v18 =	vld.idx.msk [tilespmem:v18+s0+$0x0], $0xffff  }
0x25f: {  	v23 =	vor.u32 s2, v6;
	v19 =	vld.idx.msk [tilespmem:v19+s26+$0x0], $0xffff  }
0x260: {  	v20 =	vld.idx.msk [tilespmem:v20+s0+$0x0], $0xffff  }
0x261: {  	v21 =	vld.idx.msk [tilespmem:v21+s26+$0x0], $0xffff;
	(v2sf) =	vpush v9, $0x8  }
0x262: {  	v22 =	vld.idx.msk [tilespmem:v22+s0+$0x0], $0xffff  }
0x263: {  	v63 =	vld.idx.msk [tilespmem:v24+s0+$0x0], $0xffff;
	v17 =	vmul.f32 v18, v17  }
0x264: {  	v18 =	vld.idx.msk [tilespmem:v23+s26+$0x0], $0xffff  }
0x265: {  	v19 =	vmul.f32 v20, v19;
	v17 =	vadd.f32 $0.0e+00, v17;
	_ =	sdelay $0x1  }
0x266: {  	v17 =	vadd.f32 v19, v17;
	v19 =	vmul.f32 v22, v21;
	_ =	sdelay $0x1  }
0x267: {  	v18 =	vmul.f32 v63, v18;
	v17 =	vadd.f32 v19, v17;
	_ =	sdelay $0x1  }
0x268: {  	v17 =	vadd.f32 v18, v17;
	_ =	sdelay $0x1  }
0x269: {  	(xrf2) =	vadd.scan.msk.f32 $0xffff, v17;
	_ =	sdelay $0x2  }
0x26a: {  	s17 =	spop (v2sf)  }
0x26b: {  	s18 =	sshrl.u32 s17, $0x7  }
0x26c: {  	p0 =	sgt.s32 s16, s18  }
.Ltmp31:
0x26d: {  	_ = 	snop;
	(pc) =	sbr.rel @p0 .LBB2_37-.Ltmp31, $2  }
0x26e: {  	_ =	sdelay $0x2  }
0x26f: {  	v17, _, _ =	vpop (xrf2)  }
0x270: {  	s2 =	sadd.s32 $0xFFFFFFFF, s16;
	s19 =	sshll.u32 s16, $0xF;
	s23 =	sshll.u32 s16, $0x7  }
0x271: {  	_ =	swait.ge [sflag:s10], $0x2000;
	s19 =	sadd.s32 $0x38000, s19;
	s24 =	sadd.s32 $0x8, s2  }
0x272: {  	s20 =	sadd.s32 $0x380, s23;
	[sflag:s10] =	ssyncset.done $0x0;
	p0 =	sgt.s32 s24, s31  }
0x273: {  	s21 =	sadd.s32 $0x1, s2;
	[sflag:s10] =	ssyncadd.s32 $0xFFFFE000;
	s2 =	sand.u32 @!p0 $0x38000, s19  }
0x274: {  	s16 =	simm.s32 @!p0 $0x400;
	s23 =	sand.u32 @!p0 $0x1FFFFF80, s20;
	s2 =	sshrl.u32 @!p0 s2, $0x2  }
0x275: {  	s22 =	simm.s32 @!p0 $0x7A1400;
	s23 =	sadd.s32 @!p0 s1, s23;
	s2 =	sor.u32 @!p0 $0xC00, s2  }
0x276: {  	[tilespmem:s2], [sflag:$0x1] =	stream.strided.gather @!p0 [hbm4b:s23+s16], $0x2000, s22, s16, $0x38;
	[tilespmem:$0x19200] =	vst v63  }
0x277: {  	p0 =	sne.s32 s18, s21  }
.Ltmp32:
0x278: {  	_ = 	snop;
	(pc) =	sbr.rel @!p0 .LBB2_37-.Ltmp32, $2  }
0x279: {  	_ =	sdelay $0x2  }
0x27a: {  	s16 =	sadd.s32 $0x1, s18  }
.LBB2_36:
0x27b: {  	_ =	swait.ge [sflag:s10], $0x2000;
	s2 =	sadd.s32 $0x8, s21;
	s21 =	sadd.s32 $0x1, s21  }
0x27c: {  	s19 =	sadd.s32 $0x8000, s19;
	p1 =	sne.s32 s18, s21  }
.Ltmp33:
0x27d: {  	s20 =	sadd.s32 $0x80, s20;
	p0 =	sgt.s32 s2, s31;
	(pc) =	sbr.rel @p1 .LBB2_36-.Ltmp33, $4  }
0x27e: {  	s2 =	sand.u32 @!p0 $0x38000, s19;
	s22 =	simm.s32 @!p0 $0x400;
	s23 =	simm.s32 @!p0 $0x7A1400  }
0x27f: {  	s24 =	sand.u32 @!p0 $0x1FFFFF80, s20;
	s2 =	sshrl.u32 @!p0 s2, $0x2;
	[sflag:s10] =	ssyncset.done $0x0  }
0x280: {  	s24 =	sadd.s32 @!p0 s1, s24;
	s2 =	sor.u32 @!p0 $0xC00, s2;
	[sflag:s10] =	ssyncadd.s32 $0xFFFFE000  }
0x281: {  	[tilespmem:s2], [sflag:$0x1] =	stream.strided.gather @!p0 [hbm4b:s24+s22], $0x2000, s23, s22, $0x38;
	[tilespmem:$0x19200] =	vst v63  }
.LBB2_37:
0x282: {  	(v2sf) =	vpush v8, $0x8;
	_ =	sdelay $0xd  }
0x283: {  	s2 =	sand.u32 $0x7, s18;
	s23 =	sor.u32 $0x8, s13  }
0x284: {  	s17 =	sand.u32 $0x7F, s17;
	s18 =	ssub.s32 s23, s15;
	s19 =	spop (v2sf)  }
0x285: {  	s2 =	sshll.u32 s2, $0xD;
	s18 =	sshll.u32 s18, $0x7;
	s19 =	sshll.u32 s19, $0x6  }
0x286: {  	s2 =	sor.u32 s17, s2;
	s24 =	sadd.s32 s4, s18;
	s19 =	sand.u32 $0x40, s19  }
0x287: {  	v18 =	vor.u32 s2, v1;
	s17 =	sor.u32 s24, s19  }
0x288: {  	v19 =	vor.u32 s17, v0  }
0x289: {  	v20 =	vor.u32 s2, v2  }
0x28a: {  	v21 =	vor.u32 s17, v3  }
0x28b: {  	v22 =	vor.u32 s2, v4  }
0x28c: {  	v18 =	vld.idx.msk [tilespmem:v18+s26+$0x0], $0xffff;
	v23 =	vor.u32 s17, v5  }
0x28d: {  	v25 =	vor.u32 s17, v7;
	v19 =	vld.idx.msk [tilespmem:v19+s0+$0x0], $0xffff  }
0x28e: {  	v24 =	vor.u32 s2, v6;
	v20 =	vld.idx.msk [tilespmem:v20+s26+$0x0], $0xffff  }
0x28f: {  	v21 =	vld.idx.msk [tilespmem:v21+s0+$0x0], $0xffff  }
0x290: {  	v22 =	vld.idx.msk [tilespmem:v22+s26+$0x0], $0xffff;
	(v2sf) =	vpush v9, $0x9  }
0x291: {  	v23 =	vld.idx.msk [tilespmem:v23+s0+$0x0], $0xffff  }
0x292: {  	v63 =	vld.idx.msk [tilespmem:v25+s0+$0x0], $0xffff;
	v18 =	vmul.f32 v19, v18  }
0x293: {  	v19 =	vld.idx.msk [tilespmem:v24+s26+$0x0], $0xffff  }
0x294: {  	v20 =	vmul.f32 v21, v20;
	v18 =	vadd.f32 $0.0e+00, v18;
	_ =	sdelay $0x1  }
0x295: {  	v18 =	vadd.f32 v20, v18;
	v20 =	vmul.f32 v23, v22;
	_ =	sdelay $0x1  }
0x296: {  	v19 =	vmul.f32 v63, v19;
	v18 =	vadd.f32 v20, v18;
	_ =	sdelay $0x1  }
0x297: {  	v18 =	vadd.f32 v19, v18;
	_ =	sdelay $0x1  }
0x298: {  	(xrf2) =	vadd.scan.msk.f32 $0xffff, v18;
	_ =	sdelay $0x2  }
0x299: {  	s17 =	spop (v2sf)  }
0x29a: {  	s18 =	sshrl.u32 s17, $0x7  }
0x29b: {  	p0 =	sgt.s32 s16, s18  }
.Ltmp34:
0x29c: {  	_ = 	snop;
	(pc) =	sbr.rel @p0 .LBB2_40-.Ltmp34, $2  }
0x29d: {  	_ =	sdelay $0x2  }
0x29e: {  	v18, _, _ =	vpop (xrf2)  }
0x29f: {  	s2 =	sadd.s32 $0xFFFFFFFF, s16;
	s19 =	sshll.u32 s16, $0xF;
	s23 =	sshll.u32 s16, $0x7  }
0x2a0: {  	_ =	swait.ge [sflag:s10], $0x2000;
	s19 =	sadd.s32 $0x38000, s19;
	s24 =	sadd.s32 $0x8, s2  }
0x2a1: {  	s20 =	sadd.s32 $0x380, s23;
	[sflag:s10] =	ssyncset.done $0x0;
	p0 =	sgt.s32 s24, s31  }
0x2a2: {  	s21 =	sadd.s32 $0x1, s2;
	[sflag:s10] =	ssyncadd.s32 $0xFFFFE000;
	s2 =	sand.u32 @!p0 $0x38000, s19  }
0x2a3: {  	s16 =	simm.s32 @!p0 $0x400;
	s23 =	sand.u32 @!p0 $0x1FFFFF80, s20;
	s2 =	sshrl.u32 @!p0 s2, $0x2  }
0x2a4: {  	s22 =	simm.s32 @!p0 $0x7A1400;
	s23 =	sadd.s32 @!p0 s1, s23;
	s2 =	sor.u32 @!p0 $0xC00, s2  }
0x2a5: {  	[tilespmem:s2], [sflag:$0x1] =	stream.strided.gather @!p0 [hbm4b:s23+s16], $0x2000, s22, s16, $0x38;
	[tilespmem:$0x19200] =	vst v63  }
0x2a6: {  	p0 =	sne.s32 s18, s21  }
.Ltmp35:
0x2a7: {  	_ = 	snop;
	(pc) =	sbr.rel @!p0 .LBB2_40-.Ltmp35, $2  }
0x2a8: {  	_ =	sdelay $0x2  }
0x2a9: {  	s16 =	sadd.s32 $0x1, s18  }
.LBB2_39:
0x2aa: {  	_ =	swait.ge [sflag:s10], $0x2000;
	s2 =	sadd.s32 $0x8, s21;
	s21 =	sadd.s32 $0x1, s21  }
0x2ab: {  	s19 =	sadd.s32 $0x8000, s19;
	p1 =	sne.s32 s18, s21  }
.Ltmp36:
0x2ac: {  	s20 =	sadd.s32 $0x80, s20;
	p0 =	sgt.s32 s2, s31;
	(pc) =	sbr.rel @p1 .LBB2_39-.Ltmp36, $4  }
0x2ad: {  	s2 =	sand.u32 @!p0 $0x38000, s19;
	s22 =	simm.s32 @!p0 $0x400;
	s23 =	simm.s32 @!p0 $0x7A1400  }
0x2ae: {  	s24 =	sand.u32 @!p0 $0x1FFFFF80, s20;
	s2 =	sshrl.u32 @!p0 s2, $0x2;
	[sflag:s10] =	ssyncset.done $0x0  }
0x2af: {  	s24 =	sadd.s32 @!p0 s1, s24;
	s2 =	sor.u32 @!p0 $0xC00, s2;
	[sflag:s10] =	ssyncadd.s32 $0xFFFFE000  }
0x2b0: {  	[tilespmem:s2], [sflag:$0x1] =	stream.strided.gather @!p0 [hbm4b:s24+s22], $0x2000, s23, s22, $0x38;
	[tilespmem:$0x19200] =	vst v63  }
.LBB2_40:
0x2b1: {  	(v2sf) =	vpush v8, $0x9;
	_ =	sdelay $0xd  }
0x2b2: {  	s2 =	sand.u32 $0x7, s18;
	s23 =	sor.u32 $0x9, s13  }
0x2b3: {  	s17 =	sand.u32 $0x7F, s17;
	s18 =	ssub.s32 s23, s15;
	s19 =	spop (v2sf)  }
0x2b4: {  	s2 =	sshll.u32 s2, $0xD;
	s18 =	sshll.u32 s18, $0x7;
	s19 =	sshll.u32 s19, $0x6  }
0x2b5: {  	s2 =	sor.u32 s17, s2;
	s24 =	sadd.s32 s4, s18;
	s19 =	sand.u32 $0x40, s19  }
0x2b6: {  	v19 =	vor.u32 s2, v1;
	s17 =	sor.u32 s24, s19  }
0x2b7: {  	v20 =	vor.u32 s17, v0  }
0x2b8: {  	v21 =	vor.u32 s2, v2  }
0x2b9: {  	v22 =	vor.u32 s17, v3  }
0x2ba: {  	v23 =	vor.u32 s2, v4  }
0x2bb: {  	v19 =	vld.idx.msk [tilespmem:v19+s26+$0x0], $0xffff;
	v24 =	vor.u32 s17, v5  }
0x2bc: {  	v26 =	vor.u32 s17, v7;
	v20 =	vld.idx.msk [tilespmem:v20+s0+$0x0], $0xffff  }
0x2bd: {  	v25 =	vor.u32 s2, v6;
	v21 =	vld.idx.msk [tilespmem:v21+s26+$0x0], $0xffff  }
0x2be: {  	v22 =	vld.idx.msk [tilespmem:v22+s0+$0x0], $0xffff  }
0x2bf: {  	v23 =	vld.idx.msk [tilespmem:v23+s26+$0x0], $0xffff;
	(v2sf) =	vpush v9, $0xA  }
0x2c0: {  	v24 =	vld.idx.msk [tilespmem:v24+s0+$0x0], $0xffff  }
0x2c1: {  	v62 =	vld.idx.msk [tilespmem:v26+s0+$0x0], $0xffff;
	v19 =	vmul.f32 v20, v19  }
0x2c2: {  	v20 =	vld.idx.msk [tilespmem:v25+s26+$0x0], $0xffff  }
0x2c3: {  	v21 =	vmul.f32 v22, v21;
	v19 =	vadd.f32 $0.0e+00, v19;
	_ =	sdelay $0x1  }
0x2c4: {  	v63 =	vmul.f32 v24, v23;
	v19 =	vadd.f32 v21, v19;
	_ =	sdelay $0x1  }
0x2c5: {  	v20 =	vmul.f32 v62, v20;
	v19 =	vadd.f32 v63, v19;
	_ =	sdelay $0x1  }
0x2c6: {  	v19 =	vadd.f32 v20, v19;
	_ =	sdelay $0x1  }
0x2c7: {  	(xrf2) =	vadd.scan.msk.f32 $0xffff, v19;
	_ =	sdelay $0x2  }
0x2c8: {  	s17 =	spop (v2sf)  }
0x2c9: {  	s18 =	sshrl.u32 s17, $0x7  }
0x2ca: {  	p0 =	sgt.s32 s16, s18  }
.Ltmp37:
0x2cb: {  	_ = 	snop;
	(pc) =	sbr.rel @p0 .LBB2_43-.Ltmp37, $2  }
0x2cc: {  	_ =	sdelay $0x2  }
0x2cd: {  	v19, _, _ =	vpop (xrf2)  }
0x2ce: {  	s2 =	sadd.s32 $0xFFFFFFFF, s16;
	s19 =	sshll.u32 s16, $0xF;
	s23 =	sshll.u32 s16, $0x7  }
0x2cf: {  	_ =	swait.ge [sflag:s10], $0x2000;
	s19 =	sadd.s32 $0x38000, s19;
	s24 =	sadd.s32 $0x8, s2  }
0x2d0: {  	s20 =	sadd.s32 $0x380, s23;
	[sflag:s10] =	ssyncset.done $0x0;
	p0 =	sgt.s32 s24, s31  }
0x2d1: {  	s21 =	sadd.s32 $0x1, s2;
	[sflag:s10] =	ssyncadd.s32 $0xFFFFE000;
	s2 =	sand.u32 @!p0 $0x38000, s19  }
0x2d2: {  	s16 =	simm.s32 @!p0 $0x400;
	s23 =	sand.u32 @!p0 $0x1FFFFF80, s20;
	s2 =	sshrl.u32 @!p0 s2, $0x2  }
0x2d3: {  	s22 =	simm.s32 @!p0 $0x7A1400;
	s23 =	sadd.s32 @!p0 s1, s23;
	s2 =	sor.u32 @!p0 $0xC00, s2  }
0x2d4: {  	[tilespmem:s2], [sflag:$0x1] =	stream.strided.gather @!p0 [hbm4b:s23+s16], $0x2000, s22, s16, $0x38;
	[tilespmem:$0x19200] =	vst v63  }
0x2d5: {  	p0 =	sne.s32 s18, s21  }
.Ltmp38:
0x2d6: {  	_ = 	snop;
	(pc) =	sbr.rel @!p0 .LBB2_43-.Ltmp38, $2  }
0x2d7: {  	_ =	sdelay $0x2  }
0x2d8: {  	s16 =	sadd.s32 $0x1, s18  }
.LBB2_42:
0x2d9: {  	_ =	swait.ge [sflag:s10], $0x2000;
	s2 =	sadd.s32 $0x8, s21;
	s21 =	sadd.s32 $0x1, s21  }
0x2da: {  	s19 =	sadd.s32 $0x8000, s19;
	p1 =	sne.s32 s18, s21  }
.Ltmp39:
0x2db: {  	s20 =	sadd.s32 $0x80, s20;
	p0 =	sgt.s32 s2, s31;
	(pc) =	sbr.rel @p1 .LBB2_42-.Ltmp39, $4  }
0x2dc: {  	s2 =	sand.u32 @!p0 $0x38000, s19;
	s22 =	simm.s32 @!p0 $0x400;
	s23 =	simm.s32 @!p0 $0x7A1400  }
0x2dd: {  	s24 =	sand.u32 @!p0 $0x1FFFFF80, s20;
	s2 =	sshrl.u32 @!p0 s2, $0x2;
	[sflag:s10] =	ssyncset.done $0x0  }
0x2de: {  	s24 =	sadd.s32 @!p0 s1, s24;
	s2 =	sor.u32 @!p0 $0xC00, s2;
	[sflag:s10] =	ssyncadd.s32 $0xFFFFE000  }
0x2df: {  	[tilespmem:s2], [sflag:$0x1] =	stream.strided.gather @!p0 [hbm4b:s24+s22], $0x2000, s23, s22, $0x38;
	[tilespmem:$0x19200] =	vst v63  }
.LBB2_43:
0x2e0: {  	(v2sf) =	vpush v8, $0xA;
	_ =	sdelay $0xd  }
0x2e1: {  	s2 =	sand.u32 $0x7, s18;
	s23 =	sor.u32 $0xA, s13  }
0x2e2: {  	s17 =	sand.u32 $0x7F, s17;
	s18 =	ssub.s32 s23, s15;
	s19 =	spop (v2sf)  }
0x2e3: {  	s2 =	sshll.u32 s2, $0xD;
	s18 =	sshll.u32 s18, $0x7;
	s19 =	sshll.u32 s19, $0x6  }
0x2e4: {  	s2 =	sor.u32 s17, s2;
	s24 =	sadd.s32 s4, s18;
	s19 =	sand.u32 $0x40, s19  }
0x2e5: {  	v20 =	vor.u32 s2, v1;
	s17 =	sor.u32 s24, s19  }
0x2e6: {  	v21 =	vor.u32 s17, v0  }
0x2e7: {  	v22 =	vor.u32 s2, v2  }
0x2e8: {  	v23 =	vor.u32 s17, v3  }
0x2e9: {  	v24 =	vor.u32 s2, v4  }
0x2ea: {  	v20 =	vld.idx.msk [tilespmem:v20+s26+$0x0], $0xffff;
	v25 =	vor.u32 s17, v5  }
0x2eb: {  	v27 =	vor.u32 s17, v7;
	v21 =	vld.idx.msk [tilespmem:v21+s0+$0x0], $0xffff  }
0x2ec: {  	v26 =	vor.u32 s2, v6;
	v22 =	vld.idx.msk [tilespmem:v22+s26+$0x0], $0xffff  }
0x2ed: {  	v23 =	vld.idx.msk [tilespmem:v23+s0+$0x0], $0xffff  }
0x2ee: {  	v24 =	vld.idx.msk [tilespmem:v24+s26+$0x0], $0xffff;
	(v2sf) =	vpush v9, $0xB  }
0x2ef: {  	v25 =	vld.idx.msk [tilespmem:v25+s0+$0x0], $0xffff  }
0x2f0: {  	v63 =	vld.idx.msk [tilespmem:v27+s0+$0x0], $0xffff;
	v20 =	vmul.f32 v21, v20  }
0x2f1: {  	v21 =	vld.idx.msk [tilespmem:v26+s26+$0x0], $0xffff  }
0x2f2: {  	v22 =	vmul.f32 v23, v22;
	v20 =	vadd.f32 $0.0e+00, v20;
	_ =	sdelay $0x1  }
0x2f3: {  	v20 =	vadd.f32 v22, v20;
	v22 =	vmul.f32 v25, v24;
	_ =	sdelay $0x1  }
0x2f4: {  	v21 =	vmul.f32 v63, v21;
	v20 =	vadd.f32 v22, v20;
	_ =	sdelay $0x1  }
0x2f5: {  	v20 =	vadd.f32 v21, v20;
	_ =	sdelay $0x1  }
0x2f6: {  	(xrf2) =	vadd.scan.msk.f32 $0xffff, v20;
	_ =	sdelay $0x2  }
0x2f7: {  	s17 =	spop (v2sf)  }
0x2f8: {  	s18 =	sshrl.u32 s17, $0x7  }
0x2f9: {  	p0 =	sgt.s32 s16, s18  }
.Ltmp40:
0x2fa: {  	_ = 	snop;
	(pc) =	sbr.rel @p0 .LBB2_46-.Ltmp40, $2  }
0x2fb: {  	_ =	sdelay $0x2  }
0x2fc: {  	v20, _, _ =	vpop (xrf2)  }
0x2fd: {  	s2 =	sadd.s32 $0xFFFFFFFF, s16;
	s19 =	sshll.u32 s16, $0xF;
	s23 =	sshll.u32 s16, $0x7  }
0x2fe: {  	_ =	swait.ge [sflag:s10], $0x2000;
	s19 =	sadd.s32 $0x38000, s19;
	s24 =	sadd.s32 $0x8, s2  }
0x2ff: {  	s20 =	sadd.s32 $0x380, s23;
	[sflag:s10] =	ssyncset.done $0x0;
	p0 =	sgt.s32 s24, s31  }
0x300: {  	s21 =	sadd.s32 $0x1, s2;
	[sflag:s10] =	ssyncadd.s32 $0xFFFFE000;
	s2 =	sand.u32 @!p0 $0x38000, s19  }
0x301: {  	s16 =	simm.s32 @!p0 $0x400;
	s23 =	sand.u32 @!p0 $0x1FFFFF80, s20;
	s2 =	sshrl.u32 @!p0 s2, $0x2  }
0x302: {  	s22 =	simm.s32 @!p0 $0x7A1400;
	s23 =	sadd.s32 @!p0 s1, s23;
	s2 =	sor.u32 @!p0 $0xC00, s2  }
0x303: {  	[tilespmem:s2], [sflag:$0x1] =	stream.strided.gather @!p0 [hbm4b:s23+s16], $0x2000, s22, s16, $0x38;
	[tilespmem:$0x19200] =	vst v63  }
0x304: {  	p0 =	sne.s32 s18, s21  }
.Ltmp41:
0x305: {  	_ = 	snop;
	(pc) =	sbr.rel @!p0 .LBB2_46-.Ltmp41, $2  }
0x306: {  	_ =	sdelay $0x2  }
0x307: {  	s16 =	sadd.s32 $0x1, s18  }
.LBB2_45:
0x308: {  	_ =	swait.ge [sflag:s10], $0x2000;
	s2 =	sadd.s32 $0x8, s21;
	s21 =	sadd.s32 $0x1, s21  }
0x309: {  	s19 =	sadd.s32 $0x8000, s19;
	p1 =	sne.s32 s18, s21  }
.Ltmp42:
0x30a: {  	s20 =	sadd.s32 $0x80, s20;
	p0 =	sgt.s32 s2, s31;
	(pc) =	sbr.rel @p1 .LBB2_45-.Ltmp42, $4  }
0x30b: {  	s2 =	sand.u32 @!p0 $0x38000, s19;
	s22 =	simm.s32 @!p0 $0x400;
	s23 =	simm.s32 @!p0 $0x7A1400  }
0x30c: {  	s24 =	sand.u32 @!p0 $0x1FFFFF80, s20;
	s2 =	sshrl.u32 @!p0 s2, $0x2;
	[sflag:s10] =	ssyncset.done $0x0  }
0x30d: {  	s24 =	sadd.s32 @!p0 s1, s24;
	s2 =	sor.u32 @!p0 $0xC00, s2;
	[sflag:s10] =	ssyncadd.s32 $0xFFFFE000  }
0x30e: {  	[tilespmem:s2], [sflag:$0x1] =	stream.strided.gather @!p0 [hbm4b:s24+s22], $0x2000, s23, s22, $0x38;
	[tilespmem:$0x19200] =	vst v63  }
.LBB2_46:
0x30f: {  	(v2sf) =	vpush v8, $0xB;
	_ =	sdelay $0xd  }
0x310: {  	s2 =	sand.u32 $0x7, s18;
	s23 =	sor.u32 $0xB, s13  }
0x311: {  	s17 =	sand.u32 $0x7F, s17;
	s18 =	ssub.s32 s23, s15;
	s19 =	spop (v2sf)  }
0x312: {  	s2 =	sshll.u32 s2, $0xD;
	s18 =	sshll.u32 s18, $0x7;
	s19 =	sshll.u32 s19, $0x6  }
0x313: {  	s2 =	sor.u32 s17, s2;
	s24 =	sadd.s32 s4, s18;
	s19 =	sand.u32 $0x40, s19  }
0x314: {  	v21 =	vor.u32 s2, v1;
	s17 =	sor.u32 s24, s19  }
0x315: {  	v22 =	vor.u32 s17, v0  }
0x316: {  	v23 =	vor.u32 s2, v2  }
0x317: {  	v24 =	vor.u32 s17, v3  }
0x318: {  	v25 =	vor.u32 s2, v4  }
0x319: {  	v21 =	vld.idx.msk [tilespmem:v21+s26+$0x0], $0xffff;
	v26 =	vor.u32 s17, v5  }
0x31a: {  	v28 =	vor.u32 s17, v7;
	v22 =	vld.idx.msk [tilespmem:v22+s0+$0x0], $0xffff  }
0x31b: {  	v27 =	vor.u32 s2, v6;
	v23 =	vld.idx.msk [tilespmem:v23+s26+$0x0], $0xffff  }
0x31c: {  	v24 =	vld.idx.msk [tilespmem:v24+s0+$0x0], $0xffff  }
0x31d: {  	v25 =	vld.idx.msk [tilespmem:v25+s26+$0x0], $0xffff;
	(v2sf) =	vpush v9, $0xC  }
0x31e: {  	v26 =	vld.idx.msk [tilespmem:v26+s0+$0x0], $0xffff  }
0x31f: {  	v63 =	vld.idx.msk [tilespmem:v28+s0+$0x0], $0xffff;
	v21 =	vmul.f32 v22, v21  }
0x320: {  	v22 =	vld.idx.msk [tilespmem:v27+s26+$0x0], $0xffff  }
0x321: {  	v23 =	vmul.f32 v24, v23;
	v21 =	vadd.f32 $0.0e+00, v21;
	_ =	sdelay $0x1  }
0x322: {  	v21 =	vadd.f32 v23, v21;
	v23 =	vmul.f32 v26, v25;
	_ =	sdelay $0x1  }
0x323: {  	v22 =	vmul.f32 v63, v22;
	v21 =	vadd.f32 v23, v21;
	_ =	sdelay $0x1  }
0x324: {  	v21 =	vadd.f32 v22, v21;
	_ =	sdelay $0x1  }
0x325: {  	(xrf2) =	vadd.scan.msk.f32 $0xffff, v21;
	_ =	sdelay $0x2  }
0x326: {  	s17 =	spop (v2sf)  }
0x327: {  	s18 =	sshrl.u32 s17, $0x7  }
0x328: {  	p0 =	sgt.s32 s16, s18  }
.Ltmp43:
0x329: {  	_ = 	snop;
	(pc) =	sbr.rel @p0 .LBB2_49-.Ltmp43, $2  }
0x32a: {  	_ =	sdelay $0x2  }
0x32b: {  	v21, _, _ =	vpop (xrf2)  }
0x32c: {  	s2 =	sadd.s32 $0xFFFFFFFF, s16;
	s19 =	sshll.u32 s16, $0xF;
	s23 =	sshll.u32 s16, $0x7  }
0x32d: {  	_ =	swait.ge [sflag:s10], $0x2000;
	s19 =	sadd.s32 $0x38000, s19;
	s24 =	sadd.s32 $0x8, s2  }
0x32e: {  	s20 =	sadd.s32 $0x380, s23;
	[sflag:s10] =	ssyncset.done $0x0;
	p0 =	sgt.s32 s24, s31  }
0x32f: {  	s21 =	sadd.s32 $0x1, s2;
	[sflag:s10] =	ssyncadd.s32 $0xFFFFE000;
	s2 =	sand.u32 @!p0 $0x38000, s19  }
0x330: {  	s16 =	simm.s32 @!p0 $0x400;
	s23 =	sand.u32 @!p0 $0x1FFFFF80, s20;
	s2 =	sshrl.u32 @!p0 s2, $0x2  }
0x331: {  	s22 =	simm.s32 @!p0 $0x7A1400;
	s23 =	sadd.s32 @!p0 s1, s23;
	s2 =	sor.u32 @!p0 $0xC00, s2  }
0x332: {  	[tilespmem:s2], [sflag:$0x1] =	stream.strided.gather @!p0 [hbm4b:s23+s16], $0x2000, s22, s16, $0x38;
	[tilespmem:$0x19200] =	vst v63  }
0x333: {  	p0 =	sne.s32 s18, s21  }
.Ltmp44:
0x334: {  	_ = 	snop;
	(pc) =	sbr.rel @!p0 .LBB2_49-.Ltmp44, $2  }
0x335: {  	_ =	sdelay $0x2  }
0x336: {  	s16 =	sadd.s32 $0x1, s18  }
.LBB2_48:
0x337: {  	_ =	swait.ge [sflag:s10], $0x2000;
	s2 =	sadd.s32 $0x8, s21;
	s21 =	sadd.s32 $0x1, s21  }
0x338: {  	s19 =	sadd.s32 $0x8000, s19;
	p1 =	sne.s32 s18, s21  }
.Ltmp45:
0x339: {  	s20 =	sadd.s32 $0x80, s20;
	p0 =	sgt.s32 s2, s31;
	(pc) =	sbr.rel @p1 .LBB2_48-.Ltmp45, $4  }
0x33a: {  	s2 =	sand.u32 @!p0 $0x38000, s19;
	s22 =	simm.s32 @!p0 $0x400;
	s23 =	simm.s32 @!p0 $0x7A1400  }
0x33b: {  	s24 =	sand.u32 @!p0 $0x1FFFFF80, s20;
	s2 =	sshrl.u32 @!p0 s2, $0x2;
	[sflag:s10] =	ssyncset.done $0x0  }
0x33c: {  	s24 =	sadd.s32 @!p0 s1, s24;
	s2 =	sor.u32 @!p0 $0xC00, s2;
	[sflag:s10] =	ssyncadd.s32 $0xFFFFE000  }
0x33d: {  	[tilespmem:s2], [sflag:$0x1] =	stream.strided.gather @!p0 [hbm4b:s24+s22], $0x2000, s23, s22, $0x38;
	[tilespmem:$0x19200] =	vst v63  }
.LBB2_49:
0x33e: {  	(v2sf) =	vpush v8, $0xC;
	_ =	sdelay $0xd  }
0x33f: {  	s2 =	sand.u32 $0x7, s18;
	s23 =	sor.u32 $0xC, s13  }
0x340: {  	s17 =	sand.u32 $0x7F, s17;
	s18 =	ssub.s32 s23, s15;
	s19 =	spop (v2sf)  }
0x341: {  	s2 =	sshll.u32 s2, $0xD;
	s18 =	sshll.u32 s18, $0x7;
	s19 =	sshll.u32 s19, $0x6  }
0x342: {  	s2 =	sor.u32 s17, s2;
	s24 =	sadd.s32 s4, s18;
	s19 =	sand.u32 $0x40, s19  }
0x343: {  	v22 =	vor.u32 s2, v1;
	s17 =	sor.u32 s24, s19  }
0x344: {  	v23 =	vor.u32 s17, v0  }
0x345: {  	v24 =	vor.u32 s2, v2  }
0x346: {  	v25 =	vor.u32 s17, v3  }
0x347: {  	v26 =	vor.u32 s2, v4  }
0x348: {  	v22 =	vld.idx.msk [tilespmem:v22+s26+$0x0], $0xffff;
	v27 =	vor.u32 s17, v5  }
0x349: {  	v29 =	vor.u32 s17, v7;
	v23 =	vld.idx.msk [tilespmem:v23+s0+$0x0], $0xffff  }
0x34a: {  	v28 =	vor.u32 s2, v6;
	v24 =	vld.idx.msk [tilespmem:v24+s26+$0x0], $0xffff  }
0x34b: {  	v25 =	vld.idx.msk [tilespmem:v25+s0+$0x0], $0xffff  }
0x34c: {  	v26 =	vld.idx.msk [tilespmem:v26+s26+$0x0], $0xffff;
	(v2sf) =	vpush v9, $0xD  }
0x34d: {  	v27 =	vld.idx.msk [tilespmem:v27+s0+$0x0], $0xffff  }
0x34e: {  	v62 =	vld.idx.msk [tilespmem:v29+s0+$0x0], $0xffff;
	v22 =	vmul.f32 v23, v22  }
0x34f: {  	v23 =	vld.idx.msk [tilespmem:v28+s26+$0x0], $0xffff  }
0x350: {  	v24 =	vmul.f32 v25, v24;
	v22 =	vadd.f32 $0.0e+00, v22;
	_ =	sdelay $0x1  }
0x351: {  	v63 =	vmul.f32 v27, v26;
	v22 =	vadd.f32 v24, v22;
	_ =	sdelay $0x1  }
0x352: {  	v23 =	vmul.f32 v62, v23;
	v22 =	vadd.f32 v63, v22;
	_ =	sdelay $0x1  }
0x353: {  	v22 =	vadd.f32 v23, v22;
	_ =	sdelay $0x1  }
0x354: {  	(xrf2) =	vadd.scan.msk.f32 $0xffff, v22;
	_ =	sdelay $0x2  }
0x355: {  	s17 =	spop (v2sf)  }
0x356: {  	s18 =	sshrl.u32 s17, $0x7  }
0x357: {  	p0 =	sgt.s32 s16, s18  }
.Ltmp46:
0x358: {  	_ = 	snop;
	(pc) =	sbr.rel @p0 .LBB2_52-.Ltmp46, $2  }
0x359: {  	_ =	sdelay $0x2  }
0x35a: {  	v22, _, _ =	vpop (xrf2)  }
0x35b: {  	s2 =	sadd.s32 $0xFFFFFFFF, s16;
	s19 =	sshll.u32 s16, $0xF;
	s23 =	sshll.u32 s16, $0x7  }
0x35c: {  	_ =	swait.ge [sflag:s10], $0x2000;
	s19 =	sadd.s32 $0x38000, s19;
	s24 =	sadd.s32 $0x8, s2  }
0x35d: {  	s20 =	sadd.s32 $0x380, s23;
	[sflag:s10] =	ssyncset.done $0x0;
	p0 =	sgt.s32 s24, s31  }
0x35e: {  	s21 =	sadd.s32 $0x1, s2;
	[sflag:s10] =	ssyncadd.s32 $0xFFFFE000;
	s2 =	sand.u32 @!p0 $0x38000, s19  }
0x35f: {  	s16 =	simm.s32 @!p0 $0x400;
	s23 =	sand.u32 @!p0 $0x1FFFFF80, s20;
	s2 =	sshrl.u32 @!p0 s2, $0x2  }
0x360: {  	s22 =	simm.s32 @!p0 $0x7A1400;
	s23 =	sadd.s32 @!p0 s1, s23;
	s2 =	sor.u32 @!p0 $0xC00, s2  }
0x361: {  	[tilespmem:s2], [sflag:$0x1] =	stream.strided.gather @!p0 [hbm4b:s23+s16], $0x2000, s22, s16, $0x38;
	[tilespmem:$0x19200] =	vst v63  }
0x362: {  	p0 =	sne.s32 s18, s21  }
.Ltmp47:
0x363: {  	_ = 	snop;
	(pc) =	sbr.rel @!p0 .LBB2_52-.Ltmp47, $2  }
0x364: {  	_ =	sdelay $0x2  }
0x365: {  	s16 =	sadd.s32 $0x1, s18  }
.LBB2_51:
0x366: {  	_ =	swait.ge [sflag:s10], $0x2000;
	s2 =	sadd.s32 $0x8, s21;
	s21 =	sadd.s32 $0x1, s21  }
0x367: {  	s19 =	sadd.s32 $0x8000, s19;
	p1 =	sne.s32 s18, s21  }
.Ltmp48:
0x368: {  	s20 =	sadd.s32 $0x80, s20;
	p0 =	sgt.s32 s2, s31;
	(pc) =	sbr.rel @p1 .LBB2_51-.Ltmp48, $4  }
0x369: {  	s2 =	sand.u32 @!p0 $0x38000, s19;
	s22 =	simm.s32 @!p0 $0x400;
	s23 =	simm.s32 @!p0 $0x7A1400  }
0x36a: {  	s24 =	sand.u32 @!p0 $0x1FFFFF80, s20;
	s2 =	sshrl.u32 @!p0 s2, $0x2;
	[sflag:s10] =	ssyncset.done $0x0  }
0x36b: {  	s24 =	sadd.s32 @!p0 s1, s24;
	s2 =	sor.u32 @!p0 $0xC00, s2;
	[sflag:s10] =	ssyncadd.s32 $0xFFFFE000  }
0x36c: {  	[tilespmem:s2], [sflag:$0x1] =	stream.strided.gather @!p0 [hbm4b:s24+s22], $0x2000, s23, s22, $0x38;
	[tilespmem:$0x19200] =	vst v63  }
.LBB2_52:
0x36d: {  	(v2sf) =	vpush v8, $0xD;
	_ =	sdelay $0xd  }
0x36e: {  	s2 =	sand.u32 $0x7, s18;
	s23 =	sor.u32 $0xD, s13  }
0x36f: {  	s17 =	sand.u32 $0x7F, s17;
	s18 =	ssub.s32 s23, s15;
	s19 =	spop (v2sf)  }
0x370: {  	s2 =	sshll.u32 s2, $0xD;
	s18 =	sshll.u32 s18, $0x7;
	s19 =	sshll.u32 s19, $0x6  }
0x371: {  	s2 =	sor.u32 s17, s2;
	s24 =	sadd.s32 s4, s18;
	s19 =	sand.u32 $0x40, s19  }
0x372: {  	v23 =	vor.u32 s2, v1;
	s17 =	sor.u32 s24, s19  }
0x373: {  	v24 =	vor.u32 s17, v0  }
0x374: {  	v25 =	vor.u32 s2, v2  }
0x375: {  	v26 =	vor.u32 s17, v3  }
0x376: {  	v27 =	vor.u32 s2, v4  }
0x377: {  	v23 =	vld.idx.msk [tilespmem:v23+s26+$0x0], $0xffff;
	v28 =	vor.u32 s17, v5  }
0x378: {  	v29 =	vor.u32 s2, v6;
	v24 =	vld.idx.msk [tilespmem:v24+s0+$0x0], $0xffff  }
0x379: {  	v25 =	vld.idx.msk [tilespmem:v25+s26+$0x0], $0xffff;
	v30 =	vor.u32 s17, v7  }
0x37a: {  	v26 =	vld.idx.msk [tilespmem:v26+s0+$0x0], $0xffff  }
0x37b: {  	v27 =	vld.idx.msk [tilespmem:v27+s26+$0x0], $0xffff;
	(v2sf) =	vpush v9, $0xE  }
0x37c: {  	v28 =	vld.idx.msk [tilespmem:v28+s0+$0x0], $0xffff  }
0x37d: {  	v61 =	vld.idx.msk [tilespmem:v29+s26+$0x0], $0xffff;
	v23 =	vmul.f32 v24, v23  }
0x37e: {  	v62 =	vld.idx.msk [tilespmem:v30+s0+$0x0], $0xffff  }
0x37f: {  	v25 =	vmul.f32 v26, v25;
	v23 =	vadd.f32 $0.0e+00, v23;
	_ =	sdelay $0x1  }
0x380: {  	v63 =	vmul.f32 v28, v27;
	v23 =	vadd.f32 v25, v23;
	_ =	sdelay $0x1  }
0x381: {  	v24 =	vmul.f32 v62, v61;
	v23 =	vadd.f32 v63, v23;
	_ =	sdelay $0x1  }
0x382: {  	v23 =	vadd.f32 v24, v23;
	_ =	sdelay $0x1  }
0x383: {  	(xrf2) =	vadd.scan.msk.f32 $0xffff, v23;
	_ =	sdelay $0x2  }
0x384: {  	s17 =	spop (v2sf)  }
0x385: {  	s18 =	sshrl.u32 s17, $0x7  }
0x386: {  	p0 =	sgt.s32 s16, s18  }
.Ltmp49:
0x387: {  	_ = 	snop;
	(pc) =	sbr.rel @p0 .LBB2_55-.Ltmp49, $2  }
0x388: {  	_ =	sdelay $0x2  }
0x389: {  	v23, _, _ =	vpop (xrf2)  }
0x38a: {  	s2 =	sadd.s32 $0xFFFFFFFF, s16;
	s19 =	sshll.u32 s16, $0xF;
	s23 =	sshll.u32 s16, $0x7  }
0x38b: {  	_ =	swait.ge [sflag:s10], $0x2000;
	s19 =	sadd.s32 $0x38000, s19;
	s24 =	sadd.s32 $0x8, s2  }
0x38c: {  	s20 =	sadd.s32 $0x380, s23;
	[sflag:s10] =	ssyncset.done $0x0;
	p0 =	sgt.s32 s24, s31  }
0x38d: {  	s21 =	sadd.s32 $0x1, s2;
	[sflag:s10] =	ssyncadd.s32 $0xFFFFE000;
	s2 =	sand.u32 @!p0 $0x38000, s19  }
0x38e: {  	s16 =	simm.s32 @!p0 $0x400;
	s23 =	sand.u32 @!p0 $0x1FFFFF80, s20;
	s2 =	sshrl.u32 @!p0 s2, $0x2  }
0x38f: {  	s22 =	simm.s32 @!p0 $0x7A1400;
	s23 =	sadd.s32 @!p0 s1, s23;
	s2 =	sor.u32 @!p0 $0xC00, s2  }
0x390: {  	[tilespmem:s2], [sflag:$0x1] =	stream.strided.gather @!p0 [hbm4b:s23+s16], $0x2000, s22, s16, $0x38;
	[tilespmem:$0x19200] =	vst v63  }
0x391: {  	p0 =	sne.s32 s18, s21  }
.Ltmp50:
0x392: {  	_ = 	snop;
	(pc) =	sbr.rel @!p0 .LBB2_55-.Ltmp50, $2  }
0x393: {  	_ =	sdelay $0x2  }
0x394: {  	s16 =	sadd.s32 $0x1, s18  }
.LBB2_54:
0x395: {  	_ =	swait.ge [sflag:s10], $0x2000;
	s2 =	sadd.s32 $0x8, s21;
	s21 =	sadd.s32 $0x1, s21  }
0x396: {  	s19 =	sadd.s32 $0x8000, s19;
	p1 =	sne.s32 s18, s21  }
.Ltmp51:
0x397: {  	s20 =	sadd.s32 $0x80, s20;
	p0 =	sgt.s32 s2, s31;
	(pc) =	sbr.rel @p1 .LBB2_54-.Ltmp51, $4  }
0x398: {  	s2 =	sand.u32 @!p0 $0x38000, s19;
	s22 =	simm.s32 @!p0 $0x400;
	s23 =	simm.s32 @!p0 $0x7A1400  }
0x399: {  	s24 =	sand.u32 @!p0 $0x1FFFFF80, s20;
	s2 =	sshrl.u32 @!p0 s2, $0x2;
	[sflag:s10] =	ssyncset.done $0x0  }
0x39a: {  	s24 =	sadd.s32 @!p0 s1, s24;
	s2 =	sor.u32 @!p0 $0xC00, s2;
	[sflag:s10] =	ssyncadd.s32 $0xFFFFE000  }
0x39b: {  	[tilespmem:s2], [sflag:$0x1] =	stream.strided.gather @!p0 [hbm4b:s24+s22], $0x2000, s23, s22, $0x38;
	[tilespmem:$0x19200] =	vst v63  }
.LBB2_55:
0x39c: {  	(v2sf) =	vpush v8, $0xE;
	_ =	sdelay $0xd  }
0x39d: {  	s2 =	sand.u32 $0x7, s18;
	s23 =	sor.u32 $0xE, s13  }
0x39e: {  	s17 =	sand.u32 $0x7F, s17;
	s18 =	ssub.s32 s23, s15;
	s19 =	spop (v2sf)  }
0x39f: {  	s2 =	sshll.u32 s2, $0xD;
	s18 =	sshll.u32 s18, $0x7;
	s19 =	sshll.u32 s19, $0x6  }
0x3a0: {  	s2 =	sor.u32 s17, s2;
	s24 =	sadd.s32 s4, s18;
	s19 =	sand.u32 $0x40, s19  }
0x3a1: {  	v24 =	vor.u32 s2, v1;
	s17 =	sor.u32 s24, s19  }
0x3a2: {  	v25 =	vor.u32 s17, v0  }
0x3a3: {  	v26 =	vor.u32 s2, v2  }
0x3a4: {  	v27 =	vor.u32 s17, v3  }
0x3a5: {  	v28 =	vor.u32 s2, v4  }
0x3a6: {  	v24 =	vld.idx.msk [tilespmem:v24+s26+$0x0], $0xffff;
	v29 =	vor.u32 s17, v5  }
0x3a7: {  	v30 =	vor.u32 s2, v6;
	v25 =	vld.idx.msk [tilespmem:v25+s0+$0x0], $0xffff  }
0x3a8: {  	v26 =	vld.idx.msk [tilespmem:v26+s26+$0x0], $0xffff;
	v31 =	vor.u32 s17, v7  }
0x3a9: {  	v27 =	vld.idx.msk [tilespmem:v27+s0+$0x0], $0xffff  }
0x3aa: {  	v28 =	vld.idx.msk [tilespmem:v28+s26+$0x0], $0xffff;
	(v2sf) =	vpush v9, $0xF  }
0x3ab: {  	v29 =	vld.idx.msk [tilespmem:v29+s0+$0x0], $0xffff  }
0x3ac: {  	v60 =	vld.idx.msk [tilespmem:v30+s26+$0x0], $0xffff;
	v24 =	vmul.f32 v25, v24  }
0x3ad: {  	v61 =	vld.idx.msk [tilespmem:v31+s0+$0x0], $0xffff  }
0x3ae: {  	v26 =	vmul.f32 v27, v26;
	v9 =	vadd.f32 $0.0e+00, v24;
	_ =	sdelay $0x1  }
0x3af: {  	v62 =	vmul.f32 v29, v28;
	v9 =	vadd.f32 v26, v9;
	_ =	sdelay $0x1  }
0x3b0: {  	v63 =	vmul.f32 v61, v60;
	v9 =	vadd.f32 v62, v9;
	_ =	sdelay $0x1  }
0x3b1: {  	v9 =	vadd.f32 v63, v9;
	_ =	sdelay $0x1  }
0x3b2: {  	(xrf2) =	vadd.scan.msk.f32 $0xffff, v9;
	_ =	sdelay $0x2  }
0x3b3: {  	s17 =	spop (v2sf)  }
0x3b4: {  	s18 =	sshrl.u32 s17, $0x7  }
0x3b5: {  	p0 =	sgt.s32 s16, s18  }
.Ltmp52:
0x3b6: {  	_ = 	snop;
	(pc) =	sbr.rel @p0 .LBB2_58-.Ltmp52, $2  }
0x3b7: {  	_ =	sdelay $0x2  }
0x3b8: {  	v9, _, _ =	vpop (xrf2)  }
0x3b9: {  	s2 =	sadd.s32 $0xFFFFFFFF, s16;
	s19 =	sshll.u32 s16, $0xF;
	s23 =	sshll.u32 s16, $0x7  }
0x3ba: {  	_ =	swait.ge [sflag:s10], $0x2000;
	s19 =	sadd.s32 $0x38000, s19;
	s24 =	sadd.s32 $0x8, s2  }
0x3bb: {  	s20 =	sadd.s32 $0x380, s23;
	[sflag:s10] =	ssyncset.done $0x0;
	p0 =	sgt.s32 s24, s31  }
0x3bc: {  	s21 =	sadd.s32 $0x1, s2;
	[sflag:s10] =	ssyncadd.s32 $0xFFFFE000;
	s2 =	sand.u32 @!p0 $0x38000, s19  }
0x3bd: {  	s16 =	simm.s32 @!p0 $0x400;
	s23 =	sand.u32 @!p0 $0x1FFFFF80, s20;
	s2 =	sshrl.u32 @!p0 s2, $0x2  }
0x3be: {  	s22 =	simm.s32 @!p0 $0x7A1400;
	s23 =	sadd.s32 @!p0 s1, s23;
	s2 =	sor.u32 @!p0 $0xC00, s2  }
0x3bf: {  	[tilespmem:s2], [sflag:$0x1] =	stream.strided.gather @!p0 [hbm4b:s23+s16], $0x2000, s22, s16, $0x38;
	[tilespmem:$0x19200] =	vst v63  }
0x3c0: {  	p0 =	sne.s32 s18, s21  }
.Ltmp53:
0x3c1: {  	_ = 	snop;
	(pc) =	sbr.rel @!p0 .LBB2_58-.Ltmp53, $2  }
0x3c2: {  	_ =	sdelay $0x2  }
0x3c3: {  	s16 =	sadd.s32 $0x1, s18  }
.LBB2_57:
0x3c4: {  	_ =	swait.ge [sflag:s10], $0x2000;
	s2 =	sadd.s32 $0x8, s21;
	s21 =	sadd.s32 $0x1, s21  }
0x3c5: {  	s19 =	sadd.s32 $0x8000, s19;
	p1 =	sne.s32 s18, s21  }
.Ltmp54:
0x3c6: {  	s20 =	sadd.s32 $0x80, s20;
	p0 =	sgt.s32 s2, s31;
	(pc) =	sbr.rel @p1 .LBB2_57-.Ltmp54, $4  }
0x3c7: {  	s2 =	sand.u32 @!p0 $0x38000, s19;
	s22 =	simm.s32 @!p0 $0x400;
	s23 =	simm.s32 @!p0 $0x7A1400  }
0x3c8: {  	s24 =	sand.u32 @!p0 $0x1FFFFF80, s20;
	s2 =	sshrl.u32 @!p0 s2, $0x2;
	[sflag:s10] =	ssyncset.done $0x0  }
0x3c9: {  	s24 =	sadd.s32 @!p0 s1, s24;
	s2 =	sor.u32 @!p0 $0xC00, s2;
	[sflag:s10] =	ssyncadd.s32 $0xFFFFE000  }
0x3ca: {  	[tilespmem:s2], [sflag:$0x1] =	stream.strided.gather @!p0 [hbm4b:s24+s22], $0x2000, s23, s22, $0x38;
	[tilespmem:$0x19200] =	vst v63  }
.Ltmp55:
0x3cb: {  	_ = 	snop;
	(pc) =	sbr.rel .LBB2_58-.Ltmp55, $1  }
0x3cc: {  	_ =	sdelay $0x3  }
.LBB2_5:
.Ltmp56:
0x3cd: {  	(pc) =	sbr.rel .LBB2_9-.Ltmp56, $2  }
0x3ce: {  	_ =	sdelay $0x2  }
0x3cf: {  	s18 =	smov.u32 s15  }
.LBB2_7:
.Ltmp57:
0x3d0: {  	(pc) =	sbr.rel .LBB2_9-.Ltmp57, $2  }
0x3d1: {  	_ =	sdelay $0x2  }
0x3d2: {  	s18 =	smov.u32 s15  }
.LBB2_59:
0x3d3: {  	_ =	swait.ge [sflag:s28], $0x80  }
0x3d4: {  	[sflag:s28] =	ssyncset.done $0x0  }
0x3d5: {  	[sflag:s28] =	ssyncadd.s32 $0xFFFFFF80  }
0x3d6: {  	_ =	swait.ge [sflag:s28], $0x80  }
0x3d7: {  	[sflag:s28] =	ssyncset.done $0x0  }
0x3d8: {  	[sflag:s28] =	ssyncadd.s32 $0xFFFFFF80  }
0x3d9: {  	_ =	swait.ge [sflag:s28], $0x80  }
0x3da: {  	[sflag:s28] =	ssyncset.done $0x0  }
0x3db: {  	[sflag:s28] =	ssyncadd.s32 $0xFFFFFF80  }
0x3dc: {  	_ =	swait.ge [sflag:s28], $0x80  }
0x3dd: {  	[sflag:s28] =	ssyncset.done $0x0  }
0x3de: {  	[sflag:s28] =	ssyncadd.s32 $0xFFFFFF80  }
0x3df: {  	_ =	swait.ge [sflag:s28], $0x80  }
0x3e0: {  	[sflag:s28] =	ssyncset.done $0x0  }
0x3e1: {  	[sflag:s28] =	ssyncadd.s32 $0xFFFFFF80  }
0x3e2: {  	_ =	swait.ge [sflag:s28], $0x80  }
0x3e3: {  	[sflag:s28] =	ssyncset.done $0x0  }
0x3e4: {  	[sflag:s28] =	ssyncadd.s32 $0xFFFFFF80  }
0x3e5: {  	_ =	swait.ge [sflag:s28], $0x80  }
0x3e6: {  	[sflag:s28] =	ssyncset.done $0x0  }
0x3e7: {  	[sflag:s28] =	ssyncadd.s32 $0xFFFFFF80  }
0x3e8: {  	_ =	swait.ge [sflag:s28], $0x80  }
0x3e9: {  	[sflag:s28] =	ssyncset.done $0x0  }
0x3ea: {  	s4 =	simm.s32 $0x0;
	[sflag:s28] =	ssyncadd.s32 $0xFFFFFF80  }
0x3eb: {  	s12 =	simm.s32 $0x40;
	v8 =	vld [tilespmem:s4+$0x18C00]  }
.LBB2_60:
0x3ec: {  	p0 =	sne.s32 s12, $0x7C0;
	v9 =	vld [tilespmem:s4+$0x19000];
	_ =	sdelay $0x1  }
0x3ed: {  	v10 =	vld [tilespmem:s4+$0x18E00];
	_ =	sdelay $0x2  }
0x3ee: {  	v8 =	vadd.f32 v8, v9;
	_ =	sdelay $0x1  }
.Ltmp58:
0x3ef: {  	v8 =	vadd.f32 v10, v8;
	(pc) =	sbr.rel @p0 .LBB2_60-.Ltmp58, $4  }
0x3f0: {  	_ = 	snop  }
0x3f1: {  	v9 =	vadd.f32 $3.500000000e+00, v8  }
0x3f2: {  	s2 =	sshra.s32 s12, $0x2  }
0x3f3: {  	s12 =	sadd.s32 $0x40, s12;
	v8 =	vld [tilespmem:s2+$0x18C00];
	[tilespmem:s4+$0x19000] =	vst v9;
	s4 =	smov.u32 s2  }
0x3f4: {  	v9 =	vld [tilespmem:s4+$0x19000];
	_ =	sdelay $0x1  }
0x3f5: {  	v10 =	vld [tilespmem:s4+$0x18E00];
	_ =	sdelay $0x2  }
0x3f6: {  	v8 =	vadd.f32 v8, v9;
	_ =	sdelay $0x1  }
0x3f7: {  	v8 =	vadd.f32 v10, v8;
	_ =	sdelay $0x1  }
0x3f8: {  	v8 =	vadd.f32 $3.500000000e+00, v8;
	_ =	sdelay $0x1  }
0x3f9: {  	s2 =	rddreg [dreg:$0x2];
	s12 =	simm.s32 $0x600;
	s21 =	simm.s32 $0x19000;
	[tilespmem:s4+$0x19000] =	vst v8  }
0x3fa: {  	[hbm4b:s2+s30] =	stream.indirect.scatter [tilespmem:s21], [sflag:$0x3], $0x1, s12, s30, $0xb8;
	[tilespmem:$0x19200] =	vst v63  }
0x3fb: {  	s14 =	simm.s32 $0x680;
	s22 =	simm.s32 $0x19080  }
0x3fc: {  	[hbm4b:s2+s30] =	stream.indirect.scatter [tilespmem:s22], [sflag:$0x3], $0x1, s14, s30, $0xb8;
	[tilespmem:$0x19200] =	vst v63  }
0x3fd: {  	s17 =	simm.s32 $0x700;
	s23 =	simm.s32 $0x19100  }
0x3fe: {  	[hbm4b:s2+s30] =	stream.indirect.scatter [tilespmem:s23], [sflag:$0x3], $0x1, s17, s30, $0xb8;
	[tilespmem:$0x19200] =	vst v63  }
0x3ff: {  	s19 =	simm.s32 $0x780;
	s24 =	simm.s32 $0x19180  }
0x400: {  	[hbm4b:s2+s30] =	stream.indirect.scatter [tilespmem:s24], [sflag:$0x3], $0x1, s19, s30, $0xb8;
	[tilespmem:$0x19200] =	vst v63  }
0x401: {  	_ =	swait.ge [sflag:s28], $0x80  }
0x402: {  	[sflag:s28] =	ssyncset.done $0x0  }
0x403: {  	[sflag:s28] =	ssyncadd.s32 $0xFFFFFF80  }
0x404: {  	_ =	swait.ge [sflag:s28], $0x80  }
0x405: {  	[sflag:s28] =	ssyncset.done $0x0  }
0x406: {  	[sflag:s28] =	ssyncadd.s32 $0xFFFFFF80  }
0x407: {  	_ =	swait.ge [sflag:s28], $0x80  }
0x408: {  	[sflag:s28] =	ssyncset.done $0x0  }
0x409: {  	[sflag:s28] =	ssyncadd.s32 $0xFFFFFF80  }
0x40a: {  	_ =	swait.ge [sflag:s28], $0x80  }
0x40b: {  	s11 =	sadd.s32 $0x1, s11;
	s31 =	rddreg [dreg:$0x12]  }
0x40c: {  	p0 =	sne.s32 s11, s31  }
.Ltmp59:
0x40d: {  	_ = 	snop;
	(pc) =	sbr.rel @p0 .LBB2_1-.Ltmp59, $3  }
0x40e: {  	_ =	sdelay $0x1  }
0x40f: {  	[sflag:s28] =	ssyncset.done $0x0  }
0x410: {  	[sflag:s28] =	ssyncadd.s32 $0xFFFFFF80  }
0x411: {  	_ =	sfence.sel $0x180000  }
0x412: {  	[bflag:$0x0] =	sbarrier.arrive $0xFFFF  }
0x413: {  	_ =	strace $0x9000004D  }
0x414: {  	s0 =	stileid.u32;
	[bflag:$0x2] =	sbarrier.arrive $0xFFFF  }
0x415: {  	p0 =	sne.s32 s0, $0x0;
	s0 =	rddreg [dreg:$0x3]  }
0x416: {  	s0 =	sadd.s32 @!p0 $0x100000, s0  }
0x417: {  	[sflag:s0] =	ssyncadd.tile.s32 @!p0 $0x1;
	_ =	shalt  }
.Lfunc_end2:
_tile_overlayer_lowered:
.L_overlay_start_2:
0x418: {  	(tag) =	ssettag $0x2  }
0x419: {  	s0 =	rddreg [dreg:$0x0];
	s2 =	stileid.u32  }
0x41a: {  	s1 =	rddreg [dreg:$0x1];
	p0 =	sne.s32 s2, $0x0  }
0x41b: {  	s3 =	rddreg [dreg:$0x2];
	[bflag:$0x3] =	sbarrier.arrive $0xFFFF;
	s2 =	simm.s32 @!p0 $0x1C04  }
0x41c: {  	[timem:s3], [sflag:s2] =	dma.local @!p0 [hbm:s0], s1  }
0x41d: {  	s0 =	simm.s32 @!p0 $0x4  }
0x41e: {  	_ =	swait.ge @!p0 [sflag:s0], s1  }
0x41f: {  	s1 =	ssub.s32 @!p0 $0x0, s1;
	[sflag:s0] =	ssyncset.done @!p0 $0x0  }
0x420: {  	[sflag:s0] =	ssyncadd.s32 @!p0 s1  }
0x421: {  	[bflag:$0x3] =	sbarrier.arrive $0xFFFF  }
0x422: {  	_ =	shalt  }

// kernel: gather_offload_async_start.1
scs
__scs_entry_jumppad:
0x0: {  	(pc) =	sbr.rel $0x88, $3  }
0x1: {  	(tag) =	ssettag $0x0;
	lr =	simm.s32 $0x1  }
0x2: {  	[smem:$0x3F9B] =	sst lr;
	_ =	strace $0xD0000000  }
0x3: {  	_ = 	snop  }
0x4: {  	_ = 	snop  }
0x5: {  	_ = 	snop  }
0x6: {  	_ = 	snop  }
0x7: {  	_ = 	snop  }
__scs_overlays_trampoline_lowered:
0x8: {  	[smem:$0x3FAA] =	sst s0  }
0x9: {  	[smem:$0x3FAB] =	sst s1  }
0xa: {  	[smem:$0x3FAC] =	sst s2  }
0xb: {  	[smem:$0x3FAD] =	sst s3  }
0xc: {  	[smem:$0x3FAE] =	sst s4  }
0xd: {  	[smem:$0x3FAF] =	sst s5  }
0xe: {  	[smem:$0x3FB0] =	sst s6  }
0xf: {  	[smem:$0x3FB1] =	sst s7  }
0x10: {  	[smem:$0x3FB2] =	sst s8  }
0x11: {  	[smem:$0x3FB3] =	sst s9;
	s0 =	simm.s32 @!p0 $0x0  }
0x12: {  	s1 =	sld [smem:$0x3F99];
	s0 =	simm.s32 @p0 $0x1  }
0x13: {  	[smem:$0x3FB4] =	sst s0;
	s0 =	simm.s32 @!p1 $0x0  }
0x14: {  	s2 =	sld [smem:$0x3F98];
	s0 =	simm.s32 @p1 $0x1  }
0x15: {  	[smem:$0x3FB5] =	sst s0;
	s0 =	simm.s32 @!p2 $0x0  }
0x16: {  	s3 =	sld [smem:$0x3FDB];
	s0 =	simm.s32 @p2 $0x1  }
0x17: {  	s4 =	simm.s32 $0x1BF5;
	[smem:$0x3FB7] =	sst s0  }
0x18: {  	s0 =	sld [smem:$0x3F9A];
	_ =	swait.ge [sflag:s4], $0x0  }
0x19: {  	s7 =	sld [smem:$0x3F9B]  }
0x1a: {  	s8 =	sadd.s32 $0xFFFFE003, lr  }
0x1b: {  	s9 =	sadd.s32 $0xFFFFFEF7, lr;
	s5 =	simm.s32 $0xFFFFFFFF;
	p2 =	slt.u32 s8, $0xFFFFF086  }
0x1c: {  	p1 =	slt.u32 s9, $0xF7A;
	s5 =	simm.s32 @!p2 $0x0  }
0x1d: {  	s5 =	simm.s32 @p1 $0x1;
	p0 =	seq.s32 s7, s2  }
0x1e: {  	s7 =	smul.u32 @!p0 $0xF7A, s2;
	p2 =	seq.s32 @!p0 s5, $0x0  }
0x1f: {  	s9 =	smul.u32 $0xF7A, s1;
	s8 =	simm.s32 @!p0 $0x1BF5;
	p2 =	por !p2, p0  }
0x20: {  	[sflag:s8] =	ssyncset.s32 @!p0 $0xFFFFF086;
	s6 =	sadd.s32 @!p0 s3, s7;
	s7 =	simm.s32 @!p0 $0x108  }
0x21: {  	s3 =	sadd.s32 s3, s9;
	s6 =	sadd.s32 @!p0 $0x88, s6;
	s7 =	simm.s32 @p2 $0x1082  }
0x22: {  	[simem:s7], [sflag:s8] =	dma.local @!p0 [hbm:s6], $0xF7A  }
0x23: {  	s9 =	sor.u32 $0xD0000000, s2;
	s6 =	simm.s32 $0x108;
	_ =	swait.ge @!p0 [sflag:s8], $0x0  }
0x24: {  	s3 =	sadd.s32 $0x88, s3;
	s6 =	simm.s32 @!p1 $0x1082;
	[sflag:s4] =	ssyncset.s32 $0xFFFFF086  }
0x25: {  	[simem:s6], [sflag:s4] =	dma.local [hbm:s3], $0xF7A  }
0x26: {  	[smem:$0x3F9B] =	sst s1;
	(tag) =	ssettag s2;
	_ =	strace s9  }
0x27: {  	s1 =	sld [smem:$0x3FAB]  }
0x28: {  	s2 =	sld [smem:$0x3FAC]  }
0x29: {  	s4 =	sld [smem:$0x3FAE]  }
0x2a: {  	p0 =	seq.s32 s5, $0x0;
	s5 =	sld [smem:$0x3FAF]  }
0x2b: {  	s6 =	sld [smem:$0x3FB0]  }
0x2c: {  	s7 =	sld [smem:$0x3FB1]  }
0x2d: {  	s3 =	simm.s32 $0x108;
	s8 =	sld [smem:$0x3FB2]  }
0x2e: {  	s3 =	simm.s32 @!p0 $0x1082;
	s9 =	sld [smem:$0x3FB3]  }
0x2f: {  	lr =	sadd.s32 s0, s3;
	s0 =	sld [smem:$0x3FAA]  }
0x30: {  	s3 =	sld [smem:$0x3FAD]  }
0x31: {  	[smem:$0x3FB6] =	sst s10  }
0x32: {  	s10 =	sld [smem:$0x3FB4];
	_ =	sdelay $0x3  }
0x33: {  	p0 =	seq.s32 s10, $0x1;
	s10 =	sld [smem:$0x3FB6];
	_ =	sdelay $0x3  }
0x34: {  	[smem:$0x3FB6] =	sst s10  }
0x35: {  	s10 =	sld [smem:$0x3FB5];
	_ =	sdelay $0x3  }
0x36: {  	p1 =	seq.s32 s10, $0x1;
	s10 =	sld [smem:$0x3FB6];
	_ =	sdelay $0x3  }
0x37: {  	[smem:$0x3FB6] =	sst s10  }
0x38: {  	s10 =	sld [smem:$0x3FB7]  }
0x39: {  	_ = 	snop;
	(pc) =	sbr.ind lr, $3  }
0x3a: {  	_ = 	snop  }
0x3b: {  	_ = 	snop  }
0x3c: {  	p2 =	seq.s32 s10, $0x1;
	s10 =	sld [smem:$0x3FB6]  }
0x3d: {  	_ =	shalt  }
0x3e: {  	_ =	shalt  }
0x3f: {  	_ =	shalt  }
0x40: {  	_ =	shalt  }
0x41: {  	_ =	shalt  }
0x42: {  	_ =	shalt  }
0x43: {  	_ =	shalt  }
0x44: {  	_ =	shalt  }
0x45: {  	_ =	shalt  }
0x46: {  	_ =	shalt  }
0x47: {  	_ =	shalt  }
0x48: {  	_ =	shalt  }
0x49: {  	_ =	shalt  }
0x4a: {  	_ =	shalt  }
0x4b: {  	_ =	shalt  }
0x4c: {  	_ =	shalt  }
0x4d: {  	_ =	shalt  }
0x4e: {  	_ =	shalt  }
0x4f: {  	_ =	shalt  }
0x50: {  	_ =	shalt  }
0x51: {  	_ =	shalt  }
0x52: {  	_ =	shalt  }
0x53: {  	_ =	shalt  }
0x54: {  	_ =	shalt  }
0x55: {  	_ =	shalt  }
0x56: {  	_ =	shalt  }
0x57: {  	_ =	shalt  }
0x58: {  	_ =	shalt  }
0x59: {  	_ =	shalt  }
0x5a: {  	_ =	shalt  }
0x5b: {  	_ =	shalt  }
0x5c: {  	_ =	shalt  }
0x5d: {  	_ =	shalt  }
0x5e: {  	_ =	shalt  }
0x5f: {  	_ =	shalt  }
0x60: {  	_ =	shalt  }
0x61: {  	_ =	shalt  }
0x62: {  	_ =	shalt  }
0x63: {  	_ =	shalt  }
0x64: {  	_ =	shalt  }
0x65: {  	_ =	shalt  }
0x66: {  	_ =	shalt  }
0x67: {  	_ =	shalt  }
0x68: {  	_ =	shalt  }
0x69: {  	_ =	shalt  }
0x6a: {  	_ =	shalt  }
0x6b: {  	_ =	shalt  }
0x6c: {  	_ =	shalt  }
0x6d: {  	_ =	shalt  }
0x6e: {  	_ =	shalt  }
0x6f: {  	_ =	shalt  }
0x70: {  	_ =	shalt  }
0x71: {  	_ =	shalt  }
0x72: {  	_ =	shalt  }
0x73: {  	_ =	shalt  }
0x74: {  	_ =	shalt  }
0x75: {  	_ =	shalt  }
0x76: {  	_ =	shalt  }
0x77: {  	_ =	shalt  }
0x78: {  	_ =	shalt  }
0x79: {  	_ =	shalt  }
0x7a: {  	_ =	shalt  }
0x7b: {  	_ =	shalt  }
0x7c: {  	_ =	shalt  }
0x7d: {  	_ =	shalt  }
0x7e: {  	_ =	shalt  }
0x7f: {  	_ =	shalt  }
0x80: {  	_ =	shalt  }
0x81: {  	_ =	shalt  }
0x82: {  	_ =	shalt  }
0x83: {  	_ =	shalt  }
0x84: {  	_ =	shalt  }
0x85: {  	_ =	shalt  }
0x86: {  	_ =	shalt  }
0x87: {  	_ =	shalt  }
.Lfunc_end0:
.L_simem_size_0:
called_computation.1_lowered:
.L_overlay_start_0:
0x88: {  	s2 =	sld [smem:$0x3FD9]  }
0x89: {  	s3 =	sld [smem:$0x3FFE];
	_ =	sdelay $0x1  }
0x8a: {  	s1 =	srdreg.scid  }
0x8b: {  	s0 =	sand.u32 $0x1, s1  }
0x8c: {  	s17 =	sshll.u32 s0, $0xA;
	s2 =	sadd.s32 s3, s2  }
0x8d: {  	s2 =	sadd.s32 s2, s17  }
0x8e: {  	[smem:$0x3FC2] =	sst s2  }
0x8f: {  	_ = 	snop  }
0x90: {  	s2 =	sld [smem:$0x3FC8]  }
0x91: {  	s18 =	sld [smem:$0x3FD0];
	(tm) =	ssettm $0x1  }
0x92: {  	s4 =	sld [smem:$0x3FFB];
	_ =	sdelay $0x3  }
0x93: {  	_ =	strace s4  }
0x94: {  	s4 =	sld [smem:$0x3FFC];
	_ =	sdelay $0x3  }
0x95: {  	_ =	strace s4  }
0x96: {  	s4 =	sld [smem:$0x3FFD];
	_ =	sdelay $0x3  }
0x97: {  	_ =	strace s4  }
0x98: {  	_ =	strace $0x8FFFFFFF  }
0x99: {  	s19 =	sld [smem:$0x3FDB];
	_ =	sdelay $0x1  }
0x9a: {  	s5 =	simm.s32 $_scs_section_size  }
0x9b: {  	s6 =	simm.s32 $_size__tile_overlayer_lowered;
	s7 =	simm.s32 $_tile_overlayer_lowered  }
0x9c: {  	s22 =	simm.s32 $0x1BFF;
	s21 =	sshll.u32 s7, $0x1;
	s4 =	sadd.s32 s5, s19  }
0x9d: {  	s8 =	simm.s32 $0x0;
	s20 =	sshll.u32 s6, $0x1;
	s6 =	sadd.s32 s21, s4  }
0x9e: {  	[timem:s8], [sflag:s22] =	dma.local [hbm:s6], s20  }
0x9f: {  	_ =	swait.ge [sflag:s22], s20  }
0xa0: {  	s5 =	ssub.s32 $0x0, s20;
	[sflag:s22] =	ssyncset.done $0x0  }
0xa1: {  	[sflag:s22] =	ssyncadd.s32 s5;
	_ =	sdelay $0x1  }
0xa2: {  	s23 =	simm.s32 $0x1B8B  }
0xa3: {  	_ =	swait.ge [sflag:s23], $0x1  }
0xa4: {  	[sflag:s23] =	ssyncset.done $0x0  }
0xa5: {  	s25 =	simm.s32 $0x1B8E;
	s24 =	sld [smem:$0x3FFE];
	[sflag:s23] =	ssyncadd.s32 $0xFFFFFFFF  }
0xa6: {  	s26 =	simm.s32 $execute0_lowered;
	[smem:$0x3FD2] =	sst s25  }
0xa7: {  	s6 =	sshll.u32 s26, $0x1;
	_ =	strace $0x80000046;
	[dreg:$0x1] =	wrdreg $0xFFFFFFFF  }
0xa8: {  	s28 =	simm.s32 $_size_execute0_lowered;
	s4 =	sadd.s32 s4, s6;
	[dreg:$0x0] =	wrdreg $0x0  }
0xa9: {  	s6 =	sshll.u32 s28, $0x1;
	[dreg:$0x2] =	wrdreg s4  }
0xaa: {  	[dreg:$0x3] =	wrdreg s6  }
0xab: {  	[dreg:$0x4] =	wrdreg $0xC0  }
0xac: {  	_ =	task [dreg:s8], $0x5FFFF  }
0xad: {  	[dreg:$0x1] =	wrdreg $0xFFFFFFFF  }
0xae: {  	[dreg:$0x0] =	wrdreg $0x60  }
0xaf: {  	[dreg:$0x2] =	wrdreg s2  }
0xb0: {  	[dreg:$0x3] =	wrdreg s18  }
0xb1: {  	[dreg:$0x4] =	wrdreg s24  }
0xb2: {  	[dreg:$0x5] =	wrdreg $0xA  }
0xb3: {  	_ =	task.clear_ibuf [dreg:s8], $0x6FFFF;
	_ =	strace $0x90000046  }
0xb4: {  	s29 =	simm.s32 $0xA;
	_ =	strace $0x80000048  }
0xb5: {  	_ =	swait.ge [sflag:s29], $0x1  }
0xb6: {  	[sflag:s29] =	ssyncadd.s32 $0xFFFFFFFF  }
0xb7: {  	_ =	strace $0x90000048  }
0xb8: {  	_ =	sfence  }
0xb9: {  	s30 =	sld [smem:$0x0];
	_ =	sdelay $0x2  }
0xba: {  	s31 =	sshll.u32 s1, $0xD;
	s1 =	sshrl.u32 s1, $0x2  }
0xbb: {  	s3 =	sand.u32 $0x4000, s31;
	s1 =	sadd.s32 s1, s30  }
0xbc: {  	s0 =	sor.u32 s3, s0;
	s1 =	sshll.u32 s1, $0x11  }
0xbd: {  	s0 =	sor.u32 s1, s0  }
0xbe: {  	s0 =	sadd.s32 $0x8F2B, s0  }
0xbf: {  	[sflag:s0] =	ssyncadd.remote.s32 $0x1  }
0xc0: {  	_ =	sfence.sel $0xFFFF  }
0xc1: {  	[dreg:$0x0] =	wrdreg $0xFFFFFFFF;
	(pc) =	sbr.abs _section_cstart, $3  }
0xc2: {  	[dreg:$0x1] =	wrdreg $0xFFFFFFFF  }
0xc3: {  	_ =	task.clear_ibuf [dreg:s8], $0x2FFFF;
	_ =	strace $0x9FFFFFFF  }
0xc4: {  	(tm) =	ssettm $0x7FFFFFFF  }
0xc5: {  	_ =	shalt  }
tec
execute0_lowered:
.L_overlay_start_1:
0x0: {  	(tag) =	ssettag $0x1  }
0x1: {  	s2 =	rddreg [dreg:$0x0]  }
0x2: {  	s1 =	srdreg.scid;
	s3 =	rddreg [dreg:$0x1]  }
0x3: {  	s0 =	stileid.u32;
	s5 =	rddreg [dreg:$0x2]  }
0x4: {  	s9 =	simm.s32 $0x1;
	s10 =	simm.s32 $0x3;
	s1 =	sshll.u32 s1, $0x8  }
0x5: {  	s13 =	simm.s32 $0x0;
	s4 =	sshll.u32 s0, $0x9;
	s6 =	sand.u32 $0x100, s1  }
0x6: {  	s12 =	simm.s32 $0x0;
	s5 =	sadd.s32 $0x1F200, s5;
	s4 =	sor.u32 s4, s6  }
0x7: {  	s1 =	rddreg [dreg:$0x3];
	_ =	strace $0x80000047;
	s8 =	ssub.s32 $0x4000, s4  }
.Ltmp0:
0x8: {  	s6 =	simm.s32 $0x1;
	s7 =	sand.u32 $0x1F00, s8;
	(pc) =	sbr.rel .LBB2_1-.Ltmp0, $4  }
0x9: {  	[sflag:s6] =	ssyncpa.u1 $0x0;
	s11 =	smov.u32 s4;
	p0 =	sne.s32 s7, $0x0  }
0xa: {  	s8 =	sshrl.u32 s8, $0xD;
	s7 =	simm.s32 $0x2;
	s9 =	simm.s32 @!p0 $0x0  }
0xb: {  	[sflag:s7] =	ssyncpa.u1 $0x0;
	p0 =	por $0x0, $0x0;
	s8 =	sadd.s32 s9, s8  }
0xc: {  	vm0 =	vmmov $0xffff;
	[sflag:s10] =	ssyncpa.u1 $0x0;
	s10 =	simm.s32 $0x0;
	s9 =	sadd.s32 $0x1, s8  }
.LBB2_4:
0xd: {  	v2 =	vnsel vm1, $0x0, v2  }
0xe: {  	vm1 =	vgt.s32 v0, $0x0;
	v2 =	vmin.u32 v2, $0x3FFF  }
0xf: {  	v0 =	vnsel vm1, $0x0, v0  }
0x10: {  	v0 =	vmin.u32 v0, $0x3FFF  }
0x11: {  	[tilespmem:s15], [sflag:$0x1] =	stream.indirect_vreg.gather [hbm4b:s2+s10], $0x1, v1, vm0, $0x4038;
	[tilespmem:$0x400] =	vst v63  }
0x12: {  	(ifvalue) =	ssetifvalue $0x7FFFFFFF  }
0x13: {  	[tilespmem:s16], [sflag:$0x1] =	stream.indirect_vreg.gather [hbm4b:s2+s10], $0x1, v2, vm0, $0x4038;
	[tilespmem:$0x400] =	vst v63  }
0x14: {  	s29 =	sadd.s32 $0x10, s16;
	(ifvalue) =	ssetifvalue $0x7FFFFFFF  }
0x15: {  	[tilespmem:s29], [sflag:$0x1] =	stream.indirect_vreg.gather [hbm4b:s2+s10], $0x1, v0, vm0, $0x4038;
	[tilespmem:$0x400] =	vst v63  }
0x16: {  	_ =	swait.ge [sflag:s6], $0x100  }
0x17: {  	s30 =	sshrl.u32 s13, $0x3;
	[sflag:s6] =	ssyncset.done $0x0  }
0x18: {  	s31 =	sand.u32 $0x7, s13;
	s15 =	sadd.s32 s5, s30;
	[sflag:s6] =	ssyncadd.s32 $0xFFFFFF00  }
0x19: {  	[hbm4b:s15+s31] =	stream.linear.scatter [tilespmem:s14], [sflag:$0x3], $0x100, $0x38;
	[tilespmem:$0x400] =	vst v63  }
.LBB2_5:
0x1a: {  	s15 =	sadd.s32 $0x2000, s11  }
0x1b: {  	p2 =	sgt.s32 s15, $0x3FFF  }
0x1c: {  	s15 =	smov.u32 @p2 s4;
	p2 =	sne.s32 s12, s9  }
.Ltmp1:
0x1d: {  	p1 =	slt.u32 s12, $0x2;
	(pc) =	sbr.rel @!p2 .LBB2_6-.Ltmp1, $4  }
0x1e: {  	s14 =	simm.s32 @!p1 $0x3  }
0x1f: {  	s16 =	sadd.s32 $0x1, s12;
	_ =	swait.ge @!p1 [sflag:s14], $0x100  }
0x20: {  	s13 =	smov.u32 s11;
	p0 =	por !p0, !p0;
	[sflag:s14] =	ssyncset.done @!p1 $0x0  }
0x21: {  	s12 =	smov.u32 s16;
	s11 =	smov.u32 s15;
	[sflag:s14] =	ssyncadd.s32 @!p1 $0xFFFFFF00  }
.LBB2_1:
0x22: {  	p1 =	sge.u32 s12, s8  }
0x23: {  	s14 =	sxor.u32 @!p1 $0xFFFFFFFF, s12  }
0x24: {  	s31 =	sadd.s32 $0xFFFFFFFF, s12;
	s15 =	sshrl.u32 @!p1 s11, $0x3;
	s14 =	sshll.u32 @!p1 s14, $0x8  }
0x25: {  	s16 =	sand.u32 @!p1 $0x7, s11;
	s15 =	sadd.s32 @!p1 s3, s15;
	s14 =	sand.u32 @!p1 $0x100, s14  }
0x26: {  	[tilespmem:s14], [sflag:$0x2] =	stream.linear.gather @!p1 [hbm4b:s15+s16], $0x100, $0x38;
	[tilespmem:$0x400] =	vst v63  }
0x27: {  	p1 =	sge.u32 s31, s8  }
.Ltmp2:
0x28: {  	_ = 	snop;
	(pc) =	sbr.rel @p1 .LBB2_5-.Ltmp2, $1  }
0x29: {  	_ =	sdelay $0x3  }
0x2a: {  	s14 =	simm.s32 $0x1  }
0x2b: {  	_ =	swait.ge [sflag:s7], $0x100;
	s14 =	simm.s32 @!p0 $0x0  }
0x2c: {  	[sflag:s7] =	ssyncset.done $0x0;
	s14 =	sshll.u32 s14, $0x8  }
0x2d: {  	[sflag:s7] =	ssyncadd.s32 $0xFFFFFF00;
	(ifvalue) =	ssetifvalue $0x7FFFFFFF;
	v0 =	vld.msk [tilespmem:s14+$0x0 ss:$0x1], $0xffff;
	_ =	sdelay $0x4  }
0x2e: {  	s15 =	sadd.s32 $0x10, s14;
	vm1 =	vgt.s32 v0, $0x0  }
0x2f: {  	v2 =	vld.msk [tilespmem:s15+$0x0 ss:$0x1], $0xffff;
	v1 =	vnsel vm1, $0x0, v0  }
0x30: {  	v1 =	vmin.u32 v1, $0x3FFF;
	_ =	sdelay $0x1  }
0x31: {  	s16 =	sshll.u32 s12, $0x8;
	s18 =	simm.s32 $0x20  }
0x32: {  	s16 =	sand.u32 $0x100, s16;
	s17 =	sadd.s32 $0x10, s15;
	s15 =	sor.u32 $0x200, s14  }
0x33: {  	s14 =	sor.u32 $0x200, s16;
	s16 =	sadd.s32 $0x10, s15;
	v0 =	vld.msk [tilespmem:s17+$0x0 ss:$0x1], $0xffff;
	vm1 =	vgt.s32 v2, $0x0;
	(ifvalue) =	ssetifvalue $0x7FFFFFFF  }
.LBB2_3:
0x34: {  	[tilespmem:s15], [sflag:$0x1] =	stream.indirect_vreg.gather [hbm4b:s2+s10], $0x1, v1, vm0, $0x4038;
	[tilespmem:$0x400] =	vst v63  }
0x35: {  	s18 =	sadd.s32 $0x10, s18  }
0x36: {  	v2 =	vnsel vm1, $0x0, v2;
	p1 =	slt.u32 s18, $0xF0  }
.Ltmp3:
0x37: {  	s15 =	smov.u32 s16;
	v1 =	vmin.u32 v2, $0x3FFF;
	(pc) =	sbr.rel @p1 .LBB2_3-.Ltmp3, $3  }
0x38: {  	_ =	sdelay $0x1  }
0x39: {  	s17 =	sadd.s32 $0x10, s17  }
0x3a: {  	vm1 =	vgt.s32 v0, $0x0;
	s16 =	sadd.s32 $0x10, s16;
	v2 =	vmov v0;
	(ifvalue) =	ssetifvalue $0x7FFFFFFF;
	v0 =	vld.msk [tilespmem:s17+$0x0 ss:$0x1], $0xffff  }
.Ltmp4:
0x3b: {  	_ = 	snop;
	(pc) =	sbr.rel .LBB2_4-.Ltmp4, $1  }
0x3c: {  	_ =	sdelay $0x3  }
.LBB2_6:
0x3d: {  	_ =	sfence.sel $0x180000  }
0x3e: {  	s2 =	simm.s32 $0x2;
	[bflag:$0x0] =	sbarrier.arrive $0xFFFF  }
0x3f: {  	s30 =	simm.s32 $0x3;
	[sflag:s2] =	ssyncpa.u1 $0x1  }
0x40: {  	s31 =	simm.s32 $0x1;
	[sflag:s30] =	ssyncpa.u1 $0x1  }
0x41: {  	[sflag:s31] =	ssyncpa.u1 $0x1  }
0x42: {  	p0 =	sne.s32 s0, $0x0;
	_ =	strace $0x90000047  }
0x43: {  	s0 =	sadd.s32 @!p0 $0x100000, s1;
	[bflag:$0x2] =	sbarrier.arrive $0xFFFF  }
0x44: {  	[sflag:s0] =	ssyncadd.tile.s32 @!p0 $0x1;
	_ =	shalt  }
.Lfunc_end2:
_tile_overlayer_lowered:
.L_overlay_start_2:
0x45: {  	(tag) =	ssettag $0x2  }
0x46: {  	s0 =	rddreg [dreg:$0x0];
	s2 =	stileid.u32  }
0x47: {  	s1 =	rddreg [dreg:$0x1];
	p0 =	sne.s32 s2, $0x0  }
0x48: {  	s3 =	rddreg [dreg:$0x2];
	[bflag:$0x3] =	sbarrier.arrive $0xFFFF;
	s2 =	simm.s32 @!p0 $0x1C01  }
0x49: {  	[timem:s3], [sflag:s2] =	dma.local @!p0 [hbm:s0], s1  }
0x4a: {  	s0 =	simm.s32 @!p0 $0x1  }
0x4b: {  	_ =	swait.ge @!p0 [sflag:s0], s1  }
0x4c: {  	s1 =	ssub.s32 @!p0 $0x0, s1;
	[sflag:s0] =	ssyncset.done @!p0 $0x0  }
0x4d: {  	[sflag:s0] =	ssyncadd.s32 @!p0 s1  }
0x4e: {  	[bflag:$0x3] =	sbarrier.arrive $0xFFFF  }
0x4f: {  	_ =	shalt  }

// kernel: gather_offload_async_start
scs
__scs_entry_jumppad:
0x0: {  	(pc) =	sbr.rel $0x88, $3  }
0x1: {  	(tag) =	ssettag $0x0;
	lr =	simm.s32 $0x1  }
0x2: {  	[smem:$0x3F9B] =	sst lr;
	_ =	strace $0xD0000000  }
0x3: {  	_ = 	snop  }
0x4: {  	_ = 	snop  }
0x5: {  	_ = 	snop  }
0x6: {  	_ = 	snop  }
0x7: {  	_ = 	snop  }
__scs_overlays_trampoline_lowered:
0x8: {  	[smem:$0x3FAA] =	sst s0  }
0x9: {  	[smem:$0x3FAB] =	sst s1  }
0xa: {  	[smem:$0x3FAC] =	sst s2  }
0xb: {  	[smem:$0x3FAD] =	sst s3  }
0xc: {  	[smem:$0x3FAE] =	sst s4  }
0xd: {  	[smem:$0x3FAF] =	sst s5  }
0xe: {  	[smem:$0x3FB0] =	sst s6  }
0xf: {  	[smem:$0x3FB1] =	sst s7  }
0x10: {  	[smem:$0x3FB2] =	sst s8  }
0x11: {  	[smem:$0x3FB3] =	sst s9;
	s0 =	simm.s32 @!p0 $0x0  }
0x12: {  	s1 =	sld [smem:$0x3F99];
	s0 =	simm.s32 @p0 $0x1  }
0x13: {  	[smem:$0x3FB4] =	sst s0;
	s0 =	simm.s32 @!p1 $0x0  }
0x14: {  	s2 =	sld [smem:$0x3F98];
	s0 =	simm.s32 @p1 $0x1  }
0x15: {  	[smem:$0x3FB5] =	sst s0;
	s0 =	simm.s32 @!p2 $0x0  }
0x16: {  	s3 =	sld [smem:$0x3FDB];
	s0 =	simm.s32 @p2 $0x1  }
0x17: {  	s4 =	simm.s32 $0x1BF5;
	[smem:$0x3FB7] =	sst s0  }
0x18: {  	s0 =	sld [smem:$0x3F9A];
	_ =	swait.ge [sflag:s4], $0x0  }
0x19: {  	s7 =	sld [smem:$0x3F9B]  }
0x1a: {  	s8 =	sadd.s32 $0xFFFFE003, lr  }
0x1b: {  	s9 =	sadd.s32 $0xFFFFFEF7, lr;
	s5 =	simm.s32 $0xFFFFFFFF;
	p2 =	slt.u32 s8, $0xFFFFF086  }
0x1c: {  	p1 =	slt.u32 s9, $0xF7A;
	s5 =	simm.s32 @!p2 $0x0  }
0x1d: {  	s5 =	simm.s32 @p1 $0x1;
	p0 =	seq.s32 s7, s2  }
0x1e: {  	s7 =	smul.u32 @!p0 $0xF7A, s2;
	p2 =	seq.s32 @!p0 s5, $0x0  }
0x1f: {  	s9 =	smul.u32 $0xF7A, s1;
	s8 =	simm.s32 @!p0 $0x1BF5;
	p2 =	por !p2, p0  }
0x20: {  	[sflag:s8] =	ssyncset.s32 @!p0 $0xFFFFF086;
	s6 =	sadd.s32 @!p0 s3, s7;
	s7 =	simm.s32 @!p0 $0x108  }
0x21: {  	s3 =	sadd.s32 s3, s9;
	s6 =	sadd.s32 @!p0 $0x88, s6;
	s7 =	simm.s32 @p2 $0x1082  }
0x22: {  	[simem:s7], [sflag:s8] =	dma.local @!p0 [hbm:s6], $0xF7A  }
0x23: {  	s9 =	sor.u32 $0xD0000000, s2;
	s6 =	simm.s32 $0x108;
	_ =	swait.ge @!p0 [sflag:s8], $0x0  }
0x24: {  	s3 =	sadd.s32 $0x88, s3;
	s6 =	simm.s32 @!p1 $0x1082;
	[sflag:s4] =	ssyncset.s32 $0xFFFFF086  }
0x25: {  	[simem:s6], [sflag:s4] =	dma.local [hbm:s3], $0xF7A  }
0x26: {  	[smem:$0x3F9B] =	sst s1;
	(tag) =	ssettag s2;
	_ =	strace s9  }
0x27: {  	s1 =	sld [smem:$0x3FAB]  }
0x28: {  	s2 =	sld [smem:$0x3FAC]  }
0x29: {  	s4 =	sld [smem:$0x3FAE]  }
0x2a: {  	p0 =	seq.s32 s5, $0x0;
	s5 =	sld [smem:$0x3FAF]  }
0x2b: {  	s6 =	sld [smem:$0x3FB0]  }
0x2c: {  	s7 =	sld [smem:$0x3FB1]  }
0x2d: {  	s3 =	simm.s32 $0x108;
	s8 =	sld [smem:$0x3FB2]  }
0x2e: {  	s3 =	simm.s32 @!p0 $0x1082;
	s9 =	sld [smem:$0x3FB3]  }
0x2f: {  	lr =	sadd.s32 s0, s3;
	s0 =	sld [smem:$0x3FAA]  }
0x30: {  	s3 =	sld [smem:$0x3FAD]  }
0x31: {  	[smem:$0x3FB6] =	sst s10  }
0x32: {  	s10 =	sld [smem:$0x3FB4];
	_ =	sdelay $0x3  }
0x33: {  	p0 =	seq.s32 s10, $0x1;
	s10 =	sld [smem:$0x3FB6];
	_ =	sdelay $0x3  }
0x34: {  	[smem:$0x3FB6] =	sst s10  }
0x35: {  	s10 =	sld [smem:$0x3FB5];
	_ =	sdelay $0x3  }
0x36: {  	p1 =	seq.s32 s10, $0x1;
	s10 =	sld [smem:$0x3FB6];
	_ =	sdelay $0x3  }
0x37: {  	[smem:$0x3FB6] =	sst s10  }
0x38: {  	s10 =	sld [smem:$0x3FB7]  }
0x39: {  	_ = 	snop;
	(pc) =	sbr.ind lr, $3  }
0x3a: {  	_ = 	snop  }
0x3b: {  	_ = 	snop  }
0x3c: {  	p2 =	seq.s32 s10, $0x1;
	s10 =	sld [smem:$0x3FB6]  }
0x3d: {  	_ =	shalt  }
0x3e: {  	_ =	shalt  }
0x3f: {  	_ =	shalt  }
0x40: {  	_ =	shalt  }
0x41: {  	_ =	shalt  }
0x42: {  	_ =	shalt  }
0x43: {  	_ =	shalt  }
0x44: {  	_ =	shalt  }
0x45: {  	_ =	shalt  }
0x46: {  	_ =	shalt  }
0x47: {  	_ =	shalt  }
0x48: {  	_ =	shalt  }
0x49: {  	_ =	shalt  }
0x4a: {  	_ =	shalt  }
0x4b: {  	_ =	shalt  }
0x4c: {  	_ =	shalt  }
0x4d: {  	_ =	shalt  }
0x4e: {  	_ =	shalt  }
0x4f: {  	_ =	shalt  }
0x50: {  	_ =	shalt  }
0x51: {  	_ =	shalt  }
0x52: {  	_ =	shalt  }
0x53: {  	_ =	shalt  }
0x54: {  	_ =	shalt  }
0x55: {  	_ =	shalt  }
0x56: {  	_ =	shalt  }
0x57: {  	_ =	shalt  }
0x58: {  	_ =	shalt  }
0x59: {  	_ =	shalt  }
0x5a: {  	_ =	shalt  }
0x5b: {  	_ =	shalt  }
0x5c: {  	_ =	shalt  }
0x5d: {  	_ =	shalt  }
0x5e: {  	_ =	shalt  }
0x5f: {  	_ =	shalt  }
0x60: {  	_ =	shalt  }
0x61: {  	_ =	shalt  }
0x62: {  	_ =	shalt  }
0x63: {  	_ =	shalt  }
0x64: {  	_ =	shalt  }
0x65: {  	_ =	shalt  }
0x66: {  	_ =	shalt  }
0x67: {  	_ =	shalt  }
0x68: {  	_ =	shalt  }
0x69: {  	_ =	shalt  }
0x6a: {  	_ =	shalt  }
0x6b: {  	_ =	shalt  }
0x6c: {  	_ =	shalt  }
0x6d: {  	_ =	shalt  }
0x6e: {  	_ =	shalt  }
0x6f: {  	_ =	shalt  }
0x70: {  	_ =	shalt  }
0x71: {  	_ =	shalt  }
0x72: {  	_ =	shalt  }
0x73: {  	_ =	shalt  }
0x74: {  	_ =	shalt  }
0x75: {  	_ =	shalt  }
0x76: {  	_ =	shalt  }
0x77: {  	_ =	shalt  }
0x78: {  	_ =	shalt  }
0x79: {  	_ =	shalt  }
0x7a: {  	_ =	shalt  }
0x7b: {  	_ =	shalt  }
0x7c: {  	_ =	shalt  }
0x7d: {  	_ =	shalt  }
0x7e: {  	_ =	shalt  }
0x7f: {  	_ =	shalt  }
0x80: {  	_ =	shalt  }
0x81: {  	_ =	shalt  }
0x82: {  	_ =	shalt  }
0x83: {  	_ =	shalt  }
0x84: {  	_ =	shalt  }
0x85: {  	_ =	shalt  }
0x86: {  	_ =	shalt  }
0x87: {  	_ =	shalt  }
.Lfunc_end0:
.L_simem_size_0:
called_computation_lowered:
.L_overlay_start_0:
0x88: {  	s2 =	sld [smem:$0x3FD9]  }
0x89: {  	s3 =	sld [smem:$0x3FFE];
	_ =	sdelay $0x1  }
0x8a: {  	s1 =	srdreg.scid  }
0x8b: {  	s0 =	sand.u32 $0x1, s1  }
0x8c: {  	s17 =	sshll.u32 s0, $0xA;
	s2 =	sadd.s32 s3, s2  }
0x8d: {  	s2 =	sadd.s32 s2, s17  }
0x8e: {  	[smem:$0x3FC2] =	sst s2  }
0x8f: {  	_ = 	snop  }
0x90: {  	s18 =	sld [smem:$0x3FC9]  }
0x91: {  	s4 =	sld [smem:$0x3FD0];
	(tm) =	ssettm $0x1  }
0x92: {  	s19 =	sld [smem:$0x3FFB];
	_ =	sdelay $0x3  }
0x93: {  	_ =	strace s19  }
0x94: {  	s2 =	sld [smem:$0x3FFC];
	_ =	sdelay $0x3  }
0x95: {  	_ =	strace s2  }
0x96: {  	s2 =	sld [smem:$0x3FFD];
	_ =	sdelay $0x3  }
0x97: {  	_ =	strace s2  }
0x98: {  	_ =	strace $0x8FFFFFFF  }
0x99: {  	s20 =	sld [smem:$0x3FDB];
	_ =	sdelay $0x1  }
0x9a: {  	s5 =	simm.s32 $_scs_section_size  }
0x9b: {  	s6 =	simm.s32 $_size__tile_overlayer_lowered;
	s7 =	simm.s32 $_tile_overlayer_lowered  }
0x9c: {  	s8 =	simm.s32 $0x1BFF;
	s21 =	sshll.u32 s7, $0x1;
	s5 =	sadd.s32 s5, s20  }
0x9d: {  	s22 =	simm.s32 $0x0;
	s6 =	sshll.u32 s6, $0x1;
	s7 =	sadd.s32 s21, s5  }
0x9e: {  	[timem:s22], [sflag:s8] =	dma.local [hbm:s7], s6  }
0x9f: {  	_ =	swait.ge [sflag:s8], s6  }
0xa0: {  	s6 =	ssub.s32 $0x0, s6;
	[sflag:s8] =	ssyncset.done $0x0  }
0xa1: {  	[sflag:s8] =	ssyncadd.s32 s6;
	_ =	sdelay $0x1  }
0xa2: {  	s23 =	simm.s32 $0x1B8B  }
0xa3: {  	_ =	swait.ge [sflag:s23], $0x1  }
0xa4: {  	[sflag:s23] =	ssyncset.done $0x0  }
0xa5: {  	[sflag:s23] =	ssyncadd.s32 $0xFFFFFFFF  }
0xa6: {  	s6 =	sld [smem:$0x0]  }
0xa7: {  	s7 =	sand.u32 $0xFFFFFFFE, s1  }
0xa8: {  	p0 =	sne.s32 s1, s7  }
0xa9: {  	s7 =	sshll.u32 @p0 s7, $0xE  }
0xaa: {  	s7 =	sadd.s32 @p0 $0x11B8D, s7;
	s8 =	sshll.u32 @p0 s6, $0x11  }
0xab: {  	s7 =	sor.u32 @p0 s8, s7  }
0xac: {  	[sflag:s7] =	ssyncadd.remote.s32 @p0 $0x1;
	_ =	sdelay $0x1  }
0xad: {  	s7 =	simm.s32 @p0 $0x1B8D  }
0xae: {  	_ =	swait.eq @p0 [sflag:s7], $0x1  }
0xaf: {  	[sflag:s7] =	ssyncadd.s32 @p0 $0xFFFFFFFF  }
0xb0: {  	s8 =	sshll.u32 @!p0 s1, $0xE  }
0xb1: {  	s8 =	sor.u32 @!p0 $0x4000, s8;
	s7 =	simm.s32 @!p0 $0x1B8D  }
0xb2: {  	s6 =	sshll.u32 @!p0 s6, $0x11;
	s8 =	sadd.s32 @!p0 $0x11B8D, s8;
	_ =	swait.eq @!p0 [sflag:s7], $0x1  }
0xb3: {  	s6 =	sor.u32 @!p0 s6, s8;
	[sflag:s7] =	ssyncadd.s32 @!p0 $0xFFFFFFFF  }
0xb4: {  	s25 =	simm.s32 $0x1B8E;
	s24 =	sld [smem:$0x3FFE];
	[sflag:s6] =	ssyncadd.remote.s32 @!p0 $0x1  }
0xb5: {  	s26 =	simm.s32 $execute0_lowered;
	[smem:$0x3FD2] =	sst s25  }
0xb6: {  	s7 =	sshll.u32 s26, $0x1;
	_ =	strace $0x80000049;
	[dreg:$0x1] =	wrdreg $0xFFFFFFFF  }
0xb7: {  	s28 =	simm.s32 $_size_execute0_lowered;
	s5 =	sadd.s32 s5, s7;
	[dreg:$0x0] =	wrdreg $0x0  }
0xb8: {  	s7 =	sshll.u32 s28, $0x1;
	[dreg:$0x2] =	wrdreg s5  }
0xb9: {  	[dreg:$0x3] =	wrdreg s7  }
0xba: {  	[dreg:$0x4] =	wrdreg $0xC0  }
0xbb: {  	_ =	task [dreg:s22], $0x5FFFF  }
0xbc: {  	[dreg:$0x1] =	wrdreg $0xFFFFFFFF  }
0xbd: {  	[dreg:$0x0] =	wrdreg $0x60  }
0xbe: {  	[dreg:$0x2] =	wrdreg s18  }
0xbf: {  	[dreg:$0x3] =	wrdreg s4  }
0xc0: {  	[dreg:$0x4] =	wrdreg s24  }
0xc1: {  	[dreg:$0x5] =	wrdreg $0x9  }
0xc2: {  	_ =	task.clear_ibuf [dreg:s22], $0x6FFFF;
	_ =	strace $0x90000049  }
0xc3: {  	s29 =	simm.s32 $0x9;
	_ =	strace $0x8000004B  }
0xc4: {  	_ =	swait.ge [sflag:s29], $0x1  }
0xc5: {  	[sflag:s29] =	ssyncadd.s32 $0xFFFFFFFF  }
0xc6: {  	_ =	strace $0x9000004B  }
0xc7: {  	_ =	sfence  }
0xc8: {  	s30 =	sld [smem:$0x0];
	_ =	sdelay $0x2  }
0xc9: {  	s31 =	sshll.u32 s1, $0xD;
	s1 =	sshrl.u32 s1, $0x2  }
0xca: {  	s4 =	sand.u32 $0x4000, s31;
	s1 =	sadd.s32 s1, s30  }
0xcb: {  	s0 =	sor.u32 s4, s0;
	s1 =	sshll.u32 s1, $0x11  }
0xcc: {  	s0 =	sor.u32 s1, s0  }
0xcd: {  	s0 =	sadd.s32 $0x8F2B, s0  }
0xce: {  	[sflag:s0] =	ssyncadd.remote.s32 $0x1  }
0xcf: {  	_ =	sfence.sel $0xFFFF  }
0xd0: {  	[dreg:$0x0] =	wrdreg $0xFFFFFFFF;
	(pc) =	sbr.abs _section_cstart, $3  }
0xd1: {  	[dreg:$0x1] =	wrdreg $0xFFFFFFFF  }
0xd2: {  	_ =	task.clear_ibuf [dreg:s22], $0x2FFFF;
	_ =	strace $0x9FFFFFFF  }
0xd3: {  	(tm) =	ssettm $0x7FFFFFFF  }
tec
execute0_lowered:
.L_overlay_start_1:
0x0: {  	(tag) =	ssettag $0x1  }
0x1: {  	s2 =	rddreg [dreg:$0x0]  }
0x2: {  	s1 =	srdreg.scid;
	s3 =	rddreg [dreg:$0x1]  }
0x3: {  	s0 =	stileid.u32;
	s5 =	rddreg [dreg:$0x2]  }
0x4: {  	s9 =	simm.s32 $0x1;
	s10 =	simm.s32 $0x3;
	s1 =	sshll.u32 s1, $0x8  }
0x5: {  	s13 =	simm.s32 $0x0;
	s4 =	sshll.u32 s0, $0x9;
	s6 =	sand.u32 $0x100, s1  }
0x6: {  	s12 =	simm.s32 $0x0;
	s5 =	sadd.s32 $0x22C00, s5;
	s4 =	sor.u32 s4, s6  }
0x7: {  	s1 =	rddreg [dreg:$0x3];
	_ =	strace $0x8000004A;
	s8 =	ssub.s32 $0x4000, s4  }
.Ltmp0:
0x8: {  	s6 =	simm.s32 $0x1;
	s7 =	sand.u32 $0x1F00, s8;
	(pc) =	sbr.rel .LBB2_1-.Ltmp0, $4  }
0x9: {  	[sflag:s6] =	ssyncpa.u1 $0x0;
	s11 =	smov.u32 s4;
	p0 =	sne.s32 s7, $0x0  }
0xa: {  	s8 =	sshrl.u32 s8, $0xD;
	s7 =	simm.s32 $0x2;
	s9 =	simm.s32 @!p0 $0x0  }
0xb: {  	[sflag:s7] =	ssyncpa.u1 $0x0;
	p0 =	por $0x0, $0x0;
	s8 =	sadd.s32 s9, s8  }
0xc: {  	vm0 =	vmmov $0xffff;
	[sflag:s10] =	ssyncpa.u1 $0x0;
	s10 =	simm.s32 $0x0;
	s9 =	sadd.s32 $0x1, s8  }
.LBB2_4:
0xd: {  	v2 =	vnsel vm1, $0x0, v2  }
0xe: {  	vm1 =	vgt.s32 v0, $0x0;
	v2 =	vmin.u32 v2, $0x3FFF  }
0xf: {  	v0 =	vnsel vm1, $0x0, v0  }
0x10: {  	v0 =	vmin.u32 v0, $0x3FFF  }
0x11: {  	[tilespmem:s15], [sflag:$0x1] =	stream.indirect_vreg.gather [hbm4b:s2+s10], $0x1, v1, vm0, $0x4038;
	[tilespmem:$0x400] =	vst v63  }
0x12: {  	(ifvalue) =	ssetifvalue $0x7FFFFFFF  }
0x13: {  	[tilespmem:s16], [sflag:$0x1] =	stream.indirect_vreg.gather [hbm4b:s2+s10], $0x1, v2, vm0, $0x4038;
	[tilespmem:$0x400] =	vst v63  }
0x14: {  	s29 =	sadd.s32 $0x10, s16;
	(ifvalue) =	ssetifvalue $0x7FFFFFFF  }
0x15: {  	[tilespmem:s29], [sflag:$0x1] =	stream.indirect_vreg.gather [hbm4b:s2+s10], $0x1, v0, vm0, $0x4038;
	[tilespmem:$0x400] =	vst v63  }
0x16: {  	_ =	swait.ge [sflag:s6], $0x100  }
0x17: {  	s30 =	sshrl.u32 s13, $0x3;
	[sflag:s6] =	ssyncset.done $0x0  }
0x18: {  	s31 =	sand.u32 $0x7, s13;
	s15 =	sadd.s32 s5, s30;
	[sflag:s6] =	ssyncadd.s32 $0xFFFFFF00  }
0x19: {  	[hbm4b:s15+s31] =	stream.linear.scatter [tilespmem:s14], [sflag:$0x3], $0x100, $0x38;
	[tilespmem:$0x400] =	vst v63  }
.LBB2_5:
0x1a: {  	s15 =	sadd.s32 $0x2000, s11  }
0x1b: {  	p2 =	sgt.s32 s15, $0x3FFF  }
0x1c: {  	s15 =	smov.u32 @p2 s4;
	p2 =	sne.s32 s12, s9  }
.Ltmp1:
0x1d: {  	p1 =	slt.u32 s12, $0x2;
	(pc) =	sbr.rel @!p2 .LBB2_6-.Ltmp1, $4  }
0x1e: {  	s14 =	simm.s32 @!p1 $0x3  }
0x1f: {  	s16 =	sadd.s32 $0x1, s12;
	_ =	swait.ge @!p1 [sflag:s14], $0x100  }
0x20: {  	s13 =	smov.u32 s11;
	p0 =	por !p0, !p0;
	[sflag:s14] =	ssyncset.done @!p1 $0x0  }
0x21: {  	s12 =	smov.u32 s16;
	s11 =	smov.u32 s15;
	[sflag:s14] =	ssyncadd.s32 @!p1 $0xFFFFFF00  }
.LBB2_1:
0x22: {  	p1 =	sge.u32 s12, s8  }
0x23: {  	s14 =	sxor.u32 @!p1 $0xFFFFFFFF, s12  }
0x24: {  	s31 =	sadd.s32 $0xFFFFFFFF, s12;
	s15 =	sshrl.u32 @!p1 s11, $0x3;
	s14 =	sshll.u32 @!p1 s14, $0x8  }
0x25: {  	s16 =	sand.u32 @!p1 $0x7, s11;
	s15 =	sadd.s32 @!p1 s3, s15;
	s14 =	sand.u32 @!p1 $0x100, s14  }
0x26: {  	[tilespmem:s14], [sflag:$0x2] =	stream.linear.gather @!p1 [hbm4b:s15+s16], $0x100, $0x38;
	[tilespmem:$0x400] =	vst v63  }
0x27: {  	p1 =	sge.u32 s31, s8  }
.Ltmp2:
0x28: {  	_ = 	snop;
	(pc) =	sbr.rel @p1 .LBB2_5-.Ltmp2, $1  }
0x29: {  	_ =	sdelay $0x3  }
0x2a: {  	s14 =	simm.s32 $0x1  }
0x2b: {  	_ =	swait.ge [sflag:s7], $0x100;
	s14 =	simm.s32 @!p0 $0x0  }
0x2c: {  	[sflag:s7] =	ssyncset.done $0x0;
	s14 =	sshll.u32 s14, $0x8  }
0x2d: {  	[sflag:s7] =	ssyncadd.s32 $0xFFFFFF00;
	(ifvalue) =	ssetifvalue $0x7FFFFFFF;
	v0 =	vld.msk [tilespmem:s14+$0x0 ss:$0x1], $0xffff;
	_ =	sdelay $0x4  }
0x2e: {  	s15 =	sadd.s32 $0x10, s14;
	vm1 =	vgt.s32 v0, $0x0  }
0x2f: {  	v2 =	vld.msk [tilespmem:s15+$0x0 ss:$0x1], $0xffff;
	v1 =	vnsel vm1, $0x0, v0  }
0x30: {  	v1 =	vmin.u32 v1, $0x3FFF;
	_ =	sdelay $0x1  }
0x31: {  	s16 =	sshll.u32 s12, $0x8;
	s18 =	simm.s32 $0x20  }
0x32: {  	s16 =	sand.u32 $0x100, s16;
	s17 =	sadd.s32 $0x10, s15;
	s15 =	sor.u32 $0x200, s14  }
0x33: {  	s14 =	sor.u32 $0x200, s16;
	s16 =	sadd.s32 $0x10, s15;
	v0 =	vld.msk [tilespmem:s17+$0x0 ss:$0x1], $0xffff;
	vm1 =	vgt.s32 v2, $0x0;
	(ifvalue) =	ssetifvalue $0x7FFFFFFF  }
.LBB2_3:
0x34: {  	[tilespmem:s15], [sflag:$0x1] =	stream.indirect_vreg.gather [hbm4b:s2+s10], $0x1, v1, vm0, $0x4038;
	[tilespmem:$0x400] =	vst v63  }
0x35: {  	s18 =	sadd.s32 $0x10, s18  }
0x36: {  	v2 =	vnsel vm1, $0x0, v2;
	p1 =	slt.u32 s18, $0xF0  }
.Ltmp3:
0x37: {  	s15 =	smov.u32 s16;
	v1 =	vmin.u32 v2, $0x3FFF;
	(pc) =	sbr.rel @p1 .LBB2_3-.Ltmp3, $3  }
0x38: {  	_ =	sdelay $0x1  }
0x39: {  	s17 =	sadd.s32 $0x10, s17  }
0x3a: {  	vm1 =	vgt.s32 v0, $0x0;
	s16 =	sadd.s32 $0x10, s16;
	v2 =	vmov v0;
	(ifvalue) =	ssetifvalue $0x7FFFFFFF;
	v0 =	vld.msk [tilespmem:s17+$0x0 ss:$0x1], $0xffff  }
.Ltmp4:
0x3b: {  	_ = 	snop;
	(pc) =	sbr.rel .LBB2_4-.Ltmp4, $1  }
0x3c: {  	_ =	sdelay $0x3  }
.LBB2_6:
0x3d: {  	_ =	sfence.sel $0x180000  }
0x3e: {  	s2 =	simm.s32 $0x2;
	[bflag:$0x0] =	sbarrier.arrive $0xFFFF  }
0x3f: {  	s30 =	simm.s32 $0x3;
	[sflag:s2] =	ssyncpa.u1 $0x1  }
0x40: {  	s31 =	simm.s32 $0x1;
	[sflag:s30] =	ssyncpa.u1 $0x1  }
0x41: {  	[sflag:s31] =	ssyncpa.u1 $0x1  }
0x42: {  	p0 =	sne.s32 s0, $0x0;
	_ =	strace $0x9000004A  }
0x43: {  	s0 =	sadd.s32 @!p0 $0x100000, s1;
	[bflag:$0x2] =	sbarrier.arrive $0xFFFF  }
0x44: {  	[sflag:s0] =	ssyncadd.tile.s32 @!p0 $0x1;
	_ =	shalt  }
.Lfunc_end2:
_tile_overlayer_lowered:
.L_overlay_start_2:
0x45: {  	(tag) =	ssettag $0x2  }
0x46: {  	s0 =	rddreg [dreg:$0x0];
	s2 =	stileid.u32  }
0x47: {  	s1 =	rddreg [dreg:$0x1];
	p0 =	sne.s32 s2, $0x0  }
0x48: {  	s3 =	rddreg [dreg:$0x2];
	[bflag:$0x3] =	sbarrier.arrive $0xFFFF;
	s2 =	simm.s32 @!p0 $0x1C01  }
0x49: {  	[timem:s3], [sflag:s2] =	dma.local @!p0 [hbm:s0], s1  }
0x4a: {  	s0 =	simm.s32 @!p0 $0x1  }
0x4b: {  	_ =	swait.ge @!p0 [sflag:s0], s1  }
0x4c: {  	s1 =	ssub.s32 @!p0 $0x0, s1;
	[sflag:s0] =	ssyncset.done @!p0 $0x0  }
0x4d: {  	[sflag:s0] =	ssyncadd.s32 @!p0 s1  }
0x4e: {  	[bflag:$0x3] =	sbarrier.arrive $0xFFFF  }
0x4f: {  	_ =	shalt  }

</sc_bundles>
